<compile_context>
chip_gen: v7x
topology: tpu7x:2x2x1
jax: 0.10.2.dev20260603
libtpu: 0.0.44.dev20260713+nightly
codegen_flags: <defaults>
</compile_context>

<pallas_src>
import jax
import jax.numpy as jnp
from jax import lax
from jax.experimental import pallas as pl
from jax.experimental.pallas import tpu as pltpu
from jax.experimental.pallas import tpu_sc as plsc

_NC = 2
_NS = 16
_NW = _NC * _NS
_CH = 128
_EPS = 1e-5


def _mesh():
    return plsc.VectorSubcoreMesh(core_axis_name="c", subcore_axis_name="s")


def _acc_rows(n_nodes):
    return -(-(n_nodes + 1) // (_NS * _CH)) * (_NS * _CH)


def _make_scatter(n_nodes, d, phases, chunks, with_gather):
    sh_rows = _acc_rows(n_nodes)
    zr = sh_rows // _NS // _CH
    assert chunks % 2 == 0

    scratch = [
        pltpu.VMEM((chunks, _CH), jnp.int32),
        pltpu.VMEM((_CH, d), jnp.float32),
        pltpu.VMEM_SHARED((sh_rows, d), jnp.float32),
        pltpu.SemaphoreType.DMA,
    ]
    if with_gather:
        scratch.insert(0, pltpu.VMEM((chunks, _CH), jnp.int32))
        scratch.insert(3, pltpu.VMEM((_CH, d), jnp.float32))
        scratch.append(pltpu.SemaphoreType.DMA)

    def body(val_hbm, src_hbm, dst_hbm, zeros_hbm, out_ref,
             src_v, dst_v, rows0, rows1, s_sh, sem0, sem1):
        c = lax.axis_index("c")
        s = lax.axis_index("s")
        tile_row = (c * _NS + s) * phases * chunks
        pltpu.sync_copy(zeros_hbm, rows0)
        for k in range(zr):
            pltpu.sync_copy(rows0, s_sh.at[pl.ds((s * zr + k) * _CH, _CH)])
        plsc.subcore_barrier()

        if not with_gather:
            pltpu.sync_copy(val_hbm, rows0)
            for ph in range(phases):
                pltpu.sync_copy(
                    dst_hbm.at[pl.ds(tile_row + ph * chunks, chunks)], dst_v)

                @pl.loop(0, chunks)
                def _(j):
                    pltpu.sync_copy(rows0, s_sh.at[dst_v.at[j]], add=True)
        else:
            bufs = ((rows0, sem0), (rows1, sem1))
            for ph in range(phases):
                pltpu.sync_copy(
                    dst_hbm.at[pl.ds(tile_row + ph * chunks, chunks)], dst_v)
                pltpu.sync_copy(
                    src_hbm.at[pl.ds(tile_row + ph * chunks, chunks)], src_v)
                pltpu.async_copy(val_hbm.at[src_v.at[0]], rows0, sem0)

                @pl.loop(0, chunks, step=2)
                def _(j):
                    for b in range(2):
                        jj = j + b
                        rb, sb = bufs[b]
                        rn, sn = bufs[1 - b]
                        nxt = jnp.where(jj + 1 == chunks, 0, jj + 1)
                        pltpu.make_async_copy(
                            val_hbm.at[src_v.at[jj]], rb, sb).wait()
                        pltpu.async_copy(val_hbm.at[src_v.at[nxt]], rn, sn)
                        pltpu.sync_copy(rb, s_sh.at[dst_v.at[jj]], add=True)

                pltpu.make_async_copy(
                    val_hbm.at[src_v.at[0]], rows0, sem0).wait()

        plsc.subcore_barrier()
        for k in range(zr):
            base = (s * zr + k) * _CH
            pltpu.sync_copy(s_sh.at[pl.ds(base, _CH)], rows0)
            pltpu.sync_copy(rows0, out_ref.at[c, pl.ds(base, _CH)])

    if with_gather:
        def kern(val_hbm, src_hbm, dst_hbm, zeros_hbm, out_ref,
                 src_v, dst_v, rows0, rows1, s_sh, sem0, sem1):
            body(val_hbm, src_hbm, dst_hbm, zeros_hbm, out_ref,
                 src_v, dst_v, rows0, rows1, s_sh, sem0, sem1)
    else:
        def kern(val_hbm, dst_hbm, zeros_hbm, out_ref, dst_v, rows, s_sh, sem):
            body(val_hbm, None, dst_hbm, zeros_hbm, out_ref,
                 None, dst_v, rows, None, s_sh, sem, None)

    return pl.kernel(
        kern,
        out_type=jax.ShapeDtypeStruct((_NC, sh_rows, d), jnp.float32),
        mesh=_mesh(),
        scratch_types=scratch,
    )


def _t1_body(x_ref, wg_ref, deg_ref, hp_ref, dinv_ref):
    xb = x_ref[...]
    dg = deg_ref[...]
    degsum = dg[0, :, 0:1] + dg[1, :, 0:1] + 1.0
    dinv = lax.rsqrt(jnp.maximum(degsum, 1e-12))
    h = jnp.dot(xb, wg_ref[...], preferred_element_type=jnp.float32)
    dinvb = jnp.broadcast_to(dinv, xb.shape)
    hp_ref[...] = h * dinvb
    dinv_ref[...] = dinvb


def _t1_call(x, wg, deg, bt):
    n, d = x.shape
    grid = n // bt
    return pl.pallas_call(
        _t1_body,
        grid=(grid,),
        in_specs=[
            pl.BlockSpec((bt, d), lambda i: (i, 0)),
            pl.BlockSpec((d, d), lambda i: (0, 0)),
            pl.BlockSpec((_NC, bt, d), lambda i: (0, i, 0)),
        ],
        out_specs=[
            pl.BlockSpec((bt, d), lambda i: (i, 0)),
            pl.BlockSpec((bt, d), lambda i: (i, 0)),
        ],
        out_shape=[
            jax.ShapeDtypeStruct((n, d), jnp.float32),
            jax.ShapeDtypeStruct((n, d), jnp.float32),
        ],
    )(x, wg, deg)


def _ln(v, g, b):
    m = jnp.mean(v, axis=-1, keepdims=True)
    var = jnp.mean((v - m) ** 2, axis=-1, keepdims=True)
    return (v - m) * lax.rsqrt(var + _EPS) * g + b


def _t2_body(x_ref, hp_ref, dinv_ref, s_ref, bg_ref, g1_ref, b1_ref,
             w1_ref, c1_ref, w2_ref, c2_ref, g2_ref, b2_ref, out_ref):
    xb = x_ref[...]
    conv = dinv_ref[...] * (s_ref[0] + s_ref[1] + hp_ref[...]) + bg_ref[...]
    x1 = _ln(xb + conv, g1_ref[...], b1_ref[...])
    h = jnp.maximum(jnp.dot(x1, w1_ref[...], preferred_element_type=jnp.float32)
                    + c1_ref[...], 0.0)
    ffn = jnp.dot(h, w2_ref[...], preferred_element_type=jnp.float32) + c2_ref[...]
    out_ref[...] = _ln(x1 + ffn, g2_ref[...], b2_ref[...])


def _t2_call(x, hp, dinvb, s_part, p, bt):
    n, d = x.shape
    ff = p['W1'].shape[1]
    grid = n // bt
    row = lambda i: (i, 0)
    zero = lambda i: (0, 0)
    vec = lambda a: a.reshape(1, -1)
    return pl.pallas_call(
        _t2_body,
        grid=(grid,),
        in_specs=[
            pl.BlockSpec((bt, d), row),
            pl.BlockSpec((bt, d), row),
            pl.BlockSpec((bt, d), row),
            pl.BlockSpec((_NC, bt, d), lambda i: (0, i, 0)),
            pl.BlockSpec((1, d), zero),
            pl.BlockSpec((1, d), zero),
            pl.BlockSpec((1, d), zero),
            pl.BlockSpec((d, ff), zero),
            pl.BlockSpec((1, ff), zero),
            pl.BlockSpec((ff, d), zero),
            pl.BlockSpec((1, d), zero),
            pl.BlockSpec((1, d), zero),
            pl.BlockSpec((1, d), zero),
        ],
        out_specs=pl.BlockSpec((bt, d), row),
        out_shape=jax.ShapeDtypeStruct((n, d), jnp.float32),
    )(x, hp, dinvb, s_part, vec(p['bg']), vec(p['g1']), vec(p['b1']),
      p['W1'], vec(p['c1']), p['W2'], vec(p['c2']), vec(p['g2']), vec(p['b2']))



def _t21_body(x_ref, hp_ref, dinv_ref, s_ref, bg_ref, g1_ref, b1_ref,
              w1_ref, c1_ref, w2_ref, c2_ref, g2_ref, b2_ref, wg_ref,
              out_ref, hp2_ref):
    xb = x_ref[...]
    conv = dinv_ref[...] * (s_ref[0] + s_ref[1] + hp_ref[...]) + bg_ref[...]
    x1 = _ln(xb + conv, g1_ref[...], b1_ref[...])
    h = jnp.maximum(jnp.dot(x1, w1_ref[...], preferred_element_type=jnp.float32)
                    + c1_ref[...], 0.0)
    ffn = jnp.dot(h, w2_ref[...], preferred_element_type=jnp.float32) + c2_ref[...]
    x2 = _ln(x1 + ffn, g2_ref[...], b2_ref[...])
    out_ref[...] = x2
    hp2_ref[...] = jnp.dot(
        x2, wg_ref[...], preferred_element_type=jnp.float32) * dinv_ref[...]


def _t21_call(x, hp, dinvb, s_part, p, wg2, bt):
    n, d = x.shape
    ff = p['W1'].shape[1]
    grid = n // bt
    row = lambda i: (i, 0)
    zero = lambda i: (0, 0)
    vec = lambda a: a.reshape(1, -1)
    return pl.pallas_call(
        _t21_body,
        grid=(grid,),
        in_specs=[
            pl.BlockSpec((bt, d), row),
            pl.BlockSpec((bt, d), row),
            pl.BlockSpec((bt, d), row),
            pl.BlockSpec((_NC, bt, d), lambda i: (0, i, 0)),
            pl.BlockSpec((1, d), zero),
            pl.BlockSpec((1, d), zero),
            pl.BlockSpec((1, d), zero),
            pl.BlockSpec((d, ff), zero),
            pl.BlockSpec((1, ff), zero),
            pl.BlockSpec((ff, d), zero),
            pl.BlockSpec((1, d), zero),
            pl.BlockSpec((1, d), zero),
            pl.BlockSpec((1, d), zero),
            pl.BlockSpec((d, d), zero),
        ],
        out_specs=[pl.BlockSpec((bt, d), row), pl.BlockSpec((bt, d), row)],
        out_shape=[
            jax.ShapeDtypeStruct((n, d), jnp.float32),
            jax.ShapeDtypeStruct((n, d), jnp.float32),
        ],
    )(x, hp, dinvb, s_part, vec(p['bg']), vec(p['g1']), vec(p['b1']),
      p['W1'], vec(p['c1']), p['W2'], vec(p['c2']), vec(p['g2']),
      vec(p['b2']), wg2)


def kernel(x, edge_index, params):
    n, d = x.shape
    e = edge_index.shape[1]
    bt = 2000

    phases = 2
    chunks = -(-e // (_NW * _CH * phases * 4)) * 4
    rows_pad = _NW * phases * chunks
    e_pad = rows_pad * _CH
    src = edge_index[0]
    dst = edge_index[1]
    pad = e_pad - e
    spare = _acc_rows(n) - n
    fill = jnp.arange(pad, dtype=jnp.int32)
    srcp = jnp.concatenate(
        [src, fill % jnp.int32(n)]).reshape(rows_pad, _CH)
    dstp = jnp.concatenate(
        [dst, jnp.int32(n) + fill % jnp.int32(spare)]).reshape(rows_pad, _CH)

    zerosd = jnp.zeros((_CH, d), jnp.float32)
    onesd = jnp.ones((_CH, d), jnp.float32)

    deg = _make_scatter(n, d, phases, chunks, with_gather=False)(
        onesd, dstp, zerosd)
    scat = _make_scatter(n, d, phases, chunks, with_gather=True)

    hp, dinvb = _t1_call(x, params[0]['Wg'], deg, bt)
    for l, p in enumerate(params):
        s_part = scat(hp, srcp, dstp, zerosd)
        if l + 1 < len(params):
            x, hp = _t21_call(x, hp, dinvb, s_part, p, params[l + 1]['Wg'], bt)
        else:
            x = _t2_call(x, hp, dinvb, s_part, p, bt)
    return x

# --- scband reference (transcript-rebuilt; emitter-appended) ---
"""Pipeline reference for scband-gnnstack-78512002171433 (READ-ONLY COPY).

The authoritative reference and input builder live on the scoring server;
editing this copy changes nothing except your own understanding.
"""

import jax, jax.numpy as jnp
import numpy as np

N = 10000
E = 320000
D = 128
FF = 256
L = 3
EPS = 1e-5

def setup_inputs(seed: int = 0):
    key = jax.random.key(seed)
    ks = jax.random.split(key, 2 + 10 * L)
    x = jax.random.normal(ks[0], (N, D), dtype=jnp.float32)
    edge_index = jax.random.randint(ks[1], (2, E), 0, N, dtype=jnp.int32)
    params = []
    i = 2
    for l in range(L):
        p = {}
        p['Wg'] = jax.random.normal(ks[i], (D, D), dtype=jnp.float32) / np.sqrt(D); i += 1
        p['bg'] = jnp.zeros((D,), jnp.float32); i += 1
        p['W1'] = jax.random.normal(ks[i], (D, FF), dtype=jnp.float32) / np.sqrt(D); i += 1
        p['c1'] = jnp.zeros((FF,), jnp.float32); i += 1
        p['W2'] = jax.random.normal(ks[i], (FF, D), dtype=jnp.float32) / np.sqrt(FF); i += 1
        p['c2'] = jnp.zeros((D,), jnp.float32); i += 1
        p['g1'] = jnp.ones((D,), jnp.float32); i += 1
        p['b1'] = jnp.zeros((D,), jnp.float32); i += 1
        p['g2'] = jnp.ones((D,), jnp.float32); i += 1
        p['b2'] = jnp.zeros((D,), jnp.float32); i += 1
        params.append(p)
    return {'x': x, 'edge_index': edge_index, 'params': params}

def _layer_norm(x, g, b):
    m = jnp.mean(x, axis=-1, keepdims=True)
    v = jnp.mean((x - m) ** 2, axis=-1, keepdims=True)
    return (x - m) / jnp.sqrt(v + EPS) * g + b

def _gcn_conv(x, src, dst, norm, Wg, bg):
    # GCNConv: x' = D^{-1/2} (A + I) D^{-1/2} (x W) + b
    h = x @ Wg
    msg = h[src] * norm[:, None]
    out = jnp.zeros((N, D), x.dtype).at[dst].add(msg)
    return out + bg

def _forward(x, params, edge_index):
    loop = jnp.arange(N, dtype=edge_index.dtype)
    src = jnp.concatenate([edge_index[0], loop])
    dst = jnp.concatenate([edge_index[1], loop])
    deg = jnp.zeros((N,), jnp.float32).at[dst].add(1.0)
    dinv = jax.lax.rsqrt(jnp.maximum(deg, 1e-12))
    norm = dinv[src] * dinv[dst]
    # GNNStack of L TransGNNLayer (TUF) blocks, dropout=0 (eval), gnn_stack_act='none'
    for p in params:
        x2 = _gcn_conv(x, src, dst, norm, p['Wg'], p['bg'])
        x = _layer_norm(x + x2, p['g1'], p['b1'])   # residual + norm1
        x2 = jnp.maximum(x @ p['W1'] + p['c1'], 0.0) @ p['W2'] + p['c2']  # FFN, intermediate_fac=2
        x = _layer_norm(x + x2, p['g2'], p['b2'])   # residual + norm2
    return x

def reference(x, edge_index, params):
    return _forward(x, params, edge_index)

if __name__ == "__main__":
    import jax
    _d = setup_inputs()
    print(jax.jit(kernel)(*tuple(_d.values())))

</pallas_src>

<mosaic_0001>
#map = affine_map<(d0, d1) -> (0, 0)>
#map1 = affine_map<(d0, d1) -> (0, 0, 0)>
module attributes {stable_mosaic.version = 14 : i64} {
  func.func @kern(%arg0: i32, %arg1: i32, %arg2: memref<10000x128xf32, #tpu.memory_space<hbm>>, %arg3: memref<2560x128xi32, #tpu.memory_space<hbm>>, %arg4: memref<2560x128xi32, #tpu.memory_space<hbm>>, %arg5: memref<128x128xf32, #tpu.memory_space<hbm>>, %arg6: memref<2x10240x128xf32, #tpu.memory_space<hbm>>, %arg7: memref<40x128xi32, #tpu.memory_space<vmem>>, %arg8: memref<40x128xi32, #tpu.memory_space<vmem>>, %arg9: memref<128x128xf32, #tpu.memory_space<vmem>>, %arg10: memref<128x128xf32, #tpu.memory_space<vmem>>, %arg11: memref<10240x128xf32, #tpu.memory_space<vmem_shared>>, %arg12: memref<!tpu.dma_semaphore, #tpu.memory_space<semaphore_mem>>, %arg13: memref<!tpu.dma_semaphore, #tpu.memory_space<semaphore_mem>>) attributes {dimension_semantics = [#tpu.dimension_semantics<core_parallel>, #tpu.dimension_semantics<subcore_parallel>], iteration_bounds = array<i64: 2, 16>, scalar_prefetch = 0 : i64, scratch_operands = 7 : i64, tpu.core_type = #tpu.core_type<sc_vector_subcore>, window_params = [{transform_indices = #map}, {transform_indices = #map}, {transform_indices = #map}, {transform_indices = #map}, {transform_indices = #map1}]} {
    %mul3A = arith.constant 16 : i32
    %mul3A_0 = arith.muli %arg0, %mul3A : i32
    %add3A = arith.addi %mul3A_0, %arg1 : i32
    %mul3A_1 = arith.constant 2 : i32
    %mul3A_2 = arith.muli %add3A, %mul3A_1 : i32
    %mul3A_3 = arith.constant 40 : i32
    %mul3A_4 = arith.muli %mul3A_2, %mul3A_3 : i32
    "tpu.region"() ({
      %run_scoped3A = tpu.sem_alloc : memref<!tpu.dma_semaphore, #tpu.memory_space<semaphore_mem>>
      tpu.enqueue_dma source(%arg5 : memref<128x128xf32, #tpu.memory_space<hbm>>) target(%arg9 : memref<128x128xf32, #tpu.memory_space<vmem>>) target_semaphore(%run_scoped3A : memref<!tpu.dma_semaphore, #tpu.memory_space<semaphore_mem>>)
      tpu.wait_dma2 semaphore(%run_scoped3A : memref<!tpu.dma_semaphore, #tpu.memory_space<semaphore_mem>>) src(%arg5 : memref<128x128xf32, #tpu.memory_space<hbm>>) dst(%arg9 : memref<128x128xf32, #tpu.memory_space<vmem>>)
      tpu.yield
    }) : () -> ()
    %mul3A_5 = arith.constant 5 : i32
    %mul3A_6 = arith.muli %arg1, %mul3A_5 : i32
    %add3A_7 = arith.constant 0 : i32
    %add3A_8 = arith.addi %mul3A_6, %add3A_7 : i32
    %mul3A_9 = arith.constant 128 : i32
    %mul3A_10 = arith.muli %add3A_8, %mul3A_9 : i32
    "tpu.region"() ({
      %run_scoped3A = tpu.sem_alloc : memref<!tpu.dma_semaphore, #tpu.memory_space<semaphore_mem>>
      %dma_start3A_109 = arith.constant 0 : i32
      %dma_start3A_110 = tpu.memref_slice %arg11[%mul3A_10, %dma_start3A_109] : memref<10240x128xf32, #tpu.memory_space<vmem_shared>> -> memref<128x128xf32, #tpu.memory_space<vmem_shared>>
      %dma_start3A_111 = arith.constant 0 : i32
      %dma_start3A_112 = tpu.memref_slice %arg11[%mul3A_10, %dma_start3A_111] : memref<10240x128xf32, #tpu.memory_space<vmem_shared>> -> memref<128x128xf32, #tpu.memory_space<vmem_shared>>
      tpu.enqueue_dma source(%arg9 : memref<128x128xf32, #tpu.memory_space<vmem>>) target(%dma_start3A_112 : memref<128x128xf32, #tpu.memory_space<vmem_shared>>) target_semaphore(%run_scoped3A : memref<!tpu.dma_semaphore, #tpu.memory_space<semaphore_mem>>)
      %dma_wait3A_113 = arith.constant 0 : i32
      %dma_wait3A_114 = tpu.memref_slice %arg11[%mul3A_10, %dma_wait3A_113] : memref<10240x128xf32, #tpu.memory_space<vmem_shared>> -> memref<128x128xf32, #tpu.memory_space<vmem_shared>>
      %dma_wait3A_115 = arith.constant 0 : i32
      %dma_wait3A_116 = tpu.memref_slice %arg11[%mul3A_10, %dma_wait3A_115] : memref<10240x128xf32, #tpu.memory_space<vmem_shared>> -> memref<128x128xf32, #tpu.memory_space<vmem_shared>>
      tpu.wait_dma2 semaphore(%run_scoped3A : memref<!tpu.dma_semaphore, #tpu.memory_space<semaphore_mem>>) src(%arg9 : memref<128x128xf32, #tpu.memory_space<vmem>>) dst(%dma_wait3A_116 : memref<128x128xf32, #tpu.memory_space<vmem_shared>>)
      tpu.yield
    }) : () -> ()
    %mul3A_11 = arith.constant 5 : i32
    %mul3A_12 = arith.muli %arg1, %mul3A_11 : i32
    %add3A_13 = arith.constant 1 : i32
    %add3A_14 = arith.addi %mul3A_12, %add3A_13 : i32
    %mul3A_15 = arith.constant 128 : i32
    %mul3A_16 = arith.muli %add3A_14, %mul3A_15 : i32
    "tpu.region"() ({
      %run_scoped3A = tpu.sem_alloc : memref<!tpu.dma_semaphore, #tpu.memory_space<semaphore_mem>>
      %dma_start3A_109 = arith.constant 0 : i32
      %dma_start3A_110 = tpu.memref_slice %arg11[%mul3A_16, %dma_start3A_109] : memref<10240x128xf32, #tpu.memory_space<vmem_shared>> -> memref<128x128xf32, #tpu.memory_space<vmem_shared>>
      %dma_start3A_111 = arith.constant 0 : i32
      %dma_start3A_112 = tpu.memref_slice %arg11[%mul3A_16, %dma_start3A_111] : memref<10240x128xf32, #tpu.memory_space<vmem_shared>> -> memref<128x128xf32, #tpu.memory_space<vmem_shared>>
      tpu.enqueue_dma source(%arg9 : memref<128x128xf32, #tpu.memory_space<vmem>>) target(%dma_start3A_112 : memref<128x128xf32, #tpu.memory_space<vmem_shared>>) target_semaphore(%run_scoped3A : memref<!tpu.dma_semaphore, #tpu.memory_space<semaphore_mem>>)
      %dma_wait3A_113 = arith.constant 0 : i32
      %dma_wait3A_114 = tpu.memref_slice %arg11[%mul3A_16, %dma_wait3A_113] : memref<10240x128xf32, #tpu.memory_space<vmem_shared>> -> memref<128x128xf32, #tpu.memory_space<vmem_shared>>
      %dma_wait3A_115 = arith.constant 0 : i32
      %dma_wait3A_116 = tpu.memref_slice %arg11[%mul3A_16, %dma_wait3A_115] : memref<10240x128xf32, #tpu.memory_space<vmem_shared>> -> memref<128x128xf32, #tpu.memory_space<vmem_shared>>
      tpu.wait_dma2 semaphore(%run_scoped3A : memref<!tpu.dma_semaphore, #tpu.memory_space<semaphore_mem>>) src(%arg9 : memref<128x128xf32, #tpu.memory_space<vmem>>) dst(%dma_wait3A_116 : memref<128x128xf32, #tpu.memory_space<vmem_shared>>)
      tpu.yield
    }) : () -> ()
    %mul3A_17 = arith.constant 5 : i32
    %mul3A_18 = arith.muli %arg1, %mul3A_17 : i32
    %add3A_19 = arith.constant 2 : i32
    %add3A_20 = arith.addi %mul3A_18, %add3A_19 : i32
    %mul3A_21 = arith.constant 128 : i32
    %mul3A_22 = arith.muli %add3A_20, %mul3A_21 : i32
    "tpu.region"() ({
      %run_scoped3A = tpu.sem_alloc : memref<!tpu.dma_semaphore, #tpu.memory_space<semaphore_mem>>
      %dma_start3A_109 = arith.constant 0 : i32
      %dma_start3A_110 = tpu.memref_slice %arg11[%mul3A_22, %dma_start3A_109] : memref<10240x128xf32, #tpu.memory_space<vmem_shared>> -> memref<128x128xf32, #tpu.memory_space<vmem_shared>>
      %dma_start3A_111 = arith.constant 0 : i32
      %dma_start3A_112 = tpu.memref_slice %arg11[%mul3A_22, %dma_start3A_111] : memref<10240x128xf32, #tpu.memory_space<vmem_shared>> -> memref<128x128xf32, #tpu.memory_space<vmem_shared>>
      tpu.enqueue_dma source(%arg9 : memref<128x128xf32, #tpu.memory_space<vmem>>) target(%dma_start3A_112 : memref<128x128xf32, #tpu.memory_space<vmem_shared>>) target_semaphore(%run_scoped3A : memref<!tpu.dma_semaphore, #tpu.memory_space<semaphore_mem>>)
      %dma_wait3A_113 = arith.constant 0 : i32
      %dma_wait3A_114 = tpu.memref_slice %arg11[%mul3A_22, %dma_wait3A_113] : memref<10240x128xf32, #tpu.memory_space<vmem_shared>> -> memref<128x128xf32, #tpu.memory_space<vmem_shared>>
      %dma_wait3A_115 = arith.constant 0 : i32
      %dma_wait3A_116 = tpu.memref_slice %arg11[%mul3A_22, %dma_wait3A_115] : memref<10240x128xf32, #tpu.memory_space<vmem_shared>> -> memref<128x128xf32, #tpu.memory_space<vmem_shared>>
      tpu.wait_dma2 semaphore(%run_scoped3A : memref<!tpu.dma_semaphore, #tpu.memory_space<semaphore_mem>>) src(%arg9 : memref<128x128xf32, #tpu.memory_space<vmem>>) dst(%dma_wait3A_116 : memref<128x128xf32, #tpu.memory_space<vmem_shared>>)
      tpu.yield
    }) : () -> ()
    %mul3A_23 = arith.constant 5 : i32
    %mul3A_24 = arith.muli %arg1, %mul3A_23 : i32
    %add3A_25 = arith.constant 3 : i32
    %add3A_26 = arith.addi %mul3A_24, %add3A_25 : i32
    %mul3A_27 = arith.constant 128 : i32
    %mul3A_28 = arith.muli %add3A_26, %mul3A_27 : i32
    "tpu.region"() ({
      %run_scoped3A = tpu.sem_alloc : memref<!tpu.dma_semaphore, #tpu.memory_space<semaphore_mem>>
      %dma_start3A_109 = arith.constant 0 : i32
      %dma_start3A_110 = tpu.memref_slice %arg11[%mul3A_28, %dma_start3A_109] : memref<10240x128xf32, #tpu.memory_space<vmem_shared>> -> memref<128x128xf32, #tpu.memory_space<vmem_shared>>
      %dma_start3A_111 = arith.constant 0 : i32
      %dma_start3A_112 = tpu.memref_slice %arg11[%mul3A_28, %dma_start3A_111] : memref<10240x128xf32, #tpu.memory_space<vmem_shared>> -> memref<128x128xf32, #tpu.memory_space<vmem_shared>>
      tpu.enqueue_dma source(%arg9 : memref<128x128xf32, #tpu.memory_space<vmem>>) target(%dma_start3A_112 : memref<128x128xf32, #tpu.memory_space<vmem_shared>>) target_semaphore(%run_scoped3A : memref<!tpu.dma_semaphore, #tpu.memory_space<semaphore_mem>>)
      %dma_wait3A_113 = arith.constant 0 : i32
      %dma_wait3A_114 = tpu.memref_slice %arg11[%mul3A_28, %dma_wait3A_113] : memref<10240x128xf32, #tpu.memory_space<vmem_shared>> -> memref<128x128xf32, #tpu.memory_space<vmem_shared>>
      %dma_wait3A_115 = arith.constant 0 : i32
      %dma_wait3A_116 = tpu.memref_slice %arg11[%mul3A_28, %dma_wait3A_115] : memref<10240x128xf32, #tpu.memory_space<vmem_shared>> -> memref<128x128xf32, #tpu.memory_space<vmem_shared>>
      tpu.wait_dma2 semaphore(%run_scoped3A : memref<!tpu.dma_semaphore, #tpu.memory_space<semaphore_mem>>) src(%arg9 : memref<128x128xf32, #tpu.memory_space<vmem>>) dst(%dma_wait3A_116 : memref<128x128xf32, #tpu.memory_space<vmem_shared>>)
      tpu.yield
    }) : () -> ()
    %mul3A_29 = arith.constant 5 : i32
    %mul3A_30 = arith.muli %arg1, %mul3A_29 : i32
    %add3A_31 = arith.constant 4 : i32
    %add3A_32 = arith.addi %mul3A_30, %add3A_31 : i32
    %mul3A_33 = arith.constant 128 : i32
    %mul3A_34 = arith.muli %add3A_32, %mul3A_33 : i32
    "tpu.region"() ({
      %run_scoped3A = tpu.sem_alloc : memref<!tpu.dma_semaphore, #tpu.memory_space<semaphore_mem>>
      %dma_start3A_109 = arith.constant 0 : i32
      %dma_start3A_110 = tpu.memref_slice %arg11[%mul3A_34, %dma_start3A_109] : memref<10240x128xf32, #tpu.memory_space<vmem_shared>> -> memref<128x128xf32, #tpu.memory_space<vmem_shared>>
      %dma_start3A_111 = arith.constant 0 : i32
      %dma_start3A_112 = tpu.memref_slice %arg11[%mul3A_34, %dma_start3A_111] : memref<10240x128xf32, #tpu.memory_space<vmem_shared>> -> memref<128x128xf32, #tpu.memory_space<vmem_shared>>
      tpu.enqueue_dma source(%arg9 : memref<128x128xf32, #tpu.memory_space<vmem>>) target(%dma_start3A_112 : memref<128x128xf32, #tpu.memory_space<vmem_shared>>) target_semaphore(%run_scoped3A : memref<!tpu.dma_semaphore, #tpu.memory_space<semaphore_mem>>)
      %dma_wait3A_113 = arith.constant 0 : i32
      %dma_wait3A_114 = tpu.memref_slice %arg11[%mul3A_34, %dma_wait3A_113] : memref<10240x128xf32, #tpu.memory_space<vmem_shared>> -> memref<128x128xf32, #tpu.memory_space<vmem_shared>>
      %dma_wait3A_115 = arith.constant 0 : i32
      %dma_wait3A_116 = tpu.memref_slice %arg11[%mul3A_34, %dma_wait3A_115] : memref<10240x128xf32, #tpu.memory_space<vmem_shared>> -> memref<128x128xf32, #tpu.memory_space<vmem_shared>>
      tpu.wait_dma2 semaphore(%run_scoped3A : memref<!tpu.dma_semaphore, #tpu.memory_space<semaphore_mem>>) src(%arg9 : memref<128x128xf32, #tpu.memory_space<vmem>>) dst(%dma_wait3A_116 : memref<128x128xf32, #tpu.memory_space<vmem_shared>>)
      tpu.yield
    }) : () -> ()
    %barrier3A = arith.constant 0 : index
    tpu.barrier barrier_id(%barrier3A)
    %add3A_35 = arith.constant 0 : i32
    %add3A_36 = arith.addi %mul3A_4, %add3A_35 : i32
    "tpu.region"() ({
      %run_scoped3A = tpu.sem_alloc : memref<!tpu.dma_semaphore, #tpu.memory_space<semaphore_mem>>
      %dma_start3A_109 = arith.constant 0 : i32
      %dma_start3A_110 = tpu.memref_slice %arg4[%add3A_36, %dma_start3A_109] : memref<2560x128xi32, #tpu.memory_space<hbm>> -> memref<40x128xi32, #tpu.memory_space<hbm>>
      %dma_start3A_111 = arith.constant 0 : i32
      %dma_start3A_112 = tpu.memref_slice %arg4[%add3A_36, %dma_start3A_111] : memref<2560x128xi32, #tpu.memory_space<hbm>> -> memref<40x128xi32, #tpu.memory_space<hbm>>
      tpu.enqueue_dma source(%dma_start3A_112 : memref<40x128xi32, #tpu.memory_space<hbm>>) target(%arg8 : memref<40x128xi32, #tpu.memory_space<vmem>>) target_semaphore(%run_scoped3A : memref<!tpu.dma_semaphore, #tpu.memory_space<semaphore_mem>>)
      %dma_wait3A_113 = arith.constant 0 : i32
      %dma_wait3A_114 = tpu.memref_slice %arg4[%add3A_36, %dma_wait3A_113] : memref<2560x128xi32, #tpu.memory_space<hbm>> -> memref<40x128xi32, #tpu.memory_space<hbm>>
      %dma_wait3A_115 = arith.constant 0 : i32
      %dma_wait3A_116 = tpu.memref_slice %arg4[%add3A_36, %dma_wait3A_115] : memref<2560x128xi32, #tpu.memory_space<hbm>> -> memref<40x128xi32, #tpu.memory_space<hbm>>
      tpu.wait_dma2 semaphore(%run_scoped3A : memref<!tpu.dma_semaphore, #tpu.memory_space<semaphore_mem>>) src(%dma_wait3A_116 : memref<40x128xi32, #tpu.memory_space<hbm>>) dst(%arg8 : memref<40x128xi32, #tpu.memory_space<vmem>>)
      tpu.yield
    }) : () -> ()
    %add3A_37 = arith.constant 0 : i32
    %add3A_38 = arith.addi %mul3A_4, %add3A_37 : i32
    "tpu.region"() ({
      %run_scoped3A = tpu.sem_alloc : memref<!tpu.dma_semaphore, #tpu.memory_space<semaphore_mem>>
      %dma_start3A_109 = arith.constant 0 : i32
      %dma_start3A_110 = tpu.memref_slice %arg3[%add3A_38, %dma_start3A_109] : memref<2560x128xi32, #tpu.memory_space<hbm>> -> memref<40x128xi32, #tpu.memory_space<hbm>>
      %dma_start3A_111 = arith.constant 0 : i32
      %dma_start3A_112 = tpu.memref_slice %arg3[%add3A_38, %dma_start3A_111] : memref<2560x128xi32, #tpu.memory_space<hbm>> -> memref<40x128xi32, #tpu.memory_space<hbm>>
      tpu.enqueue_dma source(%dma_start3A_112 : memref<40x128xi32, #tpu.memory_space<hbm>>) target(%arg7 : memref<40x128xi32, #tpu.memory_space<vmem>>) target_semaphore(%run_scoped3A : memref<!tpu.dma_semaphore, #tpu.memory_space<semaphore_mem>>)
      %dma_wait3A_113 = arith.constant 0 : i32
      %dma_wait3A_114 = tpu.memref_slice %arg3[%add3A_38, %dma_wait3A_113] : memref<2560x128xi32, #tpu.memory_space<hbm>> -> memref<40x128xi32, #tpu.memory_space<hbm>>
      %dma_wait3A_115 = arith.constant 0 : i32
      %dma_wait3A_116 = tpu.memref_slice %arg3[%add3A_38, %dma_wait3A_115] : memref<2560x128xi32, #tpu.memory_space<hbm>> -> memref<40x128xi32, #tpu.memory_space<hbm>>
      tpu.wait_dma2 semaphore(%run_scoped3A : memref<!tpu.dma_semaphore, #tpu.memory_space<semaphore_mem>>) src(%dma_wait3A_116 : memref<40x128xi32, #tpu.memory_space<hbm>>) dst(%arg7 : memref<40x128xi32, #tpu.memory_space<vmem>>)
      tpu.yield
    }) : () -> ()
    %dma_start3A = arith.constant 0 : i32
    %dma_start3A_39 = arith.constant 0 : i32
    %dma_start3A_40 = tpu.memref_slice %arg7[%dma_start3A, %dma_start3A_39] : memref<40x128xi32, #tpu.memory_space<vmem>> -> memref<1x128xi32, #tpu.memory_space<vmem>>
    %dma_start3A_41 = tpu.memref_squeeze %dma_start3A_40 : memref<1x128xi32, #tpu.memory_space<vmem>> -> memref<128xi32, #tpu.memory_space<vmem>>
    %dma_start3A_42 = arith.constant 0 : i32
    %dma_start3A_43 = arith.constant 0 : i32
    %dma_start3A_44 = tpu.memref_slice %arg2[%dma_start3A_42, %dma_start3A_43] : memref<10000x128xf32, #tpu.memory_space<hbm>> -> memref<10000x128xf32, #tpu.memory_space<hbm>>
    tpu.enqueue_indirect_dma source(%dma_start3A_44 : memref<10000x128xf32, #tpu.memory_space<hbm>>) target(%arg9 : memref<128x128xf32, #tpu.memory_space<vmem>>) offsets(%dma_start3A_41 : memref<128xi32, #tpu.memory_space<vmem>>) semaphore(%arg12 : memref<!tpu.dma_semaphore, #tpu.memory_space<semaphore_mem>>)
    %scan3A = arith.constant 0 : i32
    %scan3A_45 = arith.constant 20 : i32
    %scan3A_46 = arith.addi %scan3A, %scan3A_45 : i32
    %scan3A_47 = arith.constant 1 : i32
    scf.for %scan3A_109 = %scan3A to %scan3A_46 step %scan3A_47  : i32 {
      %mul3A_110 = arith.constant 2 : i32
      %mul3A_111 = arith.muli %scan3A_109, %mul3A_110 : i32
      %add3A_112 = arith.constant 0 : i32
      %add3A_113 = arith.addi %add3A_112, %mul3A_111 : i32
      %add3A_114 = arith.constant 0 : i32
      %add3A_115 = arith.addi %add3A_113, %add3A_114 : i32
      %add3A_116 = arith.constant 1 : i32
      %add3A_117 = arith.addi %add3A_115, %add3A_116 : i32
      %eq3A = arith.constant 40 : i32
      %eq3A_118 = arith.cmpi eq, %add3A_117, %eq3A : i32
      %add3A_119 = arith.constant 1 : i32
      %add3A_120 = arith.addi %add3A_115, %add3A_119 : i32
      %jit3A = arith.constant 0 : i32
      %select_n3A = arith.select %eq3A_118, %jit3A, %add3A_120 : i32
      %dma_wait3A_121 = arith.constant 0 : i32
      %dma_wait3A_122 = tpu.memref_slice %arg7[%add3A_115, %dma_wait3A_121] : memref<40x128xi32, #tpu.memory_space<vmem>> -> memref<1x128xi32, #tpu.memory_space<vmem>>
      %dma_wait3A_123 = tpu.memref_squeeze %dma_wait3A_122 : memref<1x128xi32, #tpu.memory_space<vmem>> -> memref<128xi32, #tpu.memory_space<vmem>>
      %dma_wait3A_124 = arith.constant 0 : i32
      %dma_wait3A_125 = arith.constant 0 : i32
      %dma_wait3A_126 = tpu.memref_slice %arg2[%dma_wait3A_124, %dma_wait3A_125] : memref<10000x128xf32, #tpu.memory_space<hbm>> -> memref<10000x128xf32, #tpu.memory_space<hbm>>
      tpu.wait_indirect_dma semaphore(%arg12 : memref<!tpu.dma_semaphore, #tpu.memory_space<semaphore_mem>>) src(%dma_wait3A_126 : memref<10000x128xf32, #tpu.memory_space<hbm>>) dst(%arg9 : memref<128x128xf32, #tpu.memory_space<vmem>>)
      %dma_start3A_127 = arith.constant 0 : i32
      %dma_start3A_128 = tpu.memref_slice %arg7[%select_n3A, %dma_start3A_127] : memref<40x128xi32, #tpu.memory_space<vmem>> -> memref<1x128xi32, #tpu.memory_space<vmem>>
      %dma_start3A_129 = tpu.memref_squeeze %dma_start3A_128 : memref<1x128xi32, #tpu.memory_space<vmem>> -> memref<128xi32, #tpu.memory_space<vmem>>
      %dma_start3A_130 = arith.constant 0 : i32
      %dma_start3A_131 = arith.constant 0 : i32
      %dma_start3A_132 = tpu.memref_slice %arg2[%dma_start3A_130, %dma_start3A_131] : memref<10000x128xf32, #tpu.memory_space<hbm>> -> memref<10000x128xf32, #tpu.memory_space<hbm>>
      tpu.enqueue_indirect_dma source(%dma_start3A_132 : memref<10000x128xf32, #tpu.memory_space<hbm>>) target(%arg10 : memref<128x128xf32, #tpu.memory_space<vmem>>) offsets(%dma_start3A_129 : memref<128xi32, #tpu.memory_space<vmem>>) semaphore(%arg13 : memref<!tpu.dma_semaphore, #tpu.memory_space<semaphore_mem>>)
      "tpu.region"() ({
        %run_scoped3A = tpu.sem_alloc : memref<!tpu.dma_semaphore, #tpu.memory_space<semaphore_mem>>
        %dma_start3A_155 = arith.constant 0 : i32
        %dma_start3A_156 = tpu.memref_slice %arg8[%add3A_115, %dma_start3A_155] : memref<40x128xi32, #tpu.memory_space<vmem>> -> memref<1x128xi32, #tpu.memory_space<vmem>>
        %dma_start3A_157 = tpu.memref_squeeze %dma_start3A_156 : memref<1x128xi32, #tpu.memory_space<vmem>> -> memref<128xi32, #tpu.memory_space<vmem>>
        %dma_start3A_158 = arith.constant 0 : i32
        %dma_start3A_159 = arith.constant 0 : i32
        %dma_start3A_160 = tpu.memref_slice %arg11[%dma_start3A_158, %dma_start3A_159] : memref<10240x128xf32, #tpu.memory_space<vmem_shared>> -> memref<10240x128xf32, #tpu.memory_space<vmem_shared>>
        tpu.enqueue_indirect_dma source(%arg9 : memref<128x128xf32, #tpu.memory_space<vmem>>) target(%dma_start3A_160 : memref<10240x128xf32, #tpu.memory_space<vmem_shared>>) offsets(%dma_start3A_157 : memref<128xi32, #tpu.memory_space<vmem>>) semaphore(%run_scoped3A : memref<!tpu.dma_semaphore, #tpu.memory_space<semaphore_mem>>) {add = true}
        %dma_wait3A_161 = arith.constant 0 : i32
        %dma_wait3A_162 = tpu.memref_slice %arg8[%add3A_115, %dma_wait3A_161] : memref<40x128xi32, #tpu.memory_space<vmem>> -> memref<1x128xi32, #tpu.memory_space<vmem>>
        %dma_wait3A_163 = tpu.memref_squeeze %dma_wait3A_162 : memref<1x128xi32, #tpu.memory_space<vmem>> -> memref<128xi32, #tpu.memory_space<vmem>>
        %dma_wait3A_164 = arith.constant 0 : i32
        %dma_wait3A_165 = arith.constant 0 : i32
        %dma_wait3A_166 = tpu.memref_slice %arg11[%dma_wait3A_164, %dma_wait3A_165] : memref<10240x128xf32, #tpu.memory_space<vmem_shared>> -> memref<10240x128xf32, #tpu.memory_space<vmem_shared>>
        tpu.wait_indirect_dma semaphore(%run_scoped3A : memref<!tpu.dma_semaphore, #tpu.memory_space<semaphore_mem>>) src(%arg9 : memref<128x128xf32, #tpu.memory_space<vmem>>) dst(%dma_wait3A_166 : memref<10240x128xf32, #tpu.memory_space<vmem_shared>>)
        tpu.yield
      }) : () -> ()
      %add3A_133 = arith.constant 1 : i32
      %add3A_134 = arith.addi %add3A_113, %add3A_133 : i32
      %add3A_135 = arith.constant 1 : i32
      %add3A_136 = arith.addi %add3A_134, %add3A_135 : i32
      %eq3A_137 = arith.constant 40 : i32
      %eq3A_138 = arith.cmpi eq, %add3A_136, %eq3A_137 : i32
      %add3A_139 = arith.constant 1 : i32
      %add3A_140 = arith.addi %add3A_134, %add3A_139 : i32
      %jit3A_141 = arith.constant 0 : i32
      %select_n3A_142 = arith.select %eq3A_138, %jit3A_141, %add3A_140 : i32
      %dma_wait3A_143 = arith.constant 0 : i32
      %dma_wait3A_144 = tpu.memref_slice %arg7[%add3A_134, %dma_wait3A_143] : memref<40x128xi32, #tpu.memory_space<vmem>> -> memref<1x128xi32, #tpu.memory_space<vmem>>
      %dma_wait3A_145 = tpu.memref_squeeze %dma_wait3A_144 : memref<1x128xi32, #tpu.memory_space<vmem>> -> memref<128xi32, #tpu.memory_space<vmem>>
      %dma_wait3A_146 = arith.constant 0 : i32
      %dma_wait3A_147 = arith.constant 0 : i32
      %dma_wait3A_148 = tpu.memref_slice %arg2[%dma_wait3A_146, %dma_wait3A_147] : memref<10000x128xf32, #tpu.memory_space<hbm>> -> memref<10000x128xf32, #tpu.memory_space<hbm>>
      tpu.wait_indirect_dma semaphore(%arg13 : memref<!tpu.dma_semaphore, #tpu.memory_space<semaphore_mem>>) src(%dma_wait3A_148 : memref<10000x128xf32, #tpu.memory_space<hbm>>) dst(%arg10 : memref<128x128xf32, #tpu.memory_space<vmem>>)
      %dma_start3A_149 = arith.constant 0 : i32
      %dma_start3A_150 = tpu.memref_slice %arg7[%select_n3A_142, %dma_start3A_149] : memref<40x128xi32, #tpu.memory_space<vmem>> -> memref<1x128xi32, #tpu.memory_space<vmem>>
      %dma_start3A_151 = tpu.memref_squeeze %dma_start3A_150 : memref<1x128xi32, #tpu.memory_space<vmem>> -> memref<128xi32, #tpu.memory_space<vmem>>
      %dma_start3A_152 = arith.constant 0 : i32
      %dma_start3A_153 = arith.constant 0 : i32
      %dma_start3A_154 = tpu.memref_slice %arg2[%dma_start3A_152, %dma_start3A_153] : memref<10000x128xf32, #tpu.memory_space<hbm>> -> memref<10000x128xf32, #tpu.memory_space<hbm>>
      tpu.enqueue_indirect_dma source(%dma_start3A_154 : memref<10000x128xf32, #tpu.memory_space<hbm>>) target(%arg9 : memref<128x128xf32, #tpu.memory_space<vmem>>) offsets(%dma_start3A_151 : memref<128xi32, #tpu.memory_space<vmem>>) semaphore(%arg12 : memref<!tpu.dma_semaphore, #tpu.memory_space<semaphore_mem>>)
      "tpu.region"() ({
        %run_scoped3A = tpu.sem_alloc : memref<!tpu.dma_semaphore, #tpu.memory_space<semaphore_mem>>
        %dma_start3A_155 = arith.constant 0 : i32
        %dma_start3A_156 = tpu.memref_slice %arg8[%add3A_134, %dma_start3A_155] : memref<40x128xi32, #tpu.memory_space<vmem>> -> memref<1x128xi32, #tpu.memory_space<vmem>>
        %dma_start3A_157 = tpu.memref_squeeze %dma_start3A_156 : memref<1x128xi32, #tpu.memory_space<vmem>> -> memref<128xi32, #tpu.memory_space<vmem>>
        %dma_start3A_158 = arith.constant 0 : i32
        %dma_start3A_159 = arith.constant 0 : i32
        %dma_start3A_160 = tpu.memref_slice %arg11[%dma_start3A_158, %dma_start3A_159] : memref<10240x128xf32, #tpu.memory_space<vmem_shared>> -> memref<10240x128xf32, #tpu.memory_space<vmem_shared>>
        tpu.enqueue_indirect_dma source(%arg10 : memref<128x128xf32, #tpu.memory_space<vmem>>) target(%dma_start3A_160 : memref<10240x128xf32, #tpu.memory_space<vmem_shared>>) offsets(%dma_start3A_157 : memref<128xi32, #tpu.memory_space<vmem>>) semaphore(%run_scoped3A : memref<!tpu.dma_semaphore, #tpu.memory_space<semaphore_mem>>) {add = true}
        %dma_wait3A_161 = arith.constant 0 : i32
        %dma_wait3A_162 = tpu.memref_slice %arg8[%add3A_134, %dma_wait3A_161] : memref<40x128xi32, #tpu.memory_space<vmem>> -> memref<1x128xi32, #tpu.memory_space<vmem>>
        %dma_wait3A_163 = tpu.memref_squeeze %dma_wait3A_162 : memref<1x128xi32, #tpu.memory_space<vmem>> -> memref<128xi32, #tpu.memory_space<vmem>>
        %dma_wait3A_164 = arith.constant 0 : i32
        %dma_wait3A_165 = arith.constant 0 : i32
        %dma_wait3A_166 = tpu.memref_slice %arg11[%dma_wait3A_164, %dma_wait3A_165] : memref<10240x128xf32, #tpu.memory_space<vmem_shared>> -> memref<10240x128xf32, #tpu.memory_space<vmem_shared>>
        tpu.wait_indirect_dma semaphore(%run_scoped3A : memref<!tpu.dma_semaphore, #tpu.memory_space<semaphore_mem>>) src(%arg10 : memref<128x128xf32, #tpu.memory_space<vmem>>) dst(%dma_wait3A_166 : memref<10240x128xf32, #tpu.memory_space<vmem_shared>>)
        tpu.yield
      }) : () -> ()
    }
    %scan3A_48 = arith.constant 20 : i32
    %dma_wait3A = arith.constant 0 : i32
    %dma_wait3A_49 = arith.constant 0 : i32
    %dma_wait3A_50 = tpu.memref_slice %arg7[%dma_wait3A, %dma_wait3A_49] : memref<40x128xi32, #tpu.memory_space<vmem>> -> memref<1x128xi32, #tpu.memory_space<vmem>>
    %dma_wait3A_51 = tpu.memref_squeeze %dma_wait3A_50 : memref<1x128xi32, #tpu.memory_space<vmem>> -> memref<128xi32, #tpu.memory_space<vmem>>
    %dma_wait3A_52 = arith.constant 0 : i32
    %dma_wait3A_53 = arith.constant 0 : i32
    %dma_wait3A_54 = tpu.memref_slice %arg2[%dma_wait3A_52, %dma_wait3A_53] : memref<10000x128xf32, #tpu.memory_space<hbm>> -> memref<10000x128xf32, #tpu.memory_space<hbm>>
    tpu.wait_indirect_dma semaphore(%arg12 : memref<!tpu.dma_semaphore, #tpu.memory_space<semaphore_mem>>) src(%dma_wait3A_54 : memref<10000x128xf32, #tpu.memory_space<hbm>>) dst(%arg9 : memref<128x128xf32, #tpu.memory_space<vmem>>)
    %add3A_55 = arith.constant 40 : i32
    %add3A_56 = arith.addi %mul3A_4, %add3A_55 : i32
    "tpu.region"() ({
      %run_scoped3A = tpu.sem_alloc : memref<!tpu.dma_semaphore, #tpu.memory_space<semaphore_mem>>
      %dma_start3A_109 = arith.constant 0 : i32
      %dma_start3A_110 = tpu.memref_slice %arg4[%add3A_56, %dma_start3A_109] : memref<2560x128xi32, #tpu.memory_space<hbm>> -> memref<40x128xi32, #tpu.memory_space<hbm>>
      %dma_start3A_111 = arith.constant 0 : i32
      %dma_start3A_112 = tpu.memref_slice %arg4[%add3A_56, %dma_start3A_111] : memref<2560x128xi32, #tpu.memory_space<hbm>> -> memref<40x128xi32, #tpu.memory_space<hbm>>
      tpu.enqueue_dma source(%dma_start3A_112 : memref<40x128xi32, #tpu.memory_space<hbm>>) target(%arg8 : memref<40x128xi32, #tpu.memory_space<vmem>>) target_semaphore(%run_scoped3A : memref<!tpu.dma_semaphore, #tpu.memory_space<semaphore_mem>>)
      %dma_wait3A_113 = arith.constant 0 : i32
      %dma_wait3A_114 = tpu.memref_slice %arg4[%add3A_56, %dma_wait3A_113] : memref<2560x128xi32, #tpu.memory_space<hbm>> -> memref<40x128xi32, #tpu.memory_space<hbm>>
      %dma_wait3A_115 = arith.constant 0 : i32
      %dma_wait3A_116 = tpu.memref_slice %arg4[%add3A_56, %dma_wait3A_115] : memref<2560x128xi32, #tpu.memory_space<hbm>> -> memref<40x128xi32, #tpu.memory_space<hbm>>
      tpu.wait_dma2 semaphore(%run_scoped3A : memref<!tpu.dma_semaphore, #tpu.memory_space<semaphore_mem>>) src(%dma_wait3A_116 : memref<40x128xi32, #tpu.memory_space<hbm>>) dst(%arg8 : memref<40x128xi32, #tpu.memory_space<vmem>>)
      tpu.yield
    }) : () -> ()
    %add3A_57 = arith.constant 40 : i32
    %add3A_58 = arith.addi %mul3A_4, %add3A_57 : i32
    "tpu.region"() ({
      %run_scoped3A = tpu.sem_alloc : memref<!tpu.dma_semaphore, #tpu.memory_space<semaphore_mem>>
      %dma_start3A_109 = arith.constant 0 : i32
      %dma_start3A_110 = tpu.memref_slice %arg3[%add3A_58, %dma_start3A_109] : memref<2560x128xi32, #tpu.memory_space<hbm>> -> memref<40x128xi32, #tpu.memory_space<hbm>>
      %dma_start3A_111 = arith.constant 0 : i32
      %dma_start3A_112 = tpu.memref_slice %arg3[%add3A_58, %dma_start3A_111] : memref<2560x128xi32, #tpu.memory_space<hbm>> -> memref<40x128xi32, #tpu.memory_space<hbm>>
      tpu.enqueue_dma source(%dma_start3A_112 : memref<40x128xi32, #tpu.memory_space<hbm>>) target(%arg7 : memref<40x128xi32, #tpu.memory_space<vmem>>) target_semaphore(%run_scoped3A : memref<!tpu.dma_semaphore, #tpu.memory_space<semaphore_mem>>)
      %dma_wait3A_113 = arith.constant 0 : i32
      %dma_wait3A_114 = tpu.memref_slice %arg3[%add3A_58, %dma_wait3A_113] : memref<2560x128xi32, #tpu.memory_space<hbm>> -> memref<40x128xi32, #tpu.memory_space<hbm>>
      %dma_wait3A_115 = arith.constant 0 : i32
      %dma_wait3A_116 = tpu.memref_slice %arg3[%add3A_58, %dma_wait3A_115] : memref<2560x128xi32, #tpu.memory_space<hbm>> -> memref<40x128xi32, #tpu.memory_space<hbm>>
      tpu.wait_dma2 semaphore(%run_scoped3A : memref<!tpu.dma_semaphore, #tpu.memory_space<semaphore_mem>>) src(%dma_wait3A_116 : memref<40x128xi32, #tpu.memory_space<hbm>>) dst(%arg7 : memref<40x128xi32, #tpu.memory_space<vmem>>)
      tpu.yield
    }) : () -> ()
    %dma_start3A_59 = arith.constant 0 : i32
    %dma_start3A_60 = arith.constant 0 : i32
    %dma_start3A_61 = tpu.memref_slice %arg7[%dma_start3A_59, %dma_start3A_60] : memref<40x128xi32, #tpu.memory_space<vmem>> -> memref<1x128xi32, #tpu.memory_space<vmem>>
    %dma_start3A_62 = tpu.memref_squeeze %dma_start3A_61 : memref<1x128xi32, #tpu.memory_space<vmem>> -> memref<128xi32, #tpu.memory_space<vmem>>
    %dma_start3A_63 = arith.constant 0 : i32
    %dma_start3A_64 = arith.constant 0 : i32
    %dma_start3A_65 = tpu.memref_slice %arg2[%dma_start3A_63, %dma_start3A_64] : memref<10000x128xf32, #tpu.memory_space<hbm>> -> memref<10000x128xf32, #tpu.memory_space<hbm>>
    tpu.enqueue_indirect_dma source(%dma_start3A_65 : memref<10000x128xf32, #tpu.memory_space<hbm>>) target(%arg9 : memref<128x128xf32, #tpu.memory_space<vmem>>) offsets(%dma_start3A_62 : memref<128xi32, #tpu.memory_space<vmem>>) semaphore(%arg12 : memref<!tpu.dma_semaphore, #tpu.memory_space<semaphore_mem>>)
    %scan3A_66 = arith.constant 0 : i32
    %scan3A_67 = arith.constant 20 : i32
    %scan3A_68 = arith.addi %scan3A_66, %scan3A_67 : i32
    %scan3A_69 = arith.constant 1 : i32
    scf.for %scan3A_109 = %scan3A_66 to %scan3A_68 step %scan3A_69  : i32 {
      %mul3A_110 = arith.constant 2 : i32
      %mul3A_111 = arith.muli %scan3A_109, %mul3A_110 : i32
      %add3A_112 = arith.constant 0 : i32
      %add3A_113 = arith.addi %add3A_112, %mul3A_111 : i32
      %add3A_114 = arith.constant 0 : i32
      %add3A_115 = arith.addi %add3A_113, %add3A_114 : i32
      %add3A_116 = arith.constant 1 : i32
      %add3A_117 = arith.addi %add3A_115, %add3A_116 : i32
      %eq3A = arith.constant 40 : i32
      %eq3A_118 = arith.cmpi eq, %add3A_117, %eq3A : i32
      %add3A_119 = arith.constant 1 : i32
      %add3A_120 = arith.addi %add3A_115, %add3A_119 : i32
      %jit3A = arith.constant 0 : i32
      %select_n3A = arith.select %eq3A_118, %jit3A, %add3A_120 : i32
      %dma_wait3A_121 = arith.constant 0 : i32
      %dma_wait3A_122 = tpu.memref_slice %arg7[%add3A_115, %dma_wait3A_121] : memref<40x128xi32, #tpu.memory_space<vmem>> -> memref<1x128xi32, #tpu.memory_space<vmem>>
      %dma_wait3A_123 = tpu.memref_squeeze %dma_wait3A_122 : memref<1x128xi32, #tpu.memory_space<vmem>> -> memref<128xi32, #tpu.memory_space<vmem>>
      %dma_wait3A_124 = arith.constant 0 : i32
      %dma_wait3A_125 = arith.constant 0 : i32
      %dma_wait3A_126 = tpu.memref_slice %arg2[%dma_wait3A_124, %dma_wait3A_125] : memref<10000x128xf32, #tpu.memory_space<hbm>> -> memref<10000x128xf32, #tpu.memory_space<hbm>>
      tpu.wait_indirect_dma semaphore(%arg12 : memref<!tpu.dma_semaphore, #tpu.memory_space<semaphore_mem>>) src(%dma_wait3A_126 : memref<10000x128xf32, #tpu.memory_space<hbm>>) dst(%arg9 : memref<128x128xf32, #tpu.memory_space<vmem>>)
      %dma_start3A_127 = arith.constant 0 : i32
      %dma_start3A_128 = tpu.memref_slice %arg7[%select_n3A, %dma_start3A_127] : memref<40x128xi32, #tpu.memory_space<vmem>> -> memref<1x128xi32, #tpu.memory_space<vmem>>
      %dma_start3A_129 = tpu.memref_squeeze %dma_start3A_128 : memref<1x128xi32, #tpu.memory_space<vmem>> -> memref<128xi32, #tpu.memory_space<vmem>>
      %dma_start3A_130 = arith.constant 0 : i32
      %dma_start3A_131 = arith.constant 0 : i32
      %dma_start3A_132 = tpu.memref_slice %arg2[%dma_start3A_130, %dma_start3A_131] : memref<10000x128xf32, #tpu.memory_space<hbm>> -> memref<10000x128xf32, #tpu.memory_space<hbm>>
      tpu.enqueue_indirect_dma source(%dma_start3A_132 : memref<10000x128xf32, #tpu.memory_space<hbm>>) target(%arg10 : memref<128x128xf32, #tpu.memory_space<vmem>>) offsets(%dma_start3A_129 : memref<128xi32, #tpu.memory_space<vmem>>) semaphore(%arg13 : memref<!tpu.dma_semaphore, #tpu.memory_space<semaphore_mem>>)
      "tpu.region"() ({
        %run_scoped3A = tpu.sem_alloc : memref<!tpu.dma_semaphore, #tpu.memory_space<semaphore_mem>>
        %dma_start3A_155 = arith.constant 0 : i32
        %dma_start3A_156 = tpu.memref_slice %arg8[%add3A_115, %dma_start3A_155] : memref<40x128xi32, #tpu.memory_space<vmem>> -> memref<1x128xi32, #tpu.memory_space<vmem>>
        %dma_start3A_157 = tpu.memref_squeeze %dma_start3A_156 : memref<1x128xi32, #tpu.memory_space<vmem>> -> memref<128xi32, #tpu.memory_space<vmem>>
        %dma_start3A_158 = arith.constant 0 : i32
        %dma_start3A_159 = arith.constant 0 : i32
        %dma_start3A_160 = tpu.memref_slice %arg11[%dma_start3A_158, %dma_start3A_159] : memref<10240x128xf32, #tpu.memory_space<vmem_shared>> -> memref<10240x128xf32, #tpu.memory_space<vmem_shared>>
        tpu.enqueue_indirect_dma source(%arg9 : memref<128x128xf32, #tpu.memory_space<vmem>>) target(%dma_start3A_160 : memref<10240x128xf32, #tpu.memory_space<vmem_shared>>) offsets(%dma_start3A_157 : memref<128xi32, #tpu.memory_space<vmem>>) semaphore(%run_scoped3A : memref<!tpu.dma_semaphore, #tpu.memory_space<semaphore_mem>>) {add = true}
        %dma_wait3A_161 = arith.constant 0 : i32
        %dma_wait3A_162 = tpu.memref_slice %arg8[%add3A_115, %dma_wait3A_161] : memref<40x128xi32, #tpu.memory_space<vmem>> -> memref<1x128xi32, #tpu.memory_space<vmem>>
        %dma_wait3A_163 = tpu.memref_squeeze %dma_wait3A_162 : memref<1x128xi32, #tpu.memory_space<vmem>> -> memref<128xi32, #tpu.memory_space<vmem>>
        %dma_wait3A_164 = arith.constant 0 : i32
        %dma_wait3A_165 = arith.constant 0 : i32
        %dma_wait3A_166 = tpu.memref_slice %arg11[%dma_wait3A_164, %dma_wait3A_165] : memref<10240x128xf32, #tpu.memory_space<vmem_shared>> -> memref<10240x128xf32, #tpu.memory_space<vmem_shared>>
        tpu.wait_indirect_dma semaphore(%run_scoped3A : memref<!tpu.dma_semaphore, #tpu.memory_space<semaphore_mem>>) src(%arg9 : memref<128x128xf32, #tpu.memory_space<vmem>>) dst(%dma_wait3A_166 : memref<10240x128xf32, #tpu.memory_space<vmem_shared>>)
        tpu.yield
      }) : () -> ()
      %add3A_133 = arith.constant 1 : i32
      %add3A_134 = arith.addi %add3A_113, %add3A_133 : i32
      %add3A_135 = arith.constant 1 : i32
      %add3A_136 = arith.addi %add3A_134, %add3A_135 : i32
      %eq3A_137 = arith.constant 40 : i32
      %eq3A_138 = arith.cmpi eq, %add3A_136, %eq3A_137 : i32
      %add3A_139 = arith.constant 1 : i32
      %add3A_140 = arith.addi %add3A_134, %add3A_139 : i32
      %jit3A_141 = arith.constant 0 : i32
      %select_n3A_142 = arith.select %eq3A_138, %jit3A_141, %add3A_140 : i32
      %dma_wait3A_143 = arith.constant 0 : i32
      %dma_wait3A_144 = tpu.memref_slice %arg7[%add3A_134, %dma_wait3A_143] : memref<40x128xi32, #tpu.memory_space<vmem>> -> memref<1x128xi32, #tpu.memory_space<vmem>>
      %dma_wait3A_145 = tpu.memref_squeeze %dma_wait3A_144 : memref<1x128xi32, #tpu.memory_space<vmem>> -> memref<128xi32, #tpu.memory_space<vmem>>
      %dma_wait3A_146 = arith.constant 0 : i32
      %dma_wait3A_147 = arith.constant 0 : i32
      %dma_wait3A_148 = tpu.memref_slice %arg2[%dma_wait3A_146, %dma_wait3A_147] : memref<10000x128xf32, #tpu.memory_space<hbm>> -> memref<10000x128xf32, #tpu.memory_space<hbm>>
      tpu.wait_indirect_dma semaphore(%arg13 : memref<!tpu.dma_semaphore, #tpu.memory_space<semaphore_mem>>) src(%dma_wait3A_148 : memref<10000x128xf32, #tpu.memory_space<hbm>>) dst(%arg10 : memref<128x128xf32, #tpu.memory_space<vmem>>)
      %dma_start3A_149 = arith.constant 0 : i32
      %dma_start3A_150 = tpu.memref_slice %arg7[%select_n3A_142, %dma_start3A_149] : memref<40x128xi32, #tpu.memory_space<vmem>> -> memref<1x128xi32, #tpu.memory_space<vmem>>
      %dma_start3A_151 = tpu.memref_squeeze %dma_start3A_150 : memref<1x128xi32, #tpu.memory_space<vmem>> -> memref<128xi32, #tpu.memory_space<vmem>>
      %dma_start3A_152 = arith.constant 0 : i32
      %dma_start3A_153 = arith.constant 0 : i32
      %dma_start3A_154 = tpu.memref_slice %arg2[%dma_start3A_152, %dma_start3A_153] : memref<10000x128xf32, #tpu.memory_space<hbm>> -> memref<10000x128xf32, #tpu.memory_space<hbm>>
      tpu.enqueue_indirect_dma source(%dma_start3A_154 : memref<10000x128xf32, #tpu.memory_space<hbm>>) target(%arg9 : memref<128x128xf32, #tpu.memory_space<vmem>>) offsets(%dma_start3A_151 : memref<128xi32, #tpu.memory_space<vmem>>) semaphore(%arg12 : memref<!tpu.dma_semaphore, #tpu.memory_space<semaphore_mem>>)
      "tpu.region"() ({
        %run_scoped3A = tpu.sem_alloc : memref<!tpu.dma_semaphore, #tpu.memory_space<semaphore_mem>>
        %dma_start3A_155 = arith.constant 0 : i32
        %dma_start3A_156 = tpu.memref_slice %arg8[%add3A_134, %dma_start3A_155] : memref<40x128xi32, #tpu.memory_space<vmem>> -> memref<1x128xi32, #tpu.memory_space<vmem>>
        %dma_start3A_157 = tpu.memref_squeeze %dma_start3A_156 : memref<1x128xi32, #tpu.memory_space<vmem>> -> memref<128xi32, #tpu.memory_space<vmem>>
        %dma_start3A_158 = arith.constant 0 : i32
        %dma_start3A_159 = arith.constant 0 : i32
        %dma_start3A_160 = tpu.memref_slice %arg11[%dma_start3A_158, %dma_start3A_159] : memref<10240x128xf32, #tpu.memory_space<vmem_shared>> -> memref<10240x128xf32, #tpu.memory_space<vmem_shared>>
        tpu.enqueue_indirect_dma source(%arg10 : memref<128x128xf32, #tpu.memory_space<vmem>>) target(%dma_start3A_160 : memref<10240x128xf32, #tpu.memory_space<vmem_shared>>) offsets(%dma_start3A_157 : memref<128xi32, #tpu.memory_space<vmem>>) semaphore(%run_scoped3A : memref<!tpu.dma_semaphore, #tpu.memory_space<semaphore_mem>>) {add = true}
        %dma_wait3A_161 = arith.constant 0 : i32
        %dma_wait3A_162 = tpu.memref_slice %arg8[%add3A_134, %dma_wait3A_161] : memref<40x128xi32, #tpu.memory_space<vmem>> -> memref<1x128xi32, #tpu.memory_space<vmem>>
        %dma_wait3A_163 = tpu.memref_squeeze %dma_wait3A_162 : memref<1x128xi32, #tpu.memory_space<vmem>> -> memref<128xi32, #tpu.memory_space<vmem>>
        %dma_wait3A_164 = arith.constant 0 : i32
        %dma_wait3A_165 = arith.constant 0 : i32
        %dma_wait3A_166 = tpu.memref_slice %arg11[%dma_wait3A_164, %dma_wait3A_165] : memref<10240x128xf32, #tpu.memory_space<vmem_shared>> -> memref<10240x128xf32, #tpu.memory_space<vmem_shared>>
        tpu.wait_indirect_dma semaphore(%run_scoped3A : memref<!tpu.dma_semaphore, #tpu.memory_space<semaphore_mem>>) src(%arg10 : memref<128x128xf32, #tpu.memory_space<vmem>>) dst(%dma_wait3A_166 : memref<10240x128xf32, #tpu.memory_space<vmem_shared>>)
        tpu.yield
      }) : () -> ()
    }
    %scan3A_70 = arith.constant 20 : i32
    %dma_wait3A_71 = arith.constant 0 : i32
    %dma_wait3A_72 = arith.constant 0 : i32
    %dma_wait3A_73 = tpu.memref_slice %arg7[%dma_wait3A_71, %dma_wait3A_72] : memref<40x128xi32, #tpu.memory_space<vmem>> -> memref<1x128xi32, #tpu.memory_space<vmem>>
    %dma_wait3A_74 = tpu.memref_squeeze %dma_wait3A_73 : memref<1x128xi32, #tpu.memory_space<vmem>> -> memref<128xi32, #tpu.memory_space<vmem>>
    %dma_wait3A_75 = arith.constant 0 : i32
    %dma_wait3A_76 = arith.constant 0 : i32
    %dma_wait3A_77 = tpu.memref_slice %arg2[%dma_wait3A_75, %dma_wait3A_76] : memref<10000x128xf32, #tpu.memory_space<hbm>> -> memref<10000x128xf32, #tpu.memory_space<hbm>>
    tpu.wait_indirect_dma semaphore(%arg12 : memref<!tpu.dma_semaphore, #tpu.memory_space<semaphore_mem>>) src(%dma_wait3A_77 : memref<10000x128xf32, #tpu.memory_space<hbm>>) dst(%arg9 : memref<128x128xf32, #tpu.memory_space<vmem>>)
    %barrier3A_78 = arith.constant 0 : index
    tpu.barrier barrier_id(%barrier3A_78)
    %mul3A_79 = arith.constant 5 : i32
    %mul3A_80 = arith.muli %arg1, %mul3A_79 : i32
    %add3A_81 = arith.constant 0 : i32
    %add3A_82 = arith.addi %mul3A_80, %add3A_81 : i32
    %mul3A_83 = arith.constant 128 : i32
    %mul3A_84 = arith.muli %add3A_82, %mul3A_83 : i32
    "tpu.region"() ({
      %run_scoped3A = tpu.sem_alloc : memref<!tpu.dma_semaphore, #tpu.memory_space<semaphore_mem>>
      %dma_start3A_109 = arith.constant 0 : i32
      %dma_start3A_110 = tpu.memref_slice %arg11[%mul3A_84, %dma_start3A_109] : memref<10240x128xf32, #tpu.memory_space<vmem_shared>> -> memref<128x128xf32, #tpu.memory_space<vmem_shared>>
      %dma_start3A_111 = arith.constant 0 : i32
      %dma_start3A_112 = tpu.memref_slice %arg11[%mul3A_84, %dma_start3A_111] : memref<10240x128xf32, #tpu.memory_space<vmem_shared>> -> memref<128x128xf32, #tpu.memory_space<vmem_shared>>
      tpu.enqueue_dma source(%dma_start3A_112 : memref<128x128xf32, #tpu.memory_space<vmem_shared>>) target(%arg9 : memref<128x128xf32, #tpu.memory_space<vmem>>) target_semaphore(%run_scoped3A : memref<!tpu.dma_semaphore, #tpu.memory_space<semaphore_mem>>)
      %dma_wait3A_113 = arith.constant 0 : i32
      %dma_wait3A_114 = tpu.memref_slice %arg11[%mul3A_84, %dma_wait3A_113] : memref<10240x128xf32, #tpu.memory_space<vmem_shared>> -> memref<128x128xf32, #tpu.memory_space<vmem_shared>>
      %dma_wait3A_115 = arith.constant 0 : i32
      %dma_wait3A_116 = tpu.memref_slice %arg11[%mul3A_84, %dma_wait3A_115] : memref<10240x128xf32, #tpu.memory_space<vmem_shared>> -> memref<128x128xf32, #tpu.memory_space<vmem_shared>>
      tpu.wait_dma2 semaphore(%run_scoped3A : memref<!tpu.dma_semaphore, #tpu.memory_space<semaphore_mem>>) src(%dma_wait3A_116 : memref<128x128xf32, #tpu.memory_space<vmem_shared>>) dst(%arg9 : memref<128x128xf32, #tpu.memory_space<vmem>>)
      tpu.yield
    }) : () -> ()
    "tpu.region"() ({
      %run_scoped3A = tpu.sem_alloc : memref<!tpu.dma_semaphore, #tpu.memory_space<semaphore_mem>>
      %dma_start3A_109 = arith.constant 0 : i32
      %dma_start3A_110 = tpu.memref_slice %arg6[%arg0, %mul3A_84, %dma_start3A_109] : memref<2x10240x128xf32, #tpu.memory_space<hbm>> -> memref<1x128x128xf32, #tpu.memory_space<hbm>>
      %dma_start3A_111 = tpu.memref_squeeze %dma_start3A_110 : memref<1x128x128xf32, #tpu.memory_space<hbm>> -> memref<128x128xf32, #tpu.memory_space<hbm>>
      %dma_start3A_112 = arith.constant 0 : i32
      %dma_start3A_113 = tpu.memref_slice %arg6[%arg0, %mul3A_84, %dma_start3A_112] : memref<2x10240x128xf32, #tpu.memory_space<hbm>> -> memref<1x128x128xf32, #tpu.memory_space<hbm>>
      %dma_start3A_114 = tpu.memref_squeeze %dma_start3A_113 : memref<1x128x128xf32, #tpu.memory_space<hbm>> -> memref<128x128xf32, #tpu.memory_space<hbm>>
      tpu.enqueue_dma source(%arg9 : memref<128x128xf32, #tpu.memory_space<vmem>>) target(%dma_start3A_114 : memref<128x128xf32, #tpu.memory_space<hbm>>) target_semaphore(%run_scoped3A : memref<!tpu.dma_semaphore, #tpu.memory_space<semaphore_mem>>)
      %dma_wait3A_115 = arith.constant 0 : i32
      %dma_wait3A_116 = tpu.memref_slice %arg6[%arg0, %mul3A_84, %dma_wait3A_115] : memref<2x10240x128xf32, #tpu.memory_space<hbm>> -> memref<1x128x128xf32, #tpu.memory_space<hbm>>
      %dma_wait3A_117 = tpu.memref_squeeze %dma_wait3A_116 : memref<1x128x128xf32, #tpu.memory_space<hbm>> -> memref<128x128xf32, #tpu.memory_space<hbm>>
      %dma_wait3A_118 = arith.constant 0 : i32
      %dma_wait3A_119 = tpu.memref_slice %arg6[%arg0, %mul3A_84, %dma_wait3A_118] : memref<2x10240x128xf32, #tpu.memory_space<hbm>> -> memref<1x128x128xf32, #tpu.memory_space<hbm>>
      %dma_wait3A_120 = tpu.memref_squeeze %dma_wait3A_119 : memref<1x128x128xf32, #tpu.memory_space<hbm>> -> memref<128x128xf32, #tpu.memory_space<hbm>>
      tpu.wait_dma2 semaphore(%run_scoped3A : memref<!tpu.dma_semaphore, #tpu.memory_space<semaphore_mem>>) src(%arg9 : memref<128x128xf32, #tpu.memory_space<vmem>>) dst(%dma_wait3A_120 : memref<128x128xf32, #tpu.memory_space<hbm>>)
      tpu.yield
    }) : () -> ()
    %mul3A_85 = arith.constant 5 : i32
    %mul3A_86 = arith.muli %arg1, %mul3A_85 : i32
    %add3A_87 = arith.constant 1 : i32
    %add3A_88 = arith.addi %mul3A_86, %add3A_87 : i32
    %mul3A_89 = arith.constant 128 : i32
    %mul3A_90 = arith.muli %add3A_88, %mul3A_89 : i32
    "tpu.region"() ({
      %run_scoped3A = tpu.sem_alloc : memref<!tpu.dma_semaphore, #tpu.memory_space<semaphore_mem>>
      %dma_start3A_109 = arith.constant 0 : i32
      %dma_start3A_110 = tpu.memref_slice %arg11[%mul3A_90, %dma_start3A_109] : memref<10240x128xf32, #tpu.memory_space<vmem_shared>> -> memref<128x128xf32, #tpu.memory_space<vmem_shared>>
      %dma_start3A_111 = arith.constant 0 : i32
      %dma_start3A_112 = tpu.memref_slice %arg11[%mul3A_90, %dma_start3A_111] : memref<10240x128xf32, #tpu.memory_space<vmem_shared>> -> memref<128x128xf32, #tpu.memory_space<vmem_shared>>
      tpu.enqueue_dma source(%dma_start3A_112 : memref<128x128xf32, #tpu.memory_space<vmem_shared>>) target(%arg9 : memref<128x128xf32, #tpu.memory_space<vmem>>) target_semaphore(%run_scoped3A : memref<!tpu.dma_semaphore, #tpu.memory_space<semaphore_mem>>)
      %dma_wait3A_113 = arith.constant 0 : i32
      %dma_wait3A_114 = tpu.memref_slice %arg11[%mul3A_90, %dma_wait3A_113] : memref<10240x128xf32, #tpu.memory_space<vmem_shared>> -> memref<128x128xf32, #tpu.memory_space<vmem_shared>>
      %dma_wait3A_115 = arith.constant 0 : i32
      %dma_wait3A_116 = tpu.memref_slice %arg11[%mul3A_90, %dma_wait3A_115] : memref<10240x128xf32, #tpu.memory_space<vmem_shared>> -> memref<128x128xf32, #tpu.memory_space<vmem_shared>>
      tpu.wait_dma2 semaphore(%run_scoped3A : memref<!tpu.dma_semaphore, #tpu.memory_space<semaphore_mem>>) src(%dma_wait3A_116 : memref<128x128xf32, #tpu.memory_space<vmem_shared>>) dst(%arg9 : memref<128x128xf32, #tpu.memory_space<vmem>>)
      tpu.yield
    }) : () -> ()
    "tpu.region"() ({
      %run_scoped3A = tpu.sem_alloc : memref<!tpu.dma_semaphore, #tpu.memory_space<semaphore_mem>>
      %dma_start3A_109 = arith.constant 0 : i32
      %dma_start3A_110 = tpu.memref_slice %arg6[%arg0, %mul3A_90, %dma_start3A_109] : memref<2x10240x128xf32, #tpu.memory_space<hbm>> -> memref<1x128x128xf32, #tpu.memory_space<hbm>>
      %dma_start3A_111 = tpu.memref_squeeze %dma_start3A_110 : memref<1x128x128xf32, #tpu.memory_space<hbm>> -> memref<128x128xf32, #tpu.memory_space<hbm>>
      %dma_start3A_112 = arith.constant 0 : i32
      %dma_start3A_113 = tpu.memref_slice %arg6[%arg0, %mul3A_90, %dma_start3A_112] : memref<2x10240x128xf32, #tpu.memory_space<hbm>> -> memref<1x128x128xf32, #tpu.memory_space<hbm>>
      %dma_start3A_114 = tpu.memref_squeeze %dma_start3A_113 : memref<1x128x128xf32, #tpu.memory_space<hbm>> -> memref<128x128xf32, #tpu.memory_space<hbm>>
      tpu.enqueue_dma source(%arg9 : memref<128x128xf32, #tpu.memory_space<vmem>>) target(%dma_start3A_114 : memref<128x128xf32, #tpu.memory_space<hbm>>) target_semaphore(%run_scoped3A : memref<!tpu.dma_semaphore, #tpu.memory_space<semaphore_mem>>)
      %dma_wait3A_115 = arith.constant 0 : i32
      %dma_wait3A_116 = tpu.memref_slice %arg6[%arg0, %mul3A_90, %dma_wait3A_115] : memref<2x10240x128xf32, #tpu.memory_space<hbm>> -> memref<1x128x128xf32, #tpu.memory_space<hbm>>
      %dma_wait3A_117 = tpu.memref_squeeze %dma_wait3A_116 : memref<1x128x128xf32, #tpu.memory_space<hbm>> -> memref<128x128xf32, #tpu.memory_space<hbm>>
      %dma_wait3A_118 = arith.constant 0 : i32
      %dma_wait3A_119 = tpu.memref_slice %arg6[%arg0, %mul3A_90, %dma_wait3A_118] : memref<2x10240x128xf32, #tpu.memory_space<hbm>> -> memref<1x128x128xf32, #tpu.memory_space<hbm>>
      %dma_wait3A_120 = tpu.memref_squeeze %dma_wait3A_119 : memref<1x128x128xf32, #tpu.memory_space<hbm>> -> memref<128x128xf32, #tpu.memory_space<hbm>>
      tpu.wait_dma2 semaphore(%run_scoped3A : memref<!tpu.dma_semaphore, #tpu.memory_space<semaphore_mem>>) src(%arg9 : memref<128x128xf32, #tpu.memory_space<vmem>>) dst(%dma_wait3A_120 : memref<128x128xf32, #tpu.memory_space<hbm>>)
      tpu.yield
    }) : () -> ()
    %mul3A_91 = arith.constant 5 : i32
    %mul3A_92 = arith.muli %arg1, %mul3A_91 : i32
    %add3A_93 = arith.constant 2 : i32
    %add3A_94 = arith.addi %mul3A_92, %add3A_93 : i32
    %mul3A_95 = arith.constant 128 : i32
    %mul3A_96 = arith.muli %add3A_94, %mul3A_95 : i32
    "tpu.region"() ({
      %run_scoped3A = tpu.sem_alloc : memref<!tpu.dma_semaphore, #tpu.memory_space<semaphore_mem>>
      %dma_start3A_109 = arith.constant 0 : i32
      %dma_start3A_110 = tpu.memref_slice %arg11[%mul3A_96, %dma_start3A_109] : memref<10240x128xf32, #tpu.memory_space<vmem_shared>> -> memref<128x128xf32, #tpu.memory_space<vmem_shared>>
      %dma_start3A_111 = arith.constant 0 : i32
      %dma_start3A_112 = tpu.memref_slice %arg11[%mul3A_96, %dma_start3A_111] : memref<10240x128xf32, #tpu.memory_space<vmem_shared>> -> memref<128x128xf32, #tpu.memory_space<vmem_shared>>
      tpu.enqueue_dma source(%dma_start3A_112 : memref<128x128xf32, #tpu.memory_space<vmem_shared>>) target(%arg9 : memref<128x128xf32, #tpu.memory_space<vmem>>) target_semaphore(%run_scoped3A : memref<!tpu.dma_semaphore, #tpu.memory_space<semaphore_mem>>)
      %dma_wait3A_113 = arith.constant 0 : i32
      %dma_wait3A_114 = tpu.memref_slice %arg11[%mul3A_96, %dma_wait3A_113] : memref<10240x128xf32, #tpu.memory_space<vmem_shared>> -> memref<128x128xf32, #tpu.memory_space<vmem_shared>>
      %dma_wait3A_115 = arith.constant 0 : i32
      %dma_wait3A_116 = tpu.memref_slice %arg11[%mul3A_96, %dma_wait3A_115] : memref<10240x128xf32, #tpu.memory_space<vmem_shared>> -> memref<128x128xf32, #tpu.memory_space<vmem_shared>>
      tpu.wait_dma2 semaphore(%run_scoped3A : memref<!tpu.dma_semaphore, #tpu.memory_space<semaphore_mem>>) src(%dma_wait3A_116 : memref<128x128xf32, #tpu.memory_space<vmem_shared>>) dst(%arg9 : memref<128x128xf32, #tpu.memory_space<vmem>>)
      tpu.yield
    }) : () -> ()
    "tpu.region"() ({
      %run_scoped3A = tpu.sem_alloc : memref<!tpu.dma_semaphore, #tpu.memory_space<semaphore_mem>>
      %dma_start3A_109 = arith.constant 0 : i32
      %dma_start3A_110 = tpu.memref_slice %arg6[%arg0, %mul3A_96, %dma_start3A_109] : memref<2x10240x128xf32, #tpu.memory_space<hbm>> -> memref<1x128x128xf32, #tpu.memory_space<hbm>>
      %dma_start3A_111 = tpu.memref_squeeze %dma_start3A_110 : memref<1x128x128xf32, #tpu.memory_space<hbm>> -> memref<128x128xf32, #tpu.memory_space<hbm>>
      %dma_start3A_112 = arith.constant 0 : i32
      %dma_start3A_113 = tpu.memref_slice %arg6[%arg0, %mul3A_96, %dma_start3A_112] : memref<2x10240x128xf32, #tpu.memory_space<hbm>> -> memref<1x128x128xf32, #tpu.memory_space<hbm>>
      %dma_start3A_114 = tpu.memref_squeeze %dma_start3A_113 : memref<1x128x128xf32, #tpu.memory_space<hbm>> -> memref<128x128xf32, #tpu.memory_space<hbm>>
      tpu.enqueue_dma source(%arg9 : memref<128x128xf32, #tpu.memory_space<vmem>>) target(%dma_start3A_114 : memref<128x128xf32, #tpu.memory_space<hbm>>) target_semaphore(%run_scoped3A : memref<!tpu.dma_semaphore, #tpu.memory_space<semaphore_mem>>)
      %dma_wait3A_115 = arith.constant 0 : i32
      %dma_wait3A_116 = tpu.memref_slice %arg6[%arg0, %mul3A_96, %dma_wait3A_115] : memref<2x10240x128xf32, #tpu.memory_space<hbm>> -> memref<1x128x128xf32, #tpu.memory_space<hbm>>
      %dma_wait3A_117 = tpu.memref_squeeze %dma_wait3A_116 : memref<1x128x128xf32, #tpu.memory_space<hbm>> -> memref<128x128xf32, #tpu.memory_space<hbm>>
      %dma_wait3A_118 = arith.constant 0 : i32
      %dma_wait3A_119 = tpu.memref_slice %arg6[%arg0, %mul3A_96, %dma_wait3A_118] : memref<2x10240x128xf32, #tpu.memory_space<hbm>> -> memref<1x128x128xf32, #tpu.memory_space<hbm>>
      %dma_wait3A_120 = tpu.memref_squeeze %dma_wait3A_119 : memref<1x128x128xf32, #tpu.memory_space<hbm>> -> memref<128x128xf32, #tpu.memory_space<hbm>>
      tpu.wait_dma2 semaphore(%run_scoped3A : memref<!tpu.dma_semaphore, #tpu.memory_space<semaphore_mem>>) src(%arg9 : memref<128x128xf32, #tpu.memory_space<vmem>>) dst(%dma_wait3A_120 : memref<128x128xf32, #tpu.memory_space<hbm>>)
      tpu.yield
    }) : () -> ()
    %mul3A_97 = arith.constant 5 : i32
    %mul3A_98 = arith.muli %arg1, %mul3A_97 : i32
    %add3A_99 = arith.constant 3 : i32
    %add3A_100 = arith.addi %mul3A_98, %add3A_99 : i32
    %mul3A_101 = arith.constant 128 : i32
    %mul3A_102 = arith.muli %add3A_100, %mul3A_101 : i32
    "tpu.region"() ({
      %run_scoped3A = tpu.sem_alloc : memref<!tpu.dma_semaphore, #tpu.memory_space<semaphore_mem>>
      %dma_start3A_109 = arith.constant 0 : i32
      %dma_start3A_110 = tpu.memref_slice %arg11[%mul3A_102, %dma_start3A_109] : memref<10240x128xf32, #tpu.memory_space<vmem_shared>> -> memref<128x128xf32, #tpu.memory_space<vmem_shared>>
      %dma_start3A_111 = arith.constant 0 : i32
      %dma_start3A_112 = tpu.memref_slice %arg11[%mul3A_102, %dma_start3A_111] : memref<10240x128xf32, #tpu.memory_space<vmem_shared>> -> memref<128x128xf32, #tpu.memory_space<vmem_shared>>
      tpu.enqueue_dma source(%dma_start3A_112 : memref<128x128xf32, #tpu.memory_space<vmem_shared>>) target(%arg9 : memref<128x128xf32, #tpu.memory_space<vmem>>) target_semaphore(%run_scoped3A : memref<!tpu.dma_semaphore, #tpu.memory_space<semaphore_mem>>)
      %dma_wait3A_113 = arith.constant 0 : i32
      %dma_wait3A_114 = tpu.memref_slice %arg11[%mul3A_102, %dma_wait3A_113] : memref<10240x128xf32, #tpu.memory_space<vmem_shared>> -> memref<128x128xf32, #tpu.memory_space<vmem_shared>>
      %dma_wait3A_115 = arith.constant 0 : i32
      %dma_wait3A_116 = tpu.memref_slice %arg11[%mul3A_102, %dma_wait3A_115] : memref<10240x128xf32, #tpu.memory_space<vmem_shared>> -> memref<128x128xf32, #tpu.memory_space<vmem_shared>>
      tpu.wait_dma2 semaphore(%run_scoped3A : memref<!tpu.dma_semaphore, #tpu.memory_space<semaphore_mem>>) src(%dma_wait3A_116 : memref<128x128xf32, #tpu.memory_space<vmem_shared>>) dst(%arg9 : memref<128x128xf32, #tpu.memory_space<vmem>>)
      tpu.yield
    }) : () -> ()
    "tpu.region"() ({
      %run_scoped3A = tpu.sem_alloc : memref<!tpu.dma_semaphore, #tpu.memory_space<semaphore_mem>>
      %dma_start3A_109 = arith.constant 0 : i32
      %dma_start3A_110 = tpu.memref_slice %arg6[%arg0, %mul3A_102, %dma_start3A_109] : memref<2x10240x128xf32, #tpu.memory_space<hbm>> -> memref<1x128x128xf32, #tpu.memory_space<hbm>>
      %dma_start3A_111 = tpu.memref_squeeze %dma_start3A_110 : memref<1x128x128xf32, #tpu.memory_space<hbm>> -> memref<128x128xf32, #tpu.memory_space<hbm>>
      %dma_start3A_112 = arith.constant 0 : i32
      %dma_start3A_113 = tpu.memref_slice %arg6[%arg0, %mul3A_102, %dma_start3A_112] : memref<2x10240x128xf32, #tpu.memory_space<hbm>> -> memref<1x128x128xf32, #tpu.memory_space<hbm>>
      %dma_start3A_114 = tpu.memref_squeeze %dma_start3A_113 : memref<1x128x128xf32, #tpu.memory_space<hbm>> -> memref<128x128xf32, #tpu.memory_space<hbm>>
      tpu.enqueue_dma source(%arg9 : memref<128x128xf32, #tpu.memory_space<vmem>>) target(%dma_start3A_114 : memref<128x128xf32, #tpu.memory_space<hbm>>) target_semaphore(%run_scoped3A : memref<!tpu.dma_semaphore, #tpu.memory_space<semaphore_mem>>)
      %dma_wait3A_115 = arith.constant 0 : i32
      %dma_wait3A_116 = tpu.memref_slice %arg6[%arg0, %mul3A_102, %dma_wait3A_115] : memref<2x10240x128xf32, #tpu.memory_space<hbm>> -> memref<1x128x128xf32, #tpu.memory_space<hbm>>
      %dma_wait3A_117 = tpu.memref_squeeze %dma_wait3A_116 : memref<1x128x128xf32, #tpu.memory_space<hbm>> -> memref<128x128xf32, #tpu.memory_space<hbm>>
      %dma_wait3A_118 = arith.constant 0 : i32
      %dma_wait3A_119 = tpu.memref_slice %arg6[%arg0, %mul3A_102, %dma_wait3A_118] : memref<2x10240x128xf32, #tpu.memory_space<hbm>> -> memref<1x128x128xf32, #tpu.memory_space<hbm>>
      %dma_wait3A_120 = tpu.memref_squeeze %dma_wait3A_119 : memref<1x128x128xf32, #tpu.memory_space<hbm>> -> memref<128x128xf32, #tpu.memory_space<hbm>>
      tpu.wait_dma2 semaphore(%run_scoped3A : memref<!tpu.dma_semaphore, #tpu.memory_space<semaphore_mem>>) src(%arg9 : memref<128x128xf32, #tpu.memory_space<vmem>>) dst(%dma_wait3A_120 : memref<128x128xf32, #tpu.memory_space<hbm>>)
      tpu.yield
    }) : () -> ()
    %mul3A_103 = arith.constant 5 : i32
    %mul3A_104 = arith.muli %arg1, %mul3A_103 : i32
    %add3A_105 = arith.constant 4 : i32
    %add3A_106 = arith.addi %mul3A_104, %add3A_105 : i32
    %mul3A_107 = arith.constant 128 : i32
    %mul3A_108 = arith.muli %add3A_106, %mul3A_107 : i32
    "tpu.region"() ({
      %run_scoped3A = tpu.sem_alloc : memref<!tpu.dma_semaphore, #tpu.memory_space<semaphore_mem>>
      %dma_start3A_109 = arith.constant 0 : i32
      %dma_start3A_110 = tpu.memref_slice %arg11[%mul3A_108, %dma_start3A_109] : memref<10240x128xf32, #tpu.memory_space<vmem_shared>> -> memref<128x128xf32, #tpu.memory_space<vmem_shared>>
      %dma_start3A_111 = arith.constant 0 : i32
      %dma_start3A_112 = tpu.memref_slice %arg11[%mul3A_108, %dma_start3A_111] : memref<10240x128xf32, #tpu.memory_space<vmem_shared>> -> memref<128x128xf32, #tpu.memory_space<vmem_shared>>
      tpu.enqueue_dma source(%dma_start3A_112 : memref<128x128xf32, #tpu.memory_space<vmem_shared>>) target(%arg9 : memref<128x128xf32, #tpu.memory_space<vmem>>) target_semaphore(%run_scoped3A : memref<!tpu.dma_semaphore, #tpu.memory_space<semaphore_mem>>)
      %dma_wait3A_113 = arith.constant 0 : i32
      %dma_wait3A_114 = tpu.memref_slice %arg11[%mul3A_108, %dma_wait3A_113] : memref<10240x128xf32, #tpu.memory_space<vmem_shared>> -> memref<128x128xf32, #tpu.memory_space<vmem_shared>>
      %dma_wait3A_115 = arith.constant 0 : i32
      %dma_wait3A_116 = tpu.memref_slice %arg11[%mul3A_108, %dma_wait3A_115] : memref<10240x128xf32, #tpu.memory_space<vmem_shared>> -> memref<128x128xf32, #tpu.memory_space<vmem_shared>>
      tpu.wait_dma2 semaphore(%run_scoped3A : memref<!tpu.dma_semaphore, #tpu.memory_space<semaphore_mem>>) src(%dma_wait3A_116 : memref<128x128xf32, #tpu.memory_space<vmem_shared>>) dst(%arg9 : memref<128x128xf32, #tpu.memory_space<vmem>>)
      tpu.yield
    }) : () -> ()
    "tpu.region"() ({
      %run_scoped3A = tpu.sem_alloc : memref<!tpu.dma_semaphore, #tpu.memory_space<semaphore_mem>>
      %dma_start3A_109 = arith.constant 0 : i32
      %dma_start3A_110 = tpu.memref_slice %arg6[%arg0, %mul3A_108, %dma_start3A_109] : memref<2x10240x128xf32, #tpu.memory_space<hbm>> -> memref<1x128x128xf32, #tpu.memory_space<hbm>>
      %dma_start3A_111 = tpu.memref_squeeze %dma_start3A_110 : memref<1x128x128xf32, #tpu.memory_space<hbm>> -> memref<128x128xf32, #tpu.memory_space<hbm>>
      %dma_start3A_112 = arith.constant 0 : i32
      %dma_start3A_113 = tpu.memref_slice %arg6[%arg0, %mul3A_108, %dma_start3A_112] : memref<2x10240x128xf32, #tpu.memory_space<hbm>> -> memref<1x128x128xf32, #tpu.memory_space<hbm>>
      %dma_start3A_114 = tpu.memref_squeeze %dma_start3A_113 : memref<1x128x128xf32, #tpu.memory_space<hbm>> -> memref<128x128xf32, #tpu.memory_space<hbm>>
      tpu.enqueue_dma source(%arg9 : memref<128x128xf32, #tpu.memory_space<vmem>>) target(%dma_start3A_114 : memref<128x128xf32, #tpu.memory_space<hbm>>) target_semaphore(%run_scoped3A : memref<!tpu.dma_semaphore, #tpu.memory_space<semaphore_mem>>)
      %dma_wait3A_115 = arith.constant 0 : i32
      %dma_wait3A_116 = tpu.memref_slice %arg6[%arg0, %mul3A_108, %dma_wait3A_115] : memref<2x10240x128xf32, #tpu.memory_space<hbm>> -> memref<1x128x128xf32, #tpu.memory_space<hbm>>
      %dma_wait3A_117 = tpu.memref_squeeze %dma_wait3A_116 : memref<1x128x128xf32, #tpu.memory_space<hbm>> -> memref<128x128xf32, #tpu.memory_space<hbm>>
      %dma_wait3A_118 = arith.constant 0 : i32
      %dma_wait3A_119 = tpu.memref_slice %arg6[%arg0, %mul3A_108, %dma_wait3A_118] : memref<2x10240x128xf32, #tpu.memory_space<hbm>> -> memref<1x128x128xf32, #tpu.memory_space<hbm>>
      %dma_wait3A_120 = tpu.memref_squeeze %dma_wait3A_119 : memref<1x128x128xf32, #tpu.memory_space<hbm>> -> memref<128x128xf32, #tpu.memory_space<hbm>>
      tpu.wait_dma2 semaphore(%run_scoped3A : memref<!tpu.dma_semaphore, #tpu.memory_space<semaphore_mem>>) src(%arg9 : memref<128x128xf32, #tpu.memory_space<vmem>>) dst(%dma_wait3A_120 : memref<128x128xf32, #tpu.memory_space<hbm>>)
      tpu.yield
    }) : () -> ()
    return
  }
}

#map = affine_map<(d0, d1) -> (0, 0)>
#map1 = affine_map<(d0, d1) -> (0, 0, 0)>
module attributes {stable_mosaic.version = 14 : i64} {
  func.func @kern(%arg0: i32, %arg1: i32, %arg2: memref<128x128xf32, #tpu.memory_space<hbm>>, %arg3: memref<2560x128xi32, #tpu.memory_space<hbm>>, %arg4: memref<128x128xf32, #tpu.memory_space<hbm>>, %arg5: memref<2x10240x128xf32, #tpu.memory_space<hbm>>, %arg6: memref<40x128xi32, #tpu.memory_space<vmem>>, %arg7: memref<128x128xf32, #tpu.memory_space<vmem>>, %arg8: memref<10240x128xf32, #tpu.memory_space<vmem_shared>>, %arg9: memref<!tpu.dma_semaphore, #tpu.memory_space<semaphore_mem>>) attributes {dimension_semantics = [#tpu.dimension_semantics<core_parallel>, #tpu.dimension_semantics<subcore_parallel>], iteration_bounds = array<i64: 2, 16>, scalar_prefetch = 0 : i64, scratch_operands = 4 : i64, tpu.core_type = #tpu.core_type<sc_vector_subcore>, window_params = [{transform_indices = #map}, {transform_indices = #map}, {transform_indices = #map}, {transform_indices = #map1}]} {
    %mul3A = arith.constant 16 : i32
    %mul3A_0 = arith.muli %arg0, %mul3A : i32
    %add3A = arith.addi %mul3A_0, %arg1 : i32
    %mul3A_1 = arith.constant 2 : i32
    %mul3A_2 = arith.muli %add3A, %mul3A_1 : i32
    %mul3A_3 = arith.constant 40 : i32
    %mul3A_4 = arith.muli %mul3A_2, %mul3A_3 : i32
    "tpu.region"() ({
      %run_scoped3A = tpu.sem_alloc : memref<!tpu.dma_semaphore, #tpu.memory_space<semaphore_mem>>
      tpu.enqueue_dma source(%arg4 : memref<128x128xf32, #tpu.memory_space<hbm>>) target(%arg7 : memref<128x128xf32, #tpu.memory_space<vmem>>) target_semaphore(%run_scoped3A : memref<!tpu.dma_semaphore, #tpu.memory_space<semaphore_mem>>)
      tpu.wait_dma2 semaphore(%run_scoped3A : memref<!tpu.dma_semaphore, #tpu.memory_space<semaphore_mem>>) src(%arg4 : memref<128x128xf32, #tpu.memory_space<hbm>>) dst(%arg7 : memref<128x128xf32, #tpu.memory_space<vmem>>)
      tpu.yield
    }) : () -> ()
    %mul3A_5 = arith.constant 5 : i32
    %mul3A_6 = arith.muli %arg1, %mul3A_5 : i32
    %add3A_7 = arith.constant 0 : i32
    %add3A_8 = arith.addi %mul3A_6, %add3A_7 : i32
    %mul3A_9 = arith.constant 128 : i32
    %mul3A_10 = arith.muli %add3A_8, %mul3A_9 : i32
    "tpu.region"() ({
      %run_scoped3A = tpu.sem_alloc : memref<!tpu.dma_semaphore, #tpu.memory_space<semaphore_mem>>
      %dma_start3A = arith.constant 0 : i32
      %dma_start3A_79 = tpu.memref_slice %arg8[%mul3A_10, %dma_start3A] : memref<10240x128xf32, #tpu.memory_space<vmem_shared>> -> memref<128x128xf32, #tpu.memory_space<vmem_shared>>
      %dma_start3A_80 = arith.constant 0 : i32
      %dma_start3A_81 = tpu.memref_slice %arg8[%mul3A_10, %dma_start3A_80] : memref<10240x128xf32, #tpu.memory_space<vmem_shared>> -> memref<128x128xf32, #tpu.memory_space<vmem_shared>>
      tpu.enqueue_dma source(%arg7 : memref<128x128xf32, #tpu.memory_space<vmem>>) target(%dma_start3A_81 : memref<128x128xf32, #tpu.memory_space<vmem_shared>>) target_semaphore(%run_scoped3A : memref<!tpu.dma_semaphore, #tpu.memory_space<semaphore_mem>>)
      %dma_wait3A = arith.constant 0 : i32
      %dma_wait3A_82 = tpu.memref_slice %arg8[%mul3A_10, %dma_wait3A] : memref<10240x128xf32, #tpu.memory_space<vmem_shared>> -> memref<128x128xf32, #tpu.memory_space<vmem_shared>>
      %dma_wait3A_83 = arith.constant 0 : i32
      %dma_wait3A_84 = tpu.memref_slice %arg8[%mul3A_10, %dma_wait3A_83] : memref<10240x128xf32, #tpu.memory_space<vmem_shared>> -> memref<128x128xf32, #tpu.memory_space<vmem_shared>>
      tpu.wait_dma2 semaphore(%run_scoped3A : memref<!tpu.dma_semaphore, #tpu.memory_space<semaphore_mem>>) src(%arg7 : memref<128x128xf32, #tpu.memory_space<vmem>>) dst(%dma_wait3A_84 : memref<128x128xf32, #tpu.memory_space<vmem_shared>>)
      tpu.yield
    }) : () -> ()
    %mul3A_11 = arith.constant 5 : i32
    %mul3A_12 = arith.muli %arg1, %mul3A_11 : i32
    %add3A_13 = arith.constant 1 : i32
    %add3A_14 = arith.addi %mul3A_12, %add3A_13 : i32
    %mul3A_15 = arith.constant 128 : i32
    %mul3A_16 = arith.muli %add3A_14, %mul3A_15 : i32
    "tpu.region"() ({
      %run_scoped3A = tpu.sem_alloc : memref<!tpu.dma_semaphore, #tpu.memory_space<semaphore_mem>>
      %dma_start3A = arith.constant 0 : i32
      %dma_start3A_79 = tpu.memref_slice %arg8[%mul3A_16, %dma_start3A] : memref<10240x128xf32, #tpu.memory_space<vmem_shared>> -> memref<128x128xf32, #tpu.memory_space<vmem_shared>>
      %dma_start3A_80 = arith.constant 0 : i32
      %dma_start3A_81 = tpu.memref_slice %arg8[%mul3A_16, %dma_start3A_80] : memref<10240x128xf32, #tpu.memory_space<vmem_shared>> -> memref<128x128xf32, #tpu.memory_space<vmem_shared>>
      tpu.enqueue_dma source(%arg7 : memref<128x128xf32, #tpu.memory_space<vmem>>) target(%dma_start3A_81 : memref<128x128xf32, #tpu.memory_space<vmem_shared>>) target_semaphore(%run_scoped3A : memref<!tpu.dma_semaphore, #tpu.memory_space<semaphore_mem>>)
      %dma_wait3A = arith.constant 0 : i32
      %dma_wait3A_82 = tpu.memref_slice %arg8[%mul3A_16, %dma_wait3A] : memref<10240x128xf32, #tpu.memory_space<vmem_shared>> -> memref<128x128xf32, #tpu.memory_space<vmem_shared>>
      %dma_wait3A_83 = arith.constant 0 : i32
      %dma_wait3A_84 = tpu.memref_slice %arg8[%mul3A_16, %dma_wait3A_83] : memref<10240x128xf32, #tpu.memory_space<vmem_shared>> -> memref<128x128xf32, #tpu.memory_space<vmem_shared>>
      tpu.wait_dma2 semaphore(%run_scoped3A : memref<!tpu.dma_semaphore, #tpu.memory_space<semaphore_mem>>) src(%arg7 : memref<128x128xf32, #tpu.memory_space<vmem>>) dst(%dma_wait3A_84 : memref<128x128xf32, #tpu.memory_space<vmem_shared>>)
      tpu.yield
    }) : () -> ()
    %mul3A_17 = arith.constant 5 : i32
    %mul3A_18 = arith.muli %arg1, %mul3A_17 : i32
    %add3A_19 = arith.constant 2 : i32
    %add3A_20 = arith.addi %mul3A_18, %add3A_19 : i32
    %mul3A_21 = arith.constant 128 : i32
    %mul3A_22 = arith.muli %add3A_20, %mul3A_21 : i32
    "tpu.region"() ({
      %run_scoped3A = tpu.sem_alloc : memref<!tpu.dma_semaphore, #tpu.memory_space<semaphore_mem>>
      %dma_start3A = arith.constant 0 : i32
      %dma_start3A_79 = tpu.memref_slice %arg8[%mul3A_22, %dma_start3A] : memref<10240x128xf32, #tpu.memory_space<vmem_shared>> -> memref<128x128xf32, #tpu.memory_space<vmem_shared>>
      %dma_start3A_80 = arith.constant 0 : i32
      %dma_start3A_81 = tpu.memref_slice %arg8[%mul3A_22, %dma_start3A_80] : memref<10240x128xf32, #tpu.memory_space<vmem_shared>> -> memref<128x128xf32, #tpu.memory_space<vmem_shared>>
      tpu.enqueue_dma source(%arg7 : memref<128x128xf32, #tpu.memory_space<vmem>>) target(%dma_start3A_81 : memref<128x128xf32, #tpu.memory_space<vmem_shared>>) target_semaphore(%run_scoped3A : memref<!tpu.dma_semaphore, #tpu.memory_space<semaphore_mem>>)
      %dma_wait3A = arith.constant 0 : i32
      %dma_wait3A_82 = tpu.memref_slice %arg8[%mul3A_22, %dma_wait3A] : memref<10240x128xf32, #tpu.memory_space<vmem_shared>> -> memref<128x128xf32, #tpu.memory_space<vmem_shared>>
      %dma_wait3A_83 = arith.constant 0 : i32
      %dma_wait3A_84 = tpu.memref_slice %arg8[%mul3A_22, %dma_wait3A_83] : memref<10240x128xf32, #tpu.memory_space<vmem_shared>> -> memref<128x128xf32, #tpu.memory_space<vmem_shared>>
      tpu.wait_dma2 semaphore(%run_scoped3A : memref<!tpu.dma_semaphore, #tpu.memory_space<semaphore_mem>>) src(%arg7 : memref<128x128xf32, #tpu.memory_space<vmem>>) dst(%dma_wait3A_84 : memref<128x128xf32, #tpu.memory_space<vmem_shared>>)
      tpu.yield
    }) : () -> ()
    %mul3A_23 = arith.constant 5 : i32
    %mul3A_24 = arith.muli %arg1, %mul3A_23 : i32
    %add3A_25 = arith.constant 3 : i32
    %add3A_26 = arith.addi %mul3A_24, %add3A_25 : i32
    %mul3A_27 = arith.constant 128 : i32
    %mul3A_28 = arith.muli %add3A_26, %mul3A_27 : i32
    "tpu.region"() ({
      %run_scoped3A = tpu.sem_alloc : memref<!tpu.dma_semaphore, #tpu.memory_space<semaphore_mem>>
      %dma_start3A = arith.constant 0 : i32
      %dma_start3A_79 = tpu.memref_slice %arg8[%mul3A_28, %dma_start3A] : memref<10240x128xf32, #tpu.memory_space<vmem_shared>> -> memref<128x128xf32, #tpu.memory_space<vmem_shared>>
      %dma_start3A_80 = arith.constant 0 : i32
      %dma_start3A_81 = tpu.memref_slice %arg8[%mul3A_28, %dma_start3A_80] : memref<10240x128xf32, #tpu.memory_space<vmem_shared>> -> memref<128x128xf32, #tpu.memory_space<vmem_shared>>
      tpu.enqueue_dma source(%arg7 : memref<128x128xf32, #tpu.memory_space<vmem>>) target(%dma_start3A_81 : memref<128x128xf32, #tpu.memory_space<vmem_shared>>) target_semaphore(%run_scoped3A : memref<!tpu.dma_semaphore, #tpu.memory_space<semaphore_mem>>)
      %dma_wait3A = arith.constant 0 : i32
      %dma_wait3A_82 = tpu.memref_slice %arg8[%mul3A_28, %dma_wait3A] : memref<10240x128xf32, #tpu.memory_space<vmem_shared>> -> memref<128x128xf32, #tpu.memory_space<vmem_shared>>
      %dma_wait3A_83 = arith.constant 0 : i32
      %dma_wait3A_84 = tpu.memref_slice %arg8[%mul3A_28, %dma_wait3A_83] : memref<10240x128xf32, #tpu.memory_space<vmem_shared>> -> memref<128x128xf32, #tpu.memory_space<vmem_shared>>
      tpu.wait_dma2 semaphore(%run_scoped3A : memref<!tpu.dma_semaphore, #tpu.memory_space<semaphore_mem>>) src(%arg7 : memref<128x128xf32, #tpu.memory_space<vmem>>) dst(%dma_wait3A_84 : memref<128x128xf32, #tpu.memory_space<vmem_shared>>)
      tpu.yield
    }) : () -> ()
    %mul3A_29 = arith.constant 5 : i32
    %mul3A_30 = arith.muli %arg1, %mul3A_29 : i32
    %add3A_31 = arith.constant 4 : i32
    %add3A_32 = arith.addi %mul3A_30, %add3A_31 : i32
    %mul3A_33 = arith.constant 128 : i32
    %mul3A_34 = arith.muli %add3A_32, %mul3A_33 : i32
    "tpu.region"() ({
      %run_scoped3A = tpu.sem_alloc : memref<!tpu.dma_semaphore, #tpu.memory_space<semaphore_mem>>
      %dma_start3A = arith.constant 0 : i32
      %dma_start3A_79 = tpu.memref_slice %arg8[%mul3A_34, %dma_start3A] : memref<10240x128xf32, #tpu.memory_space<vmem_shared>> -> memref<128x128xf32, #tpu.memory_space<vmem_shared>>
      %dma_start3A_80 = arith.constant 0 : i32
      %dma_start3A_81 = tpu.memref_slice %arg8[%mul3A_34, %dma_start3A_80] : memref<10240x128xf32, #tpu.memory_space<vmem_shared>> -> memref<128x128xf32, #tpu.memory_space<vmem_shared>>
      tpu.enqueue_dma source(%arg7 : memref<128x128xf32, #tpu.memory_space<vmem>>) target(%dma_start3A_81 : memref<128x128xf32, #tpu.memory_space<vmem_shared>>) target_semaphore(%run_scoped3A : memref<!tpu.dma_semaphore, #tpu.memory_space<semaphore_mem>>)
      %dma_wait3A = arith.constant 0 : i32
      %dma_wait3A_82 = tpu.memref_slice %arg8[%mul3A_34, %dma_wait3A] : memref<10240x128xf32, #tpu.memory_space<vmem_shared>> -> memref<128x128xf32, #tpu.memory_space<vmem_shared>>
      %dma_wait3A_83 = arith.constant 0 : i32
      %dma_wait3A_84 = tpu.memref_slice %arg8[%mul3A_34, %dma_wait3A_83] : memref<10240x128xf32, #tpu.memory_space<vmem_shared>> -> memref<128x128xf32, #tpu.memory_space<vmem_shared>>
      tpu.wait_dma2 semaphore(%run_scoped3A : memref<!tpu.dma_semaphore, #tpu.memory_space<semaphore_mem>>) src(%arg7 : memref<128x128xf32, #tpu.memory_space<vmem>>) dst(%dma_wait3A_84 : memref<128x128xf32, #tpu.memory_space<vmem_shared>>)
      tpu.yield
    }) : () -> ()
    %barrier3A = arith.constant 0 : index
    tpu.barrier barrier_id(%barrier3A)
    "tpu.region"() ({
      %run_scoped3A = tpu.sem_alloc : memref<!tpu.dma_semaphore, #tpu.memory_space<semaphore_mem>>
      tpu.enqueue_dma source(%arg2 : memref<128x128xf32, #tpu.memory_space<hbm>>) target(%arg7 : memref<128x128xf32, #tpu.memory_space<vmem>>) target_semaphore(%run_scoped3A : memref<!tpu.dma_semaphore, #tpu.memory_space<semaphore_mem>>)
      tpu.wait_dma2 semaphore(%run_scoped3A : memref<!tpu.dma_semaphore, #tpu.memory_space<semaphore_mem>>) src(%arg2 : memref<128x128xf32, #tpu.memory_space<hbm>>) dst(%arg7 : memref<128x128xf32, #tpu.memory_space<vmem>>)
      tpu.yield
    }) : () -> ()
    %add3A_35 = arith.constant 0 : i32
    %add3A_36 = arith.addi %mul3A_4, %add3A_35 : i32
    "tpu.region"() ({
      %run_scoped3A = tpu.sem_alloc : memref<!tpu.dma_semaphore, #tpu.memory_space<semaphore_mem>>
      %dma_start3A = arith.constant 0 : i32
      %dma_start3A_79 = tpu.memref_slice %arg3[%add3A_36, %dma_start3A] : memref<2560x128xi32, #tpu.memory_space<hbm>> -> memref<40x128xi32, #tpu.memory_space<hbm>>
      %dma_start3A_80 = arith.constant 0 : i32
      %dma_start3A_81 = tpu.memref_slice %arg3[%add3A_36, %dma_start3A_80] : memref<2560x128xi32, #tpu.memory_space<hbm>> -> memref<40x128xi32, #tpu.memory_space<hbm>>
      tpu.enqueue_dma source(%dma_start3A_81 : memref<40x128xi32, #tpu.memory_space<hbm>>) target(%arg6 : memref<40x128xi32, #tpu.memory_space<vmem>>) target_semaphore(%run_scoped3A : memref<!tpu.dma_semaphore, #tpu.memory_space<semaphore_mem>>)
      %dma_wait3A = arith.constant 0 : i32
      %dma_wait3A_82 = tpu.memref_slice %arg3[%add3A_36, %dma_wait3A] : memref<2560x128xi32, #tpu.memory_space<hbm>> -> memref<40x128xi32, #tpu.memory_space<hbm>>
      %dma_wait3A_83 = arith.constant 0 : i32
      %dma_wait3A_84 = tpu.memref_slice %arg3[%add3A_36, %dma_wait3A_83] : memref<2560x128xi32, #tpu.memory_space<hbm>> -> memref<40x128xi32, #tpu.memory_space<hbm>>
      tpu.wait_dma2 semaphore(%run_scoped3A : memref<!tpu.dma_semaphore, #tpu.memory_space<semaphore_mem>>) src(%dma_wait3A_84 : memref<40x128xi32, #tpu.memory_space<hbm>>) dst(%arg6 : memref<40x128xi32, #tpu.memory_space<vmem>>)
      tpu.yield
    }) : () -> ()
    %scan3A = arith.constant 0 : i32
    %scan3A_37 = arith.constant 40 : i32
    %scan3A_38 = arith.addi %scan3A, %scan3A_37 : i32
    %scan3A_39 = arith.constant 1 : i32
    scf.for %scan3A_79 = %scan3A to %scan3A_38 step %scan3A_39  : i32 {
      %mul3A_80 = arith.constant 1 : i32
      %mul3A_81 = arith.muli %scan3A_79, %mul3A_80 : i32
      %add3A_82 = arith.constant 0 : i32
      %add3A_83 = arith.addi %add3A_82, %mul3A_81 : i32
      "tpu.region"() ({
        %run_scoped3A = tpu.sem_alloc : memref<!tpu.dma_semaphore, #tpu.memory_space<semaphore_mem>>
        %dma_start3A = arith.constant 0 : i32
        %dma_start3A_84 = tpu.memref_slice %arg6[%add3A_83, %dma_start3A] : memref<40x128xi32, #tpu.memory_space<vmem>> -> memref<1x128xi32, #tpu.memory_space<vmem>>
        %dma_start3A_85 = tpu.memref_squeeze %dma_start3A_84 : memref<1x128xi32, #tpu.memory_space<vmem>> -> memref<128xi32, #tpu.memory_space<vmem>>
        %dma_start3A_86 = arith.constant 0 : i32
        %dma_start3A_87 = arith.constant 0 : i32
        %dma_start3A_88 = tpu.memref_slice %arg8[%dma_start3A_86, %dma_start3A_87] : memref<10240x128xf32, #tpu.memory_space<vmem_shared>> -> memref<10240x128xf32, #tpu.memory_space<vmem_shared>>
        tpu.enqueue_indirect_dma source(%arg7 : memref<128x128xf32, #tpu.memory_space<vmem>>) target(%dma_start3A_88 : memref<10240x128xf32, #tpu.memory_space<vmem_shared>>) offsets(%dma_start3A_85 : memref<128xi32, #tpu.memory_space<vmem>>) semaphore(%run_scoped3A : memref<!tpu.dma_semaphore, #tpu.memory_space<semaphore_mem>>) {add = true}
        %dma_wait3A = arith.constant 0 : i32
        %dma_wait3A_89 = tpu.memref_slice %arg6[%add3A_83, %dma_wait3A] : memref<40x128xi32, #tpu.memory_space<vmem>> -> memref<1x128xi32, #tpu.memory_space<vmem>>
        %dma_wait3A_90 = tpu.memref_squeeze %dma_wait3A_89 : memref<1x128xi32, #tpu.memory_space<vmem>> -> memref<128xi32, #tpu.memory_space<vmem>>
        %dma_wait3A_91 = arith.constant 0 : i32
        %dma_wait3A_92 = arith.constant 0 : i32
        %dma_wait3A_93 = tpu.memref_slice %arg8[%dma_wait3A_91, %dma_wait3A_92] : memref<10240x128xf32, #tpu.memory_space<vmem_shared>> -> memref<10240x128xf32, #tpu.memory_space<vmem_shared>>
        tpu.wait_indirect_dma semaphore(%run_scoped3A : memref<!tpu.dma_semaphore, #tpu.memory_space<semaphore_mem>>) src(%arg7 : memref<128x128xf32, #tpu.memory_space<vmem>>) dst(%dma_wait3A_93 : memref<10240x128xf32, #tpu.memory_space<vmem_shared>>)
        tpu.yield
      }) : () -> ()
    }
    %scan3A_40 = arith.constant 40 : i32
    %add3A_41 = arith.constant 40 : i32
    %add3A_42 = arith.addi %mul3A_4, %add3A_41 : i32
    "tpu.region"() ({
      %run_scoped3A = tpu.sem_alloc : memref<!tpu.dma_semaphore, #tpu.memory_space<semaphore_mem>>
      %dma_start3A = arith.constant 0 : i32
      %dma_start3A_79 = tpu.memref_slice %arg3[%add3A_42, %dma_start3A] : memref<2560x128xi32, #tpu.memory_space<hbm>> -> memref<40x128xi32, #tpu.memory_space<hbm>>
      %dma_start3A_80 = arith.constant 0 : i32
      %dma_start3A_81 = tpu.memref_slice %arg3[%add3A_42, %dma_start3A_80] : memref<2560x128xi32, #tpu.memory_space<hbm>> -> memref<40x128xi32, #tpu.memory_space<hbm>>
      tpu.enqueue_dma source(%dma_start3A_81 : memref<40x128xi32, #tpu.memory_space<hbm>>) target(%arg6 : memref<40x128xi32, #tpu.memory_space<vmem>>) target_semaphore(%run_scoped3A : memref<!tpu.dma_semaphore, #tpu.memory_space<semaphore_mem>>)
      %dma_wait3A = arith.constant 0 : i32
      %dma_wait3A_82 = tpu.memref_slice %arg3[%add3A_42, %dma_wait3A] : memref<2560x128xi32, #tpu.memory_space<hbm>> -> memref<40x128xi32, #tpu.memory_space<hbm>>
      %dma_wait3A_83 = arith.constant 0 : i32
      %dma_wait3A_84 = tpu.memref_slice %arg3[%add3A_42, %dma_wait3A_83] : memref<2560x128xi32, #tpu.memory_space<hbm>> -> memref<40x128xi32, #tpu.memory_space<hbm>>
      tpu.wait_dma2 semaphore(%run_scoped3A : memref<!tpu.dma_semaphore, #tpu.memory_space<semaphore_mem>>) src(%dma_wait3A_84 : memref<40x128xi32, #tpu.memory_space<hbm>>) dst(%arg6 : memref<40x128xi32, #tpu.memory_space<vmem>>)
      tpu.yield
    }) : () -> ()
    %scan3A_43 = arith.constant 0 : i32
    %scan3A_44 = arith.constant 40 : i32
    %scan3A_45 = arith.addi %scan3A_43, %scan3A_44 : i32
    %scan3A_46 = arith.constant 1 : i32
    scf.for %scan3A_79 = %scan3A_43 to %scan3A_45 step %scan3A_46  : i32 {
      %mul3A_80 = arith.constant 1 : i32
      %mul3A_81 = arith.muli %scan3A_79, %mul3A_80 : i32
      %add3A_82 = arith.constant 0 : i32
      %add3A_83 = arith.addi %add3A_82, %mul3A_81 : i32
      "tpu.region"() ({
        %run_scoped3A = tpu.sem_alloc : memref<!tpu.dma_semaphore, #tpu.memory_space<semaphore_mem>>
        %dma_start3A = arith.constant 0 : i32
        %dma_start3A_84 = tpu.memref_slice %arg6[%add3A_83, %dma_start3A] : memref<40x128xi32, #tpu.memory_space<vmem>> -> memref<1x128xi32, #tpu.memory_space<vmem>>
        %dma_start3A_85 = tpu.memref_squeeze %dma_start3A_84 : memref<1x128xi32, #tpu.memory_space<vmem>> -> memref<128xi32, #tpu.memory_space<vmem>>
        %dma_start3A_86 = arith.constant 0 : i32
        %dma_start3A_87 = arith.constant 0 : i32
        %dma_start3A_88 = tpu.memref_slice %arg8[%dma_start3A_86, %dma_start3A_87] : memref<10240x128xf32, #tpu.memory_space<vmem_shared>> -> memref<10240x128xf32, #tpu.memory_space<vmem_shared>>
        tpu.enqueue_indirect_dma source(%arg7 : memref<128x128xf32, #tpu.memory_space<vmem>>) target(%dma_start3A_88 : memref<10240x128xf32, #tpu.memory_space<vmem_shared>>) offsets(%dma_start3A_85 : memref<128xi32, #tpu.memory_space<vmem>>) semaphore(%run_scoped3A : memref<!tpu.dma_semaphore, #tpu.memory_space<semaphore_mem>>) {add = true}
        %dma_wait3A = arith.constant 0 : i32
        %dma_wait3A_89 = tpu.memref_slice %arg6[%add3A_83, %dma_wait3A] : memref<40x128xi32, #tpu.memory_space<vmem>> -> memref<1x128xi32, #tpu.memory_space<vmem>>
        %dma_wait3A_90 = tpu.memref_squeeze %dma_wait3A_89 : memref<1x128xi32, #tpu.memory_space<vmem>> -> memref<128xi32, #tpu.memory_space<vmem>>
        %dma_wait3A_91 = arith.constant 0 : i32
        %dma_wait3A_92 = arith.constant 0 : i32
        %dma_wait3A_93 = tpu.memref_slice %arg8[%dma_wait3A_91, %dma_wait3A_92] : memref<10240x128xf32, #tpu.memory_space<vmem_shared>> -> memref<10240x128xf32, #tpu.memory_space<vmem_shared>>
        tpu.wait_indirect_dma semaphore(%run_scoped3A : memref<!tpu.dma_semaphore, #tpu.memory_space<semaphore_mem>>) src(%arg7 : memref<128x128xf32, #tpu.memory_space<vmem>>) dst(%dma_wait3A_93 : memref<10240x128xf32, #tpu.memory_space<vmem_shared>>)
        tpu.yield
      }) : () -> ()
    }
    %scan3A_47 = arith.constant 40 : i32
    %barrier3A_48 = arith.constant 0 : index
    tpu.barrier barrier_id(%barrier3A_48)
    %mul3A_49 = arith.constant 5 : i32
    %mul3A_50 = arith.muli %arg1, %mul3A_49 : i32
    %add3A_51 = arith.constant 0 : i32
    %add3A_52 = arith.addi %mul3A_50, %add3A_51 : i32
    %mul3A_53 = arith.constant 128 : i32
    %mul3A_54 = arith.muli %add3A_52, %mul3A_53 : i32
    "tpu.region"() ({
      %run_scoped3A = tpu.sem_alloc : memref<!tpu.dma_semaphore, #tpu.memory_space<semaphore_mem>>
      %dma_start3A = arith.constant 0 : i32
      %dma_start3A_79 = tpu.memref_slice %arg8[%mul3A_54, %dma_start3A] : memref<10240x128xf32, #tpu.memory_space<vmem_shared>> -> memref<128x128xf32, #tpu.memory_space<vmem_shared>>
      %dma_start3A_80 = arith.constant 0 : i32
      %dma_start3A_81 = tpu.memref_slice %arg8[%mul3A_54, %dma_start3A_80] : memref<10240x128xf32, #tpu.memory_space<vmem_shared>> -> memref<128x128xf32, #tpu.memory_space<vmem_shared>>
      tpu.enqueue_dma source(%dma_start3A_81 : memref<128x128xf32, #tpu.memory_space<vmem_shared>>) target(%arg7 : memref<128x128xf32, #tpu.memory_space<vmem>>) target_semaphore(%run_scoped3A : memref<!tpu.dma_semaphore, #tpu.memory_space<semaphore_mem>>)
      %dma_wait3A = arith.constant 0 : i32
      %dma_wait3A_82 = tpu.memref_slice %arg8[%mul3A_54, %dma_wait3A] : memref<10240x128xf32, #tpu.memory_space<vmem_shared>> -> memref<128x128xf32, #tpu.memory_space<vmem_shared>>
      %dma_wait3A_83 = arith.constant 0 : i32
      %dma_wait3A_84 = tpu.memref_slice %arg8[%mul3A_54, %dma_wait3A_83] : memref<10240x128xf32, #tpu.memory_space<vmem_shared>> -> memref<128x128xf32, #tpu.memory_space<vmem_shared>>
      tpu.wait_dma2 semaphore(%run_scoped3A : memref<!tpu.dma_semaphore, #tpu.memory_space<semaphore_mem>>) src(%dma_wait3A_84 : memref<128x128xf32, #tpu.memory_space<vmem_shared>>) dst(%arg7 : memref<128x128xf32, #tpu.memory_space<vmem>>)
      tpu.yield
    }) : () -> ()
    "tpu.region"() ({
      %run_scoped3A = tpu.sem_alloc : memref<!tpu.dma_semaphore, #tpu.memory_space<semaphore_mem>>
      %dma_start3A = arith.constant 0 : i32
      %dma_start3A_79 = tpu.memref_slice %arg5[%arg0, %mul3A_54, %dma_start3A] : memref<2x10240x128xf32, #tpu.memory_space<hbm>> -> memref<1x128x128xf32, #tpu.memory_space<hbm>>
      %dma_start3A_80 = tpu.memref_squeeze %dma_start3A_79 : memref<1x128x128xf32, #tpu.memory_space<hbm>> -> memref<128x128xf32, #tpu.memory_space<hbm>>
      %dma_start3A_81 = arith.constant 0 : i32
      %dma_start3A_82 = tpu.memref_slice %arg5[%arg0, %mul3A_54, %dma_start3A_81] : memref<2x10240x128xf32, #tpu.memory_space<hbm>> -> memref<1x128x128xf32, #tpu.memory_space<hbm>>
      %dma_start3A_83 = tpu.memref_squeeze %dma_start3A_82 : memref<1x128x128xf32, #tpu.memory_space<hbm>> -> memref<128x128xf32, #tpu.memory_space<hbm>>
      tpu.enqueue_dma source(%arg7 : memref<128x128xf32, #tpu.memory_space<vmem>>) target(%dma_start3A_83 : memref<128x128xf32, #tpu.memory_space<hbm>>) target_semaphore(%run_scoped3A : memref<!tpu.dma_semaphore, #tpu.memory_space<semaphore_mem>>)
      %dma_wait3A = arith.constant 0 : i32
      %dma_wait3A_84 = tpu.memref_slice %arg5[%arg0, %mul3A_54, %dma_wait3A] : memref<2x10240x128xf32, #tpu.memory_space<hbm>> -> memref<1x128x128xf32, #tpu.memory_space<hbm>>
      %dma_wait3A_85 = tpu.memref_squeeze %dma_wait3A_84 : memref<1x128x128xf32, #tpu.memory_space<hbm>> -> memref<128x128xf32, #tpu.memory_space<hbm>>
      %dma_wait3A_86 = arith.constant 0 : i32
      %dma_wait3A_87 = tpu.memref_slice %arg5[%arg0, %mul3A_54, %dma_wait3A_86] : memref<2x10240x128xf32, #tpu.memory_space<hbm>> -> memref<1x128x128xf32, #tpu.memory_space<hbm>>
      %dma_wait3A_88 = tpu.memref_squeeze %dma_wait3A_87 : memref<1x128x128xf32, #tpu.memory_space<hbm>> -> memref<128x128xf32, #tpu.memory_space<hbm>>
      tpu.wait_dma2 semaphore(%run_scoped3A : memref<!tpu.dma_semaphore, #tpu.memory_space<semaphore_mem>>) src(%arg7 : memref<128x128xf32, #tpu.memory_space<vmem>>) dst(%dma_wait3A_88 : memref<128x128xf32, #tpu.memory_space<hbm>>)
      tpu.yield
    }) : () -> ()
    %mul3A_55 = arith.constant 5 : i32
    %mul3A_56 = arith.muli %arg1, %mul3A_55 : i32
    %add3A_57 = arith.constant 1 : i32
    %add3A_58 = arith.addi %mul3A_56, %add3A_57 : i32
    %mul3A_59 = arith.constant 128 : i32
    %mul3A_60 = arith.muli %add3A_58, %mul3A_59 : i32
    "tpu.region"() ({
      %run_scoped3A = tpu.sem_alloc : memref<!tpu.dma_semaphore, #tpu.memory_space<semaphore_mem>>
      %dma_start3A = arith.constant 0 : i32
      %dma_start3A_79 = tpu.memref_slice %arg8[%mul3A_60, %dma_start3A] : memref<10240x128xf32, #tpu.memory_space<vmem_shared>> -> memref<128x128xf32, #tpu.memory_space<vmem_shared>>
      %dma_start3A_80 = arith.constant 0 : i32
      %dma_start3A_81 = tpu.memref_slice %arg8[%mul3A_60, %dma_start3A_80] : memref<10240x128xf32, #tpu.memory_space<vmem_shared>> -> memref<128x128xf32, #tpu.memory_space<vmem_shared>>
      tpu.enqueue_dma source(%dma_start3A_81 : memref<128x128xf32, #tpu.memory_space<vmem_shared>>) target(%arg7 : memref<128x128xf32, #tpu.memory_space<vmem>>) target_semaphore(%run_scoped3A : memref<!tpu.dma_semaphore, #tpu.memory_space<semaphore_mem>>)
      %dma_wait3A = arith.constant 0 : i32
      %dma_wait3A_82 = tpu.memref_slice %arg8[%mul3A_60, %dma_wait3A] : memref<10240x128xf32, #tpu.memory_space<vmem_shared>> -> memref<128x128xf32, #tpu.memory_space<vmem_shared>>
      %dma_wait3A_83 = arith.constant 0 : i32
      %dma_wait3A_84 = tpu.memref_slice %arg8[%mul3A_60, %dma_wait3A_83] : memref<10240x128xf32, #tpu.memory_space<vmem_shared>> -> memref<128x128xf32, #tpu.memory_space<vmem_shared>>
      tpu.wait_dma2 semaphore(%run_scoped3A : memref<!tpu.dma_semaphore, #tpu.memory_space<semaphore_mem>>) src(%dma_wait3A_84 : memref<128x128xf32, #tpu.memory_space<vmem_shared>>) dst(%arg7 : memref<128x128xf32, #tpu.memory_space<vmem>>)
      tpu.yield
    }) : () -> ()
    "tpu.region"() ({
      %run_scoped3A = tpu.sem_alloc : memref<!tpu.dma_semaphore, #tpu.memory_space<semaphore_mem>>
      %dma_start3A = arith.constant 0 : i32
      %dma_start3A_79 = tpu.memref_slice %arg5[%arg0, %mul3A_60, %dma_start3A] : memref<2x10240x128xf32, #tpu.memory_space<hbm>> -> memref<1x128x128xf32, #tpu.memory_space<hbm>>
      %dma_start3A_80 = tpu.memref_squeeze %dma_start3A_79 : memref<1x128x128xf32, #tpu.memory_space<hbm>> -> memref<128x128xf32, #tpu.memory_space<hbm>>
      %dma_start3A_81 = arith.constant 0 : i32
      %dma_start3A_82 = tpu.memref_slice %arg5[%arg0, %mul3A_60, %dma_start3A_81] : memref<2x10240x128xf32, #tpu.memory_space<hbm>> -> memref<1x128x128xf32, #tpu.memory_space<hbm>>
      %dma_start3A_83 = tpu.memref_squeeze %dma_start3A_82 : memref<1x128x128xf32, #tpu.memory_space<hbm>> -> memref<128x128xf32, #tpu.memory_space<hbm>>
      tpu.enqueue_dma source(%arg7 : memref<128x128xf32, #tpu.memory_space<vmem>>) target(%dma_start3A_83 : memref<128x128xf32, #tpu.memory_space<hbm>>) target_semaphore(%run_scoped3A : memref<!tpu.dma_semaphore, #tpu.memory_space<semaphore_mem>>)
      %dma_wait3A = arith.constant 0 : i32
      %dma_wait3A_84 = tpu.memref_slice %arg5[%arg0, %mul3A_60, %dma_wait3A] : memref<2x10240x128xf32, #tpu.memory_space<hbm>> -> memref<1x128x128xf32, #tpu.memory_space<hbm>>
      %dma_wait3A_85 = tpu.memref_squeeze %dma_wait3A_84 : memref<1x128x128xf32, #tpu.memory_space<hbm>> -> memref<128x128xf32, #tpu.memory_space<hbm>>
      %dma_wait3A_86 = arith.constant 0 : i32
      %dma_wait3A_87 = tpu.memref_slice %arg5[%arg0, %mul3A_60, %dma_wait3A_86] : memref<2x10240x128xf32, #tpu.memory_space<hbm>> -> memref<1x128x128xf32, #tpu.memory_space<hbm>>
      %dma_wait3A_88 = tpu.memref_squeeze %dma_wait3A_87 : memref<1x128x128xf32, #tpu.memory_space<hbm>> -> memref<128x128xf32, #tpu.memory_space<hbm>>
      tpu.wait_dma2 semaphore(%run_scoped3A : memref<!tpu.dma_semaphore, #tpu.memory_space<semaphore_mem>>) src(%arg7 : memref<128x128xf32, #tpu.memory_space<vmem>>) dst(%dma_wait3A_88 : memref<128x128xf32, #tpu.memory_space<hbm>>)
      tpu.yield
    }) : () -> ()
    %mul3A_61 = arith.constant 5 : i32
    %mul3A_62 = arith.muli %arg1, %mul3A_61 : i32
    %add3A_63 = arith.constant 2 : i32
    %add3A_64 = arith.addi %mul3A_62, %add3A_63 : i32
    %mul3A_65 = arith.constant 128 : i32
    %mul3A_66 = arith.muli %add3A_64, %mul3A_65 : i32
    "tpu.region"() ({
      %run_scoped3A = tpu.sem_alloc : memref<!tpu.dma_semaphore, #tpu.memory_space<semaphore_mem>>
      %dma_start3A = arith.constant 0 : i32
      %dma_start3A_79 = tpu.memref_slice %arg8[%mul3A_66, %dma_start3A] : memref<10240x128xf32, #tpu.memory_space<vmem_shared>> -> memref<128x128xf32, #tpu.memory_space<vmem_shared>>
      %dma_start3A_80 = arith.constant 0 : i32
      %dma_start3A_81 = tpu.memref_slice %arg8[%mul3A_66, %dma_start3A_80] : memref<10240x128xf32, #tpu.memory_space<vmem_shared>> -> memref<128x128xf32, #tpu.memory_space<vmem_shared>>
      tpu.enqueue_dma source(%dma_start3A_81 : memref<128x128xf32, #tpu.memory_space<vmem_shared>>) target(%arg7 : memref<128x128xf32, #tpu.memory_space<vmem>>) target_semaphore(%run_scoped3A : memref<!tpu.dma_semaphore, #tpu.memory_space<semaphore_mem>>)
      %dma_wait3A = arith.constant 0 : i32
      %dma_wait3A_82 = tpu.memref_slice %arg8[%mul3A_66, %dma_wait3A] : memref<10240x128xf32, #tpu.memory_space<vmem_shared>> -> memref<128x128xf32, #tpu.memory_space<vmem_shared>>
      %dma_wait3A_83 = arith.constant 0 : i32
      %dma_wait3A_84 = tpu.memref_slice %arg8[%mul3A_66, %dma_wait3A_83] : memref<10240x128xf32, #tpu.memory_space<vmem_shared>> -> memref<128x128xf32, #tpu.memory_space<vmem_shared>>
      tpu.wait_dma2 semaphore(%run_scoped3A : memref<!tpu.dma_semaphore, #tpu.memory_space<semaphore_mem>>) src(%dma_wait3A_84 : memref<128x128xf32, #tpu.memory_space<vmem_shared>>) dst(%arg7 : memref<128x128xf32, #tpu.memory_space<vmem>>)
      tpu.yield
    }) : () -> ()
    "tpu.region"() ({
      %run_scoped3A = tpu.sem_alloc : memref<!tpu.dma_semaphore, #tpu.memory_space<semaphore_mem>>
      %dma_start3A = arith.constant 0 : i32
      %dma_start3A_79 = tpu.memref_slice %arg5[%arg0, %mul3A_66, %dma_start3A] : memref<2x10240x128xf32, #tpu.memory_space<hbm>> -> memref<1x128x128xf32, #tpu.memory_space<hbm>>
      %dma_start3A_80 = tpu.memref_squeeze %dma_start3A_79 : memref<1x128x128xf32, #tpu.memory_space<hbm>> -> memref<128x128xf32, #tpu.memory_space<hbm>>
      %dma_start3A_81 = arith.constant 0 : i32
      %dma_start3A_82 = tpu.memref_slice %arg5[%arg0, %mul3A_66, %dma_start3A_81] : memref<2x10240x128xf32, #tpu.memory_space<hbm>> -> memref<1x128x128xf32, #tpu.memory_space<hbm>>
      %dma_start3A_83 = tpu.memref_squeeze %dma_start3A_82 : memref<1x128x128xf32, #tpu.memory_space<hbm>> -> memref<128x128xf32, #tpu.memory_space<hbm>>
      tpu.enqueue_dma source(%arg7 : memref<128x128xf32, #tpu.memory_space<vmem>>) target(%dma_start3A_83 : memref<128x128xf32, #tpu.memory_space<hbm>>) target_semaphore(%run_scoped3A : memref<!tpu.dma_semaphore, #tpu.memory_space<semaphore_mem>>)
      %dma_wait3A = arith.constant 0 : i32
      %dma_wait3A_84 = tpu.memref_slice %arg5[%arg0, %mul3A_66, %dma_wait3A] : memref<2x10240x128xf32, #tpu.memory_space<hbm>> -> memref<1x128x128xf32, #tpu.memory_space<hbm>>
      %dma_wait3A_85 = tpu.memref_squeeze %dma_wait3A_84 : memref<1x128x128xf32, #tpu.memory_space<hbm>> -> memref<128x128xf32, #tpu.memory_space<hbm>>
      %dma_wait3A_86 = arith.constant 0 : i32
      %dma_wait3A_87 = tpu.memref_slice %arg5[%arg0, %mul3A_66, %dma_wait3A_86] : memref<2x10240x128xf32, #tpu.memory_space<hbm>> -> memref<1x128x128xf32, #tpu.memory_space<hbm>>
      %dma_wait3A_88 = tpu.memref_squeeze %dma_wait3A_87 : memref<1x128x128xf32, #tpu.memory_space<hbm>> -> memref<128x128xf32, #tpu.memory_space<hbm>>
      tpu.wait_dma2 semaphore(%run_scoped3A : memref<!tpu.dma_semaphore, #tpu.memory_space<semaphore_mem>>) src(%arg7 : memref<128x128xf32, #tpu.memory_space<vmem>>) dst(%dma_wait3A_88 : memref<128x128xf32, #tpu.memory_space<hbm>>)
      tpu.yield
    }) : () -> ()
    %mul3A_67 = arith.constant 5 : i32
    %mul3A_68 = arith.muli %arg1, %mul3A_67 : i32
    %add3A_69 = arith.constant 3 : i32
    %add3A_70 = arith.addi %mul3A_68, %add3A_69 : i32
    %mul3A_71 = arith.constant 128 : i32
    %mul3A_72 = arith.muli %add3A_70, %mul3A_71 : i32
    "tpu.region"() ({
      %run_scoped3A = tpu.sem_alloc : memref<!tpu.dma_semaphore, #tpu.memory_space<semaphore_mem>>
      %dma_start3A = arith.constant 0 : i32
      %dma_start3A_79 = tpu.memref_slice %arg8[%mul3A_72, %dma_start3A] : memref<10240x128xf32, #tpu.memory_space<vmem_shared>> -> memref<128x128xf32, #tpu.memory_space<vmem_shared>>
      %dma_start3A_80 = arith.constant 0 : i32
      %dma_start3A_81 = tpu.memref_slice %arg8[%mul3A_72, %dma_start3A_80] : memref<10240x128xf32, #tpu.memory_space<vmem_shared>> -> memref<128x128xf32, #tpu.memory_space<vmem_shared>>
      tpu.enqueue_dma source(%dma_start3A_81 : memref<128x128xf32, #tpu.memory_space<vmem_shared>>) target(%arg7 : memref<128x128xf32, #tpu.memory_space<vmem>>) target_semaphore(%run_scoped3A : memref<!tpu.dma_semaphore, #tpu.memory_space<semaphore_mem>>)
      %dma_wait3A = arith.constant 0 : i32
      %dma_wait3A_82 = tpu.memref_slice %arg8[%mul3A_72, %dma_wait3A] : memref<10240x128xf32, #tpu.memory_space<vmem_shared>> -> memref<128x128xf32, #tpu.memory_space<vmem_shared>>
      %dma_wait3A_83 = arith.constant 0 : i32
      %dma_wait3A_84 = tpu.memref_slice %arg8[%mul3A_72, %dma_wait3A_83] : memref<10240x128xf32, #tpu.memory_space<vmem_shared>> -> memref<128x128xf32, #tpu.memory_space<vmem_shared>>
      tpu.wait_dma2 semaphore(%run_scoped3A : memref<!tpu.dma_semaphore, #tpu.memory_space<semaphore_mem>>) src(%dma_wait3A_84 : memref<128x128xf32, #tpu.memory_space<vmem_shared>>) dst(%arg7 : memref<128x128xf32, #tpu.memory_space<vmem>>)
      tpu.yield
    }) : () -> ()
    "tpu.region"() ({
      %run_scoped3A = tpu.sem_alloc : memref<!tpu.dma_semaphore, #tpu.memory_space<semaphore_mem>>
      %dma_start3A = arith.constant 0 : i32
      %dma_start3A_79 = tpu.memref_slice %arg5[%arg0, %mul3A_72, %dma_start3A] : memref<2x10240x128xf32, #tpu.memory_space<hbm>> -> memref<1x128x128xf32, #tpu.memory_space<hbm>>
      %dma_start3A_80 = tpu.memref_squeeze %dma_start3A_79 : memref<1x128x128xf32, #tpu.memory_space<hbm>> -> memref<128x128xf32, #tpu.memory_space<hbm>>
      %dma_start3A_81 = arith.constant 0 : i32
      %dma_start3A_82 = tpu.memref_slice %arg5[%arg0, %mul3A_72, %dma_start3A_81] : memref<2x10240x128xf32, #tpu.memory_space<hbm>> -> memref<1x128x128xf32, #tpu.memory_space<hbm>>
      %dma_start3A_83 = tpu.memref_squeeze %dma_start3A_82 : memref<1x128x128xf32, #tpu.memory_space<hbm>> -> memref<128x128xf32, #tpu.memory_space<hbm>>
      tpu.enqueue_dma source(%arg7 : memref<128x128xf32, #tpu.memory_space<vmem>>) target(%dma_start3A_83 : memref<128x128xf32, #tpu.memory_space<hbm>>) target_semaphore(%run_scoped3A : memref<!tpu.dma_semaphore, #tpu.memory_space<semaphore_mem>>)
      %dma_wait3A = arith.constant 0 : i32
      %dma_wait3A_84 = tpu.memref_slice %arg5[%arg0, %mul3A_72, %dma_wait3A] : memref<2x10240x128xf32, #tpu.memory_space<hbm>> -> memref<1x128x128xf32, #tpu.memory_space<hbm>>
      %dma_wait3A_85 = tpu.memref_squeeze %dma_wait3A_84 : memref<1x128x128xf32, #tpu.memory_space<hbm>> -> memref<128x128xf32, #tpu.memory_space<hbm>>
      %dma_wait3A_86 = arith.constant 0 : i32
      %dma_wait3A_87 = tpu.memref_slice %arg5[%arg0, %mul3A_72, %dma_wait3A_86] : memref<2x10240x128xf32, #tpu.memory_space<hbm>> -> memref<1x128x128xf32, #tpu.memory_space<hbm>>
      %dma_wait3A_88 = tpu.memref_squeeze %dma_wait3A_87 : memref<1x128x128xf32, #tpu.memory_space<hbm>> -> memref<128x128xf32, #tpu.memory_space<hbm>>
      tpu.wait_dma2 semaphore(%run_scoped3A : memref<!tpu.dma_semaphore, #tpu.memory_space<semaphore_mem>>) src(%arg7 : memref<128x128xf32, #tpu.memory_space<vmem>>) dst(%dma_wait3A_88 : memref<128x128xf32, #tpu.memory_space<hbm>>)
      tpu.yield
    }) : () -> ()
    %mul3A_73 = arith.constant 5 : i32
    %mul3A_74 = arith.muli %arg1, %mul3A_73 : i32
    %add3A_75 = arith.constant 4 : i32
    %add3A_76 = arith.addi %mul3A_74, %add3A_75 : i32
    %mul3A_77 = arith.constant 128 : i32
    %mul3A_78 = arith.muli %add3A_76, %mul3A_77 : i32
    "tpu.region"() ({
      %run_scoped3A = tpu.sem_alloc : memref<!tpu.dma_semaphore, #tpu.memory_space<semaphore_mem>>
      %dma_start3A = arith.constant 0 : i32
      %dma_start3A_79 = tpu.memref_slice %arg8[%mul3A_78, %dma_start3A] : memref<10240x128xf32, #tpu.memory_space<vmem_shared>> -> memref<128x128xf32, #tpu.memory_space<vmem_shared>>
      %dma_start3A_80 = arith.constant 0 : i32
      %dma_start3A_81 = tpu.memref_slice %arg8[%mul3A_78, %dma_start3A_80] : memref<10240x128xf32, #tpu.memory_space<vmem_shared>> -> memref<128x128xf32, #tpu.memory_space<vmem_shared>>
      tpu.enqueue_dma source(%dma_start3A_81 : memref<128x128xf32, #tpu.memory_space<vmem_shared>>) target(%arg7 : memref<128x128xf32, #tpu.memory_space<vmem>>) target_semaphore(%run_scoped3A : memref<!tpu.dma_semaphore, #tpu.memory_space<semaphore_mem>>)
      %dma_wait3A = arith.constant 0 : i32
      %dma_wait3A_82 = tpu.memref_slice %arg8[%mul3A_78, %dma_wait3A] : memref<10240x128xf32, #tpu.memory_space<vmem_shared>> -> memref<128x128xf32, #tpu.memory_space<vmem_shared>>
      %dma_wait3A_83 = arith.constant 0 : i32
      %dma_wait3A_84 = tpu.memref_slice %arg8[%mul3A_78, %dma_wait3A_83] : memref<10240x128xf32, #tpu.memory_space<vmem_shared>> -> memref<128x128xf32, #tpu.memory_space<vmem_shared>>
      tpu.wait_dma2 semaphore(%run_scoped3A : memref<!tpu.dma_semaphore, #tpu.memory_space<semaphore_mem>>) src(%dma_wait3A_84 : memref<128x128xf32, #tpu.memory_space<vmem_shared>>) dst(%arg7 : memref<128x128xf32, #tpu.memory_space<vmem>>)
      tpu.yield
    }) : () -> ()
    "tpu.region"() ({
      %run_scoped3A = tpu.sem_alloc : memref<!tpu.dma_semaphore, #tpu.memory_space<semaphore_mem>>
      %dma_start3A = arith.constant 0 : i32
      %dma_start3A_79 = tpu.memref_slice %arg5[%arg0, %mul3A_78, %dma_start3A] : memref<2x10240x128xf32, #tpu.memory_space<hbm>> -> memref<1x128x128xf32, #tpu.memory_space<hbm>>
      %dma_start3A_80 = tpu.memref_squeeze %dma_start3A_79 : memref<1x128x128xf32, #tpu.memory_space<hbm>> -> memref<128x128xf32, #tpu.memory_space<hbm>>
      %dma_start3A_81 = arith.constant 0 : i32
      %dma_start3A_82 = tpu.memref_slice %arg5[%arg0, %mul3A_78, %dma_start3A_81] : memref<2x10240x128xf32, #tpu.memory_space<hbm>> -> memref<1x128x128xf32, #tpu.memory_space<hbm>>
      %dma_start3A_83 = tpu.memref_squeeze %dma_start3A_82 : memref<1x128x128xf32, #tpu.memory_space<hbm>> -> memref<128x128xf32, #tpu.memory_space<hbm>>
      tpu.enqueue_dma source(%arg7 : memref<128x128xf32, #tpu.memory_space<vmem>>) target(%dma_start3A_83 : memref<128x128xf32, #tpu.memory_space<hbm>>) target_semaphore(%run_scoped3A : memref<!tpu.dma_semaphore, #tpu.memory_space<semaphore_mem>>)
      %dma_wait3A = arith.constant 0 : i32
      %dma_wait3A_84 = tpu.memref_slice %arg5[%arg0, %mul3A_78, %dma_wait3A] : memref<2x10240x128xf32, #tpu.memory_space<hbm>> -> memref<1x128x128xf32, #tpu.memory_space<hbm>>
      %dma_wait3A_85 = tpu.memref_squeeze %dma_wait3A_84 : memref<1x128x128xf32, #tpu.memory_space<hbm>> -> memref<128x128xf32, #tpu.memory_space<hbm>>
      %dma_wait3A_86 = arith.constant 0 : i32
      %dma_wait3A_87 = tpu.memref_slice %arg5[%arg0, %mul3A_78, %dma_wait3A_86] : memref<2x10240x128xf32, #tpu.memory_space<hbm>> -> memref<1x128x128xf32, #tpu.memory_space<hbm>>
      %dma_wait3A_88 = tpu.memref_squeeze %dma_wait3A_87 : memref<1x128x128xf32, #tpu.memory_space<hbm>> -> memref<128x128xf32, #tpu.memory_space<hbm>>
      tpu.wait_dma2 semaphore(%run_scoped3A : memref<!tpu.dma_semaphore, #tpu.memory_space<semaphore_mem>>) src(%arg7 : memref<128x128xf32, #tpu.memory_space<vmem>>) dst(%dma_wait3A_88 : memref<128x128xf32, #tpu.memory_space<hbm>>)
      tpu.yield
    }) : () -> ()
    return
  }
}

#map = affine_map<(d0, d1) -> (0, 0)>
#map1 = affine_map<(d0, d1) -> (0, 0, 0)>
module attributes {stable_mosaic.version = 14 : i64} {
  func.func @kern(%arg0: i32, %arg1: i32, %arg2: memref<10000x128xf32, #tpu.memory_space<hbm>>, %arg3: memref<2560x128xi32, #tpu.memory_space<hbm>>, %arg4: memref<2560x128xi32, #tpu.memory_space<hbm>>, %arg5: memref<128x128xf32, #tpu.memory_space<hbm>>, %arg6: memref<2x10240x128xf32, #tpu.memory_space<hbm>>, %arg7: memref<40x128xi32, #tpu.memory_space<vmem>>, %arg8: memref<40x128xi32, #tpu.memory_space<vmem>>, %arg9: memref<128x128xf32, #tpu.memory_space<vmem>>, %arg10: memref<128x128xf32, #tpu.memory_space<vmem>>, %arg11: memref<10240x128xf32, #tpu.memory_space<vmem_shared>>, %arg12: memref<!tpu.dma_semaphore, #tpu.memory_space<semaphore_mem>>, %arg13: memref<!tpu.dma_semaphore, #tpu.memory_space<semaphore_mem>>) attributes {dimension_semantics = [#tpu.dimension_semantics<core_parallel>, #tpu.dimension_semantics<subcore_parallel>], iteration_bounds = array<i64: 2, 16>, scalar_prefetch = 0 : i64, scratch_operands = 7 : i64, tpu.core_type = #tpu.core_type<sc_vector_subcore>, window_params = [{transform_indices = #map}, {transform_indices = #map}, {transform_indices = #map}, {transform_indices = #map}, {transform_indices = #map1}]} {
    %mul3A = arith.constant 16 : i32
    %mul3A_0 = arith.muli %arg0, %mul3A : i32
    %add3A = arith.addi %mul3A_0, %arg1 : i32
    %mul3A_1 = arith.constant 2 : i32
    %mul3A_2 = arith.muli %add3A, %mul3A_1 : i32
    %mul3A_3 = arith.constant 40 : i32
    %mul3A_4 = arith.muli %mul3A_2, %mul3A_3 : i32
    "tpu.region"() ({
      %run_scoped3A = tpu.sem_alloc : memref<!tpu.dma_semaphore, #tpu.memory_space<semaphore_mem>>
      tpu.enqueue_dma source(%arg5 : memref<128x128xf32, #tpu.memory_space<hbm>>) target(%arg9 : memref<128x128xf32, #tpu.memory_space<vmem>>) target_semaphore(%run_scoped3A : memref<!tpu.dma_semaphore, #tpu.memory_space<semaphore_mem>>)
      tpu.wait_dma2 semaphore(%run_scoped3A : memref<!tpu.dma_semaphore, #tpu.memory_space<semaphore_mem>>) src(%arg5 : memref<128x128xf32, #tpu.memory_space<hbm>>) dst(%arg9 : memref<128x128xf32, #tpu.memory_space<vmem>>)
      tpu.yield
    }) : () -> ()
    %mul3A_5 = arith.constant 5 : i32
    %mul3A_6 = arith.muli %arg1, %mul3A_5 : i32
    %add3A_7 = arith.constant 0 : i32
    %add3A_8 = arith.addi %mul3A_6, %add3A_7 : i32
    %mul3A_9 = arith.constant 128 : i32
    %mul3A_10 = arith.muli %add3A_8, %mul3A_9 : i32
    "tpu.region"() ({
      %run_scoped3A = tpu.sem_alloc : memref<!tpu.dma_semaphore, #tpu.memory_space<semaphore_mem>>
      %dma_start3A_109 = arith.constant 0 : i32
      %dma_start3A_110 = tpu.memref_slice %arg11[%mul3A_10, %dma_start3A_109] : memref<10240x128xf32, #tpu.memory_space<vmem_shared>> -> memref<128x128xf32, #tpu.memory_space<vmem_shared>>
      %dma_start3A_111 = arith.constant 0 : i32
      %dma_start3A_112 = tpu.memref_slice %arg11[%mul3A_10, %dma_start3A_111] : memref<10240x128xf32, #tpu.memory_space<vmem_shared>> -> memref<128x128xf32, #tpu.memory_space<vmem_shared>>
      tpu.enqueue_dma source(%arg9 : memref<128x128xf32, #tpu.memory_space<vmem>>) target(%dma_start3A_112 : memref<128x128xf32, #tpu.memory_space<vmem_shared>>) target_semaphore(%run_scoped3A : memref<!tpu.dma_semaphore, #tpu.memory_space<semaphore_mem>>)
      %dma_wait3A_113 = arith.constant 0 : i32
      %dma_wait3A_114 = tpu.memref_slice %arg11[%mul3A_10, %dma_wait3A_113] : memref<10240x128xf32, #tpu.memory_space<vmem_shared>> -> memref<128x128xf32, #tpu.memory_space<vmem_shared>>
      %dma_wait3A_115 = arith.constant 0 : i32
      %dma_wait3A_116 = tpu.memref_slice %arg11[%mul3A_10, %dma_wait3A_115] : memref<10240x128xf32, #tpu.memory_space<vmem_shared>> -> memref<128x128xf32, #tpu.memory_space<vmem_shared>>
      tpu.wait_dma2 semaphore(%run_scoped3A : memref<!tpu.dma_semaphore, #tpu.memory_space<semaphore_mem>>) src(%arg9 : memref<128x128xf32, #tpu.memory_space<vmem>>) dst(%dma_wait3A_116 : memref<128x128xf32, #tpu.memory_space<vmem_shared>>)
      tpu.yield
    }) : () -> ()
    %mul3A_11 = arith.constant 5 : i32
    %mul3A_12 = arith.muli %arg1, %mul3A_11 : i32
    %add3A_13 = arith.constant 1 : i32
    %add3A_14 = arith.addi %mul3A_12, %add3A_13 : i32
    %mul3A_15 = arith.constant 128 : i32
    %mul3A_16 = arith.muli %add3A_14, %mul3A_15 : i32
    "tpu.region"() ({
      %run_scoped3A = tpu.sem_alloc : memref<!tpu.dma_semaphore, #tpu.memory_space<semaphore_mem>>
      %dma_start3A_109 = arith.constant 0 : i32
      %dma_start3A_110 = tpu.memref_slice %arg11[%mul3A_16, %dma_start3A_109] : memref<10240x128xf32, #tpu.memory_space<vmem_shared>> -> memref<128x128xf32, #tpu.memory_space<vmem_shared>>
      %dma_start3A_111 = arith.constant 0 : i32
      %dma_start3A_112 = tpu.memref_slice %arg11[%mul3A_16, %dma_start3A_111] : memref<10240x128xf32, #tpu.memory_space<vmem_shared>> -> memref<128x128xf32, #tpu.memory_space<vmem_shared>>
      tpu.enqueue_dma source(%arg9 : memref<128x128xf32, #tpu.memory_space<vmem>>) target(%dma_start3A_112 : memref<128x128xf32, #tpu.memory_space<vmem_shared>>) target_semaphore(%run_scoped3A : memref<!tpu.dma_semaphore, #tpu.memory_space<semaphore_mem>>)
      %dma_wait3A_113 = arith.constant 0 : i32
      %dma_wait3A_114 = tpu.memref_slice %arg11[%mul3A_16, %dma_wait3A_113] : memref<10240x128xf32, #tpu.memory_space<vmem_shared>> -> memref<128x128xf32, #tpu.memory_space<vmem_shared>>
      %dma_wait3A_115 = arith.constant 0 : i32
      %dma_wait3A_116 = tpu.memref_slice %arg11[%mul3A_16, %dma_wait3A_115] : memref<10240x128xf32, #tpu.memory_space<vmem_shared>> -> memref<128x128xf32, #tpu.memory_space<vmem_shared>>
      tpu.wait_dma2 semaphore(%run_scoped3A : memref<!tpu.dma_semaphore, #tpu.memory_space<semaphore_mem>>) src(%arg9 : memref<128x128xf32, #tpu.memory_space<vmem>>) dst(%dma_wait3A_116 : memref<128x128xf32, #tpu.memory_space<vmem_shared>>)
      tpu.yield
    }) : () -> ()
    %mul3A_17 = arith.constant 5 : i32
    %mul3A_18 = arith.muli %arg1, %mul3A_17 : i32
    %add3A_19 = arith.constant 2 : i32
    %add3A_20 = arith.addi %mul3A_18, %add3A_19 : i32
    %mul3A_21 = arith.constant 128 : i32
    %mul3A_22 = arith.muli %add3A_20, %mul3A_21 : i32
    "tpu.region"() ({
      %run_scoped3A = tpu.sem_alloc : memref<!tpu.dma_semaphore, #tpu.memory_space<semaphore_mem>>
      %dma_start3A_109 = arith.constant 0 : i32
      %dma_start3A_110 = tpu.memref_slice %arg11[%mul3A_22, %dma_start3A_109] : memref<10240x128xf32, #tpu.memory_space<vmem_shared>> -> memref<128x128xf32, #tpu.memory_space<vmem_shared>>
      %dma_start3A_111 = arith.constant 0 : i32
      %dma_start3A_112 = tpu.memref_slice %arg11[%mul3A_22, %dma_start3A_111] : memref<10240x128xf32, #tpu.memory_space<vmem_shared>> -> memref<128x128xf32, #tpu.memory_space<vmem_shared>>
      tpu.enqueue_dma source(%arg9 : memref<128x128xf32, #tpu.memory_space<vmem>>) target(%dma_start3A_112 : memref<128x128xf32, #tpu.memory_space<vmem_shared>>) target_semaphore(%run_scoped3A : memref<!tpu.dma_semaphore, #tpu.memory_space<semaphore_mem>>)
      %dma_wait3A_113 = arith.constant 0 : i32
      %dma_wait3A_114 = tpu.memref_slice %arg11[%mul3A_22, %dma_wait3A_113] : memref<10240x128xf32, #tpu.memory_space<vmem_shared>> -> memref<128x128xf32, #tpu.memory_space<vmem_shared>>
      %dma_wait3A_115 = arith.constant 0 : i32
      %dma_wait3A_116 = tpu.memref_slice %arg11[%mul3A_22, %dma_wait3A_115] : memref<10240x128xf32, #tpu.memory_space<vmem_shared>> -> memref<128x128xf32, #tpu.memory_space<vmem_shared>>
      tpu.wait_dma2 semaphore(%run_scoped3A : memref<!tpu.dma_semaphore, #tpu.memory_space<semaphore_mem>>) src(%arg9 : memref<128x128xf32, #tpu.memory_space<vmem>>) dst(%dma_wait3A_116 : memref<128x128xf32, #tpu.memory_space<vmem_shared>>)
      tpu.yield
    }) : () -> ()
    %mul3A_23 = arith.constant 5 : i32
    %mul3A_24 = arith.muli %arg1, %mul3A_23 : i32
    %add3A_25 = arith.constant 3 : i32
    %add3A_26 = arith.addi %mul3A_24, %add3A_25 : i32
    %mul3A_27 = arith.constant 128 : i32
    %mul3A_28 = arith.muli %add3A_26, %mul3A_27 : i32
    "tpu.region"() ({
      %run_scoped3A = tpu.sem_alloc : memref<!tpu.dma_semaphore, #tpu.memory_space<semaphore_mem>>
      %dma_start3A_109 = arith.constant 0 : i32
      %dma_start3A_110 = tpu.memref_slice %arg11[%mul3A_28, %dma_start3A_109] : memref<10240x128xf32, #tpu.memory_space<vmem_shared>> -> memref<128x128xf32, #tpu.memory_space<vmem_shared>>
      %dma_start3A_111 = arith.constant 0 : i32
      %dma_start3A_112 = tpu.memref_slice %arg11[%mul3A_28, %dma_start3A_111] : memref<10240x128xf32, #tpu.memory_space<vmem_shared>> -> memref<128x128xf32, #tpu.memory_space<vmem_shared>>
      tpu.enqueue_dma source(%arg9 : memref<128x128xf32, #tpu.memory_space<vmem>>) target(%dma_start3A_112 : memref<128x128xf32, #tpu.memory_space<vmem_shared>>) target_semaphore(%run_scoped3A : memref<!tpu.dma_semaphore, #tpu.memory_space<semaphore_mem>>)
      %dma_wait3A_113 = arith.constant 0 : i32
      %dma_wait3A_114 = tpu.memref_slice %arg11[%mul3A_28, %dma_wait3A_113] : memref<10240x128xf32, #tpu.memory_space<vmem_shared>> -> memref<128x128xf32, #tpu.memory_space<vmem_shared>>
      %dma_wait3A_115 = arith.constant 0 : i32
      %dma_wait3A_116 = tpu.memref_slice %arg11[%mul3A_28, %dma_wait3A_115] : memref<10240x128xf32, #tpu.memory_space<vmem_shared>> -> memref<128x128xf32, #tpu.memory_space<vmem_shared>>
      tpu.wait_dma2 semaphore(%run_scoped3A : memref<!tpu.dma_semaphore, #tpu.memory_space<semaphore_mem>>) src(%arg9 : memref<128x128xf32, #tpu.memory_space<vmem>>) dst(%dma_wait3A_116 : memref<128x128xf32, #tpu.memory_space<vmem_shared>>)
      tpu.yield
    }) : () -> ()
    %mul3A_29 = arith.constant 5 : i32
    %mul3A_30 = arith.muli %arg1, %mul3A_29 : i32
    %add3A_31 = arith.constant 4 : i32
    %add3A_32 = arith.addi %mul3A_30, %add3A_31 : i32
    %mul3A_33 = arith.constant 128 : i32
    %mul3A_34 = arith.muli %add3A_32, %mul3A_33 : i32
    "tpu.region"() ({
      %run_scoped3A = tpu.sem_alloc : memref<!tpu.dma_semaphore, #tpu.memory_space<semaphore_mem>>
      %dma_start3A_109 = arith.constant 0 : i32
      %dma_start3A_110 = tpu.memref_slice %arg11[%mul3A_34, %dma_start3A_109] : memref<10240x128xf32, #tpu.memory_space<vmem_shared>> -> memref<128x128xf32, #tpu.memory_space<vmem_shared>>
      %dma_start3A_111 = arith.constant 0 : i32
      %dma_start3A_112 = tpu.memref_slice %arg11[%mul3A_34, %dma_start3A_111] : memref<10240x128xf32, #tpu.memory_space<vmem_shared>> -> memref<128x128xf32, #tpu.memory_space<vmem_shared>>
      tpu.enqueue_dma source(%arg9 : memref<128x128xf32, #tpu.memory_space<vmem>>) target(%dma_start3A_112 : memref<128x128xf32, #tpu.memory_space<vmem_shared>>) target_semaphore(%run_scoped3A : memref<!tpu.dma_semaphore, #tpu.memory_space<semaphore_mem>>)
      %dma_wait3A_113 = arith.constant 0 : i32
      %dma_wait3A_114 = tpu.memref_slice %arg11[%mul3A_34, %dma_wait3A_113] : memref<10240x128xf32, #tpu.memory_space<vmem_shared>> -> memref<128x128xf32, #tpu.memory_space<vmem_shared>>
      %dma_wait3A_115 = arith.constant 0 : i32
      %dma_wait3A_116 = tpu.memref_slice %arg11[%mul3A_34, %dma_wait3A_115] : memref<10240x128xf32, #tpu.memory_space<vmem_shared>> -> memref<128x128xf32, #tpu.memory_space<vmem_shared>>
      tpu.wait_dma2 semaphore(%run_scoped3A : memref<!tpu.dma_semaphore, #tpu.memory_space<semaphore_mem>>) src(%arg9 : memref<128x128xf32, #tpu.memory_space<vmem>>) dst(%dma_wait3A_116 : memref<128x128xf32, #tpu.memory_space<vmem_shared>>)
      tpu.yield
    }) : () -> ()
    %barrier3A = arith.constant 0 : index
    tpu.barrier barrier_id(%barrier3A)
    %add3A_35 = arith.constant 0 : i32
    %add3A_36 = arith.addi %mul3A_4, %add3A_35 : i32
    "tpu.region"() ({
      %run_scoped3A = tpu.sem_alloc : memref<!tpu.dma_semaphore, #tpu.memory_space<semaphore_mem>>
      %dma_start3A_109 = arith.constant 0 : i32
      %dma_start3A_110 = tpu.memref_slice %arg4[%add3A_36, %dma_start3A_109] : memref<2560x128xi32, #tpu.memory_space<hbm>> -> memref<40x128xi32, #tpu.memory_space<hbm>>
      %dma_start3A_111 = arith.constant 0 : i32
      %dma_start3A_112 = tpu.memref_slice %arg4[%add3A_36, %dma_start3A_111] : memref<2560x128xi32, #tpu.memory_space<hbm>> -> memref<40x128xi32, #tpu.memory_space<hbm>>
      tpu.enqueue_dma source(%dma_start3A_112 : memref<40x128xi32, #tpu.memory_space<hbm>>) target(%arg8 : memref<40x128xi32, #tpu.memory_space<vmem>>) target_semaphore(%run_scoped3A : memref<!tpu.dma_semaphore, #tpu.memory_space<semaphore_mem>>)
      %dma_wait3A_113 = arith.constant 0 : i32
      %dma_wait3A_114 = tpu.memref_slice %arg4[%add3A_36, %dma_wait3A_113] : memref<2560x128xi32, #tpu.memory_space<hbm>> -> memref<40x128xi32, #tpu.memory_space<hbm>>
      %dma_wait3A_115 = arith.constant 0 : i32
      %dma_wait3A_116 = tpu.memref_slice %arg4[%add3A_36, %dma_wait3A_115] : memref<2560x128xi32, #tpu.memory_space<hbm>> -> memref<40x128xi32, #tpu.memory_space<hbm>>
      tpu.wait_dma2 semaphore(%run_scoped3A : memref<!tpu.dma_semaphore, #tpu.memory_space<semaphore_mem>>) src(%dma_wait3A_116 : memref<40x128xi32, #tpu.memory_space<hbm>>) dst(%arg8 : memref<40x128xi32, #tpu.memory_space<vmem>>)
      tpu.yield
    }) : () -> ()
    %add3A_37 = arith.constant 0 : i32
    %add3A_38 = arith.addi %mul3A_4, %add3A_37 : i32
    "tpu.region"() ({
      %run_scoped3A = tpu.sem_alloc : memref<!tpu.dma_semaphore, #tpu.memory_space<semaphore_mem>>
      %dma_start3A_109 = arith.constant 0 : i32
      %dma_start3A_110 = tpu.memref_slice %arg3[%add3A_38, %dma_start3A_109] : memref<2560x128xi32, #tpu.memory_space<hbm>> -> memref<40x128xi32, #tpu.memory_space<hbm>>
      %dma_start3A_111 = arith.constant 0 : i32
      %dma_start3A_112 = tpu.memref_slice %arg3[%add3A_38, %dma_start3A_111] : memref<2560x128xi32, #tpu.memory_space<hbm>> -> memref<40x128xi32, #tpu.memory_space<hbm>>
      tpu.enqueue_dma source(%dma_start3A_112 : memref<40x128xi32, #tpu.memory_space<hbm>>) target(%arg7 : memref<40x128xi32, #tpu.memory_space<vmem>>) target_semaphore(%run_scoped3A : memref<!tpu.dma_semaphore, #tpu.memory_space<semaphore_mem>>)
      %dma_wait3A_113 = arith.constant 0 : i32
      %dma_wait3A_114 = tpu.memref_slice %arg3[%add3A_38, %dma_wait3A_113] : memref<2560x128xi32, #tpu.memory_space<hbm>> -> memref<40x128xi32, #tpu.memory_space<hbm>>
      %dma_wait3A_115 = arith.constant 0 : i32
      %dma_wait3A_116 = tpu.memref_slice %arg3[%add3A_38, %dma_wait3A_115] : memref<2560x128xi32, #tpu.memory_space<hbm>> -> memref<40x128xi32, #tpu.memory_space<hbm>>
      tpu.wait_dma2 semaphore(%run_scoped3A : memref<!tpu.dma_semaphore, #tpu.memory_space<semaphore_mem>>) src(%dma_wait3A_116 : memref<40x128xi32, #tpu.memory_space<hbm>>) dst(%arg7 : memref<40x128xi32, #tpu.memory_space<vmem>>)
      tpu.yield
    }) : () -> ()
    %dma_start3A = arith.constant 0 : i32
    %dma_start3A_39 = arith.constant 0 : i32
    %dma_start3A_40 = tpu.memref_slice %arg7[%dma_start3A, %dma_start3A_39] : memref<40x128xi32, #tpu.memory_space<vmem>> -> memref<1x128xi32, #tpu.memory_space<vmem>>
    %dma_start3A_41 = tpu.memref_squeeze %dma_start3A_40 : memref<1x128xi32, #tpu.memory_space<vmem>> -> memref<128xi32, #tpu.memory_space<vmem>>
    %dma_start3A_42 = arith.constant 0 : i32
    %dma_start3A_43 = arith.constant 0 : i32
    %dma_start3A_44 = tpu.memref_slice %arg2[%dma_start3A_42, %dma_start3A_43] : memref<10000x128xf32, #tpu.memory_space<hbm>> -> memref<10000x128xf32, #tpu.memory_space<hbm>>
    tpu.enqueue_indirect_dma source(%dma_start3A_44 : memref<10000x128xf32, #tpu.memory_space<hbm>>) target(%arg9 : memref<128x128xf32, #tpu.memory_space<vmem>>) offsets(%dma_start3A_41 : memref<128xi32, #tpu.memory_space<vmem>>) semaphore(%arg12 : memref<!tpu.dma_semaphore, #tpu.memory_space<semaphore_mem>>)
    %scan3A = arith.constant 0 : i32
    %scan3A_45 = arith.constant 20 : i32
    %scan3A_46 = arith.addi %scan3A, %scan3A_45 : i32
    %scan3A_47 = arith.constant 1 : i32
    scf.for %scan3A_109 = %scan3A to %scan3A_46 step %scan3A_47  : i32 {
      %mul3A_110 = arith.constant 2 : i32
      %mul3A_111 = arith.muli %scan3A_109, %mul3A_110 : i32
      %add3A_112 = arith.constant 0 : i32
      %add3A_113 = arith.addi %add3A_112, %mul3A_111 : i32
      %add3A_114 = arith.constant 0 : i32
      %add3A_115 = arith.addi %add3A_113, %add3A_114 : i32
      %add3A_116 = arith.constant 1 : i32
      %add3A_117 = arith.addi %add3A_115, %add3A_116 : i32
      %eq3A = arith.constant 40 : i32
      %eq3A_118 = arith.cmpi eq, %add3A_117, %eq3A : i32
      %add3A_119 = arith.constant 1 : i32
      %add3A_120 = arith.addi %add3A_115, %add3A_119 : i32
      %jit3A = arith.constant 0 : i32
      %select_n3A = arith.select %eq3A_118, %jit3A, %add3A_120 : i32
      %dma_wait3A_121 = arith.constant 0 : i32
      %dma_wait3A_122 = tpu.memref_slice %arg7[%add3A_115, %dma_wait3A_121] : memref<40x128xi32, #tpu.memory_space<vmem>> -> memref<1x128xi32, #tpu.memory_space<vmem>>
      %dma_wait3A_123 = tpu.memref_squeeze %dma_wait3A_122 : memref<1x128xi32, #tpu.memory_space<vmem>> -> memref<128xi32, #tpu.memory_space<vmem>>
      %dma_wait3A_124 = arith.constant 0 : i32
      %dma_wait3A_125 = arith.constant 0 : i32
      %dma_wait3A_126 = tpu.memref_slice %arg2[%dma_wait3A_124, %dma_wait3A_125] : memref<10000x128xf32, #tpu.memory_space<hbm>> -> memref<10000x128xf32, #tpu.memory_space<hbm>>
      tpu.wait_indirect_dma semaphore(%arg12 : memref<!tpu.dma_semaphore, #tpu.memory_space<semaphore_mem>>) src(%dma_wait3A_126 : memref<10000x128xf32, #tpu.memory_space<hbm>>) dst(%arg9 : memref<128x128xf32, #tpu.memory_space<vmem>>)
      %dma_start3A_127 = arith.constant 0 : i32
      %dma_start3A_128 = tpu.memref_slice %arg7[%select_n3A, %dma_start3A_127] : memref<40x128xi32, #tpu.memory_space<vmem>> -> memref<1x128xi32, #tpu.memory_space<vmem>>
      %dma_start3A_129 = tpu.memref_squeeze %dma_start3A_128 : memref<1x128xi32, #tpu.memory_space<vmem>> -> memref<128xi32, #tpu.memory_space<vmem>>
      %dma_start3A_130 = arith.constant 0 : i32
      %dma_start3A_131 = arith.constant 0 : i32
      %dma_start3A_132 = tpu.memref_slice %arg2[%dma_start3A_130, %dma_start3A_131] : memref<10000x128xf32, #tpu.memory_space<hbm>> -> memref<10000x128xf32, #tpu.memory_space<hbm>>
      tpu.enqueue_indirect_dma source(%dma_start3A_132 : memref<10000x128xf32, #tpu.memory_space<hbm>>) target(%arg10 : memref<128x128xf32, #tpu.memory_space<vmem>>) offsets(%dma_start3A_129 : memref<128xi32, #tpu.memory_space<vmem>>) semaphore(%arg13 : memref<!tpu.dma_semaphore, #tpu.memory_space<semaphore_mem>>)
      "tpu.region"() ({
        %run_scoped3A = tpu.sem_alloc : memref<!tpu.dma_semaphore, #tpu.memory_space<semaphore_mem>>
        %dma_start3A_155 = arith.constant 0 : i32
        %dma_start3A_156 = tpu.memref_slice %arg8[%add3A_115, %dma_start3A_155] : memref<40x128xi32, #tpu.memory_space<vmem>> -> memref<1x128xi32, #tpu.memory_space<vmem>>
        %dma_start3A_157 = tpu.memref_squeeze %dma_start3A_156 : memref<1x128xi32, #tpu.memory_space<vmem>> -> memref<128xi32, #tpu.memory_space<vmem>>
        %dma_start3A_158 = arith.constant 0 : i32
        %dma_start3A_159 = arith.constant 0 : i32
        %dma_start3A_160 = tpu.memref_slice %arg11[%dma_start3A_158, %dma_start3A_159] : memref<10240x128xf32, #tpu.memory_space<vmem_shared>> -> memref<10240x128xf32, #tpu.memory_space<vmem_shared>>
        tpu.enqueue_indirect_dma source(%arg9 : memref<128x128xf32, #tpu.memory_space<vmem>>) target(%dma_start3A_160 : memref<10240x128xf32, #tpu.memory_space<vmem_shared>>) offsets(%dma_start3A_157 : memref<128xi32, #tpu.memory_space<vmem>>) semaphore(%run_scoped3A : memref<!tpu.dma_semaphore, #tpu.memory_space<semaphore_mem>>) {add = true}
        %dma_wait3A_161 = arith.constant 0 : i32
        %dma_wait3A_162 = tpu.memref_slice %arg8[%add3A_115, %dma_wait3A_161] : memref<40x128xi32, #tpu.memory_space<vmem>> -> memref<1x128xi32, #tpu.memory_space<vmem>>
        %dma_wait3A_163 = tpu.memref_squeeze %dma_wait3A_162 : memref<1x128xi32, #tpu.memory_space<vmem>> -> memref<128xi32, #tpu.memory_space<vmem>>
        %dma_wait3A_164 = arith.constant 0 : i32
        %dma_wait3A_165 = arith.constant 0 : i32
        %dma_wait3A_166 = tpu.memref_slice %arg11[%dma_wait3A_164, %dma_wait3A_165] : memref<10240x128xf32, #tpu.memory_space<vmem_shared>> -> memref<10240x128xf32, #tpu.memory_space<vmem_shared>>
        tpu.wait_indirect_dma semaphore(%run_scoped3A : memref<!tpu.dma_semaphore, #tpu.memory_space<semaphore_mem>>) src(%arg9 : memref<128x128xf32, #tpu.memory_space<vmem>>) dst(%dma_wait3A_166 : memref<10240x128xf32, #tpu.memory_space<vmem_shared>>)
        tpu.yield
      }) : () -> ()
      %add3A_133 = arith.constant 1 : i32
      %add3A_134 = arith.addi %add3A_113, %add3A_133 : i32
      %add3A_135 = arith.constant 1 : i32
      %add3A_136 = arith.addi %add3A_134, %add3A_135 : i32
      %eq3A_137 = arith.constant 40 : i32
      %eq3A_138 = arith.cmpi eq, %add3A_136, %eq3A_137 : i32
      %add3A_139 = arith.constant 1 : i32
      %add3A_140 = arith.addi %add3A_134, %add3A_139 : i32
      %jit3A_141 = arith.constant 0 : i32
      %select_n3A_142 = arith.select %eq3A_138, %jit3A_141, %add3A_140 : i32
      %dma_wait3A_143 = arith.constant 0 : i32
      %dma_wait3A_144 = tpu.memref_slice %arg7[%add3A_134, %dma_wait3A_143] : memref<40x128xi32, #tpu.memory_space<vmem>> -> memref<1x128xi32, #tpu.memory_space<vmem>>
      %dma_wait3A_145 = tpu.memref_squeeze %dma_wait3A_144 : memref<1x128xi32, #tpu.memory_space<vmem>> -> memref<128xi32, #tpu.memory_space<vmem>>
      %dma_wait3A_146 = arith.constant 0 : i32
      %dma_wait3A_147 = arith.constant 0 : i32
      %dma_wait3A_148 = tpu.memref_slice %arg2[%dma_wait3A_146, %dma_wait3A_147] : memref<10000x128xf32, #tpu.memory_space<hbm>> -> memref<10000x128xf32, #tpu.memory_space<hbm>>
      tpu.wait_indirect_dma semaphore(%arg13 : memref<!tpu.dma_semaphore, #tpu.memory_space<semaphore_mem>>) src(%dma_wait3A_148 : memref<10000x128xf32, #tpu.memory_space<hbm>>) dst(%arg10 : memref<128x128xf32, #tpu.memory_space<vmem>>)
      %dma_start3A_149 = arith.constant 0 : i32
      %dma_start3A_150 = tpu.memref_slice %arg7[%select_n3A_142, %dma_start3A_149] : memref<40x128xi32, #tpu.memory_space<vmem>> -> memref<1x128xi32, #tpu.memory_space<vmem>>
      %dma_start3A_151 = tpu.memref_squeeze %dma_start3A_150 : memref<1x128xi32, #tpu.memory_space<vmem>> -> memref<128xi32, #tpu.memory_space<vmem>>
      %dma_start3A_152 = arith.constant 0 : i32
      %dma_start3A_153 = arith.constant 0 : i32
      %dma_start3A_154 = tpu.memref_slice %arg2[%dma_start3A_152, %dma_start3A_153] : memref<10000x128xf32, #tpu.memory_space<hbm>> -> memref<10000x128xf32, #tpu.memory_space<hbm>>
      tpu.enqueue_indirect_dma source(%dma_start3A_154 : memref<10000x128xf32, #tpu.memory_space<hbm>>) target(%arg9 : memref<128x128xf32, #tpu.memory_space<vmem>>) offsets(%dma_start3A_151 : memref<128xi32, #tpu.memory_space<vmem>>) semaphore(%arg12 : memref<!tpu.dma_semaphore, #tpu.memory_space<semaphore_mem>>)
      "tpu.region"() ({
        %run_scoped3A = tpu.sem_alloc : memref<!tpu.dma_semaphore, #tpu.memory_space<semaphore_mem>>
        %dma_start3A_155 = arith.constant 0 : i32
        %dma_start3A_156 = tpu.memref_slice %arg8[%add3A_134, %dma_start3A_155] : memref<40x128xi32, #tpu.memory_space<vmem>> -> memref<1x128xi32, #tpu.memory_space<vmem>>
        %dma_start3A_157 = tpu.memref_squeeze %dma_start3A_156 : memref<1x128xi32, #tpu.memory_space<vmem>> -> memref<128xi32, #tpu.memory_space<vmem>>
        %dma_start3A_158 = arith.constant 0 : i32
        %dma_start3A_159 = arith.constant 0 : i32
        %dma_start3A_160 = tpu.memref_slice %arg11[%dma_start3A_158, %dma_start3A_159] : memref<10240x128xf32, #tpu.memory_space<vmem_shared>> -> memref<10240x128xf32, #tpu.memory_space<vmem_shared>>
        tpu.enqueue_indirect_dma source(%arg10 : memref<128x128xf32, #tpu.memory_space<vmem>>) target(%dma_start3A_160 : memref<10240x128xf32, #tpu.memory_space<vmem_shared>>) offsets(%dma_start3A_157 : memref<128xi32, #tpu.memory_space<vmem>>) semaphore(%run_scoped3A : memref<!tpu.dma_semaphore, #tpu.memory_space<semaphore_mem>>) {add = true}
        %dma_wait3A_161 = arith.constant 0 : i32
        %dma_wait3A_162 = tpu.memref_slice %arg8[%add3A_134, %dma_wait3A_161] : memref<40x128xi32, #tpu.memory_space<vmem>> -> memref<1x128xi32, #tpu.memory_space<vmem>>
        %dma_wait3A_163 = tpu.memref_squeeze %dma_wait3A_162 : memref<1x128xi32, #tpu.memory_space<vmem>> -> memref<128xi32, #tpu.memory_space<vmem>>
        %dma_wait3A_164 = arith.constant 0 : i32
        %dma_wait3A_165 = arith.constant 0 : i32
        %dma_wait3A_166 = tpu.memref_slice %arg11[%dma_wait3A_164, %dma_wait3A_165] : memref<10240x128xf32, #tpu.memory_space<vmem_shared>> -> memref<10240x128xf32, #tpu.memory_space<vmem_shared>>
        tpu.wait_indirect_dma semaphore(%run_scoped3A : memref<!tpu.dma_semaphore, #tpu.memory_space<semaphore_mem>>) src(%arg10 : memref<128x128xf32, #tpu.memory_space<vmem>>) dst(%dma_wait3A_166 : memref<10240x128xf32, #tpu.memory_space<vmem_shared>>)
        tpu.yield
      }) : () -> ()
    }
    %scan3A_48 = arith.constant 20 : i32
    %dma_wait3A = arith.constant 0 : i32
    %dma_wait3A_49 = arith.constant 0 : i32
    %dma_wait3A_50 = tpu.memref_slice %arg7[%dma_wait3A, %dma_wait3A_49] : memref<40x128xi32, #tpu.memory_space<vmem>> -> memref<1x128xi32, #tpu.memory_space<vmem>>
    %dma_wait3A_51 = tpu.memref_squeeze %dma_wait3A_50 : memref<1x128xi32, #tpu.memory_space<vmem>> -> memref<128xi32, #tpu.memory_space<vmem>>
    %dma_wait3A_52 = arith.constant 0 : i32
    %dma_wait3A_53 = arith.constant 0 : i32
    %dma_wait3A_54 = tpu.memref_slice %arg2[%dma_wait3A_52, %dma_wait3A_53] : memref<10000x128xf32, #tpu.memory_space<hbm>> -> memref<10000x128xf32, #tpu.memory_space<hbm>>
    tpu.wait_indirect_dma semaphore(%arg12 : memref<!tpu.dma_semaphore, #tpu.memory_space<semaphore_mem>>) src(%dma_wait3A_54 : memref<10000x128xf32, #tpu.memory_space<hbm>>) dst(%arg9 : memref<128x128xf32, #tpu.memory_space<vmem>>)
    %add3A_55 = arith.constant 40 : i32
    %add3A_56 = arith.addi %mul3A_4, %add3A_55 : i32
    "tpu.region"() ({
      %run_scoped3A = tpu.sem_alloc : memref<!tpu.dma_semaphore, #tpu.memory_space<semaphore_mem>>
      %dma_start3A_109 = arith.constant 0 : i32
      %dma_start3A_110 = tpu.memref_slice %arg4[%add3A_56, %dma_start3A_109] : memref<2560x128xi32, #tpu.memory_space<hbm>> -> memref<40x128xi32, #tpu.memory_space<hbm>>
      %dma_start3A_111 = arith.constant 0 : i32
      %dma_start3A_112 = tpu.memref_slice %arg4[%add3A_56, %dma_start3A_111] : memref<2560x128xi32, #tpu.memory_space<hbm>> -> memref<40x128xi32, #tpu.memory_space<hbm>>
      tpu.enqueue_dma source(%dma_start3A_112 : memref<40x128xi32, #tpu.memory_space<hbm>>) target(%arg8 : memref<40x128xi32, #tpu.memory_space<vmem>>) target_semaphore(%run_scoped3A : memref<!tpu.dma_semaphore, #tpu.memory_space<semaphore_mem>>)
      %dma_wait3A_113 = arith.constant 0 : i32
      %dma_wait3A_114 = tpu.memref_slice %arg4[%add3A_56, %dma_wait3A_113] : memref<2560x128xi32, #tpu.memory_space<hbm>> -> memref<40x128xi32, #tpu.memory_space<hbm>>
      %dma_wait3A_115 = arith.constant 0 : i32
      %dma_wait3A_116 = tpu.memref_slice %arg4[%add3A_56, %dma_wait3A_115] : memref<2560x128xi32, #tpu.memory_space<hbm>> -> memref<40x128xi32, #tpu.memory_space<hbm>>
      tpu.wait_dma2 semaphore(%run_scoped3A : memref<!tpu.dma_semaphore, #tpu.memory_space<semaphore_mem>>) src(%dma_wait3A_116 : memref<40x128xi32, #tpu.memory_space<hbm>>) dst(%arg8 : memref<40x128xi32, #tpu.memory_space<vmem>>)
      tpu.yield
    }) : () -> ()
    %add3A_57 = arith.constant 40 : i32
    %add3A_58 = arith.addi %mul3A_4, %add3A_57 : i32
    "tpu.region"() ({
      %run_scoped3A = tpu.sem_alloc : memref<!tpu.dma_semaphore, #tpu.memory_space<semaphore_mem>>
      %dma_start3A_109 = arith.constant 0 : i32
      %dma_start3A_110 = tpu.memref_slice %arg3[%add3A_58, %dma_start3A_109] : memref<2560x128xi32, #tpu.memory_space<hbm>> -> memref<40x128xi32, #tpu.memory_space<hbm>>
      %dma_start3A_111 = arith.constant 0 : i32
      %dma_start3A_112 = tpu.memref_slice %arg3[%add3A_58, %dma_start3A_111] : memref<2560x128xi32, #tpu.memory_space<hbm>> -> memref<40x128xi32, #tpu.memory_space<hbm>>
      tpu.enqueue_dma source(%dma_start3A_112 : memref<40x128xi32, #tpu.memory_space<hbm>>) target(%arg7 : memref<40x128xi32, #tpu.memory_space<vmem>>) target_semaphore(%run_scoped3A : memref<!tpu.dma_semaphore, #tpu.memory_space<semaphore_mem>>)
      %dma_wait3A_113 = arith.constant 0 : i32
      %dma_wait3A_114 = tpu.memref_slice %arg3[%add3A_58, %dma_wait3A_113] : memref<2560x128xi32, #tpu.memory_space<hbm>> -> memref<40x128xi32, #tpu.memory_space<hbm>>
      %dma_wait3A_115 = arith.constant 0 : i32
      %dma_wait3A_116 = tpu.memref_slice %arg3[%add3A_58, %dma_wait3A_115] : memref<2560x128xi32, #tpu.memory_space<hbm>> -> memref<40x128xi32, #tpu.memory_space<hbm>>
      tpu.wait_dma2 semaphore(%run_scoped3A : memref<!tpu.dma_semaphore, #tpu.memory_space<semaphore_mem>>) src(%dma_wait3A_116 : memref<40x128xi32, #tpu.memory_space<hbm>>) dst(%arg7 : memref<40x128xi32, #tpu.memory_space<vmem>>)
      tpu.yield
    }) : () -> ()
    %dma_start3A_59 = arith.constant 0 : i32
    %dma_start3A_60 = arith.constant 0 : i32
    %dma_start3A_61 = tpu.memref_slice %arg7[%dma_start3A_59, %dma_start3A_60] : memref<40x128xi32, #tpu.memory_space<vmem>> -> memref<1x128xi32, #tpu.memory_space<vmem>>
    %dma_start3A_62 = tpu.memref_squeeze %dma_start3A_61 : memref<1x128xi32, #tpu.memory_space<vmem>> -> memref<128xi32, #tpu.memory_space<vmem>>
    %dma_start3A_63 = arith.constant 0 : i32
    %dma_start3A_64 = arith.constant 0 : i32
    %dma_start3A_65 = tpu.memref_slice %arg2[%dma_start3A_63, %dma_start3A_64] : memref<10000x128xf32, #tpu.memory_space<hbm>> -> memref<10000x128xf32, #tpu.memory_space<hbm>>
    tpu.enqueue_indirect_dma source(%dma_start3A_65 : memref<10000x128xf32, #tpu.memory_space<hbm>>) target(%arg9 : memref<128x128xf32, #tpu.memory_space<vmem>>) offsets(%dma_start3A_62 : memref<128xi32, #tpu.memory_space<vmem>>) semaphore(%arg12 : memref<!tpu.dma_semaphore, #tpu.memory_space<semaphore_mem>>)
    %scan3A_66 = arith.constant 0 : i32
    %scan3A_67 = arith.constant 20 : i32
    %scan3A_68 = arith.addi %scan3A_66, %scan3A_67 : i32
    %scan3A_69 = arith.constant 1 : i32
    scf.for %scan3A_109 = %scan3A_66 to %scan3A_68 step %scan3A_69  : i32 {
      %mul3A_110 = arith.constant 2 : i32
      %mul3A_111 = arith.muli %scan3A_109, %mul3A_110 : i32
      %add3A_112 = arith.constant 0 : i32
      %add3A_113 = arith.addi %add3A_112, %mul3A_111 : i32
      %add3A_114 = arith.constant 0 : i32
      %add3A_115 = arith.addi %add3A_113, %add3A_114 : i32
      %add3A_116 = arith.constant 1 : i32
      %add3A_117 = arith.addi %add3A_115, %add3A_116 : i32
      %eq3A = arith.constant 40 : i32
      %eq3A_118 = arith.cmpi eq, %add3A_117, %eq3A : i32
      %add3A_119 = arith.constant 1 : i32
      %add3A_120 = arith.addi %add3A_115, %add3A_119 : i32
      %jit3A = arith.constant 0 : i32
      %select_n3A = arith.select %eq3A_118, %jit3A, %add3A_120 : i32
      %dma_wait3A_121 = arith.constant 0 : i32
      %dma_wait3A_122 = tpu.memref_slice %arg7[%add3A_115, %dma_wait3A_121] : memref<40x128xi32, #tpu.memory_space<vmem>> -> memref<1x128xi32, #tpu.memory_space<vmem>>
      %dma_wait3A_123 = tpu.memref_squeeze %dma_wait3A_122 : memref<1x128xi32, #tpu.memory_space<vmem>> -> memref<128xi32, #tpu.memory_space<vmem>>
      %dma_wait3A_124 = arith.constant 0 : i32
      %dma_wait3A_125 = arith.constant 0 : i32
      %dma_wait3A_126 = tpu.memref_slice %arg2[%dma_wait3A_124, %dma_wait3A_125] : memref<10000x128xf32, #tpu.memory_space<hbm>> -> memref<10000x128xf32, #tpu.memory_space<hbm>>
      tpu.wait_indirect_dma semaphore(%arg12 : memref<!tpu.dma_semaphore, #tpu.memory_space<semaphore_mem>>) src(%dma_wait3A_126 : memref<10000x128xf32, #tpu.memory_space<hbm>>) dst(%arg9 : memref<128x128xf32, #tpu.memory_space<vmem>>)
      %dma_start3A_127 = arith.constant 0 : i32
      %dma_start3A_128 = tpu.memref_slice %arg7[%select_n3A, %dma_start3A_127] : memref<40x128xi32, #tpu.memory_space<vmem>> -> memref<1x128xi32, #tpu.memory_space<vmem>>
      %dma_start3A_129 = tpu.memref_squeeze %dma_start3A_128 : memref<1x128xi32, #tpu.memory_space<vmem>> -> memref<128xi32, #tpu.memory_space<vmem>>
      %dma_start3A_130 = arith.constant 0 : i32
      %dma_start3A_131 = arith.constant 0 : i32
      %dma_start3A_132 = tpu.memref_slice %arg2[%dma_start3A_130, %dma_start3A_131] : memref<10000x128xf32, #tpu.memory_space<hbm>> -> memref<10000x128xf32, #tpu.memory_space<hbm>>
      tpu.enqueue_indirect_dma source(%dma_start3A_132 : memref<10000x128xf32, #tpu.memory_space<hbm>>) target(%arg10 : memref<128x128xf32, #tpu.memory_space<vmem>>) offsets(%dma_start3A_129 : memref<128xi32, #tpu.memory_space<vmem>>) semaphore(%arg13 : memref<!tpu.dma_semaphore, #tpu.memory_space<semaphore_mem>>)
      "tpu.region"() ({
        %run_scoped3A = tpu.sem_alloc : memref<!tpu.dma_semaphore, #tpu.memory_space<semaphore_mem>>
        %dma_start3A_155 = arith.constant 0 : i32
        %dma_start3A_156 = tpu.memref_slice %arg8[%add3A_115, %dma_start3A_155] : memref<40x128xi32, #tpu.memory_space<vmem>> -> memref<1x128xi32, #tpu.memory_space<vmem>>
        %dma_start3A_157 = tpu.memref_squeeze %dma_start3A_156 : memref<1x128xi32, #tpu.memory_space<vmem>> -> memref<128xi32, #tpu.memory_space<vmem>>
        %dma_start3A_158 = arith.constant 0 : i32
        %dma_start3A_159 = arith.constant 0 : i32
        %dma_start3A_160 = tpu.memref_slice %arg11[%dma_start3A_158, %dma_start3A_159] : memref<10240x128xf32, #tpu.memory_space<vmem_shared>> -> memref<10240x128xf32, #tpu.memory_space<vmem_shared>>
        tpu.enqueue_indirect_dma source(%arg9 : memref<128x128xf32, #tpu.memory_space<vmem>>) target(%dma_start3A_160 : memref<10240x128xf32, #tpu.memory_space<vmem_shared>>) offsets(%dma_start3A_157 : memref<128xi32, #tpu.memory_space<vmem>>) semaphore(%run_scoped3A : memref<!tpu.dma_semaphore, #tpu.memory_space<semaphore_mem>>) {add = true}
        %dma_wait3A_161 = arith.constant 0 : i32
        %dma_wait3A_162 = tpu.memref_slice %arg8[%add3A_115, %dma_wait3A_161] : memref<40x128xi32, #tpu.memory_space<vmem>> -> memref<1x128xi32, #tpu.memory_space<vmem>>
        %dma_wait3A_163 = tpu.memref_squeeze %dma_wait3A_162 : memref<1x128xi32, #tpu.memory_space<vmem>> -> memref<128xi32, #tpu.memory_space<vmem>>
        %dma_wait3A_164 = arith.constant 0 : i32
        %dma_wait3A_165 = arith.constant 0 : i32
        %dma_wait3A_166 = tpu.memref_slice %arg11[%dma_wait3A_164, %dma_wait3A_165] : memref<10240x128xf32, #tpu.memory_space<vmem_shared>> -> memref<10240x128xf32, #tpu.memory_space<vmem_shared>>
        tpu.wait_indirect_dma semaphore(%run_scoped3A : memref<!tpu.dma_semaphore, #tpu.memory_space<semaphore_mem>>) src(%arg9 : memref<128x128xf32, #tpu.memory_space<vmem>>) dst(%dma_wait3A_166 : memref<10240x128xf32, #tpu.memory_space<vmem_shared>>)
        tpu.yield
      }) : () -> ()
      %add3A_133 = arith.constant 1 : i32
      %add3A_134 = arith.addi %add3A_113, %add3A_133 : i32
      %add3A_135 = arith.constant 1 : i32
      %add3A_136 = arith.addi %add3A_134, %add3A_135 : i32
      %eq3A_137 = arith.constant 40 : i32
      %eq3A_138 = arith.cmpi eq, %add3A_136, %eq3A_137 : i32
      %add3A_139 = arith.constant 1 : i32
      %add3A_140 = arith.addi %add3A_134, %add3A_139 : i32
      %jit3A_141 = arith.constant 0 : i32
      %select_n3A_142 = arith.select %eq3A_138, %jit3A_141, %add3A_140 : i32
      %dma_wait3A_143 = arith.constant 0 : i32
      %dma_wait3A_144 = tpu.memref_slice %arg7[%add3A_134, %dma_wait3A_143] : memref<40x128xi32, #tpu.memory_space<vmem>> -> memref<1x128xi32, #tpu.memory_space<vmem>>
      %dma_wait3A_145 = tpu.memref_squeeze %dma_wait3A_144 : memref<1x128xi32, #tpu.memory_space<vmem>> -> memref<128xi32, #tpu.memory_space<vmem>>
      %dma_wait3A_146 = arith.constant 0 : i32
      %dma_wait3A_147 = arith.constant 0 : i32
      %dma_wait3A_148 = tpu.memref_slice %arg2[%dma_wait3A_146, %dma_wait3A_147] : memref<10000x128xf32, #tpu.memory_space<hbm>> -> memref<10000x128xf32, #tpu.memory_space<hbm>>
      tpu.wait_indirect_dma semaphore(%arg13 : memref<!tpu.dma_semaphore, #tpu.memory_space<semaphore_mem>>) src(%dma_wait3A_148 : memref<10000x128xf32, #tpu.memory_space<hbm>>) dst(%arg10 : memref<128x128xf32, #tpu.memory_space<vmem>>)
      %dma_start3A_149 = arith.constant 0 : i32
      %dma_start3A_150 = tpu.memref_slice %arg7[%select_n3A_142, %dma_start3A_149] : memref<40x128xi32, #tpu.memory_space<vmem>> -> memref<1x128xi32, #tpu.memory_space<vmem>>
      %dma_start3A_151 = tpu.memref_squeeze %dma_start3A_150 : memref<1x128xi32, #tpu.memory_space<vmem>> -> memref<128xi32, #tpu.memory_space<vmem>>
      %dma_start3A_152 = arith.constant 0 : i32
      %dma_start3A_153 = arith.constant 0 : i32
      %dma_start3A_154 = tpu.memref_slice %arg2[%dma_start3A_152, %dma_start3A_153] : memref<10000x128xf32, #tpu.memory_space<hbm>> -> memref<10000x128xf32, #tpu.memory_space<hbm>>
      tpu.enqueue_indirect_dma source(%dma_start3A_154 : memref<10000x128xf32, #tpu.memory_space<hbm>>) target(%arg9 : memref<128x128xf32, #tpu.memory_space<vmem>>) offsets(%dma_start3A_151 : memref<128xi32, #tpu.memory_space<vmem>>) semaphore(%arg12 : memref<!tpu.dma_semaphore, #tpu.memory_space<semaphore_mem>>)
      "tpu.region"() ({
        %run_scoped3A = tpu.sem_alloc : memref<!tpu.dma_semaphore, #tpu.memory_space<semaphore_mem>>
        %dma_start3A_155 = arith.constant 0 : i32
        %dma_start3A_156 = tpu.memref_slice %arg8[%add3A_134, %dma_start3A_155] : memref<40x128xi32, #tpu.memory_space<vmem>> -> memref<1x128xi32, #tpu.memory_space<vmem>>
        %dma_start3A_157 = tpu.memref_squeeze %dma_start3A_156 : memref<1x128xi32, #tpu.memory_space<vmem>> -> memref<128xi32, #tpu.memory_space<vmem>>
        %dma_start3A_158 = arith.constant 0 : i32
        %dma_start3A_159 = arith.constant 0 : i32
        %dma_start3A_160 = tpu.memref_slice %arg11[%dma_start3A_158, %dma_start3A_159] : memref<10240x128xf32, #tpu.memory_space<vmem_shared>> -> memref<10240x128xf32, #tpu.memory_space<vmem_shared>>
        tpu.enqueue_indirect_dma source(%arg10 : memref<128x128xf32, #tpu.memory_space<vmem>>) target(%dma_start3A_160 : memref<10240x128xf32, #tpu.memory_space<vmem_shared>>) offsets(%dma_start3A_157 : memref<128xi32, #tpu.memory_space<vmem>>) semaphore(%run_scoped3A : memref<!tpu.dma_semaphore, #tpu.memory_space<semaphore_mem>>) {add = true}
        %dma_wait3A_161 = arith.constant 0 : i32
        %dma_wait3A_162 = tpu.memref_slice %arg8[%add3A_134, %dma_wait3A_161] : memref<40x128xi32, #tpu.memory_space<vmem>> -> memref<1x128xi32, #tpu.memory_space<vmem>>
        %dma_wait3A_163 = tpu.memref_squeeze %dma_wait3A_162 : memref<1x128xi32, #tpu.memory_space<vmem>> -> memref<128xi32, #tpu.memory_space<vmem>>
        %dma_wait3A_164 = arith.constant 0 : i32
        %dma_wait3A_165 = arith.constant 0 : i32
        %dma_wait3A_166 = tpu.memref_slice %arg11[%dma_wait3A_164, %dma_wait3A_165] : memref<10240x128xf32, #tpu.memory_space<vmem_shared>> -> memref<10240x128xf32, #tpu.memory_space<vmem_shared>>
        tpu.wait_indirect_dma semaphore(%run_scoped3A : memref<!tpu.dma_semaphore, #tpu.memory_space<semaphore_mem>>) src(%arg10 : memref<128x128xf32, #tpu.memory_space<vmem>>) dst(%dma_wait3A_166 : memref<10240x128xf32, #tpu.memory_space<vmem_shared>>)
        tpu.yield
      }) : () -> ()
    }
    %scan3A_70 = arith.constant 20 : i32
    %dma_wait3A_71 = arith.constant 0 : i32
    %dma_wait3A_72 = arith.constant 0 : i32
    %dma_wait3A_73 = tpu.memref_slice %arg7[%dma_wait3A_71, %dma_wait3A_72] : memref<40x128xi32, #tpu.memory_space<vmem>> -> memref<1x128xi32, #tpu.memory_space<vmem>>
    %dma_wait3A_74 = tpu.memref_squeeze %dma_wait3A_73 : memref<1x128xi32, #tpu.memory_space<vmem>> -> memref<128xi32, #tpu.memory_space<vmem>>
    %dma_wait3A_75 = arith.constant 0 : i32
    %dma_wait3A_76 = arith.constant 0 : i32
    %dma_wait3A_77 = tpu.memref_slice %arg2[%dma_wait3A_75, %dma_wait3A_76] : memref<10000x128xf32, #tpu.memory_space<hbm>> -> memref<10000x128xf32, #tpu.memory_space<hbm>>
    tpu.wait_indirect_dma semaphore(%arg12 : memref<!tpu.dma_semaphore, #tpu.memory_space<semaphore_mem>>) src(%dma_wait3A_77 : memref<10000x128xf32, #tpu.memory_space<hbm>>) dst(%arg9 : memref<128x128xf32, #tpu.memory_space<vmem>>)
    %barrier3A_78 = arith.constant 0 : index
    tpu.barrier barrier_id(%barrier3A_78)
    %mul3A_79 = arith.constant 5 : i32
    %mul3A_80 = arith.muli %arg1, %mul3A_79 : i32
    %add3A_81 = arith.constant 0 : i32
    %add3A_82 = arith.addi %mul3A_80, %add3A_81 : i32
    %mul3A_83 = arith.constant 128 : i32
    %mul3A_84 = arith.muli %add3A_82, %mul3A_83 : i32
    "tpu.region"() ({
      %run_scoped3A = tpu.sem_alloc : memref<!tpu.dma_semaphore, #tpu.memory_space<semaphore_mem>>
      %dma_start3A_109 = arith.constant 0 : i32
      %dma_start3A_110 = tpu.memref_slice %arg11[%mul3A_84, %dma_start3A_109] : memref<10240x128xf32, #tpu.memory_space<vmem_shared>> -> memref<128x128xf32, #tpu.memory_space<vmem_shared>>
      %dma_start3A_111 = arith.constant 0 : i32
      %dma_start3A_112 = tpu.memref_slice %arg11[%mul3A_84, %dma_start3A_111] : memref<10240x128xf32, #tpu.memory_space<vmem_shared>> -> memref<128x128xf32, #tpu.memory_space<vmem_shared>>
      tpu.enqueue_dma source(%dma_start3A_112 : memref<128x128xf32, #tpu.memory_space<vmem_shared>>) target(%arg9 : memref<128x128xf32, #tpu.memory_space<vmem>>) target_semaphore(%run_scoped3A : memref<!tpu.dma_semaphore, #tpu.memory_space<semaphore_mem>>)
      %dma_wait3A_113 = arith.constant 0 : i32
      %dma_wait3A_114 = tpu.memref_slice %arg11[%mul3A_84, %dma_wait3A_113] : memref<10240x128xf32, #tpu.memory_space<vmem_shared>> -> memref<128x128xf32, #tpu.memory_space<vmem_shared>>
      %dma_wait3A_115 = arith.constant 0 : i32
      %dma_wait3A_116 = tpu.memref_slice %arg11[%mul3A_84, %dma_wait3A_115] : memref<10240x128xf32, #tpu.memory_space<vmem_shared>> -> memref<128x128xf32, #tpu.memory_space<vmem_shared>>
      tpu.wait_dma2 semaphore(%run_scoped3A : memref<!tpu.dma_semaphore, #tpu.memory_space<semaphore_mem>>) src(%dma_wait3A_116 : memref<128x128xf32, #tpu.memory_space<vmem_shared>>) dst(%arg9 : memref<128x128xf32, #tpu.memory_space<vmem>>)
      tpu.yield
    }) : () -> ()
    "tpu.region"() ({
      %run_scoped3A = tpu.sem_alloc : memref<!tpu.dma_semaphore, #tpu.memory_space<semaphore_mem>>
      %dma_start3A_109 = arith.constant 0 : i32
      %dma_start3A_110 = tpu.memref_slice %arg6[%arg0, %mul3A_84, %dma_start3A_109] : memref<2x10240x128xf32, #tpu.memory_space<hbm>> -> memref<1x128x128xf32, #tpu.memory_space<hbm>>
      %dma_start3A_111 = tpu.memref_squeeze %dma_start3A_110 : memref<1x128x128xf32, #tpu.memory_space<hbm>> -> memref<128x128xf32, #tpu.memory_space<hbm>>
      %dma_start3A_112 = arith.constant 0 : i32
      %dma_start3A_113 = tpu.memref_slice %arg6[%arg0, %mul3A_84, %dma_start3A_112] : memref<2x10240x128xf32, #tpu.memory_space<hbm>> -> memref<1x128x128xf32, #tpu.memory_space<hbm>>
      %dma_start3A_114 = tpu.memref_squeeze %dma_start3A_113 : memref<1x128x128xf32, #tpu.memory_space<hbm>> -> memref<128x128xf32, #tpu.memory_space<hbm>>
      tpu.enqueue_dma source(%arg9 : memref<128x128xf32, #tpu.memory_space<vmem>>) target(%dma_start3A_114 : memref<128x128xf32, #tpu.memory_space<hbm>>) target_semaphore(%run_scoped3A : memref<!tpu.dma_semaphore, #tpu.memory_space<semaphore_mem>>)
      %dma_wait3A_115 = arith.constant 0 : i32
      %dma_wait3A_116 = tpu.memref_slice %arg6[%arg0, %mul3A_84, %dma_wait3A_115] : memref<2x10240x128xf32, #tpu.memory_space<hbm>> -> memref<1x128x128xf32, #tpu.memory_space<hbm>>
      %dma_wait3A_117 = tpu.memref_squeeze %dma_wait3A_116 : memref<1x128x128xf32, #tpu.memory_space<hbm>> -> memref<128x128xf32, #tpu.memory_space<hbm>>
      %dma_wait3A_118 = arith.constant 0 : i32
      %dma_wait3A_119 = tpu.memref_slice %arg6[%arg0, %mul3A_84, %dma_wait3A_118] : memref<2x10240x128xf32, #tpu.memory_space<hbm>> -> memref<1x128x128xf32, #tpu.memory_space<hbm>>
      %dma_wait3A_120 = tpu.memref_squeeze %dma_wait3A_119 : memref<1x128x128xf32, #tpu.memory_space<hbm>> -> memref<128x128xf32, #tpu.memory_space<hbm>>
      tpu.wait_dma2 semaphore(%run_scoped3A : memref<!tpu.dma_semaphore, #tpu.memory_space<semaphore_mem>>) src(%arg9 : memref<128x128xf32, #tpu.memory_space<vmem>>) dst(%dma_wait3A_120 : memref<128x128xf32, #tpu.memory_space<hbm>>)
      tpu.yield
    }) : () -> ()
    %mul3A_85 = arith.constant 5 : i32
    %mul3A_86 = arith.muli %arg1, %mul3A_85 : i32
    %add3A_87 = arith.constant 1 : i32
    %add3A_88 = arith.addi %mul3A_86, %add3A_87 : i32
    %mul3A_89 = arith.constant 128 : i32
    %mul3A_90 = arith.muli %add3A_88, %mul3A_89 : i32
    "tpu.region"() ({
      %run_scoped3A = tpu.sem_alloc : memref<!tpu.dma_semaphore, #tpu.memory_space<semaphore_mem>>
      %dma_start3A_109 = arith.constant 0 : i32
      %dma_start3A_110 = tpu.memref_slice %arg11[%mul3A_90, %dma_start3A_109] : memref<10240x128xf32, #tpu.memory_space<vmem_shared>> -> memref<128x128xf32, #tpu.memory_space<vmem_shared>>
      %dma_start3A_111 = arith.constant 0 : i32
      %dma_start3A_112 = tpu.memref_slice %arg11[%mul3A_90, %dma_start3A_111] : memref<10240x128xf32, #tpu.memory_space<vmem_shared>> -> memref<128x128xf32, #tpu.memory_space<vmem_shared>>
      tpu.enqueue_dma source(%dma_start3A_112 : memref<128x128xf32, #tpu.memory_space<vmem_shared>>) target(%arg9 : memref<128x128xf32, #tpu.memory_space<vmem>>) target_semaphore(%run_scoped3A : memref<!tpu.dma_semaphore, #tpu.memory_space<semaphore_mem>>)
      %dma_wait3A_113 = arith.constant 0 : i32
      %dma_wait3A_114 = tpu.memref_slice %arg11[%mul3A_90, %dma_wait3A_113] : memref<10240x128xf32, #tpu.memory_space<vmem_shared>> -> memref<128x128xf32, #tpu.memory_space<vmem_shared>>
      %dma_wait3A_115 = arith.constant 0 : i32
      %dma_wait3A_116 = tpu.memref_slice %arg11[%mul3A_90, %dma_wait3A_115] : memref<10240x128xf32, #tpu.memory_space<vmem_shared>> -> memref<128x128xf32, #tpu.memory_space<vmem_shared>>
      tpu.wait_dma2 semaphore(%run_scoped3A : memref<!tpu.dma_semaphore, #tpu.memory_space<semaphore_mem>>) src(%dma_wait3A_116 : memref<128x128xf32, #tpu.memory_space<vmem_shared>>) dst(%arg9 : memref<128x128xf32, #tpu.memory_space<vmem>>)
      tpu.yield
    }) : () -> ()
    "tpu.region"() ({
      %run_scoped3A = tpu.sem_alloc : memref<!tpu.dma_semaphore, #tpu.memory_space<semaphore_mem>>
      %dma_start3A_109 = arith.constant 0 : i32
      %dma_start3A_110 = tpu.memref_slice %arg6[%arg0, %mul3A_90, %dma_start3A_109] : memref<2x10240x128xf32, #tpu.memory_space<hbm>> -> memref<1x128x128xf32, #tpu.memory_space<hbm>>
      %dma_start3A_111 = tpu.memref_squeeze %dma_start3A_110 : memref<1x128x128xf32, #tpu.memory_space<hbm>> -> memref<128x128xf32, #tpu.memory_space<hbm>>
      %dma_start3A_112 = arith.constant 0 : i32
      %dma_start3A_113 = tpu.memref_slice %arg6[%arg0, %mul3A_90, %dma_start3A_112] : memref<2x10240x128xf32, #tpu.memory_space<hbm>> -> memref<1x128x128xf32, #tpu.memory_space<hbm>>
      %dma_start3A_114 = tpu.memref_squeeze %dma_start3A_113 : memref<1x128x128xf32, #tpu.memory_space<hbm>> -> memref<128x128xf32, #tpu.memory_space<hbm>>
      tpu.enqueue_dma source(%arg9 : memref<128x128xf32, #tpu.memory_space<vmem>>) target(%dma_start3A_114 : memref<128x128xf32, #tpu.memory_space<hbm>>) target_semaphore(%run_scoped3A : memref<!tpu.dma_semaphore, #tpu.memory_space<semaphore_mem>>)
      %dma_wait3A_115 = arith.constant 0 : i32
      %dma_wait3A_116 = tpu.memref_slice %arg6[%arg0, %mul3A_90, %dma_wait3A_115] : memref<2x10240x128xf32, #tpu.memory_space<hbm>> -> memref<1x128x128xf32, #tpu.memory_space<hbm>>
      %dma_wait3A_117 = tpu.memref_squeeze %dma_wait3A_116 : memref<1x128x128xf32, #tpu.memory_space<hbm>> -> memref<128x128xf32, #tpu.memory_space<hbm>>
      %dma_wait3A_118 = arith.constant 0 : i32
      %dma_wait3A_119 = tpu.memref_slice %arg6[%arg0, %mul3A_90, %dma_wait3A_118] : memref<2x10240x128xf32, #tpu.memory_space<hbm>> -> memref<1x128x128xf32, #tpu.memory_space<hbm>>
      %dma_wait3A_120 = tpu.memref_squeeze %dma_wait3A_119 : memref<1x128x128xf32, #tpu.memory_space<hbm>> -> memref<128x128xf32, #tpu.memory_space<hbm>>
      tpu.wait_dma2 semaphore(%run_scoped3A : memref<!tpu.dma_semaphore, #tpu.memory_space<semaphore_mem>>) src(%arg9 : memref<128x128xf32, #tpu.memory_space<vmem>>) dst(%dma_wait3A_120 : memref<128x128xf32, #tpu.memory_space<hbm>>)
      tpu.yield
    }) : () -> ()
    %mul3A_91 = arith.constant 5 : i32
    %mul3A_92 = arith.muli %arg1, %mul3A_91 : i32
    %add3A_93 = arith.constant 2 : i32
    %add3A_94 = arith.addi %mul3A_92, %add3A_93 : i32
    %mul3A_95 = arith.constant 128 : i32
    %mul3A_96 = arith.muli %add3A_94, %mul3A_95 : i32
    "tpu.region"() ({
      %run_scoped3A = tpu.sem_alloc : memref<!tpu.dma_semaphore, #tpu.memory_space<semaphore_mem>>
      %dma_start3A_109 = arith.constant 0 : i32
      %dma_start3A_110 = tpu.memref_slice %arg11[%mul3A_96, %dma_start3A_109] : memref<10240x128xf32, #tpu.memory_space<vmem_shared>> -> memref<128x128xf32, #tpu.memory_space<vmem_shared>>
      %dma_start3A_111 = arith.constant 0 : i32
      %dma_start3A_112 = tpu.memref_slice %arg11[%mul3A_96, %dma_start3A_111] : memref<10240x128xf32, #tpu.memory_space<vmem_shared>> -> memref<128x128xf32, #tpu.memory_space<vmem_shared>>
      tpu.enqueue_dma source(%dma_start3A_112 : memref<128x128xf32, #tpu.memory_space<vmem_shared>>) target(%arg9 : memref<128x128xf32, #tpu.memory_space<vmem>>) target_semaphore(%run_scoped3A : memref<!tpu.dma_semaphore, #tpu.memory_space<semaphore_mem>>)
      %dma_wait3A_113 = arith.constant 0 : i32
      %dma_wait3A_114 = tpu.memref_slice %arg11[%mul3A_96, %dma_wait3A_113] : memref<10240x128xf32, #tpu.memory_space<vmem_shared>> -> memref<128x128xf32, #tpu.memory_space<vmem_shared>>
      %dma_wait3A_115 = arith.constant 0 : i32
      %dma_wait3A_116 = tpu.memref_slice %arg11[%mul3A_96, %dma_wait3A_115] : memref<10240x128xf32, #tpu.memory_space<vmem_shared>> -> memref<128x128xf32, #tpu.memory_space<vmem_shared>>
      tpu.wait_dma2 semaphore(%run_scoped3A : memref<!tpu.dma_semaphore, #tpu.memory_space<semaphore_mem>>) src(%dma_wait3A_116 : memref<128x128xf32, #tpu.memory_space<vmem_shared>>) dst(%arg9 : memref<128x128xf32, #tpu.memory_space<vmem>>)
      tpu.yield
    }) : () -> ()
    "tpu.region"() ({
      %run_scoped3A = tpu.sem_alloc : memref<!tpu.dma_semaphore, #tpu.memory_space<semaphore_mem>>
      %dma_start3A_109 = arith.constant 0 : i32
      %dma_start3A_110 = tpu.memref_slice %arg6[%arg0, %mul3A_96, %dma_start3A_109] : memref<2x10240x128xf32, #tpu.memory_space<hbm>> -> memref<1x128x128xf32, #tpu.memory_space<hbm>>
      %dma_start3A_111 = tpu.memref_squeeze %dma_start3A_110 : memref<1x128x128xf32, #tpu.memory_space<hbm>> -> memref<128x128xf32, #tpu.memory_space<hbm>>
      %dma_start3A_112 = arith.constant 0 : i32
      %dma_start3A_113 = tpu.memref_slice %arg6[%arg0, %mul3A_96, %dma_start3A_112] : memref<2x10240x128xf32, #tpu.memory_space<hbm>> -> memref<1x128x128xf32, #tpu.memory_space<hbm>>
      %dma_start3A_114 = tpu.memref_squeeze %dma_start3A_113 : memref<1x128x128xf32, #tpu.memory_space<hbm>> -> memref<128x128xf32, #tpu.memory_space<hbm>>
      tpu.enqueue_dma source(%arg9 : memref<128x128xf32, #tpu.memory_space<vmem>>) target(%dma_start3A_114 : memref<128x128xf32, #tpu.memory_space<hbm>>) target_semaphore(%run_scoped3A : memref<!tpu.dma_semaphore, #tpu.memory_space<semaphore_mem>>)
      %dma_wait3A_115 = arith.constant 0 : i32
      %dma_wait3A_116 = tpu.memref_slice %arg6[%arg0, %mul3A_96, %dma_wait3A_115] : memref<2x10240x128xf32, #tpu.memory_space<hbm>> -> memref<1x128x128xf32, #tpu.memory_space<hbm>>
      %dma_wait3A_117 = tpu.memref_squeeze %dma_wait3A_116 : memref<1x128x128xf32, #tpu.memory_space<hbm>> -> memref<128x128xf32, #tpu.memory_space<hbm>>
      %dma_wait3A_118 = arith.constant 0 : i32
      %dma_wait3A_119 = tpu.memref_slice %arg6[%arg0, %mul3A_96, %dma_wait3A_118] : memref<2x10240x128xf32, #tpu.memory_space<hbm>> -> memref<1x128x128xf32, #tpu.memory_space<hbm>>
      %dma_wait3A_120 = tpu.memref_squeeze %dma_wait3A_119 : memref<1x128x128xf32, #tpu.memory_space<hbm>> -> memref<128x128xf32, #tpu.memory_space<hbm>>
      tpu.wait_dma2 semaphore(%run_scoped3A : memref<!tpu.dma_semaphore, #tpu.memory_space<semaphore_mem>>) src(%arg9 : memref<128x128xf32, #tpu.memory_space<vmem>>) dst(%dma_wait3A_120 : memref<128x128xf32, #tpu.memory_space<hbm>>)
      tpu.yield
    }) : () -> ()
    %mul3A_97 = arith.constant 5 : i32
    %mul3A_98 = arith.muli %arg1, %mul3A_97 : i32
    %add3A_99 = arith.constant 3 : i32
    %add3A_100 = arith.addi %mul3A_98, %add3A_99 : i32
    %mul3A_101 = arith.constant 128 : i32
    %mul3A_102 = arith.muli %add3A_100, %mul3A_101 : i32
    "tpu.region"() ({
      %run_scoped3A = tpu.sem_alloc : memref<!tpu.dma_semaphore, #tpu.memory_space<semaphore_mem>>
      %dma_start3A_109 = arith.constant 0 : i32
      %dma_start3A_110 = tpu.memref_slice %arg11[%mul3A_102, %dma_start3A_109] : memref<10240x128xf32, #tpu.memory_space<vmem_shared>> -> memref<128x128xf32, #tpu.memory_space<vmem_shared>>
      %dma_start3A_111 = arith.constant 0 : i32
      %dma_start3A_112 = tpu.memref_slice %arg11[%mul3A_102, %dma_start3A_111] : memref<10240x128xf32, #tpu.memory_space<vmem_shared>> -> memref<128x128xf32, #tpu.memory_space<vmem_shared>>
      tpu.enqueue_dma source(%dma_start3A_112 : memref<128x128xf32, #tpu.memory_space<vmem_shared>>) target(%arg9 : memref<128x128xf32, #tpu.memory_space<vmem>>) target_semaphore(%run_scoped3A : memref<!tpu.dma_semaphore, #tpu.memory_space<semaphore_mem>>)
      %dma_wait3A_113 = arith.constant 0 : i32
      %dma_wait3A_114 = tpu.memref_slice %arg11[%mul3A_102, %dma_wait3A_113] : memref<10240x128xf32, #tpu.memory_space<vmem_shared>> -> memref<128x128xf32, #tpu.memory_space<vmem_shared>>
      %dma_wait3A_115 = arith.constant 0 : i32
      %dma_wait3A_116 = tpu.memref_slice %arg11[%mul3A_102, %dma_wait3A_115] : memref<10240x128xf32, #tpu.memory_space<vmem_shared>> -> memref<128x128xf32, #tpu.memory_space<vmem_shared>>
      tpu.wait_dma2 semaphore(%run_scoped3A : memref<!tpu.dma_semaphore, #tpu.memory_space<semaphore_mem>>) src(%dma_wait3A_116 : memref<128x128xf32, #tpu.memory_space<vmem_shared>>) dst(%arg9 : memref<128x128xf32, #tpu.memory_space<vmem>>)
      tpu.yield
    }) : () -> ()
    "tpu.region"() ({
      %run_scoped3A = tpu.sem_alloc : memref<!tpu.dma_semaphore, #tpu.memory_space<semaphore_mem>>
      %dma_start3A_109 = arith.constant 0 : i32
      %dma_start3A_110 = tpu.memref_slice %arg6[%arg0, %mul3A_102, %dma_start3A_109] : memref<2x10240x128xf32, #tpu.memory_space<hbm>> -> memref<1x128x128xf32, #tpu.memory_space<hbm>>
      %dma_start3A_111 = tpu.memref_squeeze %dma_start3A_110 : memref<1x128x128xf32, #tpu.memory_space<hbm>> -> memref<128x128xf32, #tpu.memory_space<hbm>>
      %dma_start3A_112 = arith.constant 0 : i32
      %dma_start3A_113 = tpu.memref_slice %arg6[%arg0, %mul3A_102, %dma_start3A_112] : memref<2x10240x128xf32, #tpu.memory_space<hbm>> -> memref<1x128x128xf32, #tpu.memory_space<hbm>>
      %dma_start3A_114 = tpu.memref_squeeze %dma_start3A_113 : memref<1x128x128xf32, #tpu.memory_space<hbm>> -> memref<128x128xf32, #tpu.memory_space<hbm>>
      tpu.enqueue_dma source(%arg9 : memref<128x128xf32, #tpu.memory_space<vmem>>) target(%dma_start3A_114 : memref<128x128xf32, #tpu.memory_space<hbm>>) target_semaphore(%run_scoped3A : memref<!tpu.dma_semaphore, #tpu.memory_space<semaphore_mem>>)
      %dma_wait3A_115 = arith.constant 0 : i32
      %dma_wait3A_116 = tpu.memref_slice %arg6[%arg0, %mul3A_102, %dma_wait3A_115] : memref<2x10240x128xf32, #tpu.memory_space<hbm>> -> memref<1x128x128xf32, #tpu.memory_space<hbm>>
      %dma_wait3A_117 = tpu.memref_squeeze %dma_wait3A_116 : memref<1x128x128xf32, #tpu.memory_space<hbm>> -> memref<128x128xf32, #tpu.memory_space<hbm>>
      %dma_wait3A_118 = arith.constant 0 : i32
      %dma_wait3A_119 = tpu.memref_slice %arg6[%arg0, %mul3A_102, %dma_wait3A_118] : memref<2x10240x128xf32, #tpu.memory_space<hbm>> -> memref<1x128x128xf32, #tpu.memory_space<hbm>>
      %dma_wait3A_120 = tpu.memref_squeeze %dma_wait3A_119 : memref<1x128x128xf32, #tpu.memory_space<hbm>> -> memref<128x128xf32, #tpu.memory_space<hbm>>
      tpu.wait_dma2 semaphore(%run_scoped3A : memref<!tpu.dma_semaphore, #tpu.memory_space<semaphore_mem>>) src(%arg9 : memref<128x128xf32, #tpu.memory_space<vmem>>) dst(%dma_wait3A_120 : memref<128x128xf32, #tpu.memory_space<hbm>>)
      tpu.yield
    }) : () -> ()
    %mul3A_103 = arith.constant 5 : i32
    %mul3A_104 = arith.muli %arg1, %mul3A_103 : i32
    %add3A_105 = arith.constant 4 : i32
    %add3A_106 = arith.addi %mul3A_104, %add3A_105 : i32
    %mul3A_107 = arith.constant 128 : i32
    %mul3A_108 = arith.muli %add3A_106, %mul3A_107 : i32
    "tpu.region"() ({
      %run_scoped3A = tpu.sem_alloc : memref<!tpu.dma_semaphore, #tpu.memory_space<semaphore_mem>>
      %dma_start3A_109 = arith.constant 0 : i32
      %dma_start3A_110 = tpu.memref_slice %arg11[%mul3A_108, %dma_start3A_109] : memref<10240x128xf32, #tpu.memory_space<vmem_shared>> -> memref<128x128xf32, #tpu.memory_space<vmem_shared>>
      %dma_start3A_111 = arith.constant 0 : i32
      %dma_start3A_112 = tpu.memref_slice %arg11[%mul3A_108, %dma_start3A_111] : memref<10240x128xf32, #tpu.memory_space<vmem_shared>> -> memref<128x128xf32, #tpu.memory_space<vmem_shared>>
      tpu.enqueue_dma source(%dma_start3A_112 : memref<128x128xf32, #tpu.memory_space<vmem_shared>>) target(%arg9 : memref<128x128xf32, #tpu.memory_space<vmem>>) target_semaphore(%run_scoped3A : memref<!tpu.dma_semaphore, #tpu.memory_space<semaphore_mem>>)
      %dma_wait3A_113 = arith.constant 0 : i32
      %dma_wait3A_114 = tpu.memref_slice %arg11[%mul3A_108, %dma_wait3A_113] : memref<10240x128xf32, #tpu.memory_space<vmem_shared>> -> memref<128x128xf32, #tpu.memory_space<vmem_shared>>
      %dma_wait3A_115 = arith.constant 0 : i32
      %dma_wait3A_116 = tpu.memref_slice %arg11[%mul3A_108, %dma_wait3A_115] : memref<10240x128xf32, #tpu.memory_space<vmem_shared>> -> memref<128x128xf32, #tpu.memory_space<vmem_shared>>
      tpu.wait_dma2 semaphore(%run_scoped3A : memref<!tpu.dma_semaphore, #tpu.memory_space<semaphore_mem>>) src(%dma_wait3A_116 : memref<128x128xf32, #tpu.memory_space<vmem_shared>>) dst(%arg9 : memref<128x128xf32, #tpu.memory_space<vmem>>)
      tpu.yield
    }) : () -> ()
    "tpu.region"() ({
      %run_scoped3A = tpu.sem_alloc : memref<!tpu.dma_semaphore, #tpu.memory_space<semaphore_mem>>
      %dma_start3A_109 = arith.constant 0 : i32
      %dma_start3A_110 = tpu.memref_slice %arg6[%arg0, %mul3A_108, %dma_start3A_109] : memref<2x10240x128xf32, #tpu.memory_space<hbm>> -> memref<1x128x128xf32, #tpu.memory_space<hbm>>
      %dma_start3A_111 = tpu.memref_squeeze %dma_start3A_110 : memref<1x128x128xf32, #tpu.memory_space<hbm>> -> memref<128x128xf32, #tpu.memory_space<hbm>>
      %dma_start3A_112 = arith.constant 0 : i32
      %dma_start3A_113 = tpu.memref_slice %arg6[%arg0, %mul3A_108, %dma_start3A_112] : memref<2x10240x128xf32, #tpu.memory_space<hbm>> -> memref<1x128x128xf32, #tpu.memory_space<hbm>>
      %dma_start3A_114 = tpu.memref_squeeze %dma_start3A_113 : memref<1x128x128xf32, #tpu.memory_space<hbm>> -> memref<128x128xf32, #tpu.memory_space<hbm>>
      tpu.enqueue_dma source(%arg9 : memref<128x128xf32, #tpu.memory_space<vmem>>) target(%dma_start3A_114 : memref<128x128xf32, #tpu.memory_space<hbm>>) target_semaphore(%run_scoped3A : memref<!tpu.dma_semaphore, #tpu.memory_space<semaphore_mem>>)
      %dma_wait3A_115 = arith.constant 0 : i32
      %dma_wait3A_116 = tpu.memref_slice %arg6[%arg0, %mul3A_108, %dma_wait3A_115] : memref<2x10240x128xf32, #tpu.memory_space<hbm>> -> memref<1x128x128xf32, #tpu.memory_space<hbm>>
      %dma_wait3A_117 = tpu.memref_squeeze %dma_wait3A_116 : memref<1x128x128xf32, #tpu.memory_space<hbm>> -> memref<128x128xf32, #tpu.memory_space<hbm>>
      %dma_wait3A_118 = arith.constant 0 : i32
      %dma_wait3A_119 = tpu.memref_slice %arg6[%arg0, %mul3A_108, %dma_wait3A_118] : memref<2x10240x128xf32, #tpu.memory_space<hbm>> -> memref<1x128x128xf32, #tpu.memory_space<hbm>>
      %dma_wait3A_120 = tpu.memref_squeeze %dma_wait3A_119 : memref<1x128x128xf32, #tpu.memory_space<hbm>> -> memref<128x128xf32, #tpu.memory_space<hbm>>
      tpu.wait_dma2 semaphore(%run_scoped3A : memref<!tpu.dma_semaphore, #tpu.memory_space<semaphore_mem>>) src(%arg9 : memref<128x128xf32, #tpu.memory_space<vmem>>) dst(%dma_wait3A_120 : memref<128x128xf32, #tpu.memory_space<hbm>>)
      tpu.yield
    }) : () -> ()
    return
  }
}

#map = affine_map<(d0, d1) -> (0, 0)>
#map1 = affine_map<(d0, d1) -> (0, 0, 0)>
module attributes {stable_mosaic.version = 14 : i64} {
  func.func @kern(%arg0: i32, %arg1: i32, %arg2: memref<10000x128xf32, #tpu.memory_space<hbm>>, %arg3: memref<2560x128xi32, #tpu.memory_space<hbm>>, %arg4: memref<2560x128xi32, #tpu.memory_space<hbm>>, %arg5: memref<128x128xf32, #tpu.memory_space<hbm>>, %arg6: memref<2x10240x128xf32, #tpu.memory_space<hbm>>, %arg7: memref<40x128xi32, #tpu.memory_space<vmem>>, %arg8: memref<40x128xi32, #tpu.memory_space<vmem>>, %arg9: memref<128x128xf32, #tpu.memory_space<vmem>>, %arg10: memref<128x128xf32, #tpu.memory_space<vmem>>, %arg11: memref<10240x128xf32, #tpu.memory_space<vmem_shared>>, %arg12: memref<!tpu.dma_semaphore, #tpu.memory_space<semaphore_mem>>, %arg13: memref<!tpu.dma_semaphore, #tpu.memory_space<semaphore_mem>>) attributes {dimension_semantics = [#tpu.dimension_semantics<core_parallel>, #tpu.dimension_semantics<subcore_parallel>], iteration_bounds = array<i64: 2, 16>, scalar_prefetch = 0 : i64, scratch_operands = 7 : i64, tpu.core_type = #tpu.core_type<sc_vector_subcore>, window_params = [{transform_indices = #map}, {transform_indices = #map}, {transform_indices = #map}, {transform_indices = #map}, {transform_indices = #map1}]} {
    %mul3A = arith.constant 16 : i32
    %mul3A_0 = arith.muli %arg0, %mul3A : i32
    %add3A = arith.addi %mul3A_0, %arg1 : i32
    %mul3A_1 = arith.constant 2 : i32
    %mul3A_2 = arith.muli %add3A, %mul3A_1 : i32
    %mul3A_3 = arith.constant 40 : i32
    %mul3A_4 = arith.muli %mul3A_2, %mul3A_3 : i32
    "tpu.region"() ({
      %run_scoped3A = tpu.sem_alloc : memref<!tpu.dma_semaphore, #tpu.memory_space<semaphore_mem>>
      tpu.enqueue_dma source(%arg5 : memref<128x128xf32, #tpu.memory_space<hbm>>) target(%arg9 : memref<128x128xf32, #tpu.memory_space<vmem>>) target_semaphore(%run_scoped3A : memref<!tpu.dma_semaphore, #tpu.memory_space<semaphore_mem>>)
      tpu.wait_dma2 semaphore(%run_scoped3A : memref<!tpu.dma_semaphore, #tpu.memory_space<semaphore_mem>>) src(%arg5 : memref<128x128xf32, #tpu.memory_space<hbm>>) dst(%arg9 : memref<128x128xf32, #tpu.memory_space<vmem>>)
      tpu.yield
    }) : () -> ()
    %mul3A_5 = arith.constant 5 : i32
    %mul3A_6 = arith.muli %arg1, %mul3A_5 : i32
    %add3A_7 = arith.constant 0 : i32
    %add3A_8 = arith.addi %mul3A_6, %add3A_7 : i32
    %mul3A_9 = arith.constant 128 : i32
    %mul3A_10 = arith.muli %add3A_8, %mul3A_9 : i32
    "tpu.region"() ({
      %run_scoped3A = tpu.sem_alloc : memref<!tpu.dma_semaphore, #tpu.memory_space<semaphore_mem>>
      %dma_start3A_109 = arith.constant 0 : i32
      %dma_start3A_110 = tpu.memref_slice %arg11[%mul3A_10, %dma_start3A_109] : memref<10240x128xf32, #tpu.memory_space<vmem_shared>> -> memref<128x128xf32, #tpu.memory_space<vmem_shared>>
      %dma_start3A_111 = arith.constant 0 : i32
      %dma_start3A_112 = tpu.memref_slice %arg11[%mul3A_10, %dma_start3A_111] : memref<10240x128xf32, #tpu.memory_space<vmem_shared>> -> memref<128x128xf32, #tpu.memory_space<vmem_shared>>
      tpu.enqueue_dma source(%arg9 : memref<128x128xf32, #tpu.memory_space<vmem>>) target(%dma_start3A_112 : memref<128x128xf32, #tpu.memory_space<vmem_shared>>) target_semaphore(%run_scoped3A : memref<!tpu.dma_semaphore, #tpu.memory_space<semaphore_mem>>)
      %dma_wait3A_113 = arith.constant 0 : i32
      %dma_wait3A_114 = tpu.memref_slice %arg11[%mul3A_10, %dma_wait3A_113] : memref<10240x128xf32, #tpu.memory_space<vmem_shared>> -> memref<128x128xf32, #tpu.memory_space<vmem_shared>>
      %dma_wait3A_115 = arith.constant 0 : i32
      %dma_wait3A_116 = tpu.memref_slice %arg11[%mul3A_10, %dma_wait3A_115] : memref<10240x128xf32, #tpu.memory_space<vmem_shared>> -> memref<128x128xf32, #tpu.memory_space<vmem_shared>>
      tpu.wait_dma2 semaphore(%run_scoped3A : memref<!tpu.dma_semaphore, #tpu.memory_space<semaphore_mem>>) src(%arg9 : memref<128x128xf32, #tpu.memory_space<vmem>>) dst(%dma_wait3A_116 : memref<128x128xf32, #tpu.memory_space<vmem_shared>>)
      tpu.yield
    }) : () -> ()
    %mul3A_11 = arith.constant 5 : i32
    %mul3A_12 = arith.muli %arg1, %mul3A_11 : i32
    %add3A_13 = arith.constant 1 : i32
    %add3A_14 = arith.addi %mul3A_12, %add3A_13 : i32
    %mul3A_15 = arith.constant 128 : i32
    %mul3A_16 = arith.muli %add3A_14, %mul3A_15 : i32
    "tpu.region"() ({
      %run_scoped3A = tpu.sem_alloc : memref<!tpu.dma_semaphore, #tpu.memory_space<semaphore_mem>>
      %dma_start3A_109 = arith.constant 0 : i32
      %dma_start3A_110 = tpu.memref_slice %arg11[%mul3A_16, %dma_start3A_109] : memref<10240x128xf32, #tpu.memory_space<vmem_shared>> -> memref<128x128xf32, #tpu.memory_space<vmem_shared>>
      %dma_start3A_111 = arith.constant 0 : i32
      %dma_start3A_112 = tpu.memref_slice %arg11[%mul3A_16, %dma_start3A_111] : memref<10240x128xf32, #tpu.memory_space<vmem_shared>> -> memref<128x128xf32, #tpu.memory_space<vmem_shared>>
      tpu.enqueue_dma source(%arg9 : memref<128x128xf32, #tpu.memory_space<vmem>>) target(%dma_start3A_112 : memref<128x128xf32, #tpu.memory_space<vmem_shared>>) target_semaphore(%run_scoped3A : memref<!tpu.dma_semaphore, #tpu.memory_space<semaphore_mem>>)
      %dma_wait3A_113 = arith.constant 0 : i32
      %dma_wait3A_114 = tpu.memref_slice %arg11[%mul3A_16, %dma_wait3A_113] : memref<10240x128xf32, #tpu.memory_space<vmem_shared>> -> memref<128x128xf32, #tpu.memory_space<vmem_shared>>
      %dma_wait3A_115 = arith.constant 0 : i32
      %dma_wait3A_116 = tpu.memref_slice %arg11[%mul3A_16, %dma_wait3A_115] : memref<10240x128xf32, #tpu.memory_space<vmem_shared>> -> memref<128x128xf32, #tpu.memory_space<vmem_shared>>
      tpu.wait_dma2 semaphore(%run_scoped3A : memref<!tpu.dma_semaphore, #tpu.memory_space<semaphore_mem>>) src(%arg9 : memref<128x128xf32, #tpu.memory_space<vmem>>) dst(%dma_wait3A_116 : memref<128x128xf32, #tpu.memory_space<vmem_shared>>)
      tpu.yield
    }) : () -> ()
    %mul3A_17 = arith.constant 5 : i32
    %mul3A_18 = arith.muli %arg1, %mul3A_17 : i32
    %add3A_19 = arith.constant 2 : i32
    %add3A_20 = arith.addi %mul3A_18, %add3A_19 : i32
    %mul3A_21 = arith.constant 128 : i32
    %mul3A_22 = arith.muli %add3A_20, %mul3A_21 : i32
    "tpu.region"() ({
      %run_scoped3A = tpu.sem_alloc : memref<!tpu.dma_semaphore, #tpu.memory_space<semaphore_mem>>
      %dma_start3A_109 = arith.constant 0 : i32
      %dma_start3A_110 = tpu.memref_slice %arg11[%mul3A_22, %dma_start3A_109] : memref<10240x128xf32, #tpu.memory_space<vmem_shared>> -> memref<128x128xf32, #tpu.memory_space<vmem_shared>>
      %dma_start3A_111 = arith.constant 0 : i32
      %dma_start3A_112 = tpu.memref_slice %arg11[%mul3A_22, %dma_start3A_111] : memref<10240x128xf32, #tpu.memory_space<vmem_shared>> -> memref<128x128xf32, #tpu.memory_space<vmem_shared>>
      tpu.enqueue_dma source(%arg9 : memref<128x128xf32, #tpu.memory_space<vmem>>) target(%dma_start3A_112 : memref<128x128xf32, #tpu.memory_space<vmem_shared>>) target_semaphore(%run_scoped3A : memref<!tpu.dma_semaphore, #tpu.memory_space<semaphore_mem>>)
      %dma_wait3A_113 = arith.constant 0 : i32
      %dma_wait3A_114 = tpu.memref_slice %arg11[%mul3A_22, %dma_wait3A_113] : memref<10240x128xf32, #tpu.memory_space<vmem_shared>> -> memref<128x128xf32, #tpu.memory_space<vmem_shared>>
      %dma_wait3A_115 = arith.constant 0 : i32
      %dma_wait3A_116 = tpu.memref_slice %arg11[%mul3A_22, %dma_wait3A_115] : memref<10240x128xf32, #tpu.memory_space<vmem_shared>> -> memref<128x128xf32, #tpu.memory_space<vmem_shared>>
      tpu.wait_dma2 semaphore(%run_scoped3A : memref<!tpu.dma_semaphore, #tpu.memory_space<semaphore_mem>>) src(%arg9 : memref<128x128xf32, #tpu.memory_space<vmem>>) dst(%dma_wait3A_116 : memref<128x128xf32, #tpu.memory_space<vmem_shared>>)
      tpu.yield
    }) : () -> ()
    %mul3A_23 = arith.constant 5 : i32
    %mul3A_24 = arith.muli %arg1, %mul3A_23 : i32
    %add3A_25 = arith.constant 3 : i32
    %add3A_26 = arith.addi %mul3A_24, %add3A_25 : i32
    %mul3A_27 = arith.constant 128 : i32
    %mul3A_28 = arith.muli %add3A_26, %mul3A_27 : i32
    "tpu.region"() ({
      %run_scoped3A = tpu.sem_alloc : memref<!tpu.dma_semaphore, #tpu.memory_space<semaphore_mem>>
      %dma_start3A_109 = arith.constant 0 : i32
      %dma_start3A_110 = tpu.memref_slice %arg11[%mul3A_28, %dma_start3A_109] : memref<10240x128xf32, #tpu.memory_space<vmem_shared>> -> memref<128x128xf32, #tpu.memory_space<vmem_shared>>
      %dma_start3A_111 = arith.constant 0 : i32
      %dma_start3A_112 = tpu.memref_slice %arg11[%mul3A_28, %dma_start3A_111] : memref<10240x128xf32, #tpu.memory_space<vmem_shared>> -> memref<128x128xf32, #tpu.memory_space<vmem_shared>>
      tpu.enqueue_dma source(%arg9 : memref<128x128xf32, #tpu.memory_space<vmem>>) target(%dma_start3A_112 : memref<128x128xf32, #tpu.memory_space<vmem_shared>>) target_semaphore(%run_scoped3A : memref<!tpu.dma_semaphore, #tpu.memory_space<semaphore_mem>>)
      %dma_wait3A_113 = arith.constant 0 : i32
      %dma_wait3A_114 = tpu.memref_slice %arg11[%mul3A_28, %dma_wait3A_113] : memref<10240x128xf32, #tpu.memory_space<vmem_shared>> -> memref<128x128xf32, #tpu.memory_space<vmem_shared>>
      %dma_wait3A_115 = arith.constant 0 : i32
      %dma_wait3A_116 = tpu.memref_slice %arg11[%mul3A_28, %dma_wait3A_115] : memref<10240x128xf32, #tpu.memory_space<vmem_shared>> -> memref<128x128xf32, #tpu.memory_space<vmem_shared>>
      tpu.wait_dma2 semaphore(%run_scoped3A : memref<!tpu.dma_semaphore, #tpu.memory_space<semaphore_mem>>) src(%arg9 : memref<128x128xf32, #tpu.memory_space<vmem>>) dst(%dma_wait3A_116 : memref<128x128xf32, #tpu.memory_space<vmem_shared>>)
      tpu.yield
    }) : () -> ()
    %mul3A_29 = arith.constant 5 : i32
    %mul3A_30 = arith.muli %arg1, %mul3A_29 : i32
    %add3A_31 = arith.constant 4 : i32
    %add3A_32 = arith.addi %mul3A_30, %add3A_31 : i32
    %mul3A_33 = arith.constant 128 : i32
    %mul3A_34 = arith.muli %add3A_32, %mul3A_33 : i32
    "tpu.region"() ({
      %run_scoped3A = tpu.sem_alloc : memref<!tpu.dma_semaphore, #tpu.memory_space<semaphore_mem>>
      %dma_start3A_109 = arith.constant 0 : i32
      %dma_start3A_110 = tpu.memref_slice %arg11[%mul3A_34, %dma_start3A_109] : memref<10240x128xf32, #tpu.memory_space<vmem_shared>> -> memref<128x128xf32, #tpu.memory_space<vmem_shared>>
      %dma_start3A_111 = arith.constant 0 : i32
      %dma_start3A_112 = tpu.memref_slice %arg11[%mul3A_34, %dma_start3A_111] : memref<10240x128xf32, #tpu.memory_space<vmem_shared>> -> memref<128x128xf32, #tpu.memory_space<vmem_shared>>
      tpu.enqueue_dma source(%arg9 : memref<128x128xf32, #tpu.memory_space<vmem>>) target(%dma_start3A_112 : memref<128x128xf32, #tpu.memory_space<vmem_shared>>) target_semaphore(%run_scoped3A : memref<!tpu.dma_semaphore, #tpu.memory_space<semaphore_mem>>)
      %dma_wait3A_113 = arith.constant 0 : i32
      %dma_wait3A_114 = tpu.memref_slice %arg11[%mul3A_34, %dma_wait3A_113] : memref<10240x128xf32, #tpu.memory_space<vmem_shared>> -> memref<128x128xf32, #tpu.memory_space<vmem_shared>>
      %dma_wait3A_115 = arith.constant 0 : i32
      %dma_wait3A_116 = tpu.memref_slice %arg11[%mul3A_34, %dma_wait3A_115] : memref<10240x128xf32, #tpu.memory_space<vmem_shared>> -> memref<128x128xf32, #tpu.memory_space<vmem_shared>>
      tpu.wait_dma2 semaphore(%run_scoped3A : memref<!tpu.dma_semaphore, #tpu.memory_space<semaphore_mem>>) src(%arg9 : memref<128x128xf32, #tpu.memory_space<vmem>>) dst(%dma_wait3A_116 : memref<128x128xf32, #tpu.memory_space<vmem_shared>>)
      tpu.yield
    }) : () -> ()
    %barrier3A = arith.constant 0 : index
    tpu.barrier barrier_id(%barrier3A)
    %add3A_35 = arith.constant 0 : i32
    %add3A_36 = arith.addi %mul3A_4, %add3A_35 : i32
    "tpu.region"() ({
      %run_scoped3A = tpu.sem_alloc : memref<!tpu.dma_semaphore, #tpu.memory_space<semaphore_mem>>
      %dma_start3A_109 = arith.constant 0 : i32
      %dma_start3A_110 = tpu.memref_slice %arg4[%add3A_36, %dma_start3A_109] : memref<2560x128xi32, #tpu.memory_space<hbm>> -> memref<40x128xi32, #tpu.memory_space<hbm>>
      %dma_start3A_111 = arith.constant 0 : i32
      %dma_start3A_112 = tpu.memref_slice %arg4[%add3A_36, %dma_start3A_111] : memref<2560x128xi32, #tpu.memory_space<hbm>> -> memref<40x128xi32, #tpu.memory_space<hbm>>
      tpu.enqueue_dma source(%dma_start3A_112 : memref<40x128xi32, #tpu.memory_space<hbm>>) target(%arg8 : memref<40x128xi32, #tpu.memory_space<vmem>>) target_semaphore(%run_scoped3A : memref<!tpu.dma_semaphore, #tpu.memory_space<semaphore_mem>>)
      %dma_wait3A_113 = arith.constant 0 : i32
      %dma_wait3A_114 = tpu.memref_slice %arg4[%add3A_36, %dma_wait3A_113] : memref<2560x128xi32, #tpu.memory_space<hbm>> -> memref<40x128xi32, #tpu.memory_space<hbm>>
      %dma_wait3A_115 = arith.constant 0 : i32
      %dma_wait3A_116 = tpu.memref_slice %arg4[%add3A_36, %dma_wait3A_115] : memref<2560x128xi32, #tpu.memory_space<hbm>> -> memref<40x128xi32, #tpu.memory_space<hbm>>
      tpu.wait_dma2 semaphore(%run_scoped3A : memref<!tpu.dma_semaphore, #tpu.memory_space<semaphore_mem>>) src(%dma_wait3A_116 : memref<40x128xi32, #tpu.memory_space<hbm>>) dst(%arg8 : memref<40x128xi32, #tpu.memory_space<vmem>>)
      tpu.yield
    }) : () -> ()
    %add3A_37 = arith.constant 0 : i32
    %add3A_38 = arith.addi %mul3A_4, %add3A_37 : i32
    "tpu.region"() ({
      %run_scoped3A = tpu.sem_alloc : memref<!tpu.dma_semaphore, #tpu.memory_space<semaphore_mem>>
      %dma_start3A_109 = arith.constant 0 : i32
      %dma_start3A_110 = tpu.memref_slice %arg3[%add3A_38, %dma_start3A_109] : memref<2560x128xi32, #tpu.memory_space<hbm>> -> memref<40x128xi32, #tpu.memory_space<hbm>>
      %dma_start3A_111 = arith.constant 0 : i32
      %dma_start3A_112 = tpu.memref_slice %arg3[%add3A_38, %dma_start3A_111] : memref<2560x128xi32, #tpu.memory_space<hbm>> -> memref<40x128xi32, #tpu.memory_space<hbm>>
      tpu.enqueue_dma source(%dma_start3A_112 : memref<40x128xi32, #tpu.memory_space<hbm>>) target(%arg7 : memref<40x128xi32, #tpu.memory_space<vmem>>) target_semaphore(%run_scoped3A : memref<!tpu.dma_semaphore, #tpu.memory_space<semaphore_mem>>)
      %dma_wait3A_113 = arith.constant 0 : i32
      %dma_wait3A_114 = tpu.memref_slice %arg3[%add3A_38, %dma_wait3A_113] : memref<2560x128xi32, #tpu.memory_space<hbm>> -> memref<40x128xi32, #tpu.memory_space<hbm>>
      %dma_wait3A_115 = arith.constant 0 : i32
      %dma_wait3A_116 = tpu.memref_slice %arg3[%add3A_38, %dma_wait3A_115] : memref<2560x128xi32, #tpu.memory_space<hbm>> -> memref<40x128xi32, #tpu.memory_space<hbm>>
      tpu.wait_dma2 semaphore(%run_scoped3A : memref<!tpu.dma_semaphore, #tpu.memory_space<semaphore_mem>>) src(%dma_wait3A_116 : memref<40x128xi32, #tpu.memory_space<hbm>>) dst(%arg7 : memref<40x128xi32, #tpu.memory_space<vmem>>)
      tpu.yield
    }) : () -> ()
    %dma_start3A = arith.constant 0 : i32
    %dma_start3A_39 = arith.constant 0 : i32
    %dma_start3A_40 = tpu.memref_slice %arg7[%dma_start3A, %dma_start3A_39] : memref<40x128xi32, #tpu.memory_space<vmem>> -> memref<1x128xi32, #tpu.memory_space<vmem>>
    %dma_start3A_41 = tpu.memref_squeeze %dma_start3A_40 : memref<1x128xi32, #tpu.memory_space<vmem>> -> memref<128xi32, #tpu.memory_space<vmem>>
    %dma_start3A_42 = arith.constant 0 : i32
    %dma_start3A_43 = arith.constant 0 : i32
    %dma_start3A_44 = tpu.memref_slice %arg2[%dma_start3A_42, %dma_start3A_43] : memref<10000x128xf32, #tpu.memory_space<hbm>> -> memref<10000x128xf32, #tpu.memory_space<hbm>>
    tpu.enqueue_indirect_dma source(%dma_start3A_44 : memref<10000x128xf32, #tpu.memory_space<hbm>>) target(%arg9 : memref<128x128xf32, #tpu.memory_space<vmem>>) offsets(%dma_start3A_41 : memref<128xi32, #tpu.memory_space<vmem>>) semaphore(%arg12 : memref<!tpu.dma_semaphore, #tpu.memory_space<semaphore_mem>>)
    %scan3A = arith.constant 0 : i32
    %scan3A_45 = arith.constant 20 : i32
    %scan3A_46 = arith.addi %scan3A, %scan3A_45 : i32
    %scan3A_47 = arith.constant 1 : i32
    scf.for %scan3A_109 = %scan3A to %scan3A_46 step %scan3A_47  : i32 {
      %mul3A_110 = arith.constant 2 : i32
      %mul3A_111 = arith.muli %scan3A_109, %mul3A_110 : i32
      %add3A_112 = arith.constant 0 : i32
      %add3A_113 = arith.addi %add3A_112, %mul3A_111 : i32
      %add3A_114 = arith.constant 0 : i32
      %add3A_115 = arith.addi %add3A_113, %add3A_114 : i32
      %add3A_116 = arith.constant 1 : i32
      %add3A_117 = arith.addi %add3A_115, %add3A_116 : i32
      %eq3A = arith.constant 40 : i32
      %eq3A_118 = arith.cmpi eq, %add3A_117, %eq3A : i32
      %add3A_119 = arith.constant 1 : i32
      %add3A_120 = arith.addi %add3A_115, %add3A_119 : i32
      %jit3A = arith.constant 0 : i32
      %select_n3A = arith.select %eq3A_118, %jit3A, %add3A_120 : i32
      %dma_wait3A_121 = arith.constant 0 : i32
      %dma_wait3A_122 = tpu.memref_slice %arg7[%add3A_115, %dma_wait3A_121] : memref<40x128xi32, #tpu.memory_space<vmem>> -> memref<1x128xi32, #tpu.memory_space<vmem>>
      %dma_wait3A_123 = tpu.memref_squeeze %dma_wait3A_122 : memref<1x128xi32, #tpu.memory_space<vmem>> -> memref<128xi32, #tpu.memory_space<vmem>>
      %dma_wait3A_124 = arith.constant 0 : i32
      %dma_wait3A_125 = arith.constant 0 : i32
      %dma_wait3A_126 = tpu.memref_slice %arg2[%dma_wait3A_124, %dma_wait3A_125] : memref<10000x128xf32, #tpu.memory_space<hbm>> -> memref<10000x128xf32, #tpu.memory_space<hbm>>
      tpu.wait_indirect_dma semaphore(%arg12 : memref<!tpu.dma_semaphore, #tpu.memory_space<semaphore_mem>>) src(%dma_wait3A_126 : memref<10000x128xf32, #tpu.memory_space<hbm>>) dst(%arg9 : memref<128x128xf32, #tpu.memory_space<vmem>>)
      %dma_start3A_127 = arith.constant 0 : i32
      %dma_start3A_128 = tpu.memref_slice %arg7[%select_n3A, %dma_start3A_127] : memref<40x128xi32, #tpu.memory_space<vmem>> -> memref<1x128xi32, #tpu.memory_space<vmem>>
      %dma_start3A_129 = tpu.memref_squeeze %dma_start3A_128 : memref<1x128xi32, #tpu.memory_space<vmem>> -> memref<128xi32, #tpu.memory_space<vmem>>
      %dma_start3A_130 = arith.constant 0 : i32
      %dma_start3A_131 = arith.constant 0 : i32
      %dma_start3A_132 = tpu.memref_slice %arg2[%dma_start3A_130, %dma_start3A_131] : memref<10000x128xf32, #tpu.memory_space<hbm>> -> memref<10000x128xf32, #tpu.memory_space<hbm>>
      tpu.enqueue_indirect_dma source(%dma_start3A_132 : memref<10000x128xf32, #tpu.memory_space<hbm>>) target(%arg10 : memref<128x128xf32, #tpu.memory_space<vmem>>) offsets(%dma_start3A_129 : memref<128xi32, #tpu.memory_space<vmem>>) semaphore(%arg13 : memref<!tpu.dma_semaphore, #tpu.memory_space<semaphore_mem>>)
      "tpu.region"() ({
        %run_scoped3A = tpu.sem_alloc : memref<!tpu.dma_semaphore, #tpu.memory_space<semaphore_mem>>
        %dma_start3A_155 = arith.constant 0 : i32
        %dma_start3A_156 = tpu.memref_slice %arg8[%add3A_115, %dma_start3A_155] : memref<40x128xi32, #tpu.memory_space<vmem>> -> memref<1x128xi32, #tpu.memory_space<vmem>>
        %dma_start3A_157 = tpu.memref_squeeze %dma_start3A_156 : memref<1x128xi32, #tpu.memory_space<vmem>> -> memref<128xi32, #tpu.memory_space<vmem>>
        %dma_start3A_158 = arith.constant 0 : i32
        %dma_start3A_159 = arith.constant 0 : i32
        %dma_start3A_160 = tpu.memref_slice %arg11[%dma_start3A_158, %dma_start3A_159] : memref<10240x128xf32, #tpu.memory_space<vmem_shared>> -> memref<10240x128xf32, #tpu.memory_space<vmem_shared>>
        tpu.enqueue_indirect_dma source(%arg9 : memref<128x128xf32, #tpu.memory_space<vmem>>) target(%dma_start3A_160 : memref<10240x128xf32, #tpu.memory_space<vmem_shared>>) offsets(%dma_start3A_157 : memref<128xi32, #tpu.memory_space<vmem>>) semaphore(%run_scoped3A : memref<!tpu.dma_semaphore, #tpu.memory_space<semaphore_mem>>) {add = true}
        %dma_wait3A_161 = arith.constant 0 : i32
        %dma_wait3A_162 = tpu.memref_slice %arg8[%add3A_115, %dma_wait3A_161] : memref<40x128xi32, #tpu.memory_space<vmem>> -> memref<1x128xi32, #tpu.memory_space<vmem>>
        %dma_wait3A_163 = tpu.memref_squeeze %dma_wait3A_162 : memref<1x128xi32, #tpu.memory_space<vmem>> -> memref<128xi32, #tpu.memory_space<vmem>>
        %dma_wait3A_164 = arith.constant 0 : i32
        %dma_wait3A_165 = arith.constant 0 : i32
        %dma_wait3A_166 = tpu.memref_slice %arg11[%dma_wait3A_164, %dma_wait3A_165] : memref<10240x128xf32, #tpu.memory_space<vmem_shared>> -> memref<10240x128xf32, #tpu.memory_space<vmem_shared>>
        tpu.wait_indirect_dma semaphore(%run_scoped3A : memref<!tpu.dma_semaphore, #tpu.memory_space<semaphore_mem>>) src(%arg9 : memref<128x128xf32, #tpu.memory_space<vmem>>) dst(%dma_wait3A_166 : memref<10240x128xf32, #tpu.memory_space<vmem_shared>>)
        tpu.yield
      }) : () -> ()
      %add3A_133 = arith.constant 1 : i32
      %add3A_134 = arith.addi %add3A_113, %add3A_133 : i32
      %add3A_135 = arith.constant 1 : i32
      %add3A_136 = arith.addi %add3A_134, %add3A_135 : i32
      %eq3A_137 = arith.constant 40 : i32
      %eq3A_138 = arith.cmpi eq, %add3A_136, %eq3A_137 : i32
      %add3A_139 = arith.constant 1 : i32
      %add3A_140 = arith.addi %add3A_134, %add3A_139 : i32
      %jit3A_141 = arith.constant 0 : i32
      %select_n3A_142 = arith.select %eq3A_138, %jit3A_141, %add3A_140 : i32
      %dma_wait3A_143 = arith.constant 0 : i32
      %dma_wait3A_144 = tpu.memref_slice %arg7[%add3A_134, %dma_wait3A_143] : memref<40x128xi32, #tpu.memory_space<vmem>> -> memref<1x128xi32, #tpu.memory_space<vmem>>
      %dma_wait3A_145 = tpu.memref_squeeze %dma_wait3A_144 : memref<1x128xi32, #tpu.memory_space<vmem>> -> memref<128xi32, #tpu.memory_space<vmem>>
      %dma_wait3A_146 = arith.constant 0 : i32
      %dma_wait3A_147 = arith.constant 0 : i32
      %dma_wait3A_148 = tpu.memref_slice %arg2[%dma_wait3A_146, %dma_wait3A_147] : memref<10000x128xf32, #tpu.memory_space<hbm>> -> memref<10000x128xf32, #tpu.memory_space<hbm>>
      tpu.wait_indirect_dma semaphore(%arg13 : memref<!tpu.dma_semaphore, #tpu.memory_space<semaphore_mem>>) src(%dma_wait3A_148 : memref<10000x128xf32, #tpu.memory_space<hbm>>) dst(%arg10 : memref<128x128xf32, #tpu.memory_space<vmem>>)
      %dma_start3A_149 = arith.constant 0 : i32
      %dma_start3A_150 = tpu.memref_slice %arg7[%select_n3A_142, %dma_start3A_149] : memref<40x128xi32, #tpu.memory_space<vmem>> -> memref<1x128xi32, #tpu.memory_space<vmem>>
      %dma_start3A_151 = tpu.memref_squeeze %dma_start3A_150 : memref<1x128xi32, #tpu.memory_space<vmem>> -> memref<128xi32, #tpu.memory_space<vmem>>
      %dma_start3A_152 = arith.constant 0 : i32
      %dma_start3A_153 = arith.constant 0 : i32
      %dma_start3A_154 = tpu.memref_slice %arg2[%dma_start3A_152, %dma_start3A_153] : memref<10000x128xf32, #tpu.memory_space<hbm>> -> memref<10000x128xf32, #tpu.memory_space<hbm>>
      tpu.enqueue_indirect_dma source(%dma_start3A_154 : memref<10000x128xf32, #tpu.memory_space<hbm>>) target(%arg9 : memref<128x128xf32, #tpu.memory_space<vmem>>) offsets(%dma_start3A_151 : memref<128xi32, #tpu.memory_space<vmem>>) semaphore(%arg12 : memref<!tpu.dma_semaphore, #tpu.memory_space<semaphore_mem>>)
      "tpu.region"() ({
        %run_scoped3A = tpu.sem_alloc : memref<!tpu.dma_semaphore, #tpu.memory_space<semaphore_mem>>
        %dma_start3A_155 = arith.constant 0 : i32
        %dma_start3A_156 = tpu.memref_slice %arg8[%add3A_134, %dma_start3A_155] : memref<40x128xi32, #tpu.memory_space<vmem>> -> memref<1x128xi32, #tpu.memory_space<vmem>>
        %dma_start3A_157 = tpu.memref_squeeze %dma_start3A_156 : memref<1x128xi32, #tpu.memory_space<vmem>> -> memref<128xi32, #tpu.memory_space<vmem>>
        %dma_start3A_158 = arith.constant 0 : i32
        %dma_start3A_159 = arith.constant 0 : i32
        %dma_start3A_160 = tpu.memref_slice %arg11[%dma_start3A_158, %dma_start3A_159] : memref<10240x128xf32, #tpu.memory_space<vmem_shared>> -> memref<10240x128xf32, #tpu.memory_space<vmem_shared>>
        tpu.enqueue_indirect_dma source(%arg10 : memref<128x128xf32, #tpu.memory_space<vmem>>) target(%dma_start3A_160 : memref<10240x128xf32, #tpu.memory_space<vmem_shared>>) offsets(%dma_start3A_157 : memref<128xi32, #tpu.memory_space<vmem>>) semaphore(%run_scoped3A : memref<!tpu.dma_semaphore, #tpu.memory_space<semaphore_mem>>) {add = true}
        %dma_wait3A_161 = arith.constant 0 : i32
        %dma_wait3A_162 = tpu.memref_slice %arg8[%add3A_134, %dma_wait3A_161] : memref<40x128xi32, #tpu.memory_space<vmem>> -> memref<1x128xi32, #tpu.memory_space<vmem>>
        %dma_wait3A_163 = tpu.memref_squeeze %dma_wait3A_162 : memref<1x128xi32, #tpu.memory_space<vmem>> -> memref<128xi32, #tpu.memory_space<vmem>>
        %dma_wait3A_164 = arith.constant 0 : i32
        %dma_wait3A_165 = arith.constant 0 : i32
        %dma_wait3A_166 = tpu.memref_slice %arg11[%dma_wait3A_164, %dma_wait3A_165] : memref<10240x128xf32, #tpu.memory_space<vmem_shared>> -> memref<10240x128xf32, #tpu.memory_space<vmem_shared>>
        tpu.wait_indirect_dma semaphore(%run_scoped3A : memref<!tpu.dma_semaphore, #tpu.memory_space<semaphore_mem>>) src(%arg10 : memref<128x128xf32, #tpu.memory_space<vmem>>) dst(%dma_wait3A_166 : memref<10240x128xf32, #tpu.memory_space<vmem_shared>>)
        tpu.yield
      }) : () -> ()
    }
    %scan3A_48 = arith.constant 20 : i32
    %dma_wait3A = arith.constant 0 : i32
    %dma_wait3A_49 = arith.constant 0 : i32
    %dma_wait3A_50 = tpu.memref_slice %arg7[%dma_wait3A, %dma_wait3A_49] : memref<40x128xi32, #tpu.memory_space<vmem>> -> memref<1x128xi32, #tpu.memory_space<vmem>>
    %dma_wait3A_51 = tpu.memref_squeeze %dma_wait3A_50 : memref<1x128xi32, #tpu.memory_space<vmem>> -> memref<128xi32, #tpu.memory_space<vmem>>
    %dma_wait3A_52 = arith.constant 0 : i32
    %dma_wait3A_53 = arith.constant 0 : i32
    %dma_wait3A_54 = tpu.memref_slice %arg2[%dma_wait3A_52, %dma_wait3A_53] : memref<10000x128xf32, #tpu.memory_space<hbm>> -> memref<10000x128xf32, #tpu.memory_space<hbm>>
    tpu.wait_indirect_dma semaphore(%arg12 : memref<!tpu.dma_semaphore, #tpu.memory_space<semaphore_mem>>) src(%dma_wait3A_54 : memref<10000x128xf32, #tpu.memory_space<hbm>>) dst(%arg9 : memref<128x128xf32, #tpu.memory_space<vmem>>)
    %add3A_55 = arith.constant 40 : i32
    %add3A_56 = arith.addi %mul3A_4, %add3A_55 : i32
    "tpu.region"() ({
      %run_scoped3A = tpu.sem_alloc : memref<!tpu.dma_semaphore, #tpu.memory_space<semaphore_mem>>
      %dma_start3A_109 = arith.constant 0 : i32
      %dma_start3A_110 = tpu.memref_slice %arg4[%add3A_56, %dma_start3A_109] : memref<2560x128xi32, #tpu.memory_space<hbm>> -> memref<40x128xi32, #tpu.memory_space<hbm>>
      %dma_start3A_111 = arith.constant 0 : i32
      %dma_start3A_112 = tpu.memref_slice %arg4[%add3A_56, %dma_start3A_111] : memref<2560x128xi32, #tpu.memory_space<hbm>> -> memref<40x128xi32, #tpu.memory_space<hbm>>
      tpu.enqueue_dma source(%dma_start3A_112 : memref<40x128xi32, #tpu.memory_space<hbm>>) target(%arg8 : memref<40x128xi32, #tpu.memory_space<vmem>>) target_semaphore(%run_scoped3A : memref<!tpu.dma_semaphore, #tpu.memory_space<semaphore_mem>>)
      %dma_wait3A_113 = arith.constant 0 : i32
      %dma_wait3A_114 = tpu.memref_slice %arg4[%add3A_56, %dma_wait3A_113] : memref<2560x128xi32, #tpu.memory_space<hbm>> -> memref<40x128xi32, #tpu.memory_space<hbm>>
      %dma_wait3A_115 = arith.constant 0 : i32
      %dma_wait3A_116 = tpu.memref_slice %arg4[%add3A_56, %dma_wait3A_115] : memref<2560x128xi32, #tpu.memory_space<hbm>> -> memref<40x128xi32, #tpu.memory_space<hbm>>
      tpu.wait_dma2 semaphore(%run_scoped3A : memref<!tpu.dma_semaphore, #tpu.memory_space<semaphore_mem>>) src(%dma_wait3A_116 : memref<40x128xi32, #tpu.memory_space<hbm>>) dst(%arg8 : memref<40x128xi32, #tpu.memory_space<vmem>>)
      tpu.yield
    }) : () -> ()
    %add3A_57 = arith.constant 40 : i32
    %add3A_58 = arith.addi %mul3A_4, %add3A_57 : i32
    "tpu.region"() ({
      %run_scoped3A = tpu.sem_alloc : memref<!tpu.dma_semaphore, #tpu.memory_space<semaphore_mem>>
      %dma_start3A_109 = arith.constant 0 : i32
      %dma_start3A_110 = tpu.memref_slice %arg3[%add3A_58, %dma_start3A_109] : memref<2560x128xi32, #tpu.memory_space<hbm>> -> memref<40x128xi32, #tpu.memory_space<hbm>>
      %dma_start3A_111 = arith.constant 0 : i32
      %dma_start3A_112 = tpu.memref_slice %arg3[%add3A_58, %dma_start3A_111] : memref<2560x128xi32, #tpu.memory_space<hbm>> -> memref<40x128xi32, #tpu.memory_space<hbm>>
      tpu.enqueue_dma source(%dma_start3A_112 : memref<40x128xi32, #tpu.memory_space<hbm>>) target(%arg7 : memref<40x128xi32, #tpu.memory_space<vmem>>) target_semaphore(%run_scoped3A : memref<!tpu.dma_semaphore, #tpu.memory_space<semaphore_mem>>)
      %dma_wait3A_113 = arith.constant 0 : i32
      %dma_wait3A_114 = tpu.memref_slice %arg3[%add3A_58, %dma_wait3A_113] : memref<2560x128xi32, #tpu.memory_space<hbm>> -> memref<40x128xi32, #tpu.memory_space<hbm>>
      %dma_wait3A_115 = arith.constant 0 : i32
      %dma_wait3A_116 = tpu.memref_slice %arg3[%add3A_58, %dma_wait3A_115] : memref<2560x128xi32, #tpu.memory_space<hbm>> -> memref<40x128xi32, #tpu.memory_space<hbm>>
      tpu.wait_dma2 semaphore(%run_scoped3A : memref<!tpu.dma_semaphore, #tpu.memory_space<semaphore_mem>>) src(%dma_wait3A_116 : memref<40x128xi32, #tpu.memory_space<hbm>>) dst(%arg7 : memref<40x128xi32, #tpu.memory_space<vmem>>)
      tpu.yield
    }) : () -> ()
    %dma_start3A_59 = arith.constant 0 : i32
    %dma_start3A_60 = arith.constant 0 : i32
    %dma_start3A_61 = tpu.memref_slice %arg7[%dma_start3A_59, %dma_start3A_60] : memref<40x128xi32, #tpu.memory_space<vmem>> -> memref<1x128xi32, #tpu.memory_space<vmem>>
    %dma_start3A_62 = tpu.memref_squeeze %dma_start3A_61 : memref<1x128xi32, #tpu.memory_space<vmem>> -> memref<128xi32, #tpu.memory_space<vmem>>
    %dma_start3A_63 = arith.constant 0 : i32
    %dma_start3A_64 = arith.constant 0 : i32
    %dma_start3A_65 = tpu.memref_slice %arg2[%dma_start3A_63, %dma_start3A_64] : memref<10000x128xf32, #tpu.memory_space<hbm>> -> memref<10000x128xf32, #tpu.memory_space<hbm>>
    tpu.enqueue_indirect_dma source(%dma_start3A_65 : memref<10000x128xf32, #tpu.memory_space<hbm>>) target(%arg9 : memref<128x128xf32, #tpu.memory_space<vmem>>) offsets(%dma_start3A_62 : memref<128xi32, #tpu.memory_space<vmem>>) semaphore(%arg12 : memref<!tpu.dma_semaphore, #tpu.memory_space<semaphore_mem>>)
    %scan3A_66 = arith.constant 0 : i32
    %scan3A_67 = arith.constant 20 : i32
    %scan3A_68 = arith.addi %scan3A_66, %scan3A_67 : i32
    %scan3A_69 = arith.constant 1 : i32
    scf.for %scan3A_109 = %scan3A_66 to %scan3A_68 step %scan3A_69  : i32 {
      %mul3A_110 = arith.constant 2 : i32
      %mul3A_111 = arith.muli %scan3A_109, %mul3A_110 : i32
      %add3A_112 = arith.constant 0 : i32
      %add3A_113 = arith.addi %add3A_112, %mul3A_111 : i32
      %add3A_114 = arith.constant 0 : i32
      %add3A_115 = arith.addi %add3A_113, %add3A_114 : i32
      %add3A_116 = arith.constant 1 : i32
      %add3A_117 = arith.addi %add3A_115, %add3A_116 : i32
      %eq3A = arith.constant 40 : i32
      %eq3A_118 = arith.cmpi eq, %add3A_117, %eq3A : i32
      %add3A_119 = arith.constant 1 : i32
      %add3A_120 = arith.addi %add3A_115, %add3A_119 : i32
      %jit3A = arith.constant 0 : i32
      %select_n3A = arith.select %eq3A_118, %jit3A, %add3A_120 : i32
      %dma_wait3A_121 = arith.constant 0 : i32
      %dma_wait3A_122 = tpu.memref_slice %arg7[%add3A_115, %dma_wait3A_121] : memref<40x128xi32, #tpu.memory_space<vmem>> -> memref<1x128xi32, #tpu.memory_space<vmem>>
      %dma_wait3A_123 = tpu.memref_squeeze %dma_wait3A_122 : memref<1x128xi32, #tpu.memory_space<vmem>> -> memref<128xi32, #tpu.memory_space<vmem>>
      %dma_wait3A_124 = arith.constant 0 : i32
      %dma_wait3A_125 = arith.constant 0 : i32
      %dma_wait3A_126 = tpu.memref_slice %arg2[%dma_wait3A_124, %dma_wait3A_125] : memref<10000x128xf32, #tpu.memory_space<hbm>> -> memref<10000x128xf32, #tpu.memory_space<hbm>>
      tpu.wait_indirect_dma semaphore(%arg12 : memref<!tpu.dma_semaphore, #tpu.memory_space<semaphore_mem>>) src(%dma_wait3A_126 : memref<10000x128xf32, #tpu.memory_space<hbm>>) dst(%arg9 : memref<128x128xf32, #tpu.memory_space<vmem>>)
      %dma_start3A_127 = arith.constant 0 : i32
      %dma_start3A_128 = tpu.memref_slice %arg7[%select_n3A, %dma_start3A_127] : memref<40x128xi32, #tpu.memory_space<vmem>> -> memref<1x128xi32, #tpu.memory_space<vmem>>
      %dma_start3A_129 = tpu.memref_squeeze %dma_start3A_128 : memref<1x128xi32, #tpu.memory_space<vmem>> -> memref<128xi32, #tpu.memory_space<vmem>>
      %dma_start3A_130 = arith.constant 0 : i32
      %dma_start3A_131 = arith.constant 0 : i32
      %dma_start3A_132 = tpu.memref_slice %arg2[%dma_start3A_130, %dma_start3A_131] : memref<10000x128xf32, #tpu.memory_space<hbm>> -> memref<10000x128xf32, #tpu.memory_space<hbm>>
      tpu.enqueue_indirect_dma source(%dma_start3A_132 : memref<10000x128xf32, #tpu.memory_space<hbm>>) target(%arg10 : memref<128x128xf32, #tpu.memory_space<vmem>>) offsets(%dma_start3A_129 : memref<128xi32, #tpu.memory_space<vmem>>) semaphore(%arg13 : memref<!tpu.dma_semaphore, #tpu.memory_space<semaphore_mem>>)
      "tpu.region"() ({
        %run_scoped3A = tpu.sem_alloc : memref<!tpu.dma_semaphore, #tpu.memory_space<semaphore_mem>>
        %dma_start3A_155 = arith.constant 0 : i32
        %dma_start3A_156 = tpu.memref_slice %arg8[%add3A_115, %dma_start3A_155] : memref<40x128xi32, #tpu.memory_space<vmem>> -> memref<1x128xi32, #tpu.memory_space<vmem>>
        %dma_start3A_157 = tpu.memref_squeeze %dma_start3A_156 : memref<1x128xi32, #tpu.memory_space<vmem>> -> memref<128xi32, #tpu.memory_space<vmem>>
        %dma_start3A_158 = arith.constant 0 : i32
        %dma_start3A_159 = arith.constant 0 : i32
        %dma_start3A_160 = tpu.memref_slice %arg11[%dma_start3A_158, %dma_start3A_159] : memref<10240x128xf32, #tpu.memory_space<vmem_shared>> -> memref<10240x128xf32, #tpu.memory_space<vmem_shared>>
        tpu.enqueue_indirect_dma source(%arg9 : memref<128x128xf32, #tpu.memory_space<vmem>>) target(%dma_start3A_160 : memref<10240x128xf32, #tpu.memory_space<vmem_shared>>) offsets(%dma_start3A_157 : memref<128xi32, #tpu.memory_space<vmem>>) semaphore(%run_scoped3A : memref<!tpu.dma_semaphore, #tpu.memory_space<semaphore_mem>>) {add = true}
        %dma_wait3A_161 = arith.constant 0 : i32
        %dma_wait3A_162 = tpu.memref_slice %arg8[%add3A_115, %dma_wait3A_161] : memref<40x128xi32, #tpu.memory_space<vmem>> -> memref<1x128xi32, #tpu.memory_space<vmem>>
        %dma_wait3A_163 = tpu.memref_squeeze %dma_wait3A_162 : memref<1x128xi32, #tpu.memory_space<vmem>> -> memref<128xi32, #tpu.memory_space<vmem>>
        %dma_wait3A_164 = arith.constant 0 : i32
        %dma_wait3A_165 = arith.constant 0 : i32
        %dma_wait3A_166 = tpu.memref_slice %arg11[%dma_wait3A_164, %dma_wait3A_165] : memref<10240x128xf32, #tpu.memory_space<vmem_shared>> -> memref<10240x128xf32, #tpu.memory_space<vmem_shared>>
        tpu.wait_indirect_dma semaphore(%run_scoped3A : memref<!tpu.dma_semaphore, #tpu.memory_space<semaphore_mem>>) src(%arg9 : memref<128x128xf32, #tpu.memory_space<vmem>>) dst(%dma_wait3A_166 : memref<10240x128xf32, #tpu.memory_space<vmem_shared>>)
        tpu.yield
      }) : () -> ()
      %add3A_133 = arith.constant 1 : i32
      %add3A_134 = arith.addi %add3A_113, %add3A_133 : i32
      %add3A_135 = arith.constant 1 : i32
      %add3A_136 = arith.addi %add3A_134, %add3A_135 : i32
      %eq3A_137 = arith.constant 40 : i32
      %eq3A_138 = arith.cmpi eq, %add3A_136, %eq3A_137 : i32
      %add3A_139 = arith.constant 1 : i32
      %add3A_140 = arith.addi %add3A_134, %add3A_139 : i32
      %jit3A_141 = arith.constant 0 : i32
      %select_n3A_142 = arith.select %eq3A_138, %jit3A_141, %add3A_140 : i32
      %dma_wait3A_143 = arith.constant 0 : i32
      %dma_wait3A_144 = tpu.memref_slice %arg7[%add3A_134, %dma_wait3A_143] : memref<40x128xi32, #tpu.memory_space<vmem>> -> memref<1x128xi32, #tpu.memory_space<vmem>>
      %dma_wait3A_145 = tpu.memref_squeeze %dma_wait3A_144 : memref<1x128xi32, #tpu.memory_space<vmem>> -> memref<128xi32, #tpu.memory_space<vmem>>
      %dma_wait3A_146 = arith.constant 0 : i32
      %dma_wait3A_147 = arith.constant 0 : i32
      %dma_wait3A_148 = tpu.memref_slice %arg2[%dma_wait3A_146, %dma_wait3A_147] : memref<10000x128xf32, #tpu.memory_space<hbm>> -> memref<10000x128xf32, #tpu.memory_space<hbm>>
      tpu.wait_indirect_dma semaphore(%arg13 : memref<!tpu.dma_semaphore, #tpu.memory_space<semaphore_mem>>) src(%dma_wait3A_148 : memref<10000x128xf32, #tpu.memory_space<hbm>>) dst(%arg10 : memref<128x128xf32, #tpu.memory_space<vmem>>)
      %dma_start3A_149 = arith.constant 0 : i32
      %dma_start3A_150 = tpu.memref_slice %arg7[%select_n3A_142, %dma_start3A_149] : memref<40x128xi32, #tpu.memory_space<vmem>> -> memref<1x128xi32, #tpu.memory_space<vmem>>
      %dma_start3A_151 = tpu.memref_squeeze %dma_start3A_150 : memref<1x128xi32, #tpu.memory_space<vmem>> -> memref<128xi32, #tpu.memory_space<vmem>>
      %dma_start3A_152 = arith.constant 0 : i32
      %dma_start3A_153 = arith.constant 0 : i32
      %dma_start3A_154 = tpu.memref_slice %arg2[%dma_start3A_152, %dma_start3A_153] : memref<10000x128xf32, #tpu.memory_space<hbm>> -> memref<10000x128xf32, #tpu.memory_space<hbm>>
      tpu.enqueue_indirect_dma source(%dma_start3A_154 : memref<10000x128xf32, #tpu.memory_space<hbm>>) target(%arg9 : memref<128x128xf32, #tpu.memory_space<vmem>>) offsets(%dma_start3A_151 : memref<128xi32, #tpu.memory_space<vmem>>) semaphore(%arg12 : memref<!tpu.dma_semaphore, #tpu.memory_space<semaphore_mem>>)
      "tpu.region"() ({
        %run_scoped3A = tpu.sem_alloc : memref<!tpu.dma_semaphore, #tpu.memory_space<semaphore_mem>>
        %dma_start3A_155 = arith.constant 0 : i32
        %dma_start3A_156 = tpu.memref_slice %arg8[%add3A_134, %dma_start3A_155] : memref<40x128xi32, #tpu.memory_space<vmem>> -> memref<1x128xi32, #tpu.memory_space<vmem>>
        %dma_start3A_157 = tpu.memref_squeeze %dma_start3A_156 : memref<1x128xi32, #tpu.memory_space<vmem>> -> memref<128xi32, #tpu.memory_space<vmem>>
        %dma_start3A_158 = arith.constant 0 : i32
        %dma_start3A_159 = arith.constant 0 : i32
        %dma_start3A_160 = tpu.memref_slice %arg11[%dma_start3A_158, %dma_start3A_159] : memref<10240x128xf32, #tpu.memory_space<vmem_shared>> -> memref<10240x128xf32, #tpu.memory_space<vmem_shared>>
        tpu.enqueue_indirect_dma source(%arg10 : memref<128x128xf32, #tpu.memory_space<vmem>>) target(%dma_start3A_160 : memref<10240x128xf32, #tpu.memory_space<vmem_shared>>) offsets(%dma_start3A_157 : memref<128xi32, #tpu.memory_space<vmem>>) semaphore(%run_scoped3A : memref<!tpu.dma_semaphore, #tpu.memory_space<semaphore_mem>>) {add = true}
        %dma_wait3A_161 = arith.constant 0 : i32
        %dma_wait3A_162 = tpu.memref_slice %arg8[%add3A_134, %dma_wait3A_161] : memref<40x128xi32, #tpu.memory_space<vmem>> -> memref<1x128xi32, #tpu.memory_space<vmem>>
        %dma_wait3A_163 = tpu.memref_squeeze %dma_wait3A_162 : memref<1x128xi32, #tpu.memory_space<vmem>> -> memref<128xi32, #tpu.memory_space<vmem>>
        %dma_wait3A_164 = arith.constant 0 : i32
        %dma_wait3A_165 = arith.constant 0 : i32
        %dma_wait3A_166 = tpu.memref_slice %arg11[%dma_wait3A_164, %dma_wait3A_165] : memref<10240x128xf32, #tpu.memory_space<vmem_shared>> -> memref<10240x128xf32, #tpu.memory_space<vmem_shared>>
        tpu.wait_indirect_dma semaphore(%run_scoped3A : memref<!tpu.dma_semaphore, #tpu.memory_space<semaphore_mem>>) src(%arg10 : memref<128x128xf32, #tpu.memory_space<vmem>>) dst(%dma_wait3A_166 : memref<10240x128xf32, #tpu.memory_space<vmem_shared>>)
        tpu.yield
      }) : () -> ()
    }
    %scan3A_70 = arith.constant 20 : i32
    %dma_wait3A_71 = arith.constant 0 : i32
    %dma_wait3A_72 = arith.constant 0 : i32
    %dma_wait3A_73 = tpu.memref_slice %arg7[%dma_wait3A_71, %dma_wait3A_72] : memref<40x128xi32, #tpu.memory_space<vmem>> -> memref<1x128xi32, #tpu.memory_space<vmem>>
    %dma_wait3A_74 = tpu.memref_squeeze %dma_wait3A_73 : memref<1x128xi32, #tpu.memory_space<vmem>> -> memref<128xi32, #tpu.memory_space<vmem>>
    %dma_wait3A_75 = arith.constant 0 : i32
    %dma_wait3A_76 = arith.constant 0 : i32
    %dma_wait3A_77 = tpu.memref_slice %arg2[%dma_wait3A_75, %dma_wait3A_76] : memref<10000x128xf32, #tpu.memory_space<hbm>> -> memref<10000x128xf32, #tpu.memory_space<hbm>>
    tpu.wait_indirect_dma semaphore(%arg12 : memref<!tpu.dma_semaphore, #tpu.memory_space<semaphore_mem>>) src(%dma_wait3A_77 : memref<10000x128xf32, #tpu.memory_space<hbm>>) dst(%arg9 : memref<128x128xf32, #tpu.memory_space<vmem>>)
    %barrier3A_78 = arith.constant 0 : index
    tpu.barrier barrier_id(%barrier3A_78)
    %mul3A_79 = arith.constant 5 : i32
    %mul3A_80 = arith.muli %arg1, %mul3A_79 : i32
    %add3A_81 = arith.constant 0 : i32
    %add3A_82 = arith.addi %mul3A_80, %add3A_81 : i32
    %mul3A_83 = arith.constant 128 : i32
    %mul3A_84 = arith.muli %add3A_82, %mul3A_83 : i32
    "tpu.region"() ({
      %run_scoped3A = tpu.sem_alloc : memref<!tpu.dma_semaphore, #tpu.memory_space<semaphore_mem>>
      %dma_start3A_109 = arith.constant 0 : i32
      %dma_start3A_110 = tpu.memref_slice %arg11[%mul3A_84, %dma_start3A_109] : memref<10240x128xf32, #tpu.memory_space<vmem_shared>> -> memref<128x128xf32, #tpu.memory_space<vmem_shared>>
      %dma_start3A_111 = arith.constant 0 : i32
      %dma_start3A_112 = tpu.memref_slice %arg11[%mul3A_84, %dma_start3A_111] : memref<10240x128xf32, #tpu.memory_space<vmem_shared>> -> memref<128x128xf32, #tpu.memory_space<vmem_shared>>
      tpu.enqueue_dma source(%dma_start3A_112 : memref<128x128xf32, #tpu.memory_space<vmem_shared>>) target(%arg9 : memref<128x128xf32, #tpu.memory_space<vmem>>) target_semaphore(%run_scoped3A : memref<!tpu.dma_semaphore, #tpu.memory_space<semaphore_mem>>)
      %dma_wait3A_113 = arith.constant 0 : i32
      %dma_wait3A_114 = tpu.memref_slice %arg11[%mul3A_84, %dma_wait3A_113] : memref<10240x128xf32, #tpu.memory_space<vmem_shared>> -> memref<128x128xf32, #tpu.memory_space<vmem_shared>>
      %dma_wait3A_115 = arith.constant 0 : i32
      %dma_wait3A_116 = tpu.memref_slice %arg11[%mul3A_84, %dma_wait3A_115] : memref<10240x128xf32, #tpu.memory_space<vmem_shared>> -> memref<128x128xf32, #tpu.memory_space<vmem_shared>>
      tpu.wait_dma2 semaphore(%run_scoped3A : memref<!tpu.dma_semaphore, #tpu.memory_space<semaphore_mem>>) src(%dma_wait3A_116 : memref<128x128xf32, #tpu.memory_space<vmem_shared>>) dst(%arg9 : memref<128x128xf32, #tpu.memory_space<vmem>>)
      tpu.yield
    }) : () -> ()
    "tpu.region"() ({
      %run_scoped3A = tpu.sem_alloc : memref<!tpu.dma_semaphore, #tpu.memory_space<semaphore_mem>>
      %dma_start3A_109 = arith.constant 0 : i32
      %dma_start3A_110 = tpu.memref_slice %arg6[%arg0, %mul3A_84, %dma_start3A_109] : memref<2x10240x128xf32, #tpu.memory_space<hbm>> -> memref<1x128x128xf32, #tpu.memory_space<hbm>>
      %dma_start3A_111 = tpu.memref_squeeze %dma_start3A_110 : memref<1x128x128xf32, #tpu.memory_space<hbm>> -> memref<128x128xf32, #tpu.memory_space<hbm>>
      %dma_start3A_112 = arith.constant 0 : i32
      %dma_start3A_113 = tpu.memref_slice %arg6[%arg0, %mul3A_84, %dma_start3A_112] : memref<2x10240x128xf32, #tpu.memory_space<hbm>> -> memref<1x128x128xf32, #tpu.memory_space<hbm>>
      %dma_start3A_114 = tpu.memref_squeeze %dma_start3A_113 : memref<1x128x128xf32, #tpu.memory_space<hbm>> -> memref<128x128xf32, #tpu.memory_space<hbm>>
      tpu.enqueue_dma source(%arg9 : memref<128x128xf32, #tpu.memory_space<vmem>>) target(%dma_start3A_114 : memref<128x128xf32, #tpu.memory_space<hbm>>) target_semaphore(%run_scoped3A : memref<!tpu.dma_semaphore, #tpu.memory_space<semaphore_mem>>)
      %dma_wait3A_115 = arith.constant 0 : i32
      %dma_wait3A_116 = tpu.memref_slice %arg6[%arg0, %mul3A_84, %dma_wait3A_115] : memref<2x10240x128xf32, #tpu.memory_space<hbm>> -> memref<1x128x128xf32, #tpu.memory_space<hbm>>
      %dma_wait3A_117 = tpu.memref_squeeze %dma_wait3A_116 : memref<1x128x128xf32, #tpu.memory_space<hbm>> -> memref<128x128xf32, #tpu.memory_space<hbm>>
      %dma_wait3A_118 = arith.constant 0 : i32
      %dma_wait3A_119 = tpu.memref_slice %arg6[%arg0, %mul3A_84, %dma_wait3A_118] : memref<2x10240x128xf32, #tpu.memory_space<hbm>> -> memref<1x128x128xf32, #tpu.memory_space<hbm>>
      %dma_wait3A_120 = tpu.memref_squeeze %dma_wait3A_119 : memref<1x128x128xf32, #tpu.memory_space<hbm>> -> memref<128x128xf32, #tpu.memory_space<hbm>>
      tpu.wait_dma2 semaphore(%run_scoped3A : memref<!tpu.dma_semaphore, #tpu.memory_space<semaphore_mem>>) src(%arg9 : memref<128x128xf32, #tpu.memory_space<vmem>>) dst(%dma_wait3A_120 : memref<128x128xf32, #tpu.memory_space<hbm>>)
      tpu.yield
    }) : () -> ()
    %mul3A_85 = arith.constant 5 : i32
    %mul3A_86 = arith.muli %arg1, %mul3A_85 : i32
    %add3A_87 = arith.constant 1 : i32
    %add3A_88 = arith.addi %mul3A_86, %add3A_87 : i32
    %mul3A_89 = arith.constant 128 : i32
    %mul3A_90 = arith.muli %add3A_88, %mul3A_89 : i32
    "tpu.region"() ({
      %run_scoped3A = tpu.sem_alloc : memref<!tpu.dma_semaphore, #tpu.memory_space<semaphore_mem>>
      %dma_start3A_109 = arith.constant 0 : i32
      %dma_start3A_110 = tpu.memref_slice %arg11[%mul3A_90, %dma_start3A_109] : memref<10240x128xf32, #tpu.memory_space<vmem_shared>> -> memref<128x128xf32, #tpu.memory_space<vmem_shared>>
      %dma_start3A_111 = arith.constant 0 : i32
      %dma_start3A_112 = tpu.memref_slice %arg11[%mul3A_90, %dma_start3A_111] : memref<10240x128xf32, #tpu.memory_space<vmem_shared>> -> memref<128x128xf32, #tpu.memory_space<vmem_shared>>
      tpu.enqueue_dma source(%dma_start3A_112 : memref<128x128xf32, #tpu.memory_space<vmem_shared>>) target(%arg9 : memref<128x128xf32, #tpu.memory_space<vmem>>) target_semaphore(%run_scoped3A : memref<!tpu.dma_semaphore, #tpu.memory_space<semaphore_mem>>)
      %dma_wait3A_113 = arith.constant 0 : i32
      %dma_wait3A_114 = tpu.memref_slice %arg11[%mul3A_90, %dma_wait3A_113] : memref<10240x128xf32, #tpu.memory_space<vmem_shared>> -> memref<128x128xf32, #tpu.memory_space<vmem_shared>>
      %dma_wait3A_115 = arith.constant 0 : i32
      %dma_wait3A_116 = tpu.memref_slice %arg11[%mul3A_90, %dma_wait3A_115] : memref<10240x128xf32, #tpu.memory_space<vmem_shared>> -> memref<128x128xf32, #tpu.memory_space<vmem_shared>>
      tpu.wait_dma2 semaphore(%run_scoped3A : memref<!tpu.dma_semaphore, #tpu.memory_space<semaphore_mem>>) src(%dma_wait3A_116 : memref<128x128xf32, #tpu.memory_space<vmem_shared>>) dst(%arg9 : memref<128x128xf32, #tpu.memory_space<vmem>>)
      tpu.yield
    }) : () -> ()
    "tpu.region"() ({
      %run_scoped3A = tpu.sem_alloc : memref<!tpu.dma_semaphore, #tpu.memory_space<semaphore_mem>>
      %dma_start3A_109 = arith.constant 0 : i32
      %dma_start3A_110 = tpu.memref_slice %arg6[%arg0, %mul3A_90, %dma_start3A_109] : memref<2x10240x128xf32, #tpu.memory_space<hbm>> -> memref<1x128x128xf32, #tpu.memory_space<hbm>>
      %dma_start3A_111 = tpu.memref_squeeze %dma_start3A_110 : memref<1x128x128xf32, #tpu.memory_space<hbm>> -> memref<128x128xf32, #tpu.memory_space<hbm>>
      %dma_start3A_112 = arith.constant 0 : i32
      %dma_start3A_113 = tpu.memref_slice %arg6[%arg0, %mul3A_90, %dma_start3A_112] : memref<2x10240x128xf32, #tpu.memory_space<hbm>> -> memref<1x128x128xf32, #tpu.memory_space<hbm>>
      %dma_start3A_114 = tpu.memref_squeeze %dma_start3A_113 : memref<1x128x128xf32, #tpu.memory_space<hbm>> -> memref<128x128xf32, #tpu.memory_space<hbm>>
      tpu.enqueue_dma source(%arg9 : memref<128x128xf32, #tpu.memory_space<vmem>>) target(%dma_start3A_114 : memref<128x128xf32, #tpu.memory_space<hbm>>) target_semaphore(%run_scoped3A : memref<!tpu.dma_semaphore, #tpu.memory_space<semaphore_mem>>)
      %dma_wait3A_115 = arith.constant 0 : i32
      %dma_wait3A_116 = tpu.memref_slice %arg6[%arg0, %mul3A_90, %dma_wait3A_115] : memref<2x10240x128xf32, #tpu.memory_space<hbm>> -> memref<1x128x128xf32, #tpu.memory_space<hbm>>
      %dma_wait3A_117 = tpu.memref_squeeze %dma_wait3A_116 : memref<1x128x128xf32, #tpu.memory_space<hbm>> -> memref<128x128xf32, #tpu.memory_space<hbm>>
      %dma_wait3A_118 = arith.constant 0 : i32
      %dma_wait3A_119 = tpu.memref_slice %arg6[%arg0, %mul3A_90, %dma_wait3A_118] : memref<2x10240x128xf32, #tpu.memory_space<hbm>> -> memref<1x128x128xf32, #tpu.memory_space<hbm>>
      %dma_wait3A_120 = tpu.memref_squeeze %dma_wait3A_119 : memref<1x128x128xf32, #tpu.memory_space<hbm>> -> memref<128x128xf32, #tpu.memory_space<hbm>>
      tpu.wait_dma2 semaphore(%run_scoped3A : memref<!tpu.dma_semaphore, #tpu.memory_space<semaphore_mem>>) src(%arg9 : memref<128x128xf32, #tpu.memory_space<vmem>>) dst(%dma_wait3A_120 : memref<128x128xf32, #tpu.memory_space<hbm>>)
      tpu.yield
    }) : () -> ()
    %mul3A_91 = arith.constant 5 : i32
    %mul3A_92 = arith.muli %arg1, %mul3A_91 : i32
    %add3A_93 = arith.constant 2 : i32
    %add3A_94 = arith.addi %mul3A_92, %add3A_93 : i32
    %mul3A_95 = arith.constant 128 : i32
    %mul3A_96 = arith.muli %add3A_94, %mul3A_95 : i32
    "tpu.region"() ({
      %run_scoped3A = tpu.sem_alloc : memref<!tpu.dma_semaphore, #tpu.memory_space<semaphore_mem>>
      %dma_start3A_109 = arith.constant 0 : i32
      %dma_start3A_110 = tpu.memref_slice %arg11[%mul3A_96, %dma_start3A_109] : memref<10240x128xf32, #tpu.memory_space<vmem_shared>> -> memref<128x128xf32, #tpu.memory_space<vmem_shared>>
      %dma_start3A_111 = arith.constant 0 : i32
      %dma_start3A_112 = tpu.memref_slice %arg11[%mul3A_96, %dma_start3A_111] : memref<10240x128xf32, #tpu.memory_space<vmem_shared>> -> memref<128x128xf32, #tpu.memory_space<vmem_shared>>
      tpu.enqueue_dma source(%dma_start3A_112 : memref<128x128xf32, #tpu.memory_space<vmem_shared>>) target(%arg9 : memref<128x128xf32, #tpu.memory_space<vmem>>) target_semaphore(%run_scoped3A : memref<!tpu.dma_semaphore, #tpu.memory_space<semaphore_mem>>)
      %dma_wait3A_113 = arith.constant 0 : i32
      %dma_wait3A_114 = tpu.memref_slice %arg11[%mul3A_96, %dma_wait3A_113] : memref<10240x128xf32, #tpu.memory_space<vmem_shared>> -> memref<128x128xf32, #tpu.memory_space<vmem_shared>>
      %dma_wait3A_115 = arith.constant 0 : i32
      %dma_wait3A_116 = tpu.memref_slice %arg11[%mul3A_96, %dma_wait3A_115] : memref<10240x128xf32, #tpu.memory_space<vmem_shared>> -> memref<128x128xf32, #tpu.memory_space<vmem_shared>>
      tpu.wait_dma2 semaphore(%run_scoped3A : memref<!tpu.dma_semaphore, #tpu.memory_space<semaphore_mem>>) src(%dma_wait3A_116 : memref<128x128xf32, #tpu.memory_space<vmem_shared>>) dst(%arg9 : memref<128x128xf32, #tpu.memory_space<vmem>>)
      tpu.yield
    }) : () -> ()
    "tpu.region"() ({
      %run_scoped3A = tpu.sem_alloc : memref<!tpu.dma_semaphore, #tpu.memory_space<semaphore_mem>>
      %dma_start3A_109 = arith.constant 0 : i32
      %dma_start3A_110 = tpu.memref_slice %arg6[%arg0, %mul3A_96, %dma_start3A_109] : memref<2x10240x128xf32, #tpu.memory_space<hbm>> -> memref<1x128x128xf32, #tpu.memory_space<hbm>>
      %dma_start3A_111 = tpu.memref_squeeze %dma_start3A_110 : memref<1x128x128xf32, #tpu.memory_space<hbm>> -> memref<128x128xf32, #tpu.memory_space<hbm>>
      %dma_start3A_112 = arith.constant 0 : i32
      %dma_start3A_113 = tpu.memref_slice %arg6[%arg0, %mul3A_96, %dma_start3A_112] : memref<2x10240x128xf32, #tpu.memory_space<hbm>> -> memref<1x128x128xf32, #tpu.memory_space<hbm>>
      %dma_start3A_114 = tpu.memref_squeeze %dma_start3A_113 : memref<1x128x128xf32, #tpu.memory_space<hbm>> -> memref<128x128xf32, #tpu.memory_space<hbm>>
      tpu.enqueue_dma source(%arg9 : memref<128x128xf32, #tpu.memory_space<vmem>>) target(%dma_start3A_114 : memref<128x128xf32, #tpu.memory_space<hbm>>) target_semaphore(%run_scoped3A : memref<!tpu.dma_semaphore, #tpu.memory_space<semaphore_mem>>)
      %dma_wait3A_115 = arith.constant 0 : i32
      %dma_wait3A_116 = tpu.memref_slice %arg6[%arg0, %mul3A_96, %dma_wait3A_115] : memref<2x10240x128xf32, #tpu.memory_space<hbm>> -> memref<1x128x128xf32, #tpu.memory_space<hbm>>
      %dma_wait3A_117 = tpu.memref_squeeze %dma_wait3A_116 : memref<1x128x128xf32, #tpu.memory_space<hbm>> -> memref<128x128xf32, #tpu.memory_space<hbm>>
      %dma_wait3A_118 = arith.constant 0 : i32
      %dma_wait3A_119 = tpu.memref_slice %arg6[%arg0, %mul3A_96, %dma_wait3A_118] : memref<2x10240x128xf32, #tpu.memory_space<hbm>> -> memref<1x128x128xf32, #tpu.memory_space<hbm>>
      %dma_wait3A_120 = tpu.memref_squeeze %dma_wait3A_119 : memref<1x128x128xf32, #tpu.memory_space<hbm>> -> memref<128x128xf32, #tpu.memory_space<hbm>>
      tpu.wait_dma2 semaphore(%run_scoped3A : memref<!tpu.dma_semaphore, #tpu.memory_space<semaphore_mem>>) src(%arg9 : memref<128x128xf32, #tpu.memory_space<vmem>>) dst(%dma_wait3A_120 : memref<128x128xf32, #tpu.memory_space<hbm>>)
      tpu.yield
    }) : () -> ()
    %mul3A_97 = arith.constant 5 : i32
    %mul3A_98 = arith.muli %arg1, %mul3A_97 : i32
    %add3A_99 = arith.constant 3 : i32
    %add3A_100 = arith.addi %mul3A_98, %add3A_99 : i32
    %mul3A_101 = arith.constant 128 : i32
    %mul3A_102 = arith.muli %add3A_100, %mul3A_101 : i32
    "tpu.region"() ({
      %run_scoped3A = tpu.sem_alloc : memref<!tpu.dma_semaphore, #tpu.memory_space<semaphore_mem>>
      %dma_start3A_109 = arith.constant 0 : i32
      %dma_start3A_110 = tpu.memref_slice %arg11[%mul3A_102, %dma_start3A_109] : memref<10240x128xf32, #tpu.memory_space<vmem_shared>> -> memref<128x128xf32, #tpu.memory_space<vmem_shared>>
      %dma_start3A_111 = arith.constant 0 : i32
      %dma_start3A_112 = tpu.memref_slice %arg11[%mul3A_102, %dma_start3A_111] : memref<10240x128xf32, #tpu.memory_space<vmem_shared>> -> memref<128x128xf32, #tpu.memory_space<vmem_shared>>
      tpu.enqueue_dma source(%dma_start3A_112 : memref<128x128xf32, #tpu.memory_space<vmem_shared>>) target(%arg9 : memref<128x128xf32, #tpu.memory_space<vmem>>) target_semaphore(%run_scoped3A : memref<!tpu.dma_semaphore, #tpu.memory_space<semaphore_mem>>)
      %dma_wait3A_113 = arith.constant 0 : i32
      %dma_wait3A_114 = tpu.memref_slice %arg11[%mul3A_102, %dma_wait3A_113] : memref<10240x128xf32, #tpu.memory_space<vmem_shared>> -> memref<128x128xf32, #tpu.memory_space<vmem_shared>>
      %dma_wait3A_115 = arith.constant 0 : i32
      %dma_wait3A_116 = tpu.memref_slice %arg11[%mul3A_102, %dma_wait3A_115] : memref<10240x128xf32, #tpu.memory_space<vmem_shared>> -> memref<128x128xf32, #tpu.memory_space<vmem_shared>>
      tpu.wait_dma2 semaphore(%run_scoped3A : memref<!tpu.dma_semaphore, #tpu.memory_space<semaphore_mem>>) src(%dma_wait3A_116 : memref<128x128xf32, #tpu.memory_space<vmem_shared>>) dst(%arg9 : memref<128x128xf32, #tpu.memory_space<vmem>>)
      tpu.yield
    }) : () -> ()
    "tpu.region"() ({
      %run_scoped3A = tpu.sem_alloc : memref<!tpu.dma_semaphore, #tpu.memory_space<semaphore_mem>>
      %dma_start3A_109 = arith.constant 0 : i32
      %dma_start3A_110 = tpu.memref_slice %arg6[%arg0, %mul3A_102, %dma_start3A_109] : memref<2x10240x128xf32, #tpu.memory_space<hbm>> -> memref<1x128x128xf32, #tpu.memory_space<hbm>>
      %dma_start3A_111 = tpu.memref_squeeze %dma_start3A_110 : memref<1x128x128xf32, #tpu.memory_space<hbm>> -> memref<128x128xf32, #tpu.memory_space<hbm>>
      %dma_start3A_112 = arith.constant 0 : i32
      %dma_start3A_113 = tpu.memref_slice %arg6[%arg0, %mul3A_102, %dma_start3A_112] : memref<2x10240x128xf32, #tpu.memory_space<hbm>> -> memref<1x128x128xf32, #tpu.memory_space<hbm>>
      %dma_start3A_114 = tpu.memref_squeeze %dma_start3A_113 : memref<1x128x128xf32, #tpu.memory_space<hbm>> -> memref<128x128xf32, #tpu.memory_space<hbm>>
      tpu.enqueue_dma source(%arg9 : memref<128x128xf32, #tpu.memory_space<vmem>>) target(%dma_start3A_114 : memref<128x128xf32, #tpu.memory_space<hbm>>) target_semaphore(%run_scoped3A : memref<!tpu.dma_semaphore, #tpu.memory_space<semaphore_mem>>)
      %dma_wait3A_115 = arith.constant 0 : i32
      %dma_wait3A_116 = tpu.memref_slice %arg6[%arg0, %mul3A_102, %dma_wait3A_115] : memref<2x10240x128xf32, #tpu.memory_space<hbm>> -> memref<1x128x128xf32, #tpu.memory_space<hbm>>
      %dma_wait3A_117 = tpu.memref_squeeze %dma_wait3A_116 : memref<1x128x128xf32, #tpu.memory_space<hbm>> -> memref<128x128xf32, #tpu.memory_space<hbm>>
      %dma_wait3A_118 = arith.constant 0 : i32
      %dma_wait3A_119 = tpu.memref_slice %arg6[%arg0, %mul3A_102, %dma_wait3A_118] : memref<2x10240x128xf32, #tpu.memory_space<hbm>> -> memref<1x128x128xf32, #tpu.memory_space<hbm>>
      %dma_wait3A_120 = tpu.memref_squeeze %dma_wait3A_119 : memref<1x128x128xf32, #tpu.memory_space<hbm>> -> memref<128x128xf32, #tpu.memory_space<hbm>>
      tpu.wait_dma2 semaphore(%run_scoped3A : memref<!tpu.dma_semaphore, #tpu.memory_space<semaphore_mem>>) src(%arg9 : memref<128x128xf32, #tpu.memory_space<vmem>>) dst(%dma_wait3A_120 : memref<128x128xf32, #tpu.memory_space<hbm>>)
      tpu.yield
    }) : () -> ()
    %mul3A_103 = arith.constant 5 : i32
    %mul3A_104 = arith.muli %arg1, %mul3A_103 : i32
    %add3A_105 = arith.constant 4 : i32
    %add3A_106 = arith.addi %mul3A_104, %add3A_105 : i32
    %mul3A_107 = arith.constant 128 : i32
    %mul3A_108 = arith.muli %add3A_106, %mul3A_107 : i32
    "tpu.region"() ({
      %run_scoped3A = tpu.sem_alloc : memref<!tpu.dma_semaphore, #tpu.memory_space<semaphore_mem>>
      %dma_start3A_109 = arith.constant 0 : i32
      %dma_start3A_110 = tpu.memref_slice %arg11[%mul3A_108, %dma_start3A_109] : memref<10240x128xf32, #tpu.memory_space<vmem_shared>> -> memref<128x128xf32, #tpu.memory_space<vmem_shared>>
      %dma_start3A_111 = arith.constant 0 : i32
      %dma_start3A_112 = tpu.memref_slice %arg11[%mul3A_108, %dma_start3A_111] : memref<10240x128xf32, #tpu.memory_space<vmem_shared>> -> memref<128x128xf32, #tpu.memory_space<vmem_shared>>
      tpu.enqueue_dma source(%dma_start3A_112 : memref<128x128xf32, #tpu.memory_space<vmem_shared>>) target(%arg9 : memref<128x128xf32, #tpu.memory_space<vmem>>) target_semaphore(%run_scoped3A : memref<!tpu.dma_semaphore, #tpu.memory_space<semaphore_mem>>)
      %dma_wait3A_113 = arith.constant 0 : i32
      %dma_wait3A_114 = tpu.memref_slice %arg11[%mul3A_108, %dma_wait3A_113] : memref<10240x128xf32, #tpu.memory_space<vmem_shared>> -> memref<128x128xf32, #tpu.memory_space<vmem_shared>>
      %dma_wait3A_115 = arith.constant 0 : i32
      %dma_wait3A_116 = tpu.memref_slice %arg11[%mul3A_108, %dma_wait3A_115] : memref<10240x128xf32, #tpu.memory_space<vmem_shared>> -> memref<128x128xf32, #tpu.memory_space<vmem_shared>>
      tpu.wait_dma2 semaphore(%run_scoped3A : memref<!tpu.dma_semaphore, #tpu.memory_space<semaphore_mem>>) src(%dma_wait3A_116 : memref<128x128xf32, #tpu.memory_space<vmem_shared>>) dst(%arg9 : memref<128x128xf32, #tpu.memory_space<vmem>>)
      tpu.yield
    }) : () -> ()
    "tpu.region"() ({
      %run_scoped3A = tpu.sem_alloc : memref<!tpu.dma_semaphore, #tpu.memory_space<semaphore_mem>>
      %dma_start3A_109 = arith.constant 0 : i32
      %dma_start3A_110 = tpu.memref_slice %arg6[%arg0, %mul3A_108, %dma_start3A_109] : memref<2x10240x128xf32, #tpu.memory_space<hbm>> -> memref<1x128x128xf32, #tpu.memory_space<hbm>>
      %dma_start3A_111 = tpu.memref_squeeze %dma_start3A_110 : memref<1x128x128xf32, #tpu.memory_space<hbm>> -> memref<128x128xf32, #tpu.memory_space<hbm>>
      %dma_start3A_112 = arith.constant 0 : i32
      %dma_start3A_113 = tpu.memref_slice %arg6[%arg0, %mul3A_108, %dma_start3A_112] : memref<2x10240x128xf32, #tpu.memory_space<hbm>> -> memref<1x128x128xf32, #tpu.memory_space<hbm>>
      %dma_start3A_114 = tpu.memref_squeeze %dma_start3A_113 : memref<1x128x128xf32, #tpu.memory_space<hbm>> -> memref<128x128xf32, #tpu.memory_space<hbm>>
      tpu.enqueue_dma source(%arg9 : memref<128x128xf32, #tpu.memory_space<vmem>>) target(%dma_start3A_114 : memref<128x128xf32, #tpu.memory_space<hbm>>) target_semaphore(%run_scoped3A : memref<!tpu.dma_semaphore, #tpu.memory_space<semaphore_mem>>)
      %dma_wait3A_115 = arith.constant 0 : i32
      %dma_wait3A_116 = tpu.memref_slice %arg6[%arg0, %mul3A_108, %dma_wait3A_115] : memref<2x10240x128xf32, #tpu.memory_space<hbm>> -> memref<1x128x128xf32, #tpu.memory_space<hbm>>
      %dma_wait3A_117 = tpu.memref_squeeze %dma_wait3A_116 : memref<1x128x128xf32, #tpu.memory_space<hbm>> -> memref<128x128xf32, #tpu.memory_space<hbm>>
      %dma_wait3A_118 = arith.constant 0 : i32
      %dma_wait3A_119 = tpu.memref_slice %arg6[%arg0, %mul3A_108, %dma_wait3A_118] : memref<2x10240x128xf32, #tpu.memory_space<hbm>> -> memref<1x128x128xf32, #tpu.memory_space<hbm>>
      %dma_wait3A_120 = tpu.memref_squeeze %dma_wait3A_119 : memref<1x128x128xf32, #tpu.memory_space<hbm>> -> memref<128x128xf32, #tpu.memory_space<hbm>>
      tpu.wait_dma2 semaphore(%run_scoped3A : memref<!tpu.dma_semaphore, #tpu.memory_space<semaphore_mem>>) src(%arg9 : memref<128x128xf32, #tpu.memory_space<vmem>>) dst(%dma_wait3A_120 : memref<128x128xf32, #tpu.memory_space<hbm>>)
      tpu.yield
    }) : () -> ()
    return
  }
}

module attributes {stable_mosaic.version = 14 : i64} {
  func.func @_t1_body(%arg0: i32, %arg1: memref<2000x128xf32, #tpu.memory_space<vmem>>, %arg2: memref<128x128xf32, #tpu.memory_space<vmem>>, %arg3: memref<2x2000x128xf32, #tpu.memory_space<vmem>>, %arg4: memref<2000x128xf32, #tpu.memory_space<vmem>>, %arg5: memref<2000x128xf32, #tpu.memory_space<vmem>>) attributes {dimension_semantics = [#tpu.dimension_semantics<arbitrary>], iteration_bounds = array<i64: 5>, scalar_prefetch = 0 : i64, scratch_operands = 0 : i64, tpu.core_type = #tpu.core_type<tc>, window_params = [{transform_indices = @transform_0, window_bounds = array<i64: 2000, 128>}, {pipeline_mode = #tpu.pipeline_mode<synchronous>, transform_indices = @transform_1, window_bounds = array<i64: 128, 128>}, {transform_indices = @transform_2, window_bounds = array<i64: 2, 2000, 128>}, {transform_indices = @transform_3, window_bounds = array<i64: 2000, 128>}, {transform_indices = @transform_4, window_bounds = array<i64: 2000, 128>}]} {
    %get3A = arith.constant 0 : index
    %get3A_0 = arith.constant 0 : index
    %get3A_1 = vector.load %arg1[%get3A, %get3A_0] : memref<2000x128xf32, #tpu.memory_space<vmem>>, vector<2000x128xf32>
    %get3A_2 = arith.constant 0 : index
    %get3A_3 = arith.constant 0 : index
    %get3A_4 = arith.constant 0 : index
    %get3A_5 = vector.load %arg3[%get3A_2, %get3A_3, %get3A_4] : memref<2x2000x128xf32, #tpu.memory_space<vmem>>, vector<2x2000x128xf32>
    %slice3A = vector.extract_strided_slice %get3A_5 {offsets = [0, 0, 0], sizes = [1, 2000, 1], strides = [1, 1, 1]} : vector<2x2000x128xf32> to vector<1x2000x1xf32>
    %squeeze3A = vector.shape_cast %slice3A : vector<1x2000x1xf32> to vector<2000x1xf32>
    %slice3A_6 = vector.extract_strided_slice %get3A_5 {offsets = [1, 0, 0], sizes = [1, 2000, 1], strides = [1, 1, 1]} : vector<2x2000x128xf32> to vector<1x2000x1xf32>
    %squeeze3A_7 = vector.shape_cast %slice3A_6 : vector<1x2000x1xf32> to vector<2000x1xf32>
    %add3A = arith.addf %squeeze3A, %squeeze3A_7 : vector<2000x1xf32>
    %add3A_8 = arith.constant 1.000000e+00 : f32
    %add3A_9 = vector.broadcast %add3A_8 : f32 to vector<2000x1xf32>
    %add3A_10 = arith.addf %add3A, %add3A_9 : vector<2000x1xf32>
    %max3A = arith.constant 9.99999996E-13 : f32
    %max3A_11 = vector.broadcast %max3A : f32 to vector<2000x1xf32>
    %max3A_12 = arith.maximumf %add3A_10, %max3A_11 : vector<2000x1xf32>
    %rsqrt3A = math.rsqrt %max3A_12 : vector<2000x1xf32>
    %get3A_13 = arith.constant 0 : index
    %get3A_14 = arith.constant 0 : index
    %get3A_15 = vector.load %arg2[%get3A_13, %get3A_14] : memref<128x128xf32, #tpu.memory_space<vmem>>, vector<128x128xf32>
    %dot_general3A = arith.constant dense<0.000000e+00> : vector<2000x128xf32>
    %dot_general3A_16 = tpu.matmul %get3A_1, %get3A_15, %dot_general3A {dimension_numbers = #tpu.dot_dimension_numbers<[1], [0], [0], [1], [0, 0, 1, 1], [], []>, transpose_lhs_hint = false} : vector<2000x128xf32>, vector<128x128xf32>, vector<2000x128xf32> -> vector<2000x128xf32>
    %broadcast_in_dim3A = vector.shape_cast %rsqrt3A : vector<2000x1xf32> to vector<2000x1xf32>
    %broadcast_in_dim3A_17 = vector.broadcast %broadcast_in_dim3A : vector<2000x1xf32> to vector<2000x128xf32>
    %mul3A = arith.mulf %dot_general3A_16, %broadcast_in_dim3A_17 : vector<2000x128xf32>
    %swap3A = arith.constant 0 : index
    %swap3A_18 = arith.constant 0 : index
    %swap3A_19 = vector.load %arg4[%swap3A, %swap3A_18] : memref<2000x128xf32, #tpu.memory_space<vmem>>, vector<2000x128xf32>
    tpu.vector_store %arg4[%swap3A, %swap3A_18], %mul3A {strides = array<i32>} : memref<2000x128xf32, #tpu.memory_space<vmem>>, vector<2000x128xf32>,
    %swap3A_20 = arith.constant 0 : index
    %swap3A_21 = arith.constant 0 : index
    %swap3A_22 = vector.load %arg5[%swap3A_20, %swap3A_21] : memref<2000x128xf32, #tpu.memory_space<vmem>>, vector<2000x128xf32>
    tpu.vector_store %arg5[%swap3A_20, %swap3A_21], %broadcast_in_dim3A_17 {strides = array<i32>} : memref<2000x128xf32, #tpu.memory_space<vmem>>, vector<2000x128xf32>,
    return
  }
  func.func @transform_0(%arg0: i32) -> (i32, i32) {
    %c0_i32 = arith.constant 0 : i32
    %c0_i32_0 = arith.constant 0 : i32
    return %arg0, %c0_i32 : i32, i32
  }
  func.func @transform_1(%arg0: i32) -> (i32, i32) {
    %c0_i32 = arith.constant 0 : i32
    %c0_i32_0 = arith.constant 0 : i32
    %c0_i32_1 = arith.constant 0 : i32
    return %c0_i32, %c0_i32_0 : i32, i32
  }
  func.func @transform_2(%arg0: i32) -> (i32, i32, i32) {
    %c0_i32 = arith.constant 0 : i32
    %c0_i32_0 = arith.constant 0 : i32
    %c0_i32_1 = arith.constant 0 : i32
    return %c0_i32, %arg0, %c0_i32_0 : i32, i32, i32
  }
  func.func @transform_3(%arg0: i32) -> (i32, i32) {
    %c0_i32 = arith.constant 0 : i32
    %c0_i32_0 = arith.constant 0 : i32
    return %arg0, %c0_i32 : i32, i32
  }
  func.func @transform_4(%arg0: i32) -> (i32, i32) {
    %c0_i32 = arith.constant 0 : i32
    %c0_i32_0 = arith.constant 0 : i32
    return %arg0, %c0_i32 : i32, i32
  }
}

module attributes {stable_mosaic.version = 14 : i64} {
  func.func @_t21_body(%arg0: i32, %arg1: memref<2000x128xf32, #tpu.memory_space<vmem>>, %arg2: memref<2000x128xf32, #tpu.memory_space<vmem>>, %arg3: memref<2000x128xf32, #tpu.memory_space<vmem>>, %arg4: memref<2x2000x128xf32, #tpu.memory_space<vmem>>, %arg5: memref<1x128xf32, #tpu.memory_space<vmem>>, %arg6: memref<1x128xf32, #tpu.memory_space<vmem>>, %arg7: memref<1x128xf32, #tpu.memory_space<vmem>>, %arg8: memref<128x256xf32, #tpu.memory_space<vmem>>, %arg9: memref<1x256xf32, #tpu.memory_space<vmem>>, %arg10: memref<256x128xf32, #tpu.memory_space<vmem>>, %arg11: memref<1x128xf32, #tpu.memory_space<vmem>>, %arg12: memref<1x128xf32, #tpu.memory_space<vmem>>, %arg13: memref<1x128xf32, #tpu.memory_space<vmem>>, %arg14: memref<128x128xf32, #tpu.memory_space<vmem>>, %arg15: memref<2000x128xf32, #tpu.memory_space<vmem>>, %arg16: memref<2000x128xf32, #tpu.memory_space<vmem>>) attributes {dimension_semantics = [#tpu.dimension_semantics<arbitrary>], iteration_bounds = array<i64: 5>, scalar_prefetch = 0 : i64, scratch_operands = 0 : i64, tpu.core_type = #tpu.core_type<tc>, window_params = [{transform_indices = @transform_0, window_bounds = array<i64: 2000, 128>}, {transform_indices = @transform_1, window_bounds = array<i64: 2000, 128>}, {transform_indices = @transform_2, window_bounds = array<i64: 2000, 128>}, {transform_indices = @transform_3, window_bounds = array<i64: 2, 2000, 128>}, {pipeline_mode = #tpu.pipeline_mode<synchronous>, transform_indices = @transform_4, window_bounds = array<i64: 1, 128>}, {pipeline_mode = #tpu.pipeline_mode<synchronous>, transform_indices = @transform_5, window_bounds = array<i64: 1, 128>}, {pipeline_mode = #tpu.pipeline_mode<synchronous>, transform_indices = @transform_6, window_bounds = array<i64: 1, 128>}, {pipeline_mode = #tpu.pipeline_mode<synchronous>, transform_indices = @transform_7, window_bounds = array<i64: 128, 256>}, {pipeline_mode = #tpu.pipeline_mode<synchronous>, transform_indices = @transform_8, window_bounds = array<i64: 1, 256>}, {pipeline_mode = #tpu.pipeline_mode<synchronous>, transform_indices = @transform_9, window_bounds = array<i64: 256, 128>}, {pipeline_mode = #tpu.pipeline_mode<synchronous>, transform_indices = @transform_10, window_bounds = array<i64: 1, 128>}, {pipeline_mode = #tpu.pipeline_mode<synchronous>, transform_indices = @transform_11, window_bounds = array<i64: 1, 128>}, {pipeline_mode = #tpu.pipeline_mode<synchronous>, transform_indices = @transform_12, window_bounds = array<i64: 1, 128>}, {pipeline_mode = #tpu.pipeline_mode<synchronous>, transform_indices = @transform_13, window_bounds = array<i64: 128, 128>}, {transform_indices = @transform_14, window_bounds = array<i64: 2000, 128>}, {transform_indices = @transform_15, window_bounds = array<i64: 2000, 128>}]} {
    %get3A = arith.constant 0 : index
    %get3A_0 = arith.constant 0 : index
    %get3A_1 = vector.load %arg1[%get3A, %get3A_0] : memref<2000x128xf32, #tpu.memory_space<vmem>>, vector<2000x128xf32>
    %get3A_2 = arith.constant 0 : index
    %get3A_3 = arith.constant 0 : index
    %get3A_4 = vector.load %arg3[%get3A_2, %get3A_3] : memref<2000x128xf32, #tpu.memory_space<vmem>>, vector<2000x128xf32>
    %get3A_5 = arith.constant 0 : index
    %get3A_6 = arith.constant 0 : index
    %get3A_7 = arith.constant 0 : index
    %get3A_8 = vector.load %arg4[%get3A_5, %get3A_6, %get3A_7] : memref<2x2000x128xf32, #tpu.memory_space<vmem>>, vector<1x2000x128xf32>
    %get3A_9 = vector.shape_cast %get3A_8 : vector<1x2000x128xf32> to vector<2000x128xf32>
    %get3A_10 = arith.constant 1 : index
    %get3A_11 = arith.constant 0 : index
    %get3A_12 = arith.constant 0 : index
    %get3A_13 = vector.load %arg4[%get3A_10, %get3A_11, %get3A_12] : memref<2x2000x128xf32, #tpu.memory_space<vmem>>, vector<1x2000x128xf32>
    %get3A_14 = vector.shape_cast %get3A_13 : vector<1x2000x128xf32> to vector<2000x128xf32>
    %add3A = arith.addf %get3A_9, %get3A_14 : vector<2000x128xf32>
    %get3A_15 = arith.constant 0 : index
    %get3A_16 = arith.constant 0 : index
    %get3A_17 = vector.load %arg2[%get3A_15, %get3A_16] : memref<2000x128xf32, #tpu.memory_space<vmem>>, vector<2000x128xf32>
    %add3A_18 = arith.addf %add3A, %get3A_17 : vector<2000x128xf32>
    %mul3A = arith.mulf %get3A_4, %add3A_18 : vector<2000x128xf32>
    %get3A_19 = arith.constant 0 : index
    %get3A_20 = arith.constant 0 : index
    %get3A_21 = vector.load %arg5[%get3A_19, %get3A_20] : memref<1x128xf32, #tpu.memory_space<vmem>>, vector<1x128xf32>
    %add3A_22 = vector.broadcast %get3A_21 : vector<1x128xf32> to vector<2000x128xf32>
    %add3A_23 = arith.addf %mul3A, %add3A_22 : vector<2000x128xf32>
    %add3A_24 = arith.addf %get3A_1, %add3A_23 : vector<2000x128xf32>
    %get3A_25 = arith.constant 0 : index
    %get3A_26 = arith.constant 0 : index
    %get3A_27 = vector.load %arg6[%get3A_25, %get3A_26] : memref<1x128xf32, #tpu.memory_space<vmem>>, vector<1x128xf32>
    %get3A_28 = arith.constant 0 : index
    %get3A_29 = arith.constant 0 : index
    %get3A_30 = vector.load %arg7[%get3A_28, %get3A_29] : memref<1x128xf32, #tpu.memory_space<vmem>>, vector<1x128xf32>
    %reduce_sum3A = arith.constant dense<0.000000e+00> : vector<2000xf32>
    %reduce_sum3A_31 = vector.multi_reduction <add>, %add3A_24, %reduce_sum3A [1] : vector<2000x128xf32> to vector<2000xf32>
    %broadcast_in_dim3A = vector.shape_cast %reduce_sum3A_31 : vector<2000xf32> to vector<2000x1xf32>
    %div3A = arith.constant 1.280000e+02 : f32
    %div3A_32 = vector.broadcast %div3A : f32 to vector<2000x1xf32>
    %div3A_33 = arith.divf %broadcast_in_dim3A, %div3A_32 : vector<2000x1xf32>
    %sub3A = vector.broadcast %div3A_33 : vector<2000x1xf32> to vector<2000x128xf32>
    %sub3A_34 = arith.subf %add3A_24, %sub3A : vector<2000x128xf32>
    %integer_pow3A = arith.mulf %sub3A_34, %sub3A_34 : vector<2000x128xf32>
    %reduce_sum3A_35 = arith.constant dense<0.000000e+00> : vector<2000xf32>
    %reduce_sum3A_36 = vector.multi_reduction <add>, %integer_pow3A, %reduce_sum3A_35 [1] : vector<2000x128xf32> to vector<2000xf32>
    %broadcast_in_dim3A_37 = vector.shape_cast %reduce_sum3A_36 : vector<2000xf32> to vector<2000x1xf32>
    %div3A_38 = arith.constant 1.280000e+02 : f32
    %div3A_39 = vector.broadcast %div3A_38 : f32 to vector<2000x1xf32>
    %div3A_40 = arith.divf %broadcast_in_dim3A_37, %div3A_39 : vector<2000x1xf32>
    %sub3A_41 = vector.broadcast %div3A_33 : vector<2000x1xf32> to vector<2000x128xf32>
    %sub3A_42 = arith.subf %add3A_24, %sub3A_41 : vector<2000x128xf32>
    %add3A_43 = arith.constant 9.99999974E-6 : f32
    %add3A_44 = vector.broadcast %add3A_43 : f32 to vector<2000x1xf32>
    %add3A_45 = arith.addf %div3A_40, %add3A_44 : vector<2000x1xf32>
    %rsqrt3A = math.rsqrt %add3A_45 : vector<2000x1xf32>
    %mul3A_46 = vector.broadcast %rsqrt3A : vector<2000x1xf32> to vector<2000x128xf32>
    %mul3A_47 = arith.mulf %sub3A_42, %mul3A_46 : vector<2000x128xf32>
    %mul3A_48 = vector.broadcast %get3A_27 : vector<1x128xf32> to vector<2000x128xf32>
    %mul3A_49 = arith.mulf %mul3A_47, %mul3A_48 : vector<2000x128xf32>
    %add3A_50 = vector.broadcast %get3A_30 : vector<1x128xf32> to vector<2000x128xf32>
    %add3A_51 = arith.addf %mul3A_49, %add3A_50 : vector<2000x128xf32>
    %get3A_52 = arith.constant 0 : index
    %get3A_53 = arith.constant 0 : index
    %get3A_54 = vector.load %arg8[%get3A_52, %get3A_53] : memref<128x256xf32, #tpu.memory_space<vmem>>, vector<128x256xf32>
    %dot_general3A = arith.constant dense<0.000000e+00> : vector<2000x256xf32>
    %dot_general3A_55 = tpu.matmul %add3A_51, %get3A_54, %dot_general3A {dimension_numbers = #tpu.dot_dimension_numbers<[1], [0], [0], [1], [0, 0, 1, 1], [], []>, transpose_lhs_hint = false} : vector<2000x128xf32>, vector<128x256xf32>, vector<2000x256xf32> -> vector<2000x256xf32>
    %get3A_56 = arith.constant 0 : index
    %get3A_57 = arith.constant 0 : index
    %get3A_58 = vector.load %arg9[%get3A_56, %get3A_57] : memref<1x256xf32, #tpu.memory_space<vmem>>, vector<1x256xf32>
    %add3A_59 = vector.broadcast %get3A_58 : vector<1x256xf32> to vector<2000x256xf32>
    %add3A_60 = arith.addf %dot_general3A_55, %add3A_59 : vector<2000x256xf32>
    %max3A = arith.constant 0.000000e+00 : f32
    %max3A_61 = vector.broadcast %max3A : f32 to vector<2000x256xf32>
    %max3A_62 = arith.maximumf %add3A_60, %max3A_61 : vector<2000x256xf32>
    %get3A_63 = arith.constant 0 : index
    %get3A_64 = arith.constant 0 : index
    %get3A_65 = vector.load %arg10[%get3A_63, %get3A_64] : memref<256x128xf32, #tpu.memory_space<vmem>>, vector<256x128xf32>
    %dot_general3A_66 = arith.constant dense<0.000000e+00> : vector<2000x128xf32>
    %dot_general3A_67 = tpu.matmul %max3A_62, %get3A_65, %dot_general3A_66 {dimension_numbers = #tpu.dot_dimension_numbers<[1], [0], [0], [1], [0, 0, 1, 1], [], []>, transpose_lhs_hint = false} : vector<2000x256xf32>, vector<256x128xf32>, vector<2000x128xf32> -> vector<2000x128xf32>
    %get3A_68 = arith.constant 0 : index
    %get3A_69 = arith.constant 0 : index
    %get3A_70 = vector.load %arg11[%get3A_68, %get3A_69] : memref<1x128xf32, #tpu.memory_space<vmem>>, vector<1x128xf32>
    %add3A_71 = vector.broadcast %get3A_70 : vector<1x128xf32> to vector<2000x128xf32>
    %add3A_72 = arith.addf %dot_general3A_67, %add3A_71 : vector<2000x128xf32>
    %add3A_73 = arith.addf %add3A_51, %add3A_72 : vector<2000x128xf32>
    %get3A_74 = arith.constant 0 : index
    %get3A_75 = arith.constant 0 : index
    %get3A_76 = vector.load %arg12[%get3A_74, %get3A_75] : memref<1x128xf32, #tpu.memory_space<vmem>>, vector<1x128xf32>
    %get3A_77 = arith.constant 0 : index
    %get3A_78 = arith.constant 0 : index
    %get3A_79 = vector.load %arg13[%get3A_77, %get3A_78] : memref<1x128xf32, #tpu.memory_space<vmem>>, vector<1x128xf32>
    %reduce_sum3A_80 = arith.constant dense<0.000000e+00> : vector<2000xf32>
    %reduce_sum3A_81 = vector.multi_reduction <add>, %add3A_73, %reduce_sum3A_80 [1] : vector<2000x128xf32> to vector<2000xf32>
    %broadcast_in_dim3A_82 = vector.shape_cast %reduce_sum3A_81 : vector<2000xf32> to vector<2000x1xf32>
    %div3A_83 = arith.constant 1.280000e+02 : f32
    %div3A_84 = vector.broadcast %div3A_83 : f32 to vector<2000x1xf32>
    %div3A_85 = arith.divf %broadcast_in_dim3A_82, %div3A_84 : vector<2000x1xf32>
    %sub3A_86 = vector.broadcast %div3A_85 : vector<2000x1xf32> to vector<2000x128xf32>
    %sub3A_87 = arith.subf %add3A_73, %sub3A_86 : vector<2000x128xf32>
    %integer_pow3A_88 = arith.mulf %sub3A_87, %sub3A_87 : vector<2000x128xf32>
    %reduce_sum3A_89 = arith.constant dense<0.000000e+00> : vector<2000xf32>
    %reduce_sum3A_90 = vector.multi_reduction <add>, %integer_pow3A_88, %reduce_sum3A_89 [1] : vector<2000x128xf32> to vector<2000xf32>
    %broadcast_in_dim3A_91 = vector.shape_cast %reduce_sum3A_90 : vector<2000xf32> to vector<2000x1xf32>
    %div3A_92 = arith.constant 1.280000e+02 : f32
    %div3A_93 = vector.broadcast %div3A_92 : f32 to vector<2000x1xf32>
    %div3A_94 = arith.divf %broadcast_in_dim3A_91, %div3A_93 : vector<2000x1xf32>
    %sub3A_95 = vector.broadcast %div3A_85 : vector<2000x1xf32> to vector<2000x128xf32>
    %sub3A_96 = arith.subf %add3A_73, %sub3A_95 : vector<2000x128xf32>
    %add3A_97 = arith.constant 9.99999974E-6 : f32
    %add3A_98 = vector.broadcast %add3A_97 : f32 to vector<2000x1xf32>
    %add3A_99 = arith.addf %div3A_94, %add3A_98 : vector<2000x1xf32>
    %rsqrt3A_100 = math.rsqrt %add3A_99 : vector<2000x1xf32>
    %mul3A_101 = vector.broadcast %rsqrt3A_100 : vector<2000x1xf32> to vector<2000x128xf32>
    %mul3A_102 = arith.mulf %sub3A_96, %mul3A_101 : vector<2000x128xf32>
    %mul3A_103 = vector.broadcast %get3A_76 : vector<1x128xf32> to vector<2000x128xf32>
    %mul3A_104 = arith.mulf %mul3A_102, %mul3A_103 : vector<2000x128xf32>
    %add3A_105 = vector.broadcast %get3A_79 : vector<1x128xf32> to vector<2000x128xf32>
    %add3A_106 = arith.addf %mul3A_104, %add3A_105 : vector<2000x128xf32>
    %swap3A = arith.constant 0 : index
    %swap3A_107 = arith.constant 0 : index
    %swap3A_108 = vector.load %arg15[%swap3A, %swap3A_107] : memref<2000x128xf32, #tpu.memory_space<vmem>>, vector<2000x128xf32>
    tpu.vector_store %arg15[%swap3A, %swap3A_107], %add3A_106 {strides = array<i32>} : memref<2000x128xf32, #tpu.memory_space<vmem>>, vector<2000x128xf32>,
    %get3A_109 = arith.constant 0 : index
    %get3A_110 = arith.constant 0 : index
    %get3A_111 = vector.load %arg14[%get3A_109, %get3A_110] : memref<128x128xf32, #tpu.memory_space<vmem>>, vector<128x128xf32>
    %dot_general3A_112 = arith.constant dense<0.000000e+00> : vector<2000x128xf32>
    %dot_general3A_113 = tpu.matmul %add3A_106, %get3A_111, %dot_general3A_112 {dimension_numbers = #tpu.dot_dimension_numbers<[1], [0], [0], [1], [0, 0, 1, 1], [], []>, transpose_lhs_hint = false} : vector<2000x128xf32>, vector<128x128xf32>, vector<2000x128xf32> -> vector<2000x128xf32>
    %get3A_114 = arith.constant 0 : index
    %get3A_115 = arith.constant 0 : index
    %get3A_116 = vector.load %arg3[%get3A_114, %get3A_115] : memref<2000x128xf32, #tpu.memory_space<vmem>>, vector<2000x128xf32>
    %mul3A_117 = arith.mulf %dot_general3A_113, %get3A_116 : vector<2000x128xf32>
    %swap3A_118 = arith.constant 0 : index
    %swap3A_119 = arith.constant 0 : index
    %swap3A_120 = vector.load %arg16[%swap3A_118, %swap3A_119] : memref<2000x128xf32, #tpu.memory_space<vmem>>, vector<2000x128xf32>
    tpu.vector_store %arg16[%swap3A_118, %swap3A_119], %mul3A_117 {strides = array<i32>} : memref<2000x128xf32, #tpu.memory_space<vmem>>, vector<2000x128xf32>,
    return
  }
  func.func @transform_0(%arg0: i32) -> (i32, i32) {
    %c0_i32 = arith.constant 0 : i32
    %c0_i32_0 = arith.constant 0 : i32
    return %arg0, %c0_i32 : i32, i32
  }
  func.func @transform_1(%arg0: i32) -> (i32, i32) {
    %c0_i32 = arith.constant 0 : i32
    %c0_i32_0 = arith.constant 0 : i32
    return %arg0, %c0_i32 : i32, i32
  }
  func.func @transform_2(%arg0: i32) -> (i32, i32) {
    %c0_i32 = arith.constant 0 : i32
    %c0_i32_0 = arith.constant 0 : i32
    return %arg0, %c0_i32 : i32, i32
  }
  func.func @transform_3(%arg0: i32) -> (i32, i32, i32) {
    %c0_i32 = arith.constant 0 : i32
    %c0_i32_0 = arith.constant 0 : i32
    %c0_i32_1 = arith.constant 0 : i32
    return %c0_i32, %arg0, %c0_i32_0 : i32, i32, i32
  }
  func.func @transform_4(%arg0: i32) -> (i32, i32) {
    %c0_i32 = arith.constant 0 : i32
    %c0_i32_0 = arith.constant 0 : i32
    %c0_i32_1 = arith.constant 0 : i32
    return %c0_i32, %c0_i32_0 : i32, i32
  }
  func.func @transform_5(%arg0: i32) -> (i32, i32) {
    %c0_i32 = arith.constant 0 : i32
    %c0_i32_0 = arith.constant 0 : i32
    %c0_i32_1 = arith.constant 0 : i32
    return %c0_i32, %c0_i32_0 : i32, i32
  }
  func.func @transform_6(%arg0: i32) -> (i32, i32) {
    %c0_i32 = arith.constant 0 : i32
    %c0_i32_0 = arith.constant 0 : i32
    %c0_i32_1 = arith.constant 0 : i32
    return %c0_i32, %c0_i32_0 : i32, i32
  }
  func.func @transform_7(%arg0: i32) -> (i32, i32) {
    %c0_i32 = arith.constant 0 : i32
    %c0_i32_0 = arith.constant 0 : i32
    %c0_i32_1 = arith.constant 0 : i32
    return %c0_i32, %c0_i32_0 : i32, i32
  }
  func.func @transform_8(%arg0: i32) -> (i32, i32) {
    %c0_i32 = arith.constant 0 : i32
    %c0_i32_0 = arith.constant 0 : i32
    %c0_i32_1 = arith.constant 0 : i32
    return %c0_i32, %c0_i32_0 : i32, i32
  }
  func.func @transform_9(%arg0: i32) -> (i32, i32) {
    %c0_i32 = arith.constant 0 : i32
    %c0_i32_0 = arith.constant 0 : i32
    %c0_i32_1 = arith.constant 0 : i32
    return %c0_i32, %c0_i32_0 : i32, i32
  }
  func.func @transform_10(%arg0: i32) -> (i32, i32) {
    %c0_i32 = arith.constant 0 : i32
    %c0_i32_0 = arith.constant 0 : i32
    %c0_i32_1 = arith.constant 0 : i32
    return %c0_i32, %c0_i32_0 : i32, i32
  }
  func.func @transform_11(%arg0: i32) -> (i32, i32) {
    %c0_i32 = arith.constant 0 : i32
    %c0_i32_0 = arith.constant 0 : i32
    %c0_i32_1 = arith.constant 0 : i32
    return %c0_i32, %c0_i32_0 : i32, i32
  }
  func.func @transform_12(%arg0: i32) -> (i32, i32) {
    %c0_i32 = arith.constant 0 : i32
    %c0_i32_0 = arith.constant 0 : i32
    %c0_i32_1 = arith.constant 0 : i32
    return %c0_i32, %c0_i32_0 : i32, i32
  }
  func.func @transform_13(%arg0: i32) -> (i32, i32) {
    %c0_i32 = arith.constant 0 : i32
    %c0_i32_0 = arith.constant 0 : i32
    %c0_i32_1 = arith.constant 0 : i32
    return %c0_i32, %c0_i32_0 : i32, i32
  }
  func.func @transform_14(%arg0: i32) -> (i32, i32) {
    %c0_i32 = arith.constant 0 : i32
    %c0_i32_0 = arith.constant 0 : i32
    return %arg0, %c0_i32 : i32, i32
  }
  func.func @transform_15(%arg0: i32) -> (i32, i32) {
    %c0_i32 = arith.constant 0 : i32
    %c0_i32_0 = arith.constant 0 : i32
    return %arg0, %c0_i32 : i32, i32
  }
}

module attributes {stable_mosaic.version = 14 : i64} {
  func.func @_t2_body(%arg0: i32, %arg1: memref<2000x128xf32, #tpu.memory_space<vmem>>, %arg2: memref<2000x128xf32, #tpu.memory_space<vmem>>, %arg3: memref<2000x128xf32, #tpu.memory_space<vmem>>, %arg4: memref<2x2000x128xf32, #tpu.memory_space<vmem>>, %arg5: memref<1x128xf32, #tpu.memory_space<vmem>>, %arg6: memref<1x128xf32, #tpu.memory_space<vmem>>, %arg7: memref<1x128xf32, #tpu.memory_space<vmem>>, %arg8: memref<128x256xf32, #tpu.memory_space<vmem>>, %arg9: memref<1x256xf32, #tpu.memory_space<vmem>>, %arg10: memref<256x128xf32, #tpu.memory_space<vmem>>, %arg11: memref<1x128xf32, #tpu.memory_space<vmem>>, %arg12: memref<1x128xf32, #tpu.memory_space<vmem>>, %arg13: memref<1x128xf32, #tpu.memory_space<vmem>>, %arg14: memref<2000x128xf32, #tpu.memory_space<vmem>>) attributes {dimension_semantics = [#tpu.dimension_semantics<arbitrary>], iteration_bounds = array<i64: 5>, scalar_prefetch = 0 : i64, scratch_operands = 0 : i64, tpu.core_type = #tpu.core_type<tc>, window_params = [{transform_indices = @transform_0, window_bounds = array<i64: 2000, 128>}, {transform_indices = @transform_1, window_bounds = array<i64: 2000, 128>}, {transform_indices = @transform_2, window_bounds = array<i64: 2000, 128>}, {transform_indices = @transform_3, window_bounds = array<i64: 2, 2000, 128>}, {pipeline_mode = #tpu.pipeline_mode<synchronous>, transform_indices = @transform_4, window_bounds = array<i64: 1, 128>}, {pipeline_mode = #tpu.pipeline_mode<synchronous>, transform_indices = @transform_5, window_bounds = array<i64: 1, 128>}, {pipeline_mode = #tpu.pipeline_mode<synchronous>, transform_indices = @transform_6, window_bounds = array<i64: 1, 128>}, {pipeline_mode = #tpu.pipeline_mode<synchronous>, transform_indices = @transform_7, window_bounds = array<i64: 128, 256>}, {pipeline_mode = #tpu.pipeline_mode<synchronous>, transform_indices = @transform_8, window_bounds = array<i64: 1, 256>}, {pipeline_mode = #tpu.pipeline_mode<synchronous>, transform_indices = @transform_9, window_bounds = array<i64: 256, 128>}, {pipeline_mode = #tpu.pipeline_mode<synchronous>, transform_indices = @transform_10, window_bounds = array<i64: 1, 128>}, {pipeline_mode = #tpu.pipeline_mode<synchronous>, transform_indices = @transform_11, window_bounds = array<i64: 1, 128>}, {pipeline_mode = #tpu.pipeline_mode<synchronous>, transform_indices = @transform_12, window_bounds = array<i64: 1, 128>}, {transform_indices = @transform_13, window_bounds = array<i64: 2000, 128>}]} {
    %get3A = arith.constant 0 : index
    %get3A_0 = arith.constant 0 : index
    %get3A_1 = vector.load %arg1[%get3A, %get3A_0] : memref<2000x128xf32, #tpu.memory_space<vmem>>, vector<2000x128xf32>
    %get3A_2 = arith.constant 0 : index
    %get3A_3 = arith.constant 0 : index
    %get3A_4 = vector.load %arg3[%get3A_2, %get3A_3] : memref<2000x128xf32, #tpu.memory_space<vmem>>, vector<2000x128xf32>
    %get3A_5 = arith.constant 0 : index
    %get3A_6 = arith.constant 0 : index
    %get3A_7 = arith.constant 0 : index
    %get3A_8 = vector.load %arg4[%get3A_5, %get3A_6, %get3A_7] : memref<2x2000x128xf32, #tpu.memory_space<vmem>>, vector<1x2000x128xf32>
    %get3A_9 = vector.shape_cast %get3A_8 : vector<1x2000x128xf32> to vector<2000x128xf32>
    %get3A_10 = arith.constant 1 : index
    %get3A_11 = arith.constant 0 : index
    %get3A_12 = arith.constant 0 : index
    %get3A_13 = vector.load %arg4[%get3A_10, %get3A_11, %get3A_12] : memref<2x2000x128xf32, #tpu.memory_space<vmem>>, vector<1x2000x128xf32>
    %get3A_14 = vector.shape_cast %get3A_13 : vector<1x2000x128xf32> to vector<2000x128xf32>
    %add3A = arith.addf %get3A_9, %get3A_14 : vector<2000x128xf32>
    %get3A_15 = arith.constant 0 : index
    %get3A_16 = arith.constant 0 : index
    %get3A_17 = vector.load %arg2[%get3A_15, %get3A_16] : memref<2000x128xf32, #tpu.memory_space<vmem>>, vector<2000x128xf32>
    %add3A_18 = arith.addf %add3A, %get3A_17 : vector<2000x128xf32>
    %mul3A = arith.mulf %get3A_4, %add3A_18 : vector<2000x128xf32>
    %get3A_19 = arith.constant 0 : index
    %get3A_20 = arith.constant 0 : index
    %get3A_21 = vector.load %arg5[%get3A_19, %get3A_20] : memref<1x128xf32, #tpu.memory_space<vmem>>, vector<1x128xf32>
    %add3A_22 = vector.broadcast %get3A_21 : vector<1x128xf32> to vector<2000x128xf32>
    %add3A_23 = arith.addf %mul3A, %add3A_22 : vector<2000x128xf32>
    %add3A_24 = arith.addf %get3A_1, %add3A_23 : vector<2000x128xf32>
    %get3A_25 = arith.constant 0 : index
    %get3A_26 = arith.constant 0 : index
    %get3A_27 = vector.load %arg6[%get3A_25, %get3A_26] : memref<1x128xf32, #tpu.memory_space<vmem>>, vector<1x128xf32>
    %get3A_28 = arith.constant 0 : index
    %get3A_29 = arith.constant 0 : index
    %get3A_30 = vector.load %arg7[%get3A_28, %get3A_29] : memref<1x128xf32, #tpu.memory_space<vmem>>, vector<1x128xf32>
    %reduce_sum3A = arith.constant dense<0.000000e+00> : vector<2000xf32>
    %reduce_sum3A_31 = vector.multi_reduction <add>, %add3A_24, %reduce_sum3A [1] : vector<2000x128xf32> to vector<2000xf32>
    %broadcast_in_dim3A = vector.shape_cast %reduce_sum3A_31 : vector<2000xf32> to vector<2000x1xf32>
    %div3A = arith.constant 1.280000e+02 : f32
    %div3A_32 = vector.broadcast %div3A : f32 to vector<2000x1xf32>
    %div3A_33 = arith.divf %broadcast_in_dim3A, %div3A_32 : vector<2000x1xf32>
    %sub3A = vector.broadcast %div3A_33 : vector<2000x1xf32> to vector<2000x128xf32>
    %sub3A_34 = arith.subf %add3A_24, %sub3A : vector<2000x128xf32>
    %integer_pow3A = arith.mulf %sub3A_34, %sub3A_34 : vector<2000x128xf32>
    %reduce_sum3A_35 = arith.constant dense<0.000000e+00> : vector<2000xf32>
    %reduce_sum3A_36 = vector.multi_reduction <add>, %integer_pow3A, %reduce_sum3A_35 [1] : vector<2000x128xf32> to vector<2000xf32>
    %broadcast_in_dim3A_37 = vector.shape_cast %reduce_sum3A_36 : vector<2000xf32> to vector<2000x1xf32>
    %div3A_38 = arith.constant 1.280000e+02 : f32
    %div3A_39 = vector.broadcast %div3A_38 : f32 to vector<2000x1xf32>
    %div3A_40 = arith.divf %broadcast_in_dim3A_37, %div3A_39 : vector<2000x1xf32>
    %sub3A_41 = vector.broadcast %div3A_33 : vector<2000x1xf32> to vector<2000x128xf32>
    %sub3A_42 = arith.subf %add3A_24, %sub3A_41 : vector<2000x128xf32>
    %add3A_43 = arith.constant 9.99999974E-6 : f32
    %add3A_44 = vector.broadcast %add3A_43 : f32 to vector<2000x1xf32>
    %add3A_45 = arith.addf %div3A_40, %add3A_44 : vector<2000x1xf32>
    %rsqrt3A = math.rsqrt %add3A_45 : vector<2000x1xf32>
    %mul3A_46 = vector.broadcast %rsqrt3A : vector<2000x1xf32> to vector<2000x128xf32>
    %mul3A_47 = arith.mulf %sub3A_42, %mul3A_46 : vector<2000x128xf32>
    %mul3A_48 = vector.broadcast %get3A_27 : vector<1x128xf32> to vector<2000x128xf32>
    %mul3A_49 = arith.mulf %mul3A_47, %mul3A_48 : vector<2000x128xf32>
    %add3A_50 = vector.broadcast %get3A_30 : vector<1x128xf32> to vector<2000x128xf32>
    %add3A_51 = arith.addf %mul3A_49, %add3A_50 : vector<2000x128xf32>
    %get3A_52 = arith.constant 0 : index
    %get3A_53 = arith.constant 0 : index
    %get3A_54 = vector.load %arg8[%get3A_52, %get3A_53] : memref<128x256xf32, #tpu.memory_space<vmem>>, vector<128x256xf32>
    %dot_general3A = arith.constant dense<0.000000e+00> : vector<2000x256xf32>
    %dot_general3A_55 = tpu.matmul %add3A_51, %get3A_54, %dot_general3A {dimension_numbers = #tpu.dot_dimension_numbers<[1], [0], [0], [1], [0, 0, 1, 1], [], []>, transpose_lhs_hint = false} : vector<2000x128xf32>, vector<128x256xf32>, vector<2000x256xf32> -> vector<2000x256xf32>
    %get3A_56 = arith.constant 0 : index
    %get3A_57 = arith.constant 0 : index
    %get3A_58 = vector.load %arg9[%get3A_56, %get3A_57] : memref<1x256xf32, #tpu.memory_space<vmem>>, vector<1x256xf32>
    %add3A_59 = vector.broadcast %get3A_58 : vector<1x256xf32> to vector<2000x256xf32>
    %add3A_60 = arith.addf %dot_general3A_55, %add3A_59 : vector<2000x256xf32>
    %max3A = arith.constant 0.000000e+00 : f32
    %max3A_61 = vector.broadcast %max3A : f32 to vector<2000x256xf32>
    %max3A_62 = arith.maximumf %add3A_60, %max3A_61 : vector<2000x256xf32>
    %get3A_63 = arith.constant 0 : index
    %get3A_64 = arith.constant 0 : index
    %get3A_65 = vector.load %arg10[%get3A_63, %get3A_64] : memref<256x128xf32, #tpu.memory_space<vmem>>, vector<256x128xf32>
    %dot_general3A_66 = arith.constant dense<0.000000e+00> : vector<2000x128xf32>
    %dot_general3A_67 = tpu.matmul %max3A_62, %get3A_65, %dot_general3A_66 {dimension_numbers = #tpu.dot_dimension_numbers<[1], [0], [0], [1], [0, 0, 1, 1], [], []>, transpose_lhs_hint = false} : vector<2000x256xf32>, vector<256x128xf32>, vector<2000x128xf32> -> vector<2000x128xf32>
    %get3A_68 = arith.constant 0 : index
    %get3A_69 = arith.constant 0 : index
    %get3A_70 = vector.load %arg11[%get3A_68, %get3A_69] : memref<1x128xf32, #tpu.memory_space<vmem>>, vector<1x128xf32>
    %add3A_71 = vector.broadcast %get3A_70 : vector<1x128xf32> to vector<2000x128xf32>
    %add3A_72 = arith.addf %dot_general3A_67, %add3A_71 : vector<2000x128xf32>
    %add3A_73 = arith.addf %add3A_51, %add3A_72 : vector<2000x128xf32>
    %get3A_74 = arith.constant 0 : index
    %get3A_75 = arith.constant 0 : index
    %get3A_76 = vector.load %arg12[%get3A_74, %get3A_75] : memref<1x128xf32, #tpu.memory_space<vmem>>, vector<1x128xf32>
    %get3A_77 = arith.constant 0 : index
    %get3A_78 = arith.constant 0 : index
    %get3A_79 = vector.load %arg13[%get3A_77, %get3A_78] : memref<1x128xf32, #tpu.memory_space<vmem>>, vector<1x128xf32>
    %reduce_sum3A_80 = arith.constant dense<0.000000e+00> : vector<2000xf32>
    %reduce_sum3A_81 = vector.multi_reduction <add>, %add3A_73, %reduce_sum3A_80 [1] : vector<2000x128xf32> to vector<2000xf32>
    %broadcast_in_dim3A_82 = vector.shape_cast %reduce_sum3A_81 : vector<2000xf32> to vector<2000x1xf32>
    %div3A_83 = arith.constant 1.280000e+02 : f32
    %div3A_84 = vector.broadcast %div3A_83 : f32 to vector<2000x1xf32>
    %div3A_85 = arith.divf %broadcast_in_dim3A_82, %div3A_84 : vector<2000x1xf32>
    %sub3A_86 = vector.broadcast %div3A_85 : vector<2000x1xf32> to vector<2000x128xf32>
    %sub3A_87 = arith.subf %add3A_73, %sub3A_86 : vector<2000x128xf32>
    %integer_pow3A_88 = arith.mulf %sub3A_87, %sub3A_87 : vector<2000x128xf32>
    %reduce_sum3A_89 = arith.constant dense<0.000000e+00> : vector<2000xf32>
    %reduce_sum3A_90 = vector.multi_reduction <add>, %integer_pow3A_88, %reduce_sum3A_89 [1] : vector<2000x128xf32> to vector<2000xf32>
    %broadcast_in_dim3A_91 = vector.shape_cast %reduce_sum3A_90 : vector<2000xf32> to vector<2000x1xf32>
    %div3A_92 = arith.constant 1.280000e+02 : f32
    %div3A_93 = vector.broadcast %div3A_92 : f32 to vector<2000x1xf32>
    %div3A_94 = arith.divf %broadcast_in_dim3A_91, %div3A_93 : vector<2000x1xf32>
    %sub3A_95 = vector.broadcast %div3A_85 : vector<2000x1xf32> to vector<2000x128xf32>
    %sub3A_96 = arith.subf %add3A_73, %sub3A_95 : vector<2000x128xf32>
    %add3A_97 = arith.constant 9.99999974E-6 : f32
    %add3A_98 = vector.broadcast %add3A_97 : f32 to vector<2000x1xf32>
    %add3A_99 = arith.addf %div3A_94, %add3A_98 : vector<2000x1xf32>
    %rsqrt3A_100 = math.rsqrt %add3A_99 : vector<2000x1xf32>
    %mul3A_101 = vector.broadcast %rsqrt3A_100 : vector<2000x1xf32> to vector<2000x128xf32>
    %mul3A_102 = arith.mulf %sub3A_96, %mul3A_101 : vector<2000x128xf32>
    %mul3A_103 = vector.broadcast %get3A_76 : vector<1x128xf32> to vector<2000x128xf32>
    %mul3A_104 = arith.mulf %mul3A_102, %mul3A_103 : vector<2000x128xf32>
    %add3A_105 = vector.broadcast %get3A_79 : vector<1x128xf32> to vector<2000x128xf32>
    %add3A_106 = arith.addf %mul3A_104, %add3A_105 : vector<2000x128xf32>
    %swap3A = arith.constant 0 : index
    %swap3A_107 = arith.constant 0 : index
    %swap3A_108 = vector.load %arg14[%swap3A, %swap3A_107] : memref<2000x128xf32, #tpu.memory_space<vmem>>, vector<2000x128xf32>
    tpu.vector_store %arg14[%swap3A, %swap3A_107], %add3A_106 {strides = array<i32>} : memref<2000x128xf32, #tpu.memory_space<vmem>>, vector<2000x128xf32>,
    return
  }
  func.func @transform_0(%arg0: i32) -> (i32, i32) {
    %c0_i32 = arith.constant 0 : i32
    %c0_i32_0 = arith.constant 0 : i32
    return %arg0, %c0_i32 : i32, i32
  }
  func.func @transform_1(%arg0: i32) -> (i32, i32) {
    %c0_i32 = arith.constant 0 : i32
    %c0_i32_0 = arith.constant 0 : i32
    return %arg0, %c0_i32 : i32, i32
  }
  func.func @transform_2(%arg0: i32) -> (i32, i32) {
    %c0_i32 = arith.constant 0 : i32
    %c0_i32_0 = arith.constant 0 : i32
    return %arg0, %c0_i32 : i32, i32
  }
  func.func @transform_3(%arg0: i32) -> (i32, i32, i32) {
    %c0_i32 = arith.constant 0 : i32
    %c0_i32_0 = arith.constant 0 : i32
    %c0_i32_1 = arith.constant 0 : i32
    return %c0_i32, %arg0, %c0_i32_0 : i32, i32, i32
  }
  func.func @transform_4(%arg0: i32) -> (i32, i32) {
    %c0_i32 = arith.constant 0 : i32
    %c0_i32_0 = arith.constant 0 : i32
    %c0_i32_1 = arith.constant 0 : i32
    return %c0_i32, %c0_i32_0 : i32, i32
  }
  func.func @transform_5(%arg0: i32) -> (i32, i32) {
    %c0_i32 = arith.constant 0 : i32
    %c0_i32_0 = arith.constant 0 : i32
    %c0_i32_1 = arith.constant 0 : i32
    return %c0_i32, %c0_i32_0 : i32, i32
  }
  func.func @transform_6(%arg0: i32) -> (i32, i32) {
    %c0_i32 = arith.constant 0 : i32
    %c0_i32_0 = arith.constant 0 : i32
    %c0_i32_1 = arith.constant 0 : i32
    return %c0_i32, %c0_i32_0 : i32, i32
  }
  func.func @transform_7(%arg0: i32) -> (i32, i32) {
    %c0_i32 = arith.constant 0 : i32
    %c0_i32_0 = arith.constant 0 : i32
    %c0_i32_1 = arith.constant 0 : i32
    return %c0_i32, %c0_i32_0 : i32, i32
  }
  func.func @transform_8(%arg0: i32) -> (i32, i32) {
    %c0_i32 = arith.constant 0 : i32
    %c0_i32_0 = arith.constant 0 : i32
    %c0_i32_1 = arith.constant 0 : i32
    return %c0_i32, %c0_i32_0 : i32, i32
  }
  func.func @transform_9(%arg0: i32) -> (i32, i32) {
    %c0_i32 = arith.constant 0 : i32
    %c0_i32_0 = arith.constant 0 : i32
    %c0_i32_1 = arith.constant 0 : i32
    return %c0_i32, %c0_i32_0 : i32, i32
  }
  func.func @transform_10(%arg0: i32) -> (i32, i32) {
    %c0_i32 = arith.constant 0 : i32
    %c0_i32_0 = arith.constant 0 : i32
    %c0_i32_1 = arith.constant 0 : i32
    return %c0_i32, %c0_i32_0 : i32, i32
  }
  func.func @transform_11(%arg0: i32) -> (i32, i32) {
    %c0_i32 = arith.constant 0 : i32
    %c0_i32_0 = arith.constant 0 : i32
    %c0_i32_1 = arith.constant 0 : i32
    return %c0_i32, %c0_i32_0 : i32, i32
  }
  func.func @transform_12(%arg0: i32) -> (i32, i32) {
    %c0_i32 = arith.constant 0 : i32
    %c0_i32_0 = arith.constant 0 : i32
    %c0_i32_1 = arith.constant 0 : i32
    return %c0_i32, %c0_i32_0 : i32, i32
  }
  func.func @transform_13(%arg0: i32) -> (i32, i32) {
    %c0_i32 = arith.constant 0 : i32
    %c0_i32_0 = arith.constant 0 : i32
    return %arg0, %c0_i32 : i32, i32
  }
}

</mosaic_0001>

<sc_bundles>
// kernel: kernel.10.cloned.1.call-start
scs
__scs_entry_jumppad:
0x0: {  	(pc) =	sbr.rel $0x88, $3  }
0x1: {  	(tag) =	ssettag $0x0;
	lr =	simm.s32 $0x1  }
0x2: {  	[smem:$0x3F81] =	sst lr;
	_ =	strace $0xD0000000  }
0x3: {  	_ = 	snop  }
0x4: {  	_ = 	snop  }
0x5: {  	_ = 	snop  }
0x6: {  	_ = 	snop  }
0x7: {  	_ = 	snop  }
__scs_overlays_trampoline_lowered:
0x8: {  	[smem:$0x3F90] =	sst s0  }
0x9: {  	[smem:$0x3F91] =	sst s1  }
0xa: {  	[smem:$0x3F92] =	sst s2  }
0xb: {  	[smem:$0x3F93] =	sst s3  }
0xc: {  	[smem:$0x3F94] =	sst s4  }
0xd: {  	[smem:$0x3F95] =	sst s5  }
0xe: {  	[smem:$0x3F96] =	sst s6  }
0xf: {  	[smem:$0x3F97] =	sst s7  }
0x10: {  	[smem:$0x3F98] =	sst s8  }
0x11: {  	[smem:$0x3F99] =	sst s9;
	s0 =	simm.s32 @!p0 $0x0  }
0x12: {  	s1 =	sld [smem:$0x3F7F];
	s0 =	simm.s32 @p0 $0x1  }
0x13: {  	[smem:$0x3F9A] =	sst s0;
	s0 =	simm.s32 @!p1 $0x0  }
0x14: {  	s2 =	sld [smem:$0x3F7E];
	s0 =	simm.s32 @p1 $0x1  }
0x15: {  	[smem:$0x3F9B] =	sst s0;
	s0 =	simm.s32 @!p2 $0x0  }
0x16: {  	s3 =	sld [smem:$0x3FDB];
	s0 =	simm.s32 @p2 $0x1  }
0x17: {  	s4 =	simm.s32 $0x1BF5;
	[smem:$0x3F9D] =	sst s0  }
0x18: {  	s0 =	sld [smem:$0x3F80];
	_ =	swait.ge [sflag:s4], $0x0  }
0x19: {  	s7 =	sld [smem:$0x3F81]  }
0x1a: {  	s8 =	sadd.s32 $0xFFFFE003, lr  }
0x1b: {  	s9 =	sadd.s32 $0xFFFFFEF7, lr;
	s5 =	simm.s32 $0xFFFFFFFF;
	p2 =	slt.u32 s8, $0xFFFFF086  }
0x1c: {  	p1 =	slt.u32 s9, $0xF7A;
	s5 =	simm.s32 @!p2 $0x0  }
0x1d: {  	s5 =	simm.s32 @p1 $0x1;
	p0 =	seq.s32 s7, s2  }
0x1e: {  	s7 =	smul.u32 @!p0 $0xF7A, s2;
	p2 =	seq.s32 @!p0 s5, $0x0  }
0x1f: {  	s9 =	smul.u32 $0xF7A, s1;
	s8 =	simm.s32 @!p0 $0x1BF5;
	p2 =	por !p2, p0  }
0x20: {  	[sflag:s8] =	ssyncset.s32 @!p0 $0xFFFFF086;
	s6 =	sadd.s32 @!p0 s3, s7;
	s7 =	simm.s32 @!p0 $0x108  }
0x21: {  	s3 =	sadd.s32 s3, s9;
	s6 =	sadd.s32 @!p0 $0x88, s6;
	s7 =	simm.s32 @p2 $0x1082  }
0x22: {  	[simem:s7], [sflag:s8] =	dma.local @!p0 [hbm:s6], $0xF7A  }
0x23: {  	s9 =	sor.u32 $0xD0000000, s2;
	s6 =	simm.s32 $0x108;
	_ =	swait.ge @!p0 [sflag:s8], $0x0  }
0x24: {  	s3 =	sadd.s32 $0x88, s3;
	s6 =	simm.s32 @!p1 $0x1082;
	[sflag:s4] =	ssyncset.s32 $0xFFFFF086  }
0x25: {  	[simem:s6], [sflag:s4] =	dma.local [hbm:s3], $0xF7A  }
0x26: {  	[smem:$0x3F81] =	sst s1;
	(tag) =	ssettag s2;
	_ =	strace s9  }
0x27: {  	s1 =	sld [smem:$0x3F91]  }
0x28: {  	s2 =	sld [smem:$0x3F92]  }
0x29: {  	s4 =	sld [smem:$0x3F94]  }
0x2a: {  	p0 =	seq.s32 s5, $0x0;
	s5 =	sld [smem:$0x3F95]  }
0x2b: {  	s6 =	sld [smem:$0x3F96]  }
0x2c: {  	s7 =	sld [smem:$0x3F97]  }
0x2d: {  	s3 =	simm.s32 $0x108;
	s8 =	sld [smem:$0x3F98]  }
0x2e: {  	s3 =	simm.s32 @!p0 $0x1082;
	s9 =	sld [smem:$0x3F99]  }
0x2f: {  	lr =	sadd.s32 s0, s3;
	s0 =	sld [smem:$0x3F90]  }
0x30: {  	s3 =	sld [smem:$0x3F93]  }
0x31: {  	[smem:$0x3F9C] =	sst s10  }
0x32: {  	s10 =	sld [smem:$0x3F9A];
	_ =	sdelay $0x3  }
0x33: {  	p0 =	seq.s32 s10, $0x1;
	s10 =	sld [smem:$0x3F9C];
	_ =	sdelay $0x3  }
0x34: {  	[smem:$0x3F9C] =	sst s10  }
0x35: {  	s10 =	sld [smem:$0x3F9B];
	_ =	sdelay $0x3  }
0x36: {  	p1 =	seq.s32 s10, $0x1;
	s10 =	sld [smem:$0x3F9C];
	_ =	sdelay $0x3  }
0x37: {  	[smem:$0x3F9C] =	sst s10  }
0x38: {  	s10 =	sld [smem:$0x3F9D]  }
0x39: {  	_ = 	snop;
	(pc) =	sbr.ind lr, $3  }
0x3a: {  	_ = 	snop  }
0x3b: {  	_ = 	snop  }
0x3c: {  	p2 =	seq.s32 s10, $0x1;
	s10 =	sld [smem:$0x3F9C]  }
0x3d: {  	_ =	shalt  }
0x3e: {  	_ =	shalt  }
0x3f: {  	_ =	shalt  }
0x40: {  	_ =	shalt  }
0x41: {  	_ =	shalt  }
0x42: {  	_ =	shalt  }
0x43: {  	_ =	shalt  }
0x44: {  	_ =	shalt  }
0x45: {  	_ =	shalt  }
0x46: {  	_ =	shalt  }
0x47: {  	_ =	shalt  }
0x48: {  	_ =	shalt  }
0x49: {  	_ =	shalt  }
0x4a: {  	_ =	shalt  }
0x4b: {  	_ =	shalt  }
0x4c: {  	_ =	shalt  }
0x4d: {  	_ =	shalt  }
0x4e: {  	_ =	shalt  }
0x4f: {  	_ =	shalt  }
0x50: {  	_ =	shalt  }
0x51: {  	_ =	shalt  }
0x52: {  	_ =	shalt  }
0x53: {  	_ =	shalt  }
0x54: {  	_ =	shalt  }
0x55: {  	_ =	shalt  }
0x56: {  	_ =	shalt  }
0x57: {  	_ =	shalt  }
0x58: {  	_ =	shalt  }
0x59: {  	_ =	shalt  }
0x5a: {  	_ =	shalt  }
0x5b: {  	_ =	shalt  }
0x5c: {  	_ =	shalt  }
0x5d: {  	_ =	shalt  }
0x5e: {  	_ =	shalt  }
0x5f: {  	_ =	shalt  }
0x60: {  	_ =	shalt  }
0x61: {  	_ =	shalt  }
0x62: {  	_ =	shalt  }
0x63: {  	_ =	shalt  }
0x64: {  	_ =	shalt  }
0x65: {  	_ =	shalt  }
0x66: {  	_ =	shalt  }
0x67: {  	_ =	shalt  }
0x68: {  	_ =	shalt  }
0x69: {  	_ =	shalt  }
0x6a: {  	_ =	shalt  }
0x6b: {  	_ =	shalt  }
0x6c: {  	_ =	shalt  }
0x6d: {  	_ =	shalt  }
0x6e: {  	_ =	shalt  }
0x6f: {  	_ =	shalt  }
0x70: {  	_ =	shalt  }
0x71: {  	_ =	shalt  }
0x72: {  	_ =	shalt  }
0x73: {  	_ =	shalt  }
0x74: {  	_ =	shalt  }
0x75: {  	_ =	shalt  }
0x76: {  	_ =	shalt  }
0x77: {  	_ =	shalt  }
0x78: {  	_ =	shalt  }
0x79: {  	_ =	shalt  }
0x7a: {  	_ =	shalt  }
0x7b: {  	_ =	shalt  }
0x7c: {  	_ =	shalt  }
0x7d: {  	_ =	shalt  }
0x7e: {  	_ =	shalt  }
0x7f: {  	_ =	shalt  }
0x80: {  	_ =	shalt  }
0x81: {  	_ =	shalt  }
0x82: {  	_ =	shalt  }
0x83: {  	_ =	shalt  }
0x84: {  	_ =	shalt  }
0x85: {  	_ =	shalt  }
0x86: {  	_ =	shalt  }
0x87: {  	_ =	shalt  }
.Lfunc_end0:
.L_simem_size_0:
called_computation_lowered:
.L_overlay_start_0:
0x88: {  	s2 =	sld [smem:$0x3FD9]  }
0x89: {  	s3 =	sld [smem:$0x3FFE];
	_ =	sdelay $0x1  }
0x8a: {  	s1 =	srdreg.scid  }
0x8b: {  	s0 =	sand.u32 $0x1, s1  }
0x8c: {  	s17 =	sshll.u32 s0, $0xA;
	s2 =	sadd.s32 s3, s2  }
0x8d: {  	s2 =	sadd.s32 s2, s17  }
0x8e: {  	[smem:$0x3FA8] =	sst s2  }
0x8f: {  	_ = 	snop  }
0x90: {  	s2 =	sld [smem:$0x3FD0];
	(tm) =	ssettm $0x1  }
0x91: {  	s18 =	sld [smem:$0x3FFB];
	_ =	sdelay $0x3  }
0x92: {  	_ =	strace s18  }
0x93: {  	s3 =	sld [smem:$0x3FFC];
	_ =	sdelay $0x3  }
0x94: {  	_ =	strace s3  }
0x95: {  	s3 =	sld [smem:$0x3FFD];
	_ =	sdelay $0x3  }
0x96: {  	_ =	strace s3  }
0x97: {  	_ =	strace $0x8FFFFFFF  }
0x98: {  	s19 =	sld [smem:$0x3FDB];
	_ =	sdelay $0x1  }
0x99: {  	s4 =	simm.s32 $_scs_section_size  }
0x9a: {  	s5 =	simm.s32 $_size__tile_overlayer_lowered;
	s6 =	simm.s32 $_tile_overlayer_lowered  }
0x9b: {  	s22 =	simm.s32 $0x1BFF;
	s21 =	sshll.u32 s6, $0x1;
	s3 =	sadd.s32 s4, s19  }
0x9c: {  	s7 =	simm.s32 $0x0;
	s20 =	sshll.u32 s5, $0x1;
	s5 =	sadd.s32 s21, s3  }
0x9d: {  	[timem:s7], [sflag:s22] =	dma.local [hbm:s5], s20  }
0x9e: {  	_ =	swait.ge [sflag:s22], s20  }
0x9f: {  	s4 =	ssub.s32 $0x0, s20;
	[sflag:s22] =	ssyncset.done $0x0  }
0xa0: {  	[sflag:s22] =	ssyncadd.s32 s4;
	_ =	sdelay $0x1  }
0xa1: {  	s23 =	simm.s32 $0x1B8B  }
0xa2: {  	_ =	swait.ge [sflag:s23], $0x1  }
0xa3: {  	[sflag:s23] =	ssyncset.done $0x0  }
0xa4: {  	s25 =	simm.s32 $0x1B8E;
	s24 =	sld [smem:$0x3FFE];
	[sflag:s23] =	ssyncadd.s32 $0xFFFFFFFF  }
0xa5: {  	s26 =	simm.s32 $execute0_lowered;
	[smem:$0x3FD2] =	sst s25  }
0xa6: {  	s5 =	sshll.u32 s26, $0x1;
	_ =	strace $0x80000046;
	[dreg:$0x1] =	wrdreg $0xFFFFFFFF  }
0xa7: {  	s28 =	simm.s32 $_size_execute0_lowered;
	s3 =	sadd.s32 s3, s5;
	[dreg:$0x0] =	wrdreg $0x0  }
0xa8: {  	s5 =	sshll.u32 s28, $0x1;
	[dreg:$0x2] =	wrdreg s3  }
0xa9: {  	[dreg:$0x3] =	wrdreg s5  }
0xaa: {  	[dreg:$0x4] =	wrdreg $0xC0  }
0xab: {  	_ =	task [dreg:s7], $0x5FFFF  }
0xac: {  	[dreg:$0x1] =	wrdreg $0xFFFFFFFF  }
0xad: {  	[dreg:$0x0] =	wrdreg $0x60  }
0xae: {  	[dreg:$0x2] =	wrdreg s2  }
0xaf: {  	[dreg:$0x3] =	wrdreg s24  }
0xb0: {  	[dreg:$0x4] =	wrdreg $0x54000  }
0xb1: {  	[dreg:$0x5] =	wrdreg $0x9  }
0xb2: {  	_ =	task.clear_ibuf [dreg:s7], $0x6FFFF;
	_ =	strace $0x90000046  }
0xb3: {  	s29 =	simm.s32 $0x9;
	_ =	strace $0x80000048  }
0xb4: {  	_ =	swait.ge [sflag:s29], $0x1  }
0xb5: {  	[sflag:s29] =	ssyncadd.s32 $0xFFFFFFFF  }
0xb6: {  	_ =	strace $0x90000048  }
0xb7: {  	_ =	sfence  }
0xb8: {  	s30 =	sld [smem:$0x0];
	_ =	sdelay $0x2  }
0xb9: {  	s31 =	sshll.u32 s1, $0xD;
	s1 =	sshrl.u32 s1, $0x2  }
0xba: {  	s3 =	sand.u32 $0x4000, s31;
	s1 =	sadd.s32 s1, s30  }
0xbb: {  	s0 =	sor.u32 s3, s0;
	s1 =	sshll.u32 s1, $0x11  }
0xbc: {  	s0 =	sor.u32 s1, s0  }
0xbd: {  	s0 =	sadd.s32 $0x8F2B, s0  }
0xbe: {  	[sflag:s0] =	ssyncadd.remote.s32 $0x1  }
0xbf: {  	_ =	sfence.sel $0xFFFF  }
0xc0: {  	[dreg:$0x0] =	wrdreg $0xFFFFFFFF;
	(pc) =	sbr.abs _section_cstart, $3  }
0xc1: {  	[dreg:$0x1] =	wrdreg $0xFFFFFFFF  }
0xc2: {  	_ =	task.clear_ibuf [dreg:s7], $0x2FFFF;
	_ =	strace $0x9FFFFFFF  }
0xc3: {  	(tm) =	ssettm $0x7FFFFFFF  }
tec
execute0_lowered:
.L_overlay_start_1:
0x0: {  	(tag) =	ssettag $0x1  }
0x1: {  	s1 =	rddreg [dreg:$0x0]  }
0x2: {  	s6 =	rddreg [dreg:$0x1]  }
0x3: {  	s2 =	rddreg [dreg:$0x2]  }
0x4: {  	s0 =	rddreg [dreg:$0x3];
	s3 =	simm.s32 $0x0;
	s7 =	srdreg.scid  }
0x5: {  	s4 =	stileid.u32;
	s22 =	simm.s32 $0x0;
	[smem:$0x7FF] =	sst s3  }
0x6: {  	s12 =	sadd.s32 $0x7C00, s6;
	s5 =	sadd.s32 $0x1BC00, s6;
	s26 =	smul.u32 $0x50000, s4  }
0x7: {  	s8 =	sand.u32 $0x1, s7;
	s17 =	sadd.s32 $0x1C400, s6;
	s13 =	smul.u32 $0x14000, s4  }
0x8: {  	_ =	strace $0x80000047;
	s25 =	ssub.s32 $0x2, s8;
	s10 =	sshll.u32 s8, $0x4  }
0x9: {  	s21 =	smul.u32 $0x140000, s8;
	s9 =	sshrl.u32 s25, $0x1;
	s28 =	sor.u32 s4, s10  }
0xa: {  	s29 =	sshrl.u32 s26, $0x2;
	s14 =	sadd.s32 $0x4000, s13;
	s15 =	sadd.s32 $0x8000, s13  }
0xb: {  	s19 =	sadd.s32 $0xC000, s13;
	s20 =	sadd.s32 $0x10000, s13;
	s18 =	ssub.s32 s25, s9  }
0xc: {  	s6 =	sadd.s32 s29, s2;
	s11 =	smul.u32 $0x500, s28;
	s7 =	sadd.s32 s14, s2  }
0xd: {  	s16 =	smul.u32 $0x2800, s28;
	s8 =	sadd.s32 s15, s2;
	s9 =	sadd.s32 s19, s2  }
0xe: {  	s10 =	sadd.s32 s20, s2;
	s13 =	sadd.s32 s13, s21;
	s14 =	sadd.s32 s21, s14  }
0xf: {  	s15 =	sadd.s32 s21, s15;
	s30 =	sadd.s32 s21, s19;
	s31 =	sadd.s32 s21, s20  }
0x10: {  	s20 =	simm.s32 $0x1;
	s21 =	simm.s32 $0x80;
	s13 =	sshrl.u32 s13, $0x3  }
0x11: {  	s14 =	sshrl.u32 s14, $0x3;
	s15 =	sshrl.u32 s15, $0x3;
	s19 =	sshrl.u32 s31, $0x3  }
0x12: {  	s18 =	smax.u32 s18, $0x1;
	s11 =	sadd.s32 s12, s11;
	s16 =	sshrl.u32 s16, $0x3  }
0x13: {  	s13 =	sadd.s32 s17, s13;
	s14 =	sadd.s32 s17, s14;
	s12 =	sadd.s32 s12, s16  }
0x14: {  	s15 =	sadd.s32 s17, s15;
	s16 =	sshrl.u32 s30, $0x3;
	s12 =	sadd.s32 $0x280, s12  }
0x15: {  	s16 =	sadd.s32 s17, s16;
	s17 =	sadd.s32 s17, s19;
	s19 =	simm.s32 $0x1400  }
.LBB2_1:
0x16: {  	[tilespmem:s19], [sflag:$0x1] =	stream.linear.gather [hbm4b:s5+s3], $0x4000, $0x38;
	[tilespmem:$0x19400] =	vst v63  }
0x17: {  	_ =	swait.ge [sflag:s20], $0x4000  }
0x18: {  	[sflag:s20] =	ssyncset.done $0x0  }
0x19: {  	[sflag:s20] =	ssyncadd.s32 $0xFFFFC000  }
0x1a: {  	[spmem:s6] =	stream.linear.scatter [tilespmem:s19], [sflag:$0x1], $0x4000, $0x38;
	[tilespmem:$0x19400] =	vst v63  }
0x1b: {  	_ =	swait.ge [sflag:s20], $0x4000  }
0x1c: {  	[sflag:s20] =	ssyncset.done $0x0  }
0x1d: {  	[sflag:s20] =	ssyncadd.s32 $0xFFFFC000  }
0x1e: {  	[spmem:s7] =	stream.linear.scatter [tilespmem:s19], [sflag:$0x1], $0x4000, $0x38;
	[tilespmem:$0x19400] =	vst v63  }
0x1f: {  	_ =	swait.ge [sflag:s20], $0x4000  }
0x20: {  	[sflag:s20] =	ssyncset.done $0x0  }
0x21: {  	[sflag:s20] =	ssyncadd.s32 $0xFFFFC000  }
0x22: {  	[spmem:s8] =	stream.linear.scatter [tilespmem:s19], [sflag:$0x1], $0x4000, $0x38;
	[tilespmem:$0x19400] =	vst v63  }
0x23: {  	_ =	swait.ge [sflag:s20], $0x4000  }
0x24: {  	[sflag:s20] =	ssyncset.done $0x0  }
0x25: {  	[sflag:s20] =	ssyncadd.s32 $0xFFFFC000  }
0x26: {  	[spmem:s9] =	stream.linear.scatter [tilespmem:s19], [sflag:$0x1], $0x4000, $0x38;
	[tilespmem:$0x19400] =	vst v63  }
0x27: {  	_ =	swait.ge [sflag:s20], $0x4000  }
0x28: {  	[sflag:s20] =	ssyncset.done $0x0  }
0x29: {  	[sflag:s20] =	ssyncadd.s32 $0xFFFFC000  }
0x2a: {  	[spmem:s10] =	stream.linear.scatter [tilespmem:s19], [sflag:$0x1], $0x4000, $0x38;
	[tilespmem:$0x19400] =	vst v63  }
0x2b: {  	_ =	swait.ge [sflag:s20], $0x4000  }
0x2c: {  	[sflag:s20] =	ssyncset.done $0x0  }
0x2d: {  	[sflag:s20] =	ssyncadd.s32 $0xFFFFC000  }
0x2e: {  	[bflag:$0x0] =	sbarrier.arrive $0xFFFF  }
0x2f: {  	[tilespmem:s19], [sflag:$0x1] =	stream.linear.gather [hbm4b:s1+s3], $0x4000, $0x38;
	[tilespmem:$0x19400] =	vst v63  }
0x30: {  	_ =	swait.ge [sflag:s20], $0x4000  }
0x31: {  	[sflag:s20] =	ssyncset.done $0x0  }
0x32: {  	[sflag:s20] =	ssyncadd.s32 $0xFFFFC000  }
0x33: {  	[tilespmem:s3], [sflag:$0x1] =	stream.linear.gather [hbm4b:s11+s3], $0x1400, $0x38;
	[tilespmem:$0x19400] =	vst v63  }
0x34: {  	_ =	swait.ge [sflag:s20], $0x1400  }
0x35: {  	[sflag:s20] =	ssyncset.done $0x0  }
0x36: {  	s23 =	simm.s32 $0x0;
	[sflag:s20] =	ssyncadd.s32 $0xFFFFEC00  }
0x37: {  	[spmem:s2] =	stream.indirect.scatter.add.f32 [tilespmem:s19], [sflag:$0x1], $0x80, s23, s21, $0xb8;
	[tilespmem:$0x19400] =	vst v63  }
0x38: {  	_ =	swait.ge [sflag:s20], $0x4000  }
0x39: {  	s23 =	simm.s32 $0x200;
	[sflag:s20] =	ssyncset.done $0x0  }
.LBB2_2:
0x3a: {  	s24 =	sshra.s32 s23, $0x2;
	[sflag:s20] =	ssyncadd.s32 $0xFFFFC000;
	p0 =	sne.s32 s23, $0x4E00  }
0x3b: {  	[spmem:s2] =	stream.indirect.scatter.add.f32 [tilespmem:s19], [sflag:$0x1], $0x80, s24, s21, $0xb8;
	[tilespmem:$0x19400] =	vst v63  }
.Ltmp0:
0x3c: {  	_ = 	snop;
	(pc) =	sbr.rel @p0 .LBB2_2-.Ltmp0, $4  }
0x3d: {  	_ = 	snop  }
0x3e: {  	s23 =	sadd.s32 $0x200, s23  }
0x3f: {  	_ =	swait.ge [sflag:s20], $0x4000  }
0x40: {  	[sflag:s20] =	ssyncset.done $0x0  }
0x41: {  	[sflag:s20] =	ssyncadd.s32 $0xFFFFC000;
	s23 =	simm.s32 $0x0  }
0x42: {  	[tilespmem:s23], [sflag:$0x1] =	stream.linear.gather [hbm4b:s12+s23], $0x1400, $0x38;
	[tilespmem:$0x19400] =	vst v63  }
0x43: {  	_ =	swait.ge [sflag:s20], $0x1400  }
0x44: {  	[sflag:s20] =	ssyncset.done $0x0  }
0x45: {  	s31 =	simm.s32 $0x0;
	[sflag:s20] =	ssyncadd.s32 $0xFFFFEC00  }
0x46: {  	[spmem:s2] =	stream.indirect.scatter.add.f32 [tilespmem:s19], [sflag:$0x1], $0x80, s31, s21, $0xb8;
	[tilespmem:$0x19400] =	vst v63  }
0x47: {  	_ =	swait.ge [sflag:s20], $0x4000  }
0x48: {  	s23 =	simm.s32 $0x200;
	[sflag:s20] =	ssyncset.done $0x0  }
.LBB2_4:
0x49: {  	s24 =	sshra.s32 s23, $0x2;
	[sflag:s20] =	ssyncadd.s32 $0xFFFFC000;
	p0 =	sne.s32 s23, $0x4E00  }
0x4a: {  	[spmem:s2] =	stream.indirect.scatter.add.f32 [tilespmem:s19], [sflag:$0x1], $0x80, s24, s21, $0xb8;
	[tilespmem:$0x19400] =	vst v63  }
.Ltmp1:
0x4b: {  	_ = 	snop;
	(pc) =	sbr.rel @p0 .LBB2_4-.Ltmp1, $4  }
0x4c: {  	_ = 	snop  }
0x4d: {  	s23 =	sadd.s32 $0x200, s23  }
0x4e: {  	_ =	swait.ge [sflag:s20], $0x4000  }
0x4f: {  	[sflag:s20] =	ssyncset.done $0x0  }
0x50: {  	[sflag:s20] =	ssyncadd.s32 $0xFFFFC000  }
0x51: {  	[bflag:$0x0] =	sbarrier.arrive $0xFFFF  }
0x52: {  	[tilespmem:s19], [sflag:$0x1] =	stream.linear.gather [spmem:s6], $0x4000, $0x38;
	[tilespmem:$0x19400] =	vst v63  }
0x53: {  	_ =	swait.ge [sflag:s20], $0x4000  }
0x54: {  	[sflag:s20] =	ssyncset.done $0x0  }
0x55: {  	[sflag:s20] =	ssyncadd.s32 $0xFFFFC000  }
0x56: {  	[hbm4b:s13+s3] =	stream.linear.scatter [tilespmem:s19], [sflag:$0x1], $0x4000, $0x38;
	[tilespmem:$0x19400] =	vst v63  }
0x57: {  	_ =	swait.ge [sflag:s20], $0x4000  }
0x58: {  	[sflag:s20] =	ssyncset.done $0x0  }
0x59: {  	[sflag:s20] =	ssyncadd.s32 $0xFFFFC000  }
0x5a: {  	[tilespmem:s19], [sflag:$0x1] =	stream.linear.gather [spmem:s7], $0x4000, $0x38;
	[tilespmem:$0x19400] =	vst v63  }
0x5b: {  	_ =	swait.ge [sflag:s20], $0x4000  }
0x5c: {  	[sflag:s20] =	ssyncset.done $0x0  }
0x5d: {  	[sflag:s20] =	ssyncadd.s32 $0xFFFFC000  }
0x5e: {  	[hbm4b:s14+s3] =	stream.linear.scatter [tilespmem:s19], [sflag:$0x1], $0x4000, $0x38;
	[tilespmem:$0x19400] =	vst v63  }
0x5f: {  	_ =	swait.ge [sflag:s20], $0x4000  }
0x60: {  	[sflag:s20] =	ssyncset.done $0x0  }
0x61: {  	[sflag:s20] =	ssyncadd.s32 $0xFFFFC000  }
0x62: {  	[tilespmem:s19], [sflag:$0x1] =	stream.linear.gather [spmem:s8], $0x4000, $0x38;
	[tilespmem:$0x19400] =	vst v63  }
0x63: {  	_ =	swait.ge [sflag:s20], $0x4000  }
0x64: {  	[sflag:s20] =	ssyncset.done $0x0  }
0x65: {  	[sflag:s20] =	ssyncadd.s32 $0xFFFFC000  }
0x66: {  	[hbm4b:s15+s3] =	stream.linear.scatter [tilespmem:s19], [sflag:$0x1], $0x4000, $0x38;
	[tilespmem:$0x19400] =	vst v63  }
0x67: {  	_ =	swait.ge [sflag:s20], $0x4000  }
0x68: {  	[sflag:s20] =	ssyncset.done $0x0  }
0x69: {  	[sflag:s20] =	ssyncadd.s32 $0xFFFFC000  }
0x6a: {  	[tilespmem:s19], [sflag:$0x1] =	stream.linear.gather [spmem:s9], $0x4000, $0x38;
	[tilespmem:$0x19400] =	vst v63  }
0x6b: {  	_ =	swait.ge [sflag:s20], $0x4000  }
0x6c: {  	[sflag:s20] =	ssyncset.done $0x0  }
0x6d: {  	[sflag:s20] =	ssyncadd.s32 $0xFFFFC000  }
0x6e: {  	[hbm4b:s16+s3] =	stream.linear.scatter [tilespmem:s19], [sflag:$0x1], $0x4000, $0x38;
	[tilespmem:$0x19400] =	vst v63  }
0x6f: {  	_ =	swait.ge [sflag:s20], $0x4000  }
0x70: {  	[sflag:s20] =	ssyncset.done $0x0  }
0x71: {  	[sflag:s20] =	ssyncadd.s32 $0xFFFFC000  }
0x72: {  	[tilespmem:s19], [sflag:$0x1] =	stream.linear.gather [spmem:s10], $0x4000, $0x38;
	[tilespmem:$0x19400] =	vst v63  }
0x73: {  	s22 =	sadd.s32 $0x1, s22;
	_ =	swait.ge [sflag:s20], $0x4000  }
0x74: {  	p0 =	sne.s32 s22, s18;
	[sflag:s20] =	ssyncset.done $0x0  }
.Ltmp2:
0x75: {  	[sflag:s20] =	ssyncadd.s32 $0xFFFFC000;
	(pc) =	sbr.rel @p0 .LBB2_1-.Ltmp2, $4  }
0x76: {  	[hbm4b:s17+s3] =	stream.linear.scatter [tilespmem:s19], [sflag:$0x1], $0x4000, $0x38;
	[tilespmem:$0x19400] =	vst v63  }
0x77: {  	_ =	swait.ge [sflag:s20], $0x4000  }
0x78: {  	[sflag:s20] =	ssyncset.done $0x0  }
0x79: {  	[sflag:s20] =	ssyncadd.s32 $0xFFFFC000  }
0x7a: {  	_ =	sfence.sel $0x180000  }
0x7b: {  	[bflag:$0x0] =	sbarrier.arrive $0xFFFF  }
0x7c: {  	p0 =	sne.s32 s4, $0x0;
	_ =	strace $0x90000047  }
0x7d: {  	s0 =	sadd.s32 @!p0 $0x100000, s0;
	[bflag:$0x2] =	sbarrier.arrive $0xFFFF  }
0x7e: {  	[sflag:s0] =	ssyncadd.tile.s32 @!p0 $0x1;
	_ =	shalt  }
.Lfunc_end2:
_tile_overlayer_lowered:
.L_overlay_start_2:
0x7f: {  	(tag) =	ssettag $0x2  }
0x80: {  	s0 =	rddreg [dreg:$0x0];
	s2 =	stileid.u32  }
0x81: {  	s1 =	rddreg [dreg:$0x1];
	p0 =	sne.s32 s2, $0x0  }
0x82: {  	s3 =	rddreg [dreg:$0x2];
	[bflag:$0x3] =	sbarrier.arrive $0xFFFF;
	s2 =	simm.s32 @!p0 $0x1C01  }
0x83: {  	[timem:s3], [sflag:s2] =	dma.local @!p0 [hbm:s0], s1  }
0x84: {  	s0 =	simm.s32 @!p0 $0x1  }
0x85: {  	_ =	swait.ge @!p0 [sflag:s0], s1  }
0x86: {  	s1 =	ssub.s32 @!p0 $0x0, s1;
	[sflag:s0] =	ssyncset.done @!p0 $0x0  }
0x87: {  	[sflag:s0] =	ssyncadd.s32 @!p0 s1  }
0x88: {  	[bflag:$0x3] =	sbarrier.arrive $0xFFFF  }
0x89: {  	_ =	shalt  }

// kernel: kernel.13.cloned.1.call-start
scs
__scs_entry_jumppad:
0x0: {  	(pc) =	sbr.rel $0x88, $3  }
0x1: {  	(tag) =	ssettag $0x0;
	lr =	simm.s32 $0x1  }
0x2: {  	[smem:$0x3F81] =	sst lr;
	_ =	strace $0xD0000000  }
0x3: {  	_ = 	snop  }
0x4: {  	_ = 	snop  }
0x5: {  	_ = 	snop  }
0x6: {  	_ = 	snop  }
0x7: {  	_ = 	snop  }
__scs_overlays_trampoline_lowered:
0x8: {  	[smem:$0x3F90] =	sst s0  }
0x9: {  	[smem:$0x3F91] =	sst s1  }
0xa: {  	[smem:$0x3F92] =	sst s2  }
0xb: {  	[smem:$0x3F93] =	sst s3  }
0xc: {  	[smem:$0x3F94] =	sst s4  }
0xd: {  	[smem:$0x3F95] =	sst s5  }
0xe: {  	[smem:$0x3F96] =	sst s6  }
0xf: {  	[smem:$0x3F97] =	sst s7  }
0x10: {  	[smem:$0x3F98] =	sst s8  }
0x11: {  	[smem:$0x3F99] =	sst s9;
	s0 =	simm.s32 @!p0 $0x0  }
0x12: {  	s1 =	sld [smem:$0x3F7F];
	s0 =	simm.s32 @p0 $0x1  }
0x13: {  	[smem:$0x3F9A] =	sst s0;
	s0 =	simm.s32 @!p1 $0x0  }
0x14: {  	s2 =	sld [smem:$0x3F7E];
	s0 =	simm.s32 @p1 $0x1  }
0x15: {  	[smem:$0x3F9B] =	sst s0;
	s0 =	simm.s32 @!p2 $0x0  }
0x16: {  	s3 =	sld [smem:$0x3FDB];
	s0 =	simm.s32 @p2 $0x1  }
0x17: {  	s4 =	simm.s32 $0x1BF5;
	[smem:$0x3F9D] =	sst s0  }
0x18: {  	s0 =	sld [smem:$0x3F80];
	_ =	swait.ge [sflag:s4], $0x0  }
0x19: {  	s7 =	sld [smem:$0x3F81]  }
0x1a: {  	s8 =	sadd.s32 $0xFFFFE003, lr  }
0x1b: {  	s9 =	sadd.s32 $0xFFFFFEF7, lr;
	s5 =	simm.s32 $0xFFFFFFFF;
	p2 =	slt.u32 s8, $0xFFFFF086  }
0x1c: {  	p1 =	slt.u32 s9, $0xF7A;
	s5 =	simm.s32 @!p2 $0x0  }
0x1d: {  	s5 =	simm.s32 @p1 $0x1;
	p0 =	seq.s32 s7, s2  }
0x1e: {  	s7 =	smul.u32 @!p0 $0xF7A, s2;
	p2 =	seq.s32 @!p0 s5, $0x0  }
0x1f: {  	s9 =	smul.u32 $0xF7A, s1;
	s8 =	simm.s32 @!p0 $0x1BF5;
	p2 =	por !p2, p0  }
0x20: {  	[sflag:s8] =	ssyncset.s32 @!p0 $0xFFFFF086;
	s6 =	sadd.s32 @!p0 s3, s7;
	s7 =	simm.s32 @!p0 $0x108  }
0x21: {  	s3 =	sadd.s32 s3, s9;
	s6 =	sadd.s32 @!p0 $0x88, s6;
	s7 =	simm.s32 @p2 $0x1082  }
0x22: {  	[simem:s7], [sflag:s8] =	dma.local @!p0 [hbm:s6], $0xF7A  }
0x23: {  	s9 =	sor.u32 $0xD0000000, s2;
	s6 =	simm.s32 $0x108;
	_ =	swait.ge @!p0 [sflag:s8], $0x0  }
0x24: {  	s3 =	sadd.s32 $0x88, s3;
	s6 =	simm.s32 @!p1 $0x1082;
	[sflag:s4] =	ssyncset.s32 $0xFFFFF086  }
0x25: {  	[simem:s6], [sflag:s4] =	dma.local [hbm:s3], $0xF7A  }
0x26: {  	[smem:$0x3F81] =	sst s1;
	(tag) =	ssettag s2;
	_ =	strace s9  }
0x27: {  	s1 =	sld [smem:$0x3F91]  }
0x28: {  	s2 =	sld [smem:$0x3F92]  }
0x29: {  	s4 =	sld [smem:$0x3F94]  }
0x2a: {  	p0 =	seq.s32 s5, $0x0;
	s5 =	sld [smem:$0x3F95]  }
0x2b: {  	s6 =	sld [smem:$0x3F96]  }
0x2c: {  	s7 =	sld [smem:$0x3F97]  }
0x2d: {  	s3 =	simm.s32 $0x108;
	s8 =	sld [smem:$0x3F98]  }
0x2e: {  	s3 =	simm.s32 @!p0 $0x1082;
	s9 =	sld [smem:$0x3F99]  }
0x2f: {  	lr =	sadd.s32 s0, s3;
	s0 =	sld [smem:$0x3F90]  }
0x30: {  	s3 =	sld [smem:$0x3F93]  }
0x31: {  	[smem:$0x3F9C] =	sst s10  }
0x32: {  	s10 =	sld [smem:$0x3F9A];
	_ =	sdelay $0x3  }
0x33: {  	p0 =	seq.s32 s10, $0x1;
	s10 =	sld [smem:$0x3F9C];
	_ =	sdelay $0x3  }
0x34: {  	[smem:$0x3F9C] =	sst s10  }
0x35: {  	s10 =	sld [smem:$0x3F9B];
	_ =	sdelay $0x3  }
0x36: {  	p1 =	seq.s32 s10, $0x1;
	s10 =	sld [smem:$0x3F9C];
	_ =	sdelay $0x3  }
0x37: {  	[smem:$0x3F9C] =	sst s10  }
0x38: {  	s10 =	sld [smem:$0x3F9D]  }
0x39: {  	_ = 	snop;
	(pc) =	sbr.ind lr, $3  }
0x3a: {  	_ = 	snop  }
0x3b: {  	_ = 	snop  }
0x3c: {  	p2 =	seq.s32 s10, $0x1;
	s10 =	sld [smem:$0x3F9C]  }
0x3d: {  	_ =	shalt  }
0x3e: {  	_ =	shalt  }
0x3f: {  	_ =	shalt  }
0x40: {  	_ =	shalt  }
0x41: {  	_ =	shalt  }
0x42: {  	_ =	shalt  }
0x43: {  	_ =	shalt  }
0x44: {  	_ =	shalt  }
0x45: {  	_ =	shalt  }
0x46: {  	_ =	shalt  }
0x47: {  	_ =	shalt  }
0x48: {  	_ =	shalt  }
0x49: {  	_ =	shalt  }
0x4a: {  	_ =	shalt  }
0x4b: {  	_ =	shalt  }
0x4c: {  	_ =	shalt  }
0x4d: {  	_ =	shalt  }
0x4e: {  	_ =	shalt  }
0x4f: {  	_ =	shalt  }
0x50: {  	_ =	shalt  }
0x51: {  	_ =	shalt  }
0x52: {  	_ =	shalt  }
0x53: {  	_ =	shalt  }
0x54: {  	_ =	shalt  }
0x55: {  	_ =	shalt  }
0x56: {  	_ =	shalt  }
0x57: {  	_ =	shalt  }
0x58: {  	_ =	shalt  }
0x59: {  	_ =	shalt  }
0x5a: {  	_ =	shalt  }
0x5b: {  	_ =	shalt  }
0x5c: {  	_ =	shalt  }
0x5d: {  	_ =	shalt  }
0x5e: {  	_ =	shalt  }
0x5f: {  	_ =	shalt  }
0x60: {  	_ =	shalt  }
0x61: {  	_ =	shalt  }
0x62: {  	_ =	shalt  }
0x63: {  	_ =	shalt  }
0x64: {  	_ =	shalt  }
0x65: {  	_ =	shalt  }
0x66: {  	_ =	shalt  }
0x67: {  	_ =	shalt  }
0x68: {  	_ =	shalt  }
0x69: {  	_ =	shalt  }
0x6a: {  	_ =	shalt  }
0x6b: {  	_ =	shalt  }
0x6c: {  	_ =	shalt  }
0x6d: {  	_ =	shalt  }
0x6e: {  	_ =	shalt  }
0x6f: {  	_ =	shalt  }
0x70: {  	_ =	shalt  }
0x71: {  	_ =	shalt  }
0x72: {  	_ =	shalt  }
0x73: {  	_ =	shalt  }
0x74: {  	_ =	shalt  }
0x75: {  	_ =	shalt  }
0x76: {  	_ =	shalt  }
0x77: {  	_ =	shalt  }
0x78: {  	_ =	shalt  }
0x79: {  	_ =	shalt  }
0x7a: {  	_ =	shalt  }
0x7b: {  	_ =	shalt  }
0x7c: {  	_ =	shalt  }
0x7d: {  	_ =	shalt  }
0x7e: {  	_ =	shalt  }
0x7f: {  	_ =	shalt  }
0x80: {  	_ =	shalt  }
0x81: {  	_ =	shalt  }
0x82: {  	_ =	shalt  }
0x83: {  	_ =	shalt  }
0x84: {  	_ =	shalt  }
0x85: {  	_ =	shalt  }
0x86: {  	_ =	shalt  }
0x87: {  	_ =	shalt  }
.Lfunc_end0:
.L_simem_size_0:
called_computation.1_lowered:
.L_overlay_start_0:
0x88: {  	s2 =	sld [smem:$0x3FD9]  }
0x89: {  	s3 =	sld [smem:$0x3FFE];
	_ =	sdelay $0x1  }
0x8a: {  	s1 =	srdreg.scid  }
0x8b: {  	s0 =	sand.u32 $0x1, s1  }
0x8c: {  	s17 =	sshll.u32 s0, $0xA;
	s2 =	sadd.s32 s3, s2  }
0x8d: {  	s2 =	sadd.s32 s2, s17  }
0x8e: {  	[smem:$0x3FA8] =	sst s2  }
0x8f: {  	_ = 	snop  }
0x90: {  	s2 =	sld [smem:$0x3FD0];
	(tm) =	ssettm $0x1  }
0x91: {  	s18 =	sld [smem:$0x3FFB];
	_ =	sdelay $0x3  }
0x92: {  	_ =	strace s18  }
0x93: {  	s3 =	sld [smem:$0x3FFC];
	_ =	sdelay $0x3  }
0x94: {  	_ =	strace s3  }
0x95: {  	s3 =	sld [smem:$0x3FFD];
	_ =	sdelay $0x3  }
0x96: {  	_ =	strace s3  }
0x97: {  	_ =	strace $0x8FFFFFFF  }
0x98: {  	s19 =	sld [smem:$0x3FDB];
	_ =	sdelay $0x1  }
0x99: {  	s4 =	simm.s32 $_scs_section_size  }
0x9a: {  	s5 =	simm.s32 $_size__tile_overlayer_lowered;
	s6 =	simm.s32 $_tile_overlayer_lowered  }
0x9b: {  	s22 =	simm.s32 $0x1BFF;
	s21 =	sshll.u32 s6, $0x1;
	s3 =	sadd.s32 s4, s19  }
0x9c: {  	s7 =	simm.s32 $0x0;
	s20 =	sshll.u32 s5, $0x1;
	s5 =	sadd.s32 s21, s3  }
0x9d: {  	[timem:s7], [sflag:s22] =	dma.local [hbm:s5], s20  }
0x9e: {  	_ =	swait.ge [sflag:s22], s20  }
0x9f: {  	s4 =	ssub.s32 $0x0, s20;
	[sflag:s22] =	ssyncset.done $0x0  }
0xa0: {  	[sflag:s22] =	ssyncadd.s32 s4;
	_ =	sdelay $0x1  }
0xa1: {  	s23 =	simm.s32 $0x1B8B  }
0xa2: {  	_ =	swait.ge [sflag:s23], $0x1  }
0xa3: {  	[sflag:s23] =	ssyncset.done $0x0  }
0xa4: {  	s25 =	simm.s32 $0x1B8E;
	s24 =	sld [smem:$0x3FFE];
	[sflag:s23] =	ssyncadd.s32 $0xFFFFFFFF  }
0xa5: {  	s26 =	simm.s32 $execute0_lowered;
	[smem:$0x3FD2] =	sst s25  }
0xa6: {  	s5 =	sshll.u32 s26, $0x1;
	_ =	strace $0x80000049;
	[dreg:$0x1] =	wrdreg $0xFFFFFFFF  }
0xa7: {  	s28 =	simm.s32 $_size_execute0_lowered;
	s3 =	sadd.s32 s3, s5;
	[dreg:$0x0] =	wrdreg $0x0  }
0xa8: {  	s5 =	sshll.u32 s28, $0x1;
	[dreg:$0x2] =	wrdreg s3  }
0xa9: {  	[dreg:$0x3] =	wrdreg s5  }
0xaa: {  	[dreg:$0x4] =	wrdreg $0xC0  }
0xab: {  	_ =	task [dreg:s7], $0x5FFFF  }
0xac: {  	[dreg:$0x1] =	wrdreg $0xFFFFFFFF  }
0xad: {  	[dreg:$0x0] =	wrdreg $0x60  }
0xae: {  	[dreg:$0x2] =	wrdreg s2  }
0xaf: {  	[dreg:$0x3] =	wrdreg s24  }
0xb0: {  	[dreg:$0x4] =	wrdreg $0xA8000  }
0xb1: {  	[dreg:$0x5] =	wrdreg $0x9  }
0xb2: {  	_ =	task.clear_ibuf [dreg:s7], $0x6FFFF;
	_ =	strace $0x90000049  }
0xb3: {  	s29 =	simm.s32 $0x9;
	_ =	strace $0x8000004B  }
0xb4: {  	_ =	swait.ge [sflag:s29], $0x1  }
0xb5: {  	[sflag:s29] =	ssyncadd.s32 $0xFFFFFFFF  }
0xb6: {  	_ =	strace $0x9000004B  }
0xb7: {  	_ =	sfence  }
0xb8: {  	s30 =	sld [smem:$0x0];
	_ =	sdelay $0x2  }
0xb9: {  	s31 =	sshll.u32 s1, $0xD;
	s1 =	sshrl.u32 s1, $0x2  }
0xba: {  	s3 =	sand.u32 $0x4000, s31;
	s1 =	sadd.s32 s1, s30  }
0xbb: {  	s0 =	sor.u32 s3, s0;
	s1 =	sshll.u32 s1, $0x11  }
0xbc: {  	s0 =	sor.u32 s1, s0  }
0xbd: {  	s0 =	sadd.s32 $0x8F2B, s0  }
0xbe: {  	[sflag:s0] =	ssyncadd.remote.s32 $0x1  }
0xbf: {  	_ =	sfence.sel $0xFFFF  }
0xc0: {  	[dreg:$0x0] =	wrdreg $0xFFFFFFFF;
	(pc) =	sbr.abs _section_cstart, $3  }
0xc1: {  	[dreg:$0x1] =	wrdreg $0xFFFFFFFF  }
0xc2: {  	_ =	task.clear_ibuf [dreg:s7], $0x2FFFF;
	_ =	strace $0x9FFFFFFF  }
0xc3: {  	(tm) =	ssettm $0x7FFFFFFF  }
tec
execute0_lowered:
.L_overlay_start_1:
0x0: {  	(tag) =	ssettag $0x1  }
0x1: {  	s1 =	rddreg [dreg:$0x0]  }
0x2: {  	s0 =	rddreg [dreg:$0x1]  }
0x3: {  	s2 =	rddreg [dreg:$0x2];
	s3 =	simm.s32 $0x0;
	s6 =	srdreg.scid  }
0x4: {  	s19 =	stileid.u32;
	s28 =	simm.s32 $0x2;
	s29 =	simm.s32 $0x1380  }
0x5: {  	s30 =	simm.s32 $0x2700;
	s31 =	simm.s32 $0x2780;
	[smem:$0x7FF] =	sst s3  }
0x6: {  	s4 =	sadd.s32 $0x11C00, s0;
	s13 =	sadd.s32 $0x7C00, s0;
	s5 =	sadd.s32 $0x1BC00, s0  }
0x7: {  	s11 =	sand.u32 $0x1, s6;
	s0 =	sadd.s32 $0x43600, s0;
	s7 =	smul.u32 $0x50000, s19  }
0x8: {  	s14 =	smul.u32 $0x14000, s19;
	_ =	strace $0x8000004A;
	s6 =	ssub.s32 $0x2, s11  }
0x9: {  	[dreg:$0x4] =	wrdreg s5;
	s9 =	sshll.u32 s11, $0x4;
	s8 =	sshrl.u32 s6, $0x1  }
0xa: {  	s9 =	sor.u32 s19, s9;
	s21 =	sshrl.u32 s7, $0x2;
	s15 =	sadd.s32 $0x4000, s14  }
0xb: {  	s17 =	sadd.s32 $0x8000, s14;
	s18 =	sadd.s32 $0xC000, s14;
	s19 =	sadd.s32 $0x10000, s14  }
0xc: {  	s20 =	ssub.s32 s6, s8;
	s6 =	sadd.s32 s21, s2;
	s12 =	smul.u32 $0x500, s9  }
0xd: {  	s7 =	sadd.s32 s15, s2;
	s8 =	sadd.s32 s17, s2;
	s16 =	smul.u32 $0x2800, s9  }
0xe: {  	s9 =	sadd.s32 s18, s2;
	s10 =	sadd.s32 s19, s2;
	s21 =	smul.u32 $0x140000, s11  }
0xf: {  	s20 =	smax.u32 s20, $0x1;
	s22 =	sadd.s32 s13, s12;
	s12 =	sadd.s32 s4, s12  }
0x10: {  	s16 =	sshrl.u32 s16, $0x3;
	s14 =	sadd.s32 s14, s21;
	s15 =	sadd.s32 s21, s15  }
0x11: {  	s24 =	sadd.s32 s21, s18;
	s25 =	sadd.s32 s21, s19;
	[dreg:$0x5] =	wrdreg s22  }
0x12: {  	s16 =	sadd.s32 $0x280, s16;
	s22 =	sshrl.u32 s14, $0x3;
	s23 =	sshrl.u32 s15, $0x3  }
0x13: {  	s26 =	sshrl.u32 s24, $0x3;
	s24 =	simm.s32 $0x80;
	s13 =	sadd.s32 s13, s16  }
0x14: {  	s14 =	sadd.s32 s4, s16;
	s15 =	sadd.s32 s0, s22;
	s16 =	sadd.s32 s0, s23  }
0x15: {  	s23 =	sadd.s32 s21, s17;
	s21 =	sshrl.u32 s25, $0x3;
	s18 =	sadd.s32 s0, s26  }
0x16: {  	s22 =	simm.s32 $0x3;
	s25 =	simm.s32 $0x1;
	s26 =	simm.s32 $0x6800  }
0x17: {  	s4 =	sshrl.u32 s23, $0x3;
	s19 =	sadd.s32 s0, s21;
	s21 =	simm.s32 $0x2800  }
0x18: {  	s23 =	simm.s32 $0x1400;
	s17 =	sadd.s32 s0, s4;
	s0 =	simm.s32 $0x0  }
.LBB2_1:
0x19: {  	s4 =	rddreg [dreg:$0x4]  }
0x1a: {  	[tilespmem:s21], [sflag:$0x3] =	stream.linear.gather [hbm4b:s4+s3], $0x4000, $0x38;
	[tilespmem:$0x1E800] =	vst v63  }
0x1b: {  	_ =	swait.ge [sflag:s22], $0x4000  }
0x1c: {  	[sflag:s22] =	ssyncset.done $0x0  }
0x1d: {  	[sflag:s22] =	ssyncadd.s32 $0xFFFFC000  }
0x1e: {  	[spmem:s6] =	stream.linear.scatter [tilespmem:s21], [sflag:$0x3], $0x4000, $0x38;
	[tilespmem:$0x1E800] =	vst v63  }
0x1f: {  	_ =	swait.ge [sflag:s22], $0x4000  }
0x20: {  	[sflag:s22] =	ssyncset.done $0x0  }
0x21: {  	[sflag:s22] =	ssyncadd.s32 $0xFFFFC000  }
0x22: {  	[spmem:s7] =	stream.linear.scatter [tilespmem:s21], [sflag:$0x3], $0x4000, $0x38;
	[tilespmem:$0x1E800] =	vst v63  }
0x23: {  	_ =	swait.ge [sflag:s22], $0x4000  }
0x24: {  	[sflag:s22] =	ssyncset.done $0x0  }
0x25: {  	[sflag:s22] =	ssyncadd.s32 $0xFFFFC000  }
0x26: {  	[spmem:s8] =	stream.linear.scatter [tilespmem:s21], [sflag:$0x3], $0x4000, $0x38;
	[tilespmem:$0x1E800] =	vst v63  }
0x27: {  	_ =	swait.ge [sflag:s22], $0x4000  }
0x28: {  	[sflag:s22] =	ssyncset.done $0x0  }
0x29: {  	[sflag:s22] =	ssyncadd.s32 $0xFFFFC000  }
0x2a: {  	[spmem:s9] =	stream.linear.scatter [tilespmem:s21], [sflag:$0x3], $0x4000, $0x38;
	[tilespmem:$0x1E800] =	vst v63  }
0x2b: {  	_ =	swait.ge [sflag:s22], $0x4000  }
0x2c: {  	[sflag:s22] =	ssyncset.done $0x0  }
0x2d: {  	[sflag:s22] =	ssyncadd.s32 $0xFFFFC000  }
0x2e: {  	[spmem:s10] =	stream.linear.scatter [tilespmem:s21], [sflag:$0x3], $0x4000, $0x38;
	[tilespmem:$0x1E800] =	vst v63  }
0x2f: {  	_ =	swait.ge [sflag:s22], $0x4000  }
0x30: {  	[sflag:s22] =	ssyncset.done $0x0  }
0x31: {  	[sflag:s22] =	ssyncadd.s32 $0xFFFFC000  }
0x32: {  	[bflag:$0x0] =	sbarrier.arrive $0xFFFF  }
0x33: {  	s11 =	rddreg [dreg:$0x5]  }
0x34: {  	[tilespmem:s23], [sflag:$0x3] =	stream.linear.gather [hbm4b:s11+s3], $0x1400, $0x38;
	[tilespmem:$0x1E800] =	vst v63  }
0x35: {  	_ =	swait.ge [sflag:s22], $0x1400  }
0x36: {  	[sflag:s22] =	ssyncset.done $0x0  }
0x37: {  	[sflag:s22] =	ssyncadd.s32 $0xFFFFEC00  }
0x38: {  	[tilespmem:s3], [sflag:$0x3] =	stream.linear.gather [hbm4b:s12+s3], $0x1400, $0x38;
	[tilespmem:$0x1E800] =	vst v63  }
0x39: {  	_ =	swait.ge [sflag:s22], $0x1400  }
0x3a: {  	[sflag:s22] =	ssyncset.done $0x0  }
0x3b: {  	[sflag:s22] =	ssyncadd.s32 $0xFFFFEC00  }
0x3c: {  	[tilespmem:s21], [sflag:$0x1] =	stream.indirect.gather [hbm4b:s1+s24], $0x80, s3, s24, $0xb8;
	[tilespmem:$0x1E800] =	vst v63  }
0x3d: {  	_ =	swait.ge [sflag:s25], $0x4000  }
0x3e: {  	[sflag:s25] =	ssyncset.done $0x0  }
0x3f: {  	s5 =	simm.s32 $0x80;
	[sflag:s25] =	ssyncadd.s32 $0xFFFFC000  }
0x40: {  	[tilespmem:s26], [sflag:$0x2] =	stream.indirect.gather [hbm4b:s1+s24], $0x80, s5, s24, $0xb8;
	[tilespmem:$0x1E800] =	vst v63  }
0x41: {  	s11 =	simm.s32 $0x1400  }
0x42: {  	[spmem:s2] =	stream.indirect.scatter.add.f32 [tilespmem:s21], [sflag:$0x3], $0x80, s11, s24, $0xb8;
	[tilespmem:$0x1E800] =	vst v63  }
0x43: {  	_ =	swait.ge [sflag:s22], $0x4000  }
0x44: {  	[sflag:s22] =	ssyncset.done $0x0  }
0x45: {  	[sflag:s22] =	ssyncadd.s32 $0xFFFFC000  }
0x46: {  	_ =	swait.ge [sflag:s28], $0x4000  }
0x47: {  	[sflag:s28] =	ssyncset.done $0x0  }
0x48: {  	s5 =	simm.s32 $0x100;
	[sflag:s28] =	ssyncadd.s32 $0xFFFFC000  }
0x49: {  	[tilespmem:s21], [sflag:$0x1] =	stream.indirect.gather [hbm4b:s1+s24], $0x80, s5, s24, $0xb8;
	[tilespmem:$0x1E800] =	vst v63  }
0x4a: {  	s11 =	simm.s32 $0x1480  }
0x4b: {  	[spmem:s2] =	stream.indirect.scatter.add.f32 [tilespmem:s26], [sflag:$0x3], $0x80, s11, s24, $0xb8;
	[tilespmem:$0x1E800] =	vst v63  }
0x4c: {  	_ =	swait.ge [sflag:s22], $0x4000  }
0x4d: {  	s4 =	simm.s32 $0x400;
	[sflag:s22] =	ssyncset.done $0x0  }
.LBB2_2:
0x4e: {  	p0 =	sne.s32 s4, $0x4800  }
0x4f: {  	[sflag:s22] =	ssyncadd.s32 $0xFFFFC000;
	s5 =	smov.u32 s4;
	s4 =	sadd.s32 $0x400, s4  }
0x50: {  	_ = 	snop  }
0x51: {  	_ =	swait.ge [sflag:s25], $0x4000  }
0x52: {  	s5 =	sshra.s32 s5, $0x2;
	[sflag:s25] =	ssyncset.done $0x0  }
0x53: {  	s11 =	sadd.s32 $0x80, s5;
	[sflag:s25] =	ssyncadd.s32 $0xFFFFC000  }
0x54: {  	[tilespmem:s26], [sflag:$0x2] =	stream.indirect.gather [hbm4b:s1+s24], $0x80, s11, s24, $0xb8;
	[tilespmem:$0x1E800] =	vst v63  }
0x55: {  	s11 =	sadd.s32 $0x1400, s5  }
0x56: {  	[spmem:s2] =	stream.indirect.scatter.add.f32 [tilespmem:s21], [sflag:$0x3], $0x80, s11, s24, $0xb8;
	[tilespmem:$0x1E800] =	vst v63  }
0x57: {  	_ =	swait.ge [sflag:s22], $0x4000  }
0x58: {  	[sflag:s22] =	ssyncset.done $0x0  }
0x59: {  	[sflag:s22] =	ssyncadd.s32 $0xFFFFC000  }
0x5a: {  	_ =	swait.ge [sflag:s28], $0x4000  }
0x5b: {  	[sflag:s28] =	ssyncset.done $0x0  }
0x5c: {  	s11 =	sadd.s32 $0x100, s5;
	[sflag:s28] =	ssyncadd.s32 $0xFFFFC000  }
0x5d: {  	[tilespmem:s21], [sflag:$0x1] =	stream.indirect.gather [hbm4b:s1+s24], $0x80, s11, s24, $0xb8;
	[tilespmem:$0x1E800] =	vst v63  }
.Ltmp0:
0x5e: {  	_ = 	snop;
	(pc) =	sbr.rel @p0 .LBB2_2-.Ltmp0, $4  }
0x5f: {  	s5 =	sadd.s32 $0x1480, s5  }
0x60: {  	[spmem:s2] =	stream.indirect.scatter.add.f32 [tilespmem:s26], [sflag:$0x3], $0x80, s5, s24, $0xb8;
	[tilespmem:$0x1E800] =	vst v63  }
0x61: {  	_ =	swait.ge [sflag:s22], $0x4000  }
0x62: {  	[sflag:s22] =	ssyncset.done $0x0  }
0x63: {  	[sflag:s22] =	ssyncadd.s32 $0xFFFFC000  }
0x64: {  	_ =	swait.ge [sflag:s25], $0x4000  }
0x65: {  	[sflag:s25] =	ssyncset.done $0x0  }
0x66: {  	[sflag:s25] =	ssyncadd.s32 $0xFFFFC000  }
0x67: {  	[tilespmem:s26], [sflag:$0x2] =	stream.indirect.gather [hbm4b:s1+s24], $0x80, s29, s24, $0xb8;
	[tilespmem:$0x1E800] =	vst v63  }
0x68: {  	_ = 	snop  }
0x69: {  	[spmem:s2] =	stream.indirect.scatter.add.f32 [tilespmem:s21], [sflag:$0x3], $0x80, s30, s24, $0xb8;
	[tilespmem:$0x1E800] =	vst v63  }
0x6a: {  	_ =	swait.ge [sflag:s22], $0x4000  }
0x6b: {  	[sflag:s22] =	ssyncset.done $0x0  }
0x6c: {  	[sflag:s22] =	ssyncadd.s32 $0xFFFFC000  }
0x6d: {  	_ =	swait.ge [sflag:s28], $0x4000  }
0x6e: {  	[sflag:s28] =	ssyncset.done $0x0  }
0x6f: {  	s4 =	simm.s32 $0x0;
	[sflag:s28] =	ssyncadd.s32 $0xFFFFC000  }
0x70: {  	[tilespmem:s21], [sflag:$0x1] =	stream.indirect.gather [hbm4b:s1+s24], $0x80, s4, s24, $0xb8;
	[tilespmem:$0x1E800] =	vst v63  }
0x71: {  	_ = 	snop  }
0x72: {  	[spmem:s2] =	stream.indirect.scatter.add.f32 [tilespmem:s26], [sflag:$0x3], $0x80, s31, s24, $0xb8;
	[tilespmem:$0x1E800] =	vst v63  }
0x73: {  	_ =	swait.ge [sflag:s22], $0x4000  }
0x74: {  	[sflag:s22] =	ssyncset.done $0x0  }
0x75: {  	[sflag:s22] =	ssyncadd.s32 $0xFFFFC000  }
0x76: {  	_ =	swait.ge [sflag:s25], $0x4000  }
0x77: {  	[sflag:s25] =	ssyncset.done $0x0  }
0x78: {  	[sflag:s25] =	ssyncadd.s32 $0xFFFFC000  }
0x79: {  	[tilespmem:s23], [sflag:$0x3] =	stream.linear.gather [hbm4b:s13+s4], $0x1400, $0x38;
	[tilespmem:$0x1E800] =	vst v63  }
0x7a: {  	_ =	swait.ge [sflag:s22], $0x1400  }
0x7b: {  	[sflag:s22] =	ssyncset.done $0x0  }
0x7c: {  	[sflag:s22] =	ssyncadd.s32 $0xFFFFEC00  }
0x7d: {  	[tilespmem:s4], [sflag:$0x3] =	stream.linear.gather [hbm4b:s14+s4], $0x1400, $0x38;
	[tilespmem:$0x1E800] =	vst v63  }
0x7e: {  	_ =	swait.ge [sflag:s22], $0x1400  }
0x7f: {  	[sflag:s22] =	ssyncset.done $0x0  }
0x80: {  	[sflag:s22] =	ssyncadd.s32 $0xFFFFEC00  }
0x81: {  	[tilespmem:s21], [sflag:$0x1] =	stream.indirect.gather [hbm4b:s1+s24], $0x80, s4, s24, $0xb8;
	[tilespmem:$0x1E800] =	vst v63  }
0x82: {  	_ =	swait.ge [sflag:s25], $0x4000  }
0x83: {  	[sflag:s25] =	ssyncset.done $0x0  }
0x84: {  	s5 =	simm.s32 $0x80;
	[sflag:s25] =	ssyncadd.s32 $0xFFFFC000  }
0x85: {  	[tilespmem:s26], [sflag:$0x2] =	stream.indirect.gather [hbm4b:s1+s24], $0x80, s5, s24, $0xb8;
	[tilespmem:$0x1E800] =	vst v63  }
0x86: {  	s11 =	simm.s32 $0x1400  }
0x87: {  	[spmem:s2] =	stream.indirect.scatter.add.f32 [tilespmem:s21], [sflag:$0x3], $0x80, s11, s24, $0xb8;
	[tilespmem:$0x1E800] =	vst v63  }
0x88: {  	_ =	swait.ge [sflag:s22], $0x4000  }
0x89: {  	[sflag:s22] =	ssyncset.done $0x0  }
0x8a: {  	[sflag:s22] =	ssyncadd.s32 $0xFFFFC000  }
0x8b: {  	_ =	swait.ge [sflag:s28], $0x4000  }
0x8c: {  	[sflag:s28] =	ssyncset.done $0x0  }
0x8d: {  	s5 =	simm.s32 $0x100;
	[sflag:s28] =	ssyncadd.s32 $0xFFFFC000  }
0x8e: {  	[tilespmem:s21], [sflag:$0x1] =	stream.indirect.gather [hbm4b:s1+s24], $0x80, s5, s24, $0xb8;
	[tilespmem:$0x1E800] =	vst v63  }
0x8f: {  	s11 =	simm.s32 $0x1480  }
0x90: {  	[spmem:s2] =	stream.indirect.scatter.add.f32 [tilespmem:s26], [sflag:$0x3], $0x80, s11, s24, $0xb8;
	[tilespmem:$0x1E800] =	vst v63  }
0x91: {  	_ =	swait.ge [sflag:s22], $0x4000  }
0x92: {  	s4 =	simm.s32 $0x400;
	[sflag:s22] =	ssyncset.done $0x0  }
.LBB2_4:
0x93: {  	p0 =	sne.s32 s4, $0x4800  }
0x94: {  	[sflag:s22] =	ssyncadd.s32 $0xFFFFC000;
	s5 =	smov.u32 s4;
	s4 =	sadd.s32 $0x400, s4  }
0x95: {  	_ = 	snop  }
0x96: {  	_ =	swait.ge [sflag:s25], $0x4000  }
0x97: {  	s5 =	sshra.s32 s5, $0x2;
	[sflag:s25] =	ssyncset.done $0x0  }
0x98: {  	s11 =	sadd.s32 $0x80, s5;
	[sflag:s25] =	ssyncadd.s32 $0xFFFFC000  }
0x99: {  	[tilespmem:s26], [sflag:$0x2] =	stream.indirect.gather [hbm4b:s1+s24], $0x80, s11, s24, $0xb8;
	[tilespmem:$0x1E800] =	vst v63  }
0x9a: {  	s11 =	sadd.s32 $0x1400, s5  }
0x9b: {  	[spmem:s2] =	stream.indirect.scatter.add.f32 [tilespmem:s21], [sflag:$0x3], $0x80, s11, s24, $0xb8;
	[tilespmem:$0x1E800] =	vst v63  }
0x9c: {  	_ =	swait.ge [sflag:s22], $0x4000  }
0x9d: {  	[sflag:s22] =	ssyncset.done $0x0  }
0x9e: {  	[sflag:s22] =	ssyncadd.s32 $0xFFFFC000  }
0x9f: {  	_ =	swait.ge [sflag:s28], $0x4000  }
0xa0: {  	[sflag:s28] =	ssyncset.done $0x0  }
0xa1: {  	s11 =	sadd.s32 $0x100, s5;
	[sflag:s28] =	ssyncadd.s32 $0xFFFFC000  }
0xa2: {  	[tilespmem:s21], [sflag:$0x1] =	stream.indirect.gather [hbm4b:s1+s24], $0x80, s11, s24, $0xb8;
	[tilespmem:$0x1E800] =	vst v63  }
.Ltmp1:
0xa3: {  	_ = 	snop;
	(pc) =	sbr.rel @p0 .LBB2_4-.Ltmp1, $4  }
0xa4: {  	s5 =	sadd.s32 $0x1480, s5  }
0xa5: {  	[spmem:s2] =	stream.indirect.scatter.add.f32 [tilespmem:s26], [sflag:$0x3], $0x80, s5, s24, $0xb8;
	[tilespmem:$0x1E800] =	vst v63  }
0xa6: {  	_ =	swait.ge [sflag:s22], $0x4000  }
0xa7: {  	[sflag:s22] =	ssyncset.done $0x0  }
0xa8: {  	[sflag:s22] =	ssyncadd.s32 $0xFFFFC000  }
0xa9: {  	_ =	swait.ge [sflag:s25], $0x4000  }
0xaa: {  	[sflag:s25] =	ssyncset.done $0x0  }
0xab: {  	[sflag:s25] =	ssyncadd.s32 $0xFFFFC000  }
0xac: {  	[tilespmem:s26], [sflag:$0x2] =	stream.indirect.gather [hbm4b:s1+s24], $0x80, s29, s24, $0xb8;
	[tilespmem:$0x1E800] =	vst v63  }
0xad: {  	_ = 	snop  }
0xae: {  	[spmem:s2] =	stream.indirect.scatter.add.f32 [tilespmem:s21], [sflag:$0x3], $0x80, s30, s24, $0xb8;
	[tilespmem:$0x1E800] =	vst v63  }
0xaf: {  	_ =	swait.ge [sflag:s22], $0x4000  }
0xb0: {  	[sflag:s22] =	ssyncset.done $0x0  }
0xb1: {  	[sflag:s22] =	ssyncadd.s32 $0xFFFFC000  }
0xb2: {  	_ =	swait.ge [sflag:s28], $0x4000  }
0xb3: {  	[sflag:s28] =	ssyncset.done $0x0  }
0xb4: {  	[sflag:s28] =	ssyncadd.s32 $0xFFFFC000  }
0xb5: {  	[tilespmem:s21], [sflag:$0x1] =	stream.indirect.gather [hbm4b:s1+s24], $0x80, s3, s24, $0xb8;
	[tilespmem:$0x1E800] =	vst v63  }
0xb6: {  	_ = 	snop  }
0xb7: {  	[spmem:s2] =	stream.indirect.scatter.add.f32 [tilespmem:s26], [sflag:$0x3], $0x80, s31, s24, $0xb8;
	[tilespmem:$0x1E800] =	vst v63  }
0xb8: {  	_ =	swait.ge [sflag:s22], $0x4000  }
0xb9: {  	[sflag:s22] =	ssyncset.done $0x0  }
0xba: {  	[sflag:s22] =	ssyncadd.s32 $0xFFFFC000  }
0xbb: {  	_ =	swait.ge [sflag:s25], $0x4000  }
0xbc: {  	[sflag:s25] =	ssyncset.done $0x0  }
0xbd: {  	[sflag:s25] =	ssyncadd.s32 $0xFFFFC000  }
0xbe: {  	[bflag:$0x0] =	sbarrier.arrive $0xFFFF  }
0xbf: {  	[tilespmem:s21], [sflag:$0x3] =	stream.linear.gather [spmem:s6], $0x4000, $0x38;
	[tilespmem:$0x1E800] =	vst v63  }
0xc0: {  	_ =	swait.ge [sflag:s22], $0x4000  }
0xc1: {  	[sflag:s22] =	ssyncset.done $0x0  }
0xc2: {  	[sflag:s22] =	ssyncadd.s32 $0xFFFFC000  }
0xc3: {  	[hbm4b:s15+s3] =	stream.linear.scatter [tilespmem:s21], [sflag:$0x3], $0x4000, $0x38;
	[tilespmem:$0x1E800] =	vst v63  }
0xc4: {  	_ =	swait.ge [sflag:s22], $0x4000  }
0xc5: {  	[sflag:s22] =	ssyncset.done $0x0  }
0xc6: {  	[sflag:s22] =	ssyncadd.s32 $0xFFFFC000  }
0xc7: {  	[tilespmem:s21], [sflag:$0x3] =	stream.linear.gather [spmem:s7], $0x4000, $0x38;
	[tilespmem:$0x1E800] =	vst v63  }
0xc8: {  	_ =	swait.ge [sflag:s22], $0x4000  }
0xc9: {  	[sflag:s22] =	ssyncset.done $0x0  }
0xca: {  	[sflag:s22] =	ssyncadd.s32 $0xFFFFC000  }
0xcb: {  	[hbm4b:s16+s3] =	stream.linear.scatter [tilespmem:s21], [sflag:$0x3], $0x4000, $0x38;
	[tilespmem:$0x1E800] =	vst v63  }
0xcc: {  	_ =	swait.ge [sflag:s22], $0x4000  }
0xcd: {  	[sflag:s22] =	ssyncset.done $0x0  }
0xce: {  	[sflag:s22] =	ssyncadd.s32 $0xFFFFC000  }
0xcf: {  	[tilespmem:s21], [sflag:$0x3] =	stream.linear.gather [spmem:s8], $0x4000, $0x38;
	[tilespmem:$0x1E800] =	vst v63  }
0xd0: {  	_ =	swait.ge [sflag:s22], $0x4000  }
0xd1: {  	[sflag:s22] =	ssyncset.done $0x0  }
0xd2: {  	[sflag:s22] =	ssyncadd.s32 $0xFFFFC000  }
0xd3: {  	[hbm4b:s17+s3] =	stream.linear.scatter [tilespmem:s21], [sflag:$0x3], $0x4000, $0x38;
	[tilespmem:$0x1E800] =	vst v63  }
0xd4: {  	_ =	swait.ge [sflag:s22], $0x4000  }
0xd5: {  	[sflag:s22] =	ssyncset.done $0x0  }
0xd6: {  	[sflag:s22] =	ssyncadd.s32 $0xFFFFC000  }
0xd7: {  	[tilespmem:s21], [sflag:$0x3] =	stream.linear.gather [spmem:s9], $0x4000, $0x38;
	[tilespmem:$0x1E800] =	vst v63  }
0xd8: {  	_ =	swait.ge [sflag:s22], $0x4000  }
0xd9: {  	[sflag:s22] =	ssyncset.done $0x0  }
0xda: {  	[sflag:s22] =	ssyncadd.s32 $0xFFFFC000  }
0xdb: {  	[hbm4b:s18+s3] =	stream.linear.scatter [tilespmem:s21], [sflag:$0x3], $0x4000, $0x38;
	[tilespmem:$0x1E800] =	vst v63  }
0xdc: {  	_ =	swait.ge [sflag:s22], $0x4000  }
0xdd: {  	[sflag:s22] =	ssyncset.done $0x0  }
0xde: {  	[sflag:s22] =	ssyncadd.s32 $0xFFFFC000  }
0xdf: {  	[tilespmem:s21], [sflag:$0x3] =	stream.linear.gather [spmem:s10], $0x4000, $0x38;
	[tilespmem:$0x1E800] =	vst v63  }
0xe0: {  	s0 =	sadd.s32 $0x1, s0;
	_ =	swait.ge [sflag:s22], $0x4000  }
0xe1: {  	p0 =	sne.s32 s0, s20;
	[sflag:s22] =	ssyncset.done $0x0  }
.Ltmp2:
0xe2: {  	[sflag:s22] =	ssyncadd.s32 $0xFFFFC000;
	(pc) =	sbr.rel @p0 .LBB2_1-.Ltmp2, $4  }
0xe3: {  	[hbm4b:s19+s3] =	stream.linear.scatter [tilespmem:s21], [sflag:$0x3], $0x4000, $0x38;
	[tilespmem:$0x1E800] =	vst v63  }
0xe4: {  	_ =	swait.ge [sflag:s22], $0x4000  }
0xe5: {  	[sflag:s22] =	ssyncset.done $0x0  }
0xe6: {  	[sflag:s22] =	ssyncadd.s32 $0xFFFFC000  }
0xe7: {  	_ =	sfence.sel $0x180000  }
0xe8: {  	[bflag:$0x0] =	sbarrier.arrive $0xFFFF  }
0xe9: {  	_ =	strace $0x9000004A  }
0xea: {  	s0 =	stileid.u32;
	[bflag:$0x2] =	sbarrier.arrive $0xFFFF  }
0xeb: {  	p0 =	sne.s32 s0, $0x0;
	s0 =	rddreg [dreg:$0x3]  }
0xec: {  	s0 =	sadd.s32 @!p0 $0x100000, s0  }
0xed: {  	[sflag:s0] =	ssyncadd.tile.s32 @!p0 $0x1;
	_ =	shalt  }
.Lfunc_end2:
_tile_overlayer_lowered:
.L_overlay_start_2:
0xee: {  	(tag) =	ssettag $0x2  }
0xef: {  	s0 =	rddreg [dreg:$0x0];
	s2 =	stileid.u32  }
0xf0: {  	s1 =	rddreg [dreg:$0x1];
	p0 =	sne.s32 s2, $0x0  }
0xf1: {  	s3 =	rddreg [dreg:$0x2];
	[bflag:$0x3] =	sbarrier.arrive $0xFFFF;
	s2 =	simm.s32 @!p0 $0x1C03  }
0xf2: {  	[timem:s3], [sflag:s2] =	dma.local @!p0 [hbm:s0], s1  }
0xf3: {  	s0 =	simm.s32 @!p0 $0x3  }
0xf4: {  	_ =	swait.ge @!p0 [sflag:s0], s1  }
0xf5: {  	s1 =	ssub.s32 @!p0 $0x0, s1;
	[sflag:s0] =	ssyncset.done @!p0 $0x0  }
0xf6: {  	[sflag:s0] =	ssyncadd.s32 @!p0 s1  }
0xf7: {  	[bflag:$0x3] =	sbarrier.arrive $0xFFFF  }
0xf8: {  	_ =	shalt  }

// kernel: kernel.16.cloned.1.call-start
scs
__scs_entry_jumppad:
0x0: {  	(pc) =	sbr.rel $0x88, $3  }
0x1: {  	(tag) =	ssettag $0x0;
	lr =	simm.s32 $0x1  }
0x2: {  	[smem:$0x3F81] =	sst lr;
	_ =	strace $0xD0000000  }
0x3: {  	_ = 	snop  }
0x4: {  	_ = 	snop  }
0x5: {  	_ = 	snop  }
0x6: {  	_ = 	snop  }
0x7: {  	_ = 	snop  }
__scs_overlays_trampoline_lowered:
0x8: {  	[smem:$0x3F90] =	sst s0  }
0x9: {  	[smem:$0x3F91] =	sst s1  }
0xa: {  	[smem:$0x3F92] =	sst s2  }
0xb: {  	[smem:$0x3F93] =	sst s3  }
0xc: {  	[smem:$0x3F94] =	sst s4  }
0xd: {  	[smem:$0x3F95] =	sst s5  }
0xe: {  	[smem:$0x3F96] =	sst s6  }
0xf: {  	[smem:$0x3F97] =	sst s7  }
0x10: {  	[smem:$0x3F98] =	sst s8  }
0x11: {  	[smem:$0x3F99] =	sst s9;
	s0 =	simm.s32 @!p0 $0x0  }
0x12: {  	s1 =	sld [smem:$0x3F7F];
	s0 =	simm.s32 @p0 $0x1  }
0x13: {  	[smem:$0x3F9A] =	sst s0;
	s0 =	simm.s32 @!p1 $0x0  }
0x14: {  	s2 =	sld [smem:$0x3F7E];
	s0 =	simm.s32 @p1 $0x1  }
0x15: {  	[smem:$0x3F9B] =	sst s0;
	s0 =	simm.s32 @!p2 $0x0  }
0x16: {  	s3 =	sld [smem:$0x3FDB];
	s0 =	simm.s32 @p2 $0x1  }
0x17: {  	s4 =	simm.s32 $0x1BF5;
	[smem:$0x3F9D] =	sst s0  }
0x18: {  	s0 =	sld [smem:$0x3F80];
	_ =	swait.ge [sflag:s4], $0x0  }
0x19: {  	s7 =	sld [smem:$0x3F81]  }
0x1a: {  	s8 =	sadd.s32 $0xFFFFE003, lr  }
0x1b: {  	s9 =	sadd.s32 $0xFFFFFEF7, lr;
	s5 =	simm.s32 $0xFFFFFFFF;
	p2 =	slt.u32 s8, $0xFFFFF086  }
0x1c: {  	p1 =	slt.u32 s9, $0xF7A;
	s5 =	simm.s32 @!p2 $0x0  }
0x1d: {  	s5 =	simm.s32 @p1 $0x1;
	p0 =	seq.s32 s7, s2  }
0x1e: {  	s7 =	smul.u32 @!p0 $0xF7A, s2;
	p2 =	seq.s32 @!p0 s5, $0x0  }
0x1f: {  	s9 =	smul.u32 $0xF7A, s1;
	s8 =	simm.s32 @!p0 $0x1BF5;
	p2 =	por !p2, p0  }
0x20: {  	[sflag:s8] =	ssyncset.s32 @!p0 $0xFFFFF086;
	s6 =	sadd.s32 @!p0 s3, s7;
	s7 =	simm.s32 @!p0 $0x108  }
0x21: {  	s3 =	sadd.s32 s3, s9;
	s6 =	sadd.s32 @!p0 $0x88, s6;
	s7 =	simm.s32 @p2 $0x1082  }
0x22: {  	[simem:s7], [sflag:s8] =	dma.local @!p0 [hbm:s6], $0xF7A  }
0x23: {  	s9 =	sor.u32 $0xD0000000, s2;
	s6 =	simm.s32 $0x108;
	_ =	swait.ge @!p0 [sflag:s8], $0x0  }
0x24: {  	s3 =	sadd.s32 $0x88, s3;
	s6 =	simm.s32 @!p1 $0x1082;
	[sflag:s4] =	ssyncset.s32 $0xFFFFF086  }
0x25: {  	[simem:s6], [sflag:s4] =	dma.local [hbm:s3], $0xF7A  }
0x26: {  	[smem:$0x3F81] =	sst s1;
	(tag) =	ssettag s2;
	_ =	strace s9  }
0x27: {  	s1 =	sld [smem:$0x3F91]  }
0x28: {  	s2 =	sld [smem:$0x3F92]  }
0x29: {  	s4 =	sld [smem:$0x3F94]  }
0x2a: {  	p0 =	seq.s32 s5, $0x0;
	s5 =	sld [smem:$0x3F95]  }
0x2b: {  	s6 =	sld [smem:$0x3F96]  }
0x2c: {  	s7 =	sld [smem:$0x3F97]  }
0x2d: {  	s3 =	simm.s32 $0x108;
	s8 =	sld [smem:$0x3F98]  }
0x2e: {  	s3 =	simm.s32 @!p0 $0x1082;
	s9 =	sld [smem:$0x3F99]  }
0x2f: {  	lr =	sadd.s32 s0, s3;
	s0 =	sld [smem:$0x3F90]  }
0x30: {  	s3 =	sld [smem:$0x3F93]  }
0x31: {  	[smem:$0x3F9C] =	sst s10  }
0x32: {  	s10 =	sld [smem:$0x3F9A];
	_ =	sdelay $0x3  }
0x33: {  	p0 =	seq.s32 s10, $0x1;
	s10 =	sld [smem:$0x3F9C];
	_ =	sdelay $0x3  }
0x34: {  	[smem:$0x3F9C] =	sst s10  }
0x35: {  	s10 =	sld [smem:$0x3F9B];
	_ =	sdelay $0x3  }
0x36: {  	p1 =	seq.s32 s10, $0x1;
	s10 =	sld [smem:$0x3F9C];
	_ =	sdelay $0x3  }
0x37: {  	[smem:$0x3F9C] =	sst s10  }
0x38: {  	s10 =	sld [smem:$0x3F9D]  }
0x39: {  	_ = 	snop;
	(pc) =	sbr.ind lr, $3  }
0x3a: {  	_ = 	snop  }
0x3b: {  	_ = 	snop  }
0x3c: {  	p2 =	seq.s32 s10, $0x1;
	s10 =	sld [smem:$0x3F9C]  }
0x3d: {  	_ =	shalt  }
0x3e: {  	_ =	shalt  }
0x3f: {  	_ =	shalt  }
0x40: {  	_ =	shalt  }
0x41: {  	_ =	shalt  }
0x42: {  	_ =	shalt  }
0x43: {  	_ =	shalt  }
0x44: {  	_ =	shalt  }
0x45: {  	_ =	shalt  }
0x46: {  	_ =	shalt  }
0x47: {  	_ =	shalt  }
0x48: {  	_ =	shalt  }
0x49: {  	_ =	shalt  }
0x4a: {  	_ =	shalt  }
0x4b: {  	_ =	shalt  }
0x4c: {  	_ =	shalt  }
0x4d: {  	_ =	shalt  }
0x4e: {  	_ =	shalt  }
0x4f: {  	_ =	shalt  }
0x50: {  	_ =	shalt  }
0x51: {  	_ =	shalt  }
0x52: {  	_ =	shalt  }
0x53: {  	_ =	shalt  }
0x54: {  	_ =	shalt  }
0x55: {  	_ =	shalt  }
0x56: {  	_ =	shalt  }
0x57: {  	_ =	shalt  }
0x58: {  	_ =	shalt  }
0x59: {  	_ =	shalt  }
0x5a: {  	_ =	shalt  }
0x5b: {  	_ =	shalt  }
0x5c: {  	_ =	shalt  }
0x5d: {  	_ =	shalt  }
0x5e: {  	_ =	shalt  }
0x5f: {  	_ =	shalt  }
0x60: {  	_ =	shalt  }
0x61: {  	_ =	shalt  }
0x62: {  	_ =	shalt  }
0x63: {  	_ =	shalt  }
0x64: {  	_ =	shalt  }
0x65: {  	_ =	shalt  }
0x66: {  	_ =	shalt  }
0x67: {  	_ =	shalt  }
0x68: {  	_ =	shalt  }
0x69: {  	_ =	shalt  }
0x6a: {  	_ =	shalt  }
0x6b: {  	_ =	shalt  }
0x6c: {  	_ =	shalt  }
0x6d: {  	_ =	shalt  }
0x6e: {  	_ =	shalt  }
0x6f: {  	_ =	shalt  }
0x70: {  	_ =	shalt  }
0x71: {  	_ =	shalt  }
0x72: {  	_ =	shalt  }
0x73: {  	_ =	shalt  }
0x74: {  	_ =	shalt  }
0x75: {  	_ =	shalt  }
0x76: {  	_ =	shalt  }
0x77: {  	_ =	shalt  }
0x78: {  	_ =	shalt  }
0x79: {  	_ =	shalt  }
0x7a: {  	_ =	shalt  }
0x7b: {  	_ =	shalt  }
0x7c: {  	_ =	shalt  }
0x7d: {  	_ =	shalt  }
0x7e: {  	_ =	shalt  }
0x7f: {  	_ =	shalt  }
0x80: {  	_ =	shalt  }
0x81: {  	_ =	shalt  }
0x82: {  	_ =	shalt  }
0x83: {  	_ =	shalt  }
0x84: {  	_ =	shalt  }
0x85: {  	_ =	shalt  }
0x86: {  	_ =	shalt  }
0x87: {  	_ =	shalt  }
.Lfunc_end0:
.L_simem_size_0:
called_computation.2_lowered:
.L_overlay_start_0:
0x88: {  	s2 =	sld [smem:$0x3FD9]  }
0x89: {  	s3 =	sld [smem:$0x3FFE];
	_ =	sdelay $0x1  }
0x8a: {  	s1 =	srdreg.scid  }
0x8b: {  	s0 =	sand.u32 $0x1, s1  }
0x8c: {  	s17 =	sshll.u32 s0, $0xA;
	s2 =	sadd.s32 s3, s2  }
0x8d: {  	s2 =	sadd.s32 s2, s17  }
0x8e: {  	[smem:$0x3FA8] =	sst s2  }
0x8f: {  	_ = 	snop  }
0x90: {  	s2 =	sld [smem:$0x3FD0];
	(tm) =	ssettm $0x1  }
0x91: {  	s18 =	sld [smem:$0x3FFB];
	_ =	sdelay $0x3  }
0x92: {  	_ =	strace s18  }
0x93: {  	s3 =	sld [smem:$0x3FFC];
	_ =	sdelay $0x3  }
0x94: {  	_ =	strace s3  }
0x95: {  	s3 =	sld [smem:$0x3FFD];
	_ =	sdelay $0x3  }
0x96: {  	_ =	strace s3  }
0x97: {  	_ =	strace $0x8FFFFFFF  }
0x98: {  	s19 =	sld [smem:$0x3FDB];
	_ =	sdelay $0x1  }
0x99: {  	s4 =	simm.s32 $_scs_section_size  }
0x9a: {  	s5 =	simm.s32 $_size__tile_overlayer_lowered;
	s6 =	simm.s32 $_tile_overlayer_lowered  }
0x9b: {  	s22 =	simm.s32 $0x1BFF;
	s21 =	sshll.u32 s6, $0x1;
	s3 =	sadd.s32 s4, s19  }
0x9c: {  	s7 =	simm.s32 $0x0;
	s20 =	sshll.u32 s5, $0x1;
	s5 =	sadd.s32 s21, s3  }
0x9d: {  	[timem:s7], [sflag:s22] =	dma.local [hbm:s5], s20  }
0x9e: {  	_ =	swait.ge [sflag:s22], s20  }
0x9f: {  	s4 =	ssub.s32 $0x0, s20;
	[sflag:s22] =	ssyncset.done $0x0  }
0xa0: {  	[sflag:s22] =	ssyncadd.s32 s4;
	_ =	sdelay $0x1  }
0xa1: {  	s23 =	simm.s32 $0x1B8B  }
0xa2: {  	_ =	swait.ge [sflag:s23], $0x1  }
0xa3: {  	[sflag:s23] =	ssyncset.done $0x0  }
0xa4: {  	s25 =	simm.s32 $0x1B8E;
	s24 =	sld [smem:$0x3FFE];
	[sflag:s23] =	ssyncadd.s32 $0xFFFFFFFF  }
0xa5: {  	s26 =	simm.s32 $execute0_lowered;
	[smem:$0x3FD2] =	sst s25  }
0xa6: {  	s5 =	sshll.u32 s26, $0x1;
	_ =	strace $0x8000004C;
	[dreg:$0x1] =	wrdreg $0xFFFFFFFF  }
0xa7: {  	s28 =	simm.s32 $_size_execute0_lowered;
	s3 =	sadd.s32 s3, s5;
	[dreg:$0x0] =	wrdreg $0x0  }
0xa8: {  	s5 =	sshll.u32 s28, $0x1;
	[dreg:$0x2] =	wrdreg s3  }
0xa9: {  	[dreg:$0x3] =	wrdreg s5  }
0xaa: {  	[dreg:$0x4] =	wrdreg $0xC0  }
0xab: {  	_ =	task [dreg:s7], $0x5FFFF  }
0xac: {  	[dreg:$0x1] =	wrdreg $0xFFFFFFFF  }
0xad: {  	[dreg:$0x0] =	wrdreg $0x60  }
0xae: {  	[dreg:$0x2] =	wrdreg s2  }
0xaf: {  	[dreg:$0x3] =	wrdreg s24  }
0xb0: {  	[dreg:$0x4] =	wrdreg $0xA8000  }
0xb1: {  	[dreg:$0x5] =	wrdreg $0x9  }
0xb2: {  	_ =	task.clear_ibuf [dreg:s7], $0x6FFFF;
	_ =	strace $0x9000004C  }
0xb3: {  	s29 =	simm.s32 $0x9;
	_ =	strace $0x8000004E  }
0xb4: {  	_ =	swait.ge [sflag:s29], $0x1  }
0xb5: {  	[sflag:s29] =	ssyncadd.s32 $0xFFFFFFFF  }
0xb6: {  	_ =	strace $0x9000004E  }
0xb7: {  	_ =	sfence  }
0xb8: {  	s30 =	sld [smem:$0x0];
	_ =	sdelay $0x2  }
0xb9: {  	s31 =	sshll.u32 s1, $0xD;
	s1 =	sshrl.u32 s1, $0x2  }
0xba: {  	s3 =	sand.u32 $0x4000, s31;
	s1 =	sadd.s32 s1, s30  }
0xbb: {  	s0 =	sor.u32 s3, s0;
	s1 =	sshll.u32 s1, $0x11  }
0xbc: {  	s0 =	sor.u32 s1, s0  }
0xbd: {  	s0 =	sadd.s32 $0x8F2B, s0  }
0xbe: {  	[sflag:s0] =	ssyncadd.remote.s32 $0x1  }
0xbf: {  	_ =	sfence.sel $0xFFFF  }
0xc0: {  	[dreg:$0x0] =	wrdreg $0xFFFFFFFF;
	(pc) =	sbr.abs _section_cstart, $3  }
0xc1: {  	[dreg:$0x1] =	wrdreg $0xFFFFFFFF  }
0xc2: {  	_ =	task.clear_ibuf [dreg:s7], $0x2FFFF;
	_ =	strace $0x9FFFFFFF  }
0xc3: {  	(tm) =	ssettm $0x7FFFFFFF  }
tec
execute0_lowered:
.L_overlay_start_1:
0x0: {  	(tag) =	ssettag $0x1  }
0x1: {  	s1 =	rddreg [dreg:$0x0]  }
0x2: {  	s0 =	rddreg [dreg:$0x1]  }
0x3: {  	s2 =	rddreg [dreg:$0x2];
	s3 =	simm.s32 $0x0;
	s6 =	srdreg.scid  }
0x4: {  	s19 =	stileid.u32;
	s28 =	simm.s32 $0x2;
	s29 =	simm.s32 $0x1380  }
0x5: {  	s30 =	simm.s32 $0x2700;
	s31 =	simm.s32 $0x2780;
	[smem:$0x7FF] =	sst s3  }
0x6: {  	s4 =	sadd.s32 $0x11C00, s0;
	s13 =	sadd.s32 $0x7C00, s0;
	s5 =	sadd.s32 $0x1BC00, s0  }
0x7: {  	s11 =	sand.u32 $0x1, s6;
	s0 =	sadd.s32 $0x43600, s0;
	s7 =	smul.u32 $0x50000, s19  }
0x8: {  	s14 =	smul.u32 $0x14000, s19;
	_ =	strace $0x8000004D;
	s6 =	ssub.s32 $0x2, s11  }
0x9: {  	[dreg:$0x4] =	wrdreg s5;
	s9 =	sshll.u32 s11, $0x4;
	s8 =	sshrl.u32 s6, $0x1  }
0xa: {  	s9 =	sor.u32 s19, s9;
	s21 =	sshrl.u32 s7, $0x2;
	s15 =	sadd.s32 $0x4000, s14  }
0xb: {  	s17 =	sadd.s32 $0x8000, s14;
	s18 =	sadd.s32 $0xC000, s14;
	s19 =	sadd.s32 $0x10000, s14  }
0xc: {  	s20 =	ssub.s32 s6, s8;
	s6 =	sadd.s32 s21, s2;
	s12 =	smul.u32 $0x500, s9  }
0xd: {  	s7 =	sadd.s32 s15, s2;
	s8 =	sadd.s32 s17, s2;
	s16 =	smul.u32 $0x2800, s9  }
0xe: {  	s9 =	sadd.s32 s18, s2;
	s10 =	sadd.s32 s19, s2;
	s21 =	smul.u32 $0x140000, s11  }
0xf: {  	s20 =	smax.u32 s20, $0x1;
	s22 =	sadd.s32 s13, s12;
	s12 =	sadd.s32 s4, s12  }
0x10: {  	s16 =	sshrl.u32 s16, $0x3;
	s14 =	sadd.s32 s14, s21;
	s15 =	sadd.s32 s21, s15  }
0x11: {  	s24 =	sadd.s32 s21, s18;
	s25 =	sadd.s32 s21, s19;
	[dreg:$0x5] =	wrdreg s22  }
0x12: {  	s16 =	sadd.s32 $0x280, s16;
	s22 =	sshrl.u32 s14, $0x3;
	s23 =	sshrl.u32 s15, $0x3  }
0x13: {  	s26 =	sshrl.u32 s24, $0x3;
	s24 =	simm.s32 $0x80;
	s13 =	sadd.s32 s13, s16  }
0x14: {  	s14 =	sadd.s32 s4, s16;
	s15 =	sadd.s32 s0, s22;
	s16 =	sadd.s32 s0, s23  }
0x15: {  	s23 =	sadd.s32 s21, s17;
	s21 =	sshrl.u32 s25, $0x3;
	s18 =	sadd.s32 s0, s26  }
0x16: {  	s22 =	simm.s32 $0x3;
	s25 =	simm.s32 $0x1;
	s26 =	simm.s32 $0x6800  }
0x17: {  	s4 =	sshrl.u32 s23, $0x3;
	s19 =	sadd.s32 s0, s21;
	s21 =	simm.s32 $0x2800  }
0x18: {  	s23 =	simm.s32 $0x1400;
	s17 =	sadd.s32 s0, s4;
	s0 =	simm.s32 $0x0  }
.LBB2_1:
0x19: {  	s4 =	rddreg [dreg:$0x4]  }
0x1a: {  	[tilespmem:s21], [sflag:$0x3] =	stream.linear.gather [hbm4b:s4+s3], $0x4000, $0x38;
	[tilespmem:$0x1E800] =	vst v63  }
0x1b: {  	_ =	swait.ge [sflag:s22], $0x4000  }
0x1c: {  	[sflag:s22] =	ssyncset.done $0x0  }
0x1d: {  	[sflag:s22] =	ssyncadd.s32 $0xFFFFC000  }
0x1e: {  	[spmem:s6] =	stream.linear.scatter [tilespmem:s21], [sflag:$0x3], $0x4000, $0x38;
	[tilespmem:$0x1E800] =	vst v63  }
0x1f: {  	_ =	swait.ge [sflag:s22], $0x4000  }
0x20: {  	[sflag:s22] =	ssyncset.done $0x0  }
0x21: {  	[sflag:s22] =	ssyncadd.s32 $0xFFFFC000  }
0x22: {  	[spmem:s7] =	stream.linear.scatter [tilespmem:s21], [sflag:$0x3], $0x4000, $0x38;
	[tilespmem:$0x1E800] =	vst v63  }
0x23: {  	_ =	swait.ge [sflag:s22], $0x4000  }
0x24: {  	[sflag:s22] =	ssyncset.done $0x0  }
0x25: {  	[sflag:s22] =	ssyncadd.s32 $0xFFFFC000  }
0x26: {  	[spmem:s8] =	stream.linear.scatter [tilespmem:s21], [sflag:$0x3], $0x4000, $0x38;
	[tilespmem:$0x1E800] =	vst v63  }
0x27: {  	_ =	swait.ge [sflag:s22], $0x4000  }
0x28: {  	[sflag:s22] =	ssyncset.done $0x0  }
0x29: {  	[sflag:s22] =	ssyncadd.s32 $0xFFFFC000  }
0x2a: {  	[spmem:s9] =	stream.linear.scatter [tilespmem:s21], [sflag:$0x3], $0x4000, $0x38;
	[tilespmem:$0x1E800] =	vst v63  }
0x2b: {  	_ =	swait.ge [sflag:s22], $0x4000  }
0x2c: {  	[sflag:s22] =	ssyncset.done $0x0  }
0x2d: {  	[sflag:s22] =	ssyncadd.s32 $0xFFFFC000  }
0x2e: {  	[spmem:s10] =	stream.linear.scatter [tilespmem:s21], [sflag:$0x3], $0x4000, $0x38;
	[tilespmem:$0x1E800] =	vst v63  }
0x2f: {  	_ =	swait.ge [sflag:s22], $0x4000  }
0x30: {  	[sflag:s22] =	ssyncset.done $0x0  }
0x31: {  	[sflag:s22] =	ssyncadd.s32 $0xFFFFC000  }
0x32: {  	[bflag:$0x0] =	sbarrier.arrive $0xFFFF  }
0x33: {  	s11 =	rddreg [dreg:$0x5]  }
0x34: {  	[tilespmem:s23], [sflag:$0x3] =	stream.linear.gather [hbm4b:s11+s3], $0x1400, $0x38;
	[tilespmem:$0x1E800] =	vst v63  }
0x35: {  	_ =	swait.ge [sflag:s22], $0x1400  }
0x36: {  	[sflag:s22] =	ssyncset.done $0x0  }
0x37: {  	[sflag:s22] =	ssyncadd.s32 $0xFFFFEC00  }
0x38: {  	[tilespmem:s3], [sflag:$0x3] =	stream.linear.gather [hbm4b:s12+s3], $0x1400, $0x38;
	[tilespmem:$0x1E800] =	vst v63  }
0x39: {  	_ =	swait.ge [sflag:s22], $0x1400  }
0x3a: {  	[sflag:s22] =	ssyncset.done $0x0  }
0x3b: {  	[sflag:s22] =	ssyncadd.s32 $0xFFFFEC00  }
0x3c: {  	[tilespmem:s21], [sflag:$0x1] =	stream.indirect.gather [hbm4b:s1+s24], $0x80, s3, s24, $0xb8;
	[tilespmem:$0x1E800] =	vst v63  }
0x3d: {  	_ =	swait.ge [sflag:s25], $0x4000  }
0x3e: {  	[sflag:s25] =	ssyncset.done $0x0  }
0x3f: {  	s5 =	simm.s32 $0x80;
	[sflag:s25] =	ssyncadd.s32 $0xFFFFC000  }
0x40: {  	[tilespmem:s26], [sflag:$0x2] =	stream.indirect.gather [hbm4b:s1+s24], $0x80, s5, s24, $0xb8;
	[tilespmem:$0x1E800] =	vst v63  }
0x41: {  	s11 =	simm.s32 $0x1400  }
0x42: {  	[spmem:s2] =	stream.indirect.scatter.add.f32 [tilespmem:s21], [sflag:$0x3], $0x80, s11, s24, $0xb8;
	[tilespmem:$0x1E800] =	vst v63  }
0x43: {  	_ =	swait.ge [sflag:s22], $0x4000  }
0x44: {  	[sflag:s22] =	ssyncset.done $0x0  }
0x45: {  	[sflag:s22] =	ssyncadd.s32 $0xFFFFC000  }
0x46: {  	_ =	swait.ge [sflag:s28], $0x4000  }
0x47: {  	[sflag:s28] =	ssyncset.done $0x0  }
0x48: {  	s5 =	simm.s32 $0x100;
	[sflag:s28] =	ssyncadd.s32 $0xFFFFC000  }
0x49: {  	[tilespmem:s21], [sflag:$0x1] =	stream.indirect.gather [hbm4b:s1+s24], $0x80, s5, s24, $0xb8;
	[tilespmem:$0x1E800] =	vst v63  }
0x4a: {  	s11 =	simm.s32 $0x1480  }
0x4b: {  	[spmem:s2] =	stream.indirect.scatter.add.f32 [tilespmem:s26], [sflag:$0x3], $0x80, s11, s24, $0xb8;
	[tilespmem:$0x1E800] =	vst v63  }
0x4c: {  	_ =	swait.ge [sflag:s22], $0x4000  }
0x4d: {  	s4 =	simm.s32 $0x400;
	[sflag:s22] =	ssyncset.done $0x0  }
.LBB2_2:
0x4e: {  	p0 =	sne.s32 s4, $0x4800  }
0x4f: {  	[sflag:s22] =	ssyncadd.s32 $0xFFFFC000;
	s5 =	smov.u32 s4;
	s4 =	sadd.s32 $0x400, s4  }
0x50: {  	_ = 	snop  }
0x51: {  	_ =	swait.ge [sflag:s25], $0x4000  }
0x52: {  	s5 =	sshra.s32 s5, $0x2;
	[sflag:s25] =	ssyncset.done $0x0  }
0x53: {  	s11 =	sadd.s32 $0x80, s5;
	[sflag:s25] =	ssyncadd.s32 $0xFFFFC000  }
0x54: {  	[tilespmem:s26], [sflag:$0x2] =	stream.indirect.gather [hbm4b:s1+s24], $0x80, s11, s24, $0xb8;
	[tilespmem:$0x1E800] =	vst v63  }
0x55: {  	s11 =	sadd.s32 $0x1400, s5  }
0x56: {  	[spmem:s2] =	stream.indirect.scatter.add.f32 [tilespmem:s21], [sflag:$0x3], $0x80, s11, s24, $0xb8;
	[tilespmem:$0x1E800] =	vst v63  }
0x57: {  	_ =	swait.ge [sflag:s22], $0x4000  }
0x58: {  	[sflag:s22] =	ssyncset.done $0x0  }
0x59: {  	[sflag:s22] =	ssyncadd.s32 $0xFFFFC000  }
0x5a: {  	_ =	swait.ge [sflag:s28], $0x4000  }
0x5b: {  	[sflag:s28] =	ssyncset.done $0x0  }
0x5c: {  	s11 =	sadd.s32 $0x100, s5;
	[sflag:s28] =	ssyncadd.s32 $0xFFFFC000  }
0x5d: {  	[tilespmem:s21], [sflag:$0x1] =	stream.indirect.gather [hbm4b:s1+s24], $0x80, s11, s24, $0xb8;
	[tilespmem:$0x1E800] =	vst v63  }
.Ltmp0:
0x5e: {  	_ = 	snop;
	(pc) =	sbr.rel @p0 .LBB2_2-.Ltmp0, $4  }
0x5f: {  	s5 =	sadd.s32 $0x1480, s5  }
0x60: {  	[spmem:s2] =	stream.indirect.scatter.add.f32 [tilespmem:s26], [sflag:$0x3], $0x80, s5, s24, $0xb8;
	[tilespmem:$0x1E800] =	vst v63  }
0x61: {  	_ =	swait.ge [sflag:s22], $0x4000  }
0x62: {  	[sflag:s22] =	ssyncset.done $0x0  }
0x63: {  	[sflag:s22] =	ssyncadd.s32 $0xFFFFC000  }
0x64: {  	_ =	swait.ge [sflag:s25], $0x4000  }
0x65: {  	[sflag:s25] =	ssyncset.done $0x0  }
0x66: {  	[sflag:s25] =	ssyncadd.s32 $0xFFFFC000  }
0x67: {  	[tilespmem:s26], [sflag:$0x2] =	stream.indirect.gather [hbm4b:s1+s24], $0x80, s29, s24, $0xb8;
	[tilespmem:$0x1E800] =	vst v63  }
0x68: {  	_ = 	snop  }
0x69: {  	[spmem:s2] =	stream.indirect.scatter.add.f32 [tilespmem:s21], [sflag:$0x3], $0x80, s30, s24, $0xb8;
	[tilespmem:$0x1E800] =	vst v63  }
0x6a: {  	_ =	swait.ge [sflag:s22], $0x4000  }
0x6b: {  	[sflag:s22] =	ssyncset.done $0x0  }
0x6c: {  	[sflag:s22] =	ssyncadd.s32 $0xFFFFC000  }
0x6d: {  	_ =	swait.ge [sflag:s28], $0x4000  }
0x6e: {  	[sflag:s28] =	ssyncset.done $0x0  }
0x6f: {  	s4 =	simm.s32 $0x0;
	[sflag:s28] =	ssyncadd.s32 $0xFFFFC000  }
0x70: {  	[tilespmem:s21], [sflag:$0x1] =	stream.indirect.gather [hbm4b:s1+s24], $0x80, s4, s24, $0xb8;
	[tilespmem:$0x1E800] =	vst v63  }
0x71: {  	_ = 	snop  }
0x72: {  	[spmem:s2] =	stream.indirect.scatter.add.f32 [tilespmem:s26], [sflag:$0x3], $0x80, s31, s24, $0xb8;
	[tilespmem:$0x1E800] =	vst v63  }
0x73: {  	_ =	swait.ge [sflag:s22], $0x4000  }
0x74: {  	[sflag:s22] =	ssyncset.done $0x0  }
0x75: {  	[sflag:s22] =	ssyncadd.s32 $0xFFFFC000  }
0x76: {  	_ =	swait.ge [sflag:s25], $0x4000  }
0x77: {  	[sflag:s25] =	ssyncset.done $0x0  }
0x78: {  	[sflag:s25] =	ssyncadd.s32 $0xFFFFC000  }
0x79: {  	[tilespmem:s23], [sflag:$0x3] =	stream.linear.gather [hbm4b:s13+s4], $0x1400, $0x38;
	[tilespmem:$0x1E800] =	vst v63  }
0x7a: {  	_ =	swait.ge [sflag:s22], $0x1400  }
0x7b: {  	[sflag:s22] =	ssyncset.done $0x0  }
0x7c: {  	[sflag:s22] =	ssyncadd.s32 $0xFFFFEC00  }
0x7d: {  	[tilespmem:s4], [sflag:$0x3] =	stream.linear.gather [hbm4b:s14+s4], $0x1400, $0x38;
	[tilespmem:$0x1E800] =	vst v63  }
0x7e: {  	_ =	swait.ge [sflag:s22], $0x1400  }
0x7f: {  	[sflag:s22] =	ssyncset.done $0x0  }
0x80: {  	[sflag:s22] =	ssyncadd.s32 $0xFFFFEC00  }
0x81: {  	[tilespmem:s21], [sflag:$0x1] =	stream.indirect.gather [hbm4b:s1+s24], $0x80, s4, s24, $0xb8;
	[tilespmem:$0x1E800] =	vst v63  }
0x82: {  	_ =	swait.ge [sflag:s25], $0x4000  }
0x83: {  	[sflag:s25] =	ssyncset.done $0x0  }
0x84: {  	s5 =	simm.s32 $0x80;
	[sflag:s25] =	ssyncadd.s32 $0xFFFFC000  }
0x85: {  	[tilespmem:s26], [sflag:$0x2] =	stream.indirect.gather [hbm4b:s1+s24], $0x80, s5, s24, $0xb8;
	[tilespmem:$0x1E800] =	vst v63  }
0x86: {  	s11 =	simm.s32 $0x1400  }
0x87: {  	[spmem:s2] =	stream.indirect.scatter.add.f32 [tilespmem:s21], [sflag:$0x3], $0x80, s11, s24, $0xb8;
	[tilespmem:$0x1E800] =	vst v63  }
0x88: {  	_ =	swait.ge [sflag:s22], $0x4000  }
0x89: {  	[sflag:s22] =	ssyncset.done $0x0  }
0x8a: {  	[sflag:s22] =	ssyncadd.s32 $0xFFFFC000  }
0x8b: {  	_ =	swait.ge [sflag:s28], $0x4000  }
0x8c: {  	[sflag:s28] =	ssyncset.done $0x0  }
0x8d: {  	s5 =	simm.s32 $0x100;
	[sflag:s28] =	ssyncadd.s32 $0xFFFFC000  }
0x8e: {  	[tilespmem:s21], [sflag:$0x1] =	stream.indirect.gather [hbm4b:s1+s24], $0x80, s5, s24, $0xb8;
	[tilespmem:$0x1E800] =	vst v63  }
0x8f: {  	s11 =	simm.s32 $0x1480  }
0x90: {  	[spmem:s2] =	stream.indirect.scatter.add.f32 [tilespmem:s26], [sflag:$0x3], $0x80, s11, s24, $0xb8;
	[tilespmem:$0x1E800] =	vst v63  }
0x91: {  	_ =	swait.ge [sflag:s22], $0x4000  }
0x92: {  	s4 =	simm.s32 $0x400;
	[sflag:s22] =	ssyncset.done $0x0  }
.LBB2_4:
0x93: {  	p0 =	sne.s32 s4, $0x4800  }
0x94: {  	[sflag:s22] =	ssyncadd.s32 $0xFFFFC000;
	s5 =	smov.u32 s4;
	s4 =	sadd.s32 $0x400, s4  }
0x95: {  	_ = 	snop  }
0x96: {  	_ =	swait.ge [sflag:s25], $0x4000  }
0x97: {  	s5 =	sshra.s32 s5, $0x2;
	[sflag:s25] =	ssyncset.done $0x0  }
0x98: {  	s11 =	sadd.s32 $0x80, s5;
	[sflag:s25] =	ssyncadd.s32 $0xFFFFC000  }
0x99: {  	[tilespmem:s26], [sflag:$0x2] =	stream.indirect.gather [hbm4b:s1+s24], $0x80, s11, s24, $0xb8;
	[tilespmem:$0x1E800] =	vst v63  }
0x9a: {  	s11 =	sadd.s32 $0x1400, s5  }
0x9b: {  	[spmem:s2] =	stream.indirect.scatter.add.f32 [tilespmem:s21], [sflag:$0x3], $0x80, s11, s24, $0xb8;
	[tilespmem:$0x1E800] =	vst v63  }
0x9c: {  	_ =	swait.ge [sflag:s22], $0x4000  }
0x9d: {  	[sflag:s22] =	ssyncset.done $0x0  }
0x9e: {  	[sflag:s22] =	ssyncadd.s32 $0xFFFFC000  }
0x9f: {  	_ =	swait.ge [sflag:s28], $0x4000  }
0xa0: {  	[sflag:s28] =	ssyncset.done $0x0  }
0xa1: {  	s11 =	sadd.s32 $0x100, s5;
	[sflag:s28] =	ssyncadd.s32 $0xFFFFC000  }
0xa2: {  	[tilespmem:s21], [sflag:$0x1] =	stream.indirect.gather [hbm4b:s1+s24], $0x80, s11, s24, $0xb8;
	[tilespmem:$0x1E800] =	vst v63  }
.Ltmp1:
0xa3: {  	_ = 	snop;
	(pc) =	sbr.rel @p0 .LBB2_4-.Ltmp1, $4  }
0xa4: {  	s5 =	sadd.s32 $0x1480, s5  }
0xa5: {  	[spmem:s2] =	stream.indirect.scatter.add.f32 [tilespmem:s26], [sflag:$0x3], $0x80, s5, s24, $0xb8;
	[tilespmem:$0x1E800] =	vst v63  }
0xa6: {  	_ =	swait.ge [sflag:s22], $0x4000  }
0xa7: {  	[sflag:s22] =	ssyncset.done $0x0  }
0xa8: {  	[sflag:s22] =	ssyncadd.s32 $0xFFFFC000  }
0xa9: {  	_ =	swait.ge [sflag:s25], $0x4000  }
0xaa: {  	[sflag:s25] =	ssyncset.done $0x0  }
0xab: {  	[sflag:s25] =	ssyncadd.s32 $0xFFFFC000  }
0xac: {  	[tilespmem:s26], [sflag:$0x2] =	stream.indirect.gather [hbm4b:s1+s24], $0x80, s29, s24, $0xb8;
	[tilespmem:$0x1E800] =	vst v63  }
0xad: {  	_ = 	snop  }
0xae: {  	[spmem:s2] =	stream.indirect.scatter.add.f32 [tilespmem:s21], [sflag:$0x3], $0x80, s30, s24, $0xb8;
	[tilespmem:$0x1E800] =	vst v63  }
0xaf: {  	_ =	swait.ge [sflag:s22], $0x4000  }
0xb0: {  	[sflag:s22] =	ssyncset.done $0x0  }
0xb1: {  	[sflag:s22] =	ssyncadd.s32 $0xFFFFC000  }
0xb2: {  	_ =	swait.ge [sflag:s28], $0x4000  }
0xb3: {  	[sflag:s28] =	ssyncset.done $0x0  }
0xb4: {  	[sflag:s28] =	ssyncadd.s32 $0xFFFFC000  }
0xb5: {  	[tilespmem:s21], [sflag:$0x1] =	stream.indirect.gather [hbm4b:s1+s24], $0x80, s3, s24, $0xb8;
	[tilespmem:$0x1E800] =	vst v63  }
0xb6: {  	_ = 	snop  }
0xb7: {  	[spmem:s2] =	stream.indirect.scatter.add.f32 [tilespmem:s26], [sflag:$0x3], $0x80, s31, s24, $0xb8;
	[tilespmem:$0x1E800] =	vst v63  }
0xb8: {  	_ =	swait.ge [sflag:s22], $0x4000  }
0xb9: {  	[sflag:s22] =	ssyncset.done $0x0  }
0xba: {  	[sflag:s22] =	ssyncadd.s32 $0xFFFFC000  }
0xbb: {  	_ =	swait.ge [sflag:s25], $0x4000  }
0xbc: {  	[sflag:s25] =	ssyncset.done $0x0  }
0xbd: {  	[sflag:s25] =	ssyncadd.s32 $0xFFFFC000  }
0xbe: {  	[bflag:$0x0] =	sbarrier.arrive $0xFFFF  }
0xbf: {  	[tilespmem:s21], [sflag:$0x3] =	stream.linear.gather [spmem:s6], $0x4000, $0x38;
	[tilespmem:$0x1E800] =	vst v63  }
0xc0: {  	_ =	swait.ge [sflag:s22], $0x4000  }
0xc1: {  	[sflag:s22] =	ssyncset.done $0x0  }
0xc2: {  	[sflag:s22] =	ssyncadd.s32 $0xFFFFC000  }
0xc3: {  	[hbm4b:s15+s3] =	stream.linear.scatter [tilespmem:s21], [sflag:$0x3], $0x4000, $0x38;
	[tilespmem:$0x1E800] =	vst v63  }
0xc4: {  	_ =	swait.ge [sflag:s22], $0x4000  }
0xc5: {  	[sflag:s22] =	ssyncset.done $0x0  }
0xc6: {  	[sflag:s22] =	ssyncadd.s32 $0xFFFFC000  }
0xc7: {  	[tilespmem:s21], [sflag:$0x3] =	stream.linear.gather [spmem:s7], $0x4000, $0x38;
	[tilespmem:$0x1E800] =	vst v63  }
0xc8: {  	_ =	swait.ge [sflag:s22], $0x4000  }
0xc9: {  	[sflag:s22] =	ssyncset.done $0x0  }
0xca: {  	[sflag:s22] =	ssyncadd.s32 $0xFFFFC000  }
0xcb: {  	[hbm4b:s16+s3] =	stream.linear.scatter [tilespmem:s21], [sflag:$0x3], $0x4000, $0x38;
	[tilespmem:$0x1E800] =	vst v63  }
0xcc: {  	_ =	swait.ge [sflag:s22], $0x4000  }
0xcd: {  	[sflag:s22] =	ssyncset.done $0x0  }
0xce: {  	[sflag:s22] =	ssyncadd.s32 $0xFFFFC000  }
0xcf: {  	[tilespmem:s21], [sflag:$0x3] =	stream.linear.gather [spmem:s8], $0x4000, $0x38;
	[tilespmem:$0x1E800] =	vst v63  }
0xd0: {  	_ =	swait.ge [sflag:s22], $0x4000  }
0xd1: {  	[sflag:s22] =	ssyncset.done $0x0  }
0xd2: {  	[sflag:s22] =	ssyncadd.s32 $0xFFFFC000  }
0xd3: {  	[hbm4b:s17+s3] =	stream.linear.scatter [tilespmem:s21], [sflag:$0x3], $0x4000, $0x38;
	[tilespmem:$0x1E800] =	vst v63  }
0xd4: {  	_ =	swait.ge [sflag:s22], $0x4000  }
0xd5: {  	[sflag:s22] =	ssyncset.done $0x0  }
0xd6: {  	[sflag:s22] =	ssyncadd.s32 $0xFFFFC000  }
0xd7: {  	[tilespmem:s21], [sflag:$0x3] =	stream.linear.gather [spmem:s9], $0x4000, $0x38;
	[tilespmem:$0x1E800] =	vst v63  }
0xd8: {  	_ =	swait.ge [sflag:s22], $0x4000  }
0xd9: {  	[sflag:s22] =	ssyncset.done $0x0  }
0xda: {  	[sflag:s22] =	ssyncadd.s32 $0xFFFFC000  }
0xdb: {  	[hbm4b:s18+s3] =	stream.linear.scatter [tilespmem:s21], [sflag:$0x3], $0x4000, $0x38;
	[tilespmem:$0x1E800] =	vst v63  }
0xdc: {  	_ =	swait.ge [sflag:s22], $0x4000  }
0xdd: {  	[sflag:s22] =	ssyncset.done $0x0  }
0xde: {  	[sflag:s22] =	ssyncadd.s32 $0xFFFFC000  }
0xdf: {  	[tilespmem:s21], [sflag:$0x3] =	stream.linear.gather [spmem:s10], $0x4000, $0x38;
	[tilespmem:$0x1E800] =	vst v63  }
0xe0: {  	s0 =	sadd.s32 $0x1, s0;
	_ =	swait.ge [sflag:s22], $0x4000  }
0xe1: {  	p0 =	sne.s32 s0, s20;
	[sflag:s22] =	ssyncset.done $0x0  }
.Ltmp2:
0xe2: {  	[sflag:s22] =	ssyncadd.s32 $0xFFFFC000;
	(pc) =	sbr.rel @p0 .LBB2_1-.Ltmp2, $4  }
0xe3: {  	[hbm4b:s19+s3] =	stream.linear.scatter [tilespmem:s21], [sflag:$0x3], $0x4000, $0x38;
	[tilespmem:$0x1E800] =	vst v63  }
0xe4: {  	_ =	swait.ge [sflag:s22], $0x4000  }
0xe5: {  	[sflag:s22] =	ssyncset.done $0x0  }
0xe6: {  	[sflag:s22] =	ssyncadd.s32 $0xFFFFC000  }
0xe7: {  	_ =	sfence.sel $0x180000  }
0xe8: {  	[bflag:$0x0] =	sbarrier.arrive $0xFFFF  }
0xe9: {  	_ =	strace $0x9000004D  }
0xea: {  	s0 =	stileid.u32;
	[bflag:$0x2] =	sbarrier.arrive $0xFFFF  }
0xeb: {  	p0 =	sne.s32 s0, $0x0;
	s0 =	rddreg [dreg:$0x3]  }
0xec: {  	s0 =	sadd.s32 @!p0 $0x100000, s0  }
0xed: {  	[sflag:s0] =	ssyncadd.tile.s32 @!p0 $0x1;
	_ =	shalt  }
.Lfunc_end2:
_tile_overlayer_lowered:
.L_overlay_start_2:
0xee: {  	(tag) =	ssettag $0x2  }
0xef: {  	s0 =	rddreg [dreg:$0x0];
	s2 =	stileid.u32  }
0xf0: {  	s1 =	rddreg [dreg:$0x1];
	p0 =	sne.s32 s2, $0x0  }
0xf1: {  	s3 =	rddreg [dreg:$0x2];
	[bflag:$0x3] =	sbarrier.arrive $0xFFFF;
	s2 =	simm.s32 @!p0 $0x1C03  }
0xf2: {  	[timem:s3], [sflag:s2] =	dma.local @!p0 [hbm:s0], s1  }
0xf3: {  	s0 =	simm.s32 @!p0 $0x3  }
0xf4: {  	_ =	swait.ge @!p0 [sflag:s0], s1  }
0xf5: {  	s1 =	ssub.s32 @!p0 $0x0, s1;
	[sflag:s0] =	ssyncset.done @!p0 $0x0  }
0xf6: {  	[sflag:s0] =	ssyncadd.s32 @!p0 s1  }
0xf7: {  	[bflag:$0x3] =	sbarrier.arrive $0xFFFF  }
0xf8: {  	_ =	shalt  }

// kernel: kernel.19.cloned.1.call-start
scs
__scs_entry_jumppad:
0x0: {  	(pc) =	sbr.rel $0x88, $3  }
0x1: {  	(tag) =	ssettag $0x0;
	lr =	simm.s32 $0x1  }
0x2: {  	[smem:$0x3F81] =	sst lr;
	_ =	strace $0xD0000000  }
0x3: {  	_ = 	snop  }
0x4: {  	_ = 	snop  }
0x5: {  	_ = 	snop  }
0x6: {  	_ = 	snop  }
0x7: {  	_ = 	snop  }
__scs_overlays_trampoline_lowered:
0x8: {  	[smem:$0x3F90] =	sst s0  }
0x9: {  	[smem:$0x3F91] =	sst s1  }
0xa: {  	[smem:$0x3F92] =	sst s2  }
0xb: {  	[smem:$0x3F93] =	sst s3  }
0xc: {  	[smem:$0x3F94] =	sst s4  }
0xd: {  	[smem:$0x3F95] =	sst s5  }
0xe: {  	[smem:$0x3F96] =	sst s6  }
0xf: {  	[smem:$0x3F97] =	sst s7  }
0x10: {  	[smem:$0x3F98] =	sst s8  }
0x11: {  	[smem:$0x3F99] =	sst s9;
	s0 =	simm.s32 @!p0 $0x0  }
0x12: {  	s1 =	sld [smem:$0x3F7F];
	s0 =	simm.s32 @p0 $0x1  }
0x13: {  	[smem:$0x3F9A] =	sst s0;
	s0 =	simm.s32 @!p1 $0x0  }
0x14: {  	s2 =	sld [smem:$0x3F7E];
	s0 =	simm.s32 @p1 $0x1  }
0x15: {  	[smem:$0x3F9B] =	sst s0;
	s0 =	simm.s32 @!p2 $0x0  }
0x16: {  	s3 =	sld [smem:$0x3FDB];
	s0 =	simm.s32 @p2 $0x1  }
0x17: {  	s4 =	simm.s32 $0x1BF5;
	[smem:$0x3F9D] =	sst s0  }
0x18: {  	s0 =	sld [smem:$0x3F80];
	_ =	swait.ge [sflag:s4], $0x0  }
0x19: {  	s7 =	sld [smem:$0x3F81]  }
0x1a: {  	s8 =	sadd.s32 $0xFFFFE003, lr  }
0x1b: {  	s9 =	sadd.s32 $0xFFFFFEF7, lr;
	s5 =	simm.s32 $0xFFFFFFFF;
	p2 =	slt.u32 s8, $0xFFFFF086  }
0x1c: {  	p1 =	slt.u32 s9, $0xF7A;
	s5 =	simm.s32 @!p2 $0x0  }
0x1d: {  	s5 =	simm.s32 @p1 $0x1;
	p0 =	seq.s32 s7, s2  }
0x1e: {  	s7 =	smul.u32 @!p0 $0xF7A, s2;
	p2 =	seq.s32 @!p0 s5, $0x0  }
0x1f: {  	s9 =	smul.u32 $0xF7A, s1;
	s8 =	simm.s32 @!p0 $0x1BF5;
	p2 =	por !p2, p0  }
0x20: {  	[sflag:s8] =	ssyncset.s32 @!p0 $0xFFFFF086;
	s6 =	sadd.s32 @!p0 s3, s7;
	s7 =	simm.s32 @!p0 $0x108  }
0x21: {  	s3 =	sadd.s32 s3, s9;
	s6 =	sadd.s32 @!p0 $0x88, s6;
	s7 =	simm.s32 @p2 $0x1082  }
0x22: {  	[simem:s7], [sflag:s8] =	dma.local @!p0 [hbm:s6], $0xF7A  }
0x23: {  	s9 =	sor.u32 $0xD0000000, s2;
	s6 =	simm.s32 $0x108;
	_ =	swait.ge @!p0 [sflag:s8], $0x0  }
0x24: {  	s3 =	sadd.s32 $0x88, s3;
	s6 =	simm.s32 @!p1 $0x1082;
	[sflag:s4] =	ssyncset.s32 $0xFFFFF086  }
0x25: {  	[simem:s6], [sflag:s4] =	dma.local [hbm:s3], $0xF7A  }
0x26: {  	[smem:$0x3F81] =	sst s1;
	(tag) =	ssettag s2;
	_ =	strace s9  }
0x27: {  	s1 =	sld [smem:$0x3F91]  }
0x28: {  	s2 =	sld [smem:$0x3F92]  }
0x29: {  	s4 =	sld [smem:$0x3F94]  }
0x2a: {  	p0 =	seq.s32 s5, $0x0;
	s5 =	sld [smem:$0x3F95]  }
0x2b: {  	s6 =	sld [smem:$0x3F96]  }
0x2c: {  	s7 =	sld [smem:$0x3F97]  }
0x2d: {  	s3 =	simm.s32 $0x108;
	s8 =	sld [smem:$0x3F98]  }
0x2e: {  	s3 =	simm.s32 @!p0 $0x1082;
	s9 =	sld [smem:$0x3F99]  }
0x2f: {  	lr =	sadd.s32 s0, s3;
	s0 =	sld [smem:$0x3F90]  }
0x30: {  	s3 =	sld [smem:$0x3F93]  }
0x31: {  	[smem:$0x3F9C] =	sst s10  }
0x32: {  	s10 =	sld [smem:$0x3F9A];
	_ =	sdelay $0x3  }
0x33: {  	p0 =	seq.s32 s10, $0x1;
	s10 =	sld [smem:$0x3F9C];
	_ =	sdelay $0x3  }
0x34: {  	[smem:$0x3F9C] =	sst s10  }
0x35: {  	s10 =	sld [smem:$0x3F9B];
	_ =	sdelay $0x3  }
0x36: {  	p1 =	seq.s32 s10, $0x1;
	s10 =	sld [smem:$0x3F9C];
	_ =	sdelay $0x3  }
0x37: {  	[smem:$0x3F9C] =	sst s10  }
0x38: {  	s10 =	sld [smem:$0x3F9D]  }
0x39: {  	_ = 	snop;
	(pc) =	sbr.ind lr, $3  }
0x3a: {  	_ = 	snop  }
0x3b: {  	_ = 	snop  }
0x3c: {  	p2 =	seq.s32 s10, $0x1;
	s10 =	sld [smem:$0x3F9C]  }
0x3d: {  	_ =	shalt  }
0x3e: {  	_ =	shalt  }
0x3f: {  	_ =	shalt  }
0x40: {  	_ =	shalt  }
0x41: {  	_ =	shalt  }
0x42: {  	_ =	shalt  }
0x43: {  	_ =	shalt  }
0x44: {  	_ =	shalt  }
0x45: {  	_ =	shalt  }
0x46: {  	_ =	shalt  }
0x47: {  	_ =	shalt  }
0x48: {  	_ =	shalt  }
0x49: {  	_ =	shalt  }
0x4a: {  	_ =	shalt  }
0x4b: {  	_ =	shalt  }
0x4c: {  	_ =	shalt  }
0x4d: {  	_ =	shalt  }
0x4e: {  	_ =	shalt  }
0x4f: {  	_ =	shalt  }
0x50: {  	_ =	shalt  }
0x51: {  	_ =	shalt  }
0x52: {  	_ =	shalt  }
0x53: {  	_ =	shalt  }
0x54: {  	_ =	shalt  }
0x55: {  	_ =	shalt  }
0x56: {  	_ =	shalt  }
0x57: {  	_ =	shalt  }
0x58: {  	_ =	shalt  }
0x59: {  	_ =	shalt  }
0x5a: {  	_ =	shalt  }
0x5b: {  	_ =	shalt  }
0x5c: {  	_ =	shalt  }
0x5d: {  	_ =	shalt  }
0x5e: {  	_ =	shalt  }
0x5f: {  	_ =	shalt  }
0x60: {  	_ =	shalt  }
0x61: {  	_ =	shalt  }
0x62: {  	_ =	shalt  }
0x63: {  	_ =	shalt  }
0x64: {  	_ =	shalt  }
0x65: {  	_ =	shalt  }
0x66: {  	_ =	shalt  }
0x67: {  	_ =	shalt  }
0x68: {  	_ =	shalt  }
0x69: {  	_ =	shalt  }
0x6a: {  	_ =	shalt  }
0x6b: {  	_ =	shalt  }
0x6c: {  	_ =	shalt  }
0x6d: {  	_ =	shalt  }
0x6e: {  	_ =	shalt  }
0x6f: {  	_ =	shalt  }
0x70: {  	_ =	shalt  }
0x71: {  	_ =	shalt  }
0x72: {  	_ =	shalt  }
0x73: {  	_ =	shalt  }
0x74: {  	_ =	shalt  }
0x75: {  	_ =	shalt  }
0x76: {  	_ =	shalt  }
0x77: {  	_ =	shalt  }
0x78: {  	_ =	shalt  }
0x79: {  	_ =	shalt  }
0x7a: {  	_ =	shalt  }
0x7b: {  	_ =	shalt  }
0x7c: {  	_ =	shalt  }
0x7d: {  	_ =	shalt  }
0x7e: {  	_ =	shalt  }
0x7f: {  	_ =	shalt  }
0x80: {  	_ =	shalt  }
0x81: {  	_ =	shalt  }
0x82: {  	_ =	shalt  }
0x83: {  	_ =	shalt  }
0x84: {  	_ =	shalt  }
0x85: {  	_ =	shalt  }
0x86: {  	_ =	shalt  }
0x87: {  	_ =	shalt  }
.Lfunc_end0:
.L_simem_size_0:
called_computation.3_lowered:
.L_overlay_start_0:
0x88: {  	s2 =	sld [smem:$0x3FD9]  }
0x89: {  	s3 =	sld [smem:$0x3FFE];
	_ =	sdelay $0x1  }
0x8a: {  	s1 =	srdreg.scid  }
0x8b: {  	s0 =	sand.u32 $0x1, s1  }
0x8c: {  	s17 =	sshll.u32 s0, $0xA;
	s2 =	sadd.s32 s3, s2  }
0x8d: {  	s2 =	sadd.s32 s2, s17  }
0x8e: {  	[smem:$0x3FA8] =	sst s2  }
0x8f: {  	_ = 	snop  }
0x90: {  	s2 =	sld [smem:$0x3FD0];
	(tm) =	ssettm $0x1  }
0x91: {  	s18 =	sld [smem:$0x3FFB];
	_ =	sdelay $0x3  }
0x92: {  	_ =	strace s18  }
0x93: {  	s3 =	sld [smem:$0x3FFC];
	_ =	sdelay $0x3  }
0x94: {  	_ =	strace s3  }
0x95: {  	s3 =	sld [smem:$0x3FFD];
	_ =	sdelay $0x3  }
0x96: {  	_ =	strace s3  }
0x97: {  	_ =	strace $0x8FFFFFFF  }
0x98: {  	s19 =	sld [smem:$0x3FDB];
	_ =	sdelay $0x1  }
0x99: {  	s4 =	simm.s32 $_scs_section_size  }
0x9a: {  	s5 =	simm.s32 $_size__tile_overlayer_lowered;
	s6 =	simm.s32 $_tile_overlayer_lowered  }
0x9b: {  	s22 =	simm.s32 $0x1BFF;
	s21 =	sshll.u32 s6, $0x1;
	s3 =	sadd.s32 s4, s19  }
0x9c: {  	s7 =	simm.s32 $0x0;
	s20 =	sshll.u32 s5, $0x1;
	s5 =	sadd.s32 s21, s3  }
0x9d: {  	[timem:s7], [sflag:s22] =	dma.local [hbm:s5], s20  }
0x9e: {  	_ =	swait.ge [sflag:s22], s20  }
0x9f: {  	s4 =	ssub.s32 $0x0, s20;
	[sflag:s22] =	ssyncset.done $0x0  }
0xa0: {  	[sflag:s22] =	ssyncadd.s32 s4;
	_ =	sdelay $0x1  }
0xa1: {  	s23 =	simm.s32 $0x1B8B  }
0xa2: {  	_ =	swait.ge [sflag:s23], $0x1  }
0xa3: {  	[sflag:s23] =	ssyncset.done $0x0  }
0xa4: {  	s25 =	simm.s32 $0x1B8E;
	s24 =	sld [smem:$0x3FFE];
	[sflag:s23] =	ssyncadd.s32 $0xFFFFFFFF  }
0xa5: {  	s26 =	simm.s32 $execute0_lowered;
	[smem:$0x3FD2] =	sst s25  }
0xa6: {  	s5 =	sshll.u32 s26, $0x1;
	_ =	strace $0x8000004F;
	[dreg:$0x1] =	wrdreg $0xFFFFFFFF  }
0xa7: {  	s28 =	simm.s32 $_size_execute0_lowered;
	s3 =	sadd.s32 s3, s5;
	[dreg:$0x0] =	wrdreg $0x0  }
0xa8: {  	s5 =	sshll.u32 s28, $0x1;
	[dreg:$0x2] =	wrdreg s3  }
0xa9: {  	[dreg:$0x3] =	wrdreg s5  }
0xaa: {  	[dreg:$0x4] =	wrdreg $0xC0  }
0xab: {  	_ =	task [dreg:s7], $0x5FFFF  }
0xac: {  	[dreg:$0x1] =	wrdreg $0xFFFFFFFF  }
0xad: {  	[dreg:$0x0] =	wrdreg $0x60  }
0xae: {  	[dreg:$0x2] =	wrdreg s2  }
0xaf: {  	[dreg:$0x3] =	wrdreg s24  }
0xb0: {  	[dreg:$0x4] =	wrdreg $0xA8000  }
0xb1: {  	[dreg:$0x5] =	wrdreg $0x9  }
0xb2: {  	_ =	task.clear_ibuf [dreg:s7], $0x6FFFF;
	_ =	strace $0x9000004F  }
0xb3: {  	s29 =	simm.s32 $0x9;
	_ =	strace $0x80000051  }
0xb4: {  	_ =	swait.ge [sflag:s29], $0x1  }
0xb5: {  	[sflag:s29] =	ssyncadd.s32 $0xFFFFFFFF  }
0xb6: {  	_ =	strace $0x90000051  }
0xb7: {  	_ =	sfence  }
0xb8: {  	s30 =	sld [smem:$0x0];
	_ =	sdelay $0x2  }
0xb9: {  	s31 =	sshll.u32 s1, $0xD;
	s1 =	sshrl.u32 s1, $0x2  }
0xba: {  	s3 =	sand.u32 $0x4000, s31;
	s1 =	sadd.s32 s1, s30  }
0xbb: {  	s0 =	sor.u32 s3, s0;
	s1 =	sshll.u32 s1, $0x11  }
0xbc: {  	s0 =	sor.u32 s1, s0  }
0xbd: {  	s0 =	sadd.s32 $0x8F2B, s0  }
0xbe: {  	[sflag:s0] =	ssyncadd.remote.s32 $0x1  }
0xbf: {  	_ =	sfence.sel $0xFFFF  }
0xc0: {  	[dreg:$0x0] =	wrdreg $0xFFFFFFFF;
	(pc) =	sbr.abs _section_cstart, $3  }
0xc1: {  	[dreg:$0x1] =	wrdreg $0xFFFFFFFF  }
0xc2: {  	_ =	task.clear_ibuf [dreg:s7], $0x2FFFF;
	_ =	strace $0x9FFFFFFF  }
0xc3: {  	(tm) =	ssettm $0x7FFFFFFF  }
tec
execute0_lowered:
.L_overlay_start_1:
0x0: {  	(tag) =	ssettag $0x1  }
0x1: {  	s1 =	rddreg [dreg:$0x0]  }
0x2: {  	s0 =	rddreg [dreg:$0x1]  }
0x3: {  	s2 =	rddreg [dreg:$0x2];
	s3 =	simm.s32 $0x0;
	s6 =	srdreg.scid  }
0x4: {  	s19 =	stileid.u32;
	s28 =	simm.s32 $0x2;
	s29 =	simm.s32 $0x1380  }
0x5: {  	s30 =	simm.s32 $0x2700;
	s31 =	simm.s32 $0x2780;
	[smem:$0x7FF] =	sst s3  }
0x6: {  	s4 =	sadd.s32 $0x11C00, s0;
	s13 =	sadd.s32 $0x7C00, s0;
	s5 =	sadd.s32 $0x1BC00, s0  }
0x7: {  	s11 =	sand.u32 $0x1, s6;
	s0 =	sadd.s32 $0x43600, s0;
	s7 =	smul.u32 $0x50000, s19  }
0x8: {  	s14 =	smul.u32 $0x14000, s19;
	_ =	strace $0x80000050;
	s6 =	ssub.s32 $0x2, s11  }
0x9: {  	[dreg:$0x4] =	wrdreg s5;
	s9 =	sshll.u32 s11, $0x4;
	s8 =	sshrl.u32 s6, $0x1  }
0xa: {  	s9 =	sor.u32 s19, s9;
	s21 =	sshrl.u32 s7, $0x2;
	s15 =	sadd.s32 $0x4000, s14  }
0xb: {  	s17 =	sadd.s32 $0x8000, s14;
	s18 =	sadd.s32 $0xC000, s14;
	s19 =	sadd.s32 $0x10000, s14  }
0xc: {  	s20 =	ssub.s32 s6, s8;
	s6 =	sadd.s32 s21, s2;
	s12 =	smul.u32 $0x500, s9  }
0xd: {  	s7 =	sadd.s32 s15, s2;
	s8 =	sadd.s32 s17, s2;
	s16 =	smul.u32 $0x2800, s9  }
0xe: {  	s9 =	sadd.s32 s18, s2;
	s10 =	sadd.s32 s19, s2;
	s21 =	smul.u32 $0x140000, s11  }
0xf: {  	s20 =	smax.u32 s20, $0x1;
	s22 =	sadd.s32 s13, s12;
	s12 =	sadd.s32 s4, s12  }
0x10: {  	s16 =	sshrl.u32 s16, $0x3;
	s14 =	sadd.s32 s14, s21;
	s15 =	sadd.s32 s21, s15  }
0x11: {  	s24 =	sadd.s32 s21, s18;
	s25 =	sadd.s32 s21, s19;
	[dreg:$0x5] =	wrdreg s22  }
0x12: {  	s16 =	sadd.s32 $0x280, s16;
	s22 =	sshrl.u32 s14, $0x3;
	s23 =	sshrl.u32 s15, $0x3  }
0x13: {  	s26 =	sshrl.u32 s24, $0x3;
	s24 =	simm.s32 $0x80;
	s13 =	sadd.s32 s13, s16  }
0x14: {  	s14 =	sadd.s32 s4, s16;
	s15 =	sadd.s32 s0, s22;
	s16 =	sadd.s32 s0, s23  }
0x15: {  	s23 =	sadd.s32 s21, s17;
	s21 =	sshrl.u32 s25, $0x3;
	s18 =	sadd.s32 s0, s26  }
0x16: {  	s22 =	simm.s32 $0x3;
	s25 =	simm.s32 $0x1;
	s26 =	simm.s32 $0x6800  }
0x17: {  	s4 =	sshrl.u32 s23, $0x3;
	s19 =	sadd.s32 s0, s21;
	s21 =	simm.s32 $0x2800  }
0x18: {  	s23 =	simm.s32 $0x1400;
	s17 =	sadd.s32 s0, s4;
	s0 =	simm.s32 $0x0  }
.LBB2_1:
0x19: {  	s4 =	rddreg [dreg:$0x4]  }
0x1a: {  	[tilespmem:s21], [sflag:$0x3] =	stream.linear.gather [hbm4b:s4+s3], $0x4000, $0x38;
	[tilespmem:$0x1E800] =	vst v63  }
0x1b: {  	_ =	swait.ge [sflag:s22], $0x4000  }
0x1c: {  	[sflag:s22] =	ssyncset.done $0x0  }
0x1d: {  	[sflag:s22] =	ssyncadd.s32 $0xFFFFC000  }
0x1e: {  	[spmem:s6] =	stream.linear.scatter [tilespmem:s21], [sflag:$0x3], $0x4000, $0x38;
	[tilespmem:$0x1E800] =	vst v63  }
0x1f: {  	_ =	swait.ge [sflag:s22], $0x4000  }
0x20: {  	[sflag:s22] =	ssyncset.done $0x0  }
0x21: {  	[sflag:s22] =	ssyncadd.s32 $0xFFFFC000  }
0x22: {  	[spmem:s7] =	stream.linear.scatter [tilespmem:s21], [sflag:$0x3], $0x4000, $0x38;
	[tilespmem:$0x1E800] =	vst v63  }
0x23: {  	_ =	swait.ge [sflag:s22], $0x4000  }
0x24: {  	[sflag:s22] =	ssyncset.done $0x0  }
0x25: {  	[sflag:s22] =	ssyncadd.s32 $0xFFFFC000  }
0x26: {  	[spmem:s8] =	stream.linear.scatter [tilespmem:s21], [sflag:$0x3], $0x4000, $0x38;
	[tilespmem:$0x1E800] =	vst v63  }
0x27: {  	_ =	swait.ge [sflag:s22], $0x4000  }
0x28: {  	[sflag:s22] =	ssyncset.done $0x0  }
0x29: {  	[sflag:s22] =	ssyncadd.s32 $0xFFFFC000  }
0x2a: {  	[spmem:s9] =	stream.linear.scatter [tilespmem:s21], [sflag:$0x3], $0x4000, $0x38;
	[tilespmem:$0x1E800] =	vst v63  }
0x2b: {  	_ =	swait.ge [sflag:s22], $0x4000  }
0x2c: {  	[sflag:s22] =	ssyncset.done $0x0  }
0x2d: {  	[sflag:s22] =	ssyncadd.s32 $0xFFFFC000  }
0x2e: {  	[spmem:s10] =	stream.linear.scatter [tilespmem:s21], [sflag:$0x3], $0x4000, $0x38;
	[tilespmem:$0x1E800] =	vst v63  }
0x2f: {  	_ =	swait.ge [sflag:s22], $0x4000  }
0x30: {  	[sflag:s22] =	ssyncset.done $0x0  }
0x31: {  	[sflag:s22] =	ssyncadd.s32 $0xFFFFC000  }
0x32: {  	[bflag:$0x0] =	sbarrier.arrive $0xFFFF  }
0x33: {  	s11 =	rddreg [dreg:$0x5]  }
0x34: {  	[tilespmem:s23], [sflag:$0x3] =	stream.linear.gather [hbm4b:s11+s3], $0x1400, $0x38;
	[tilespmem:$0x1E800] =	vst v63  }
0x35: {  	_ =	swait.ge [sflag:s22], $0x1400  }
0x36: {  	[sflag:s22] =	ssyncset.done $0x0  }
0x37: {  	[sflag:s22] =	ssyncadd.s32 $0xFFFFEC00  }
0x38: {  	[tilespmem:s3], [sflag:$0x3] =	stream.linear.gather [hbm4b:s12+s3], $0x1400, $0x38;
	[tilespmem:$0x1E800] =	vst v63  }
0x39: {  	_ =	swait.ge [sflag:s22], $0x1400  }
0x3a: {  	[sflag:s22] =	ssyncset.done $0x0  }
0x3b: {  	[sflag:s22] =	ssyncadd.s32 $0xFFFFEC00  }
0x3c: {  	[tilespmem:s21], [sflag:$0x1] =	stream.indirect.gather [hbm4b:s1+s24], $0x80, s3, s24, $0xb8;
	[tilespmem:$0x1E800] =	vst v63  }
0x3d: {  	_ =	swait.ge [sflag:s25], $0x4000  }
0x3e: {  	[sflag:s25] =	ssyncset.done $0x0  }
0x3f: {  	s5 =	simm.s32 $0x80;
	[sflag:s25] =	ssyncadd.s32 $0xFFFFC000  }
0x40: {  	[tilespmem:s26], [sflag:$0x2] =	stream.indirect.gather [hbm4b:s1+s24], $0x80, s5, s24, $0xb8;
	[tilespmem:$0x1E800] =	vst v63  }
0x41: {  	s11 =	simm.s32 $0x1400  }
0x42: {  	[spmem:s2] =	stream.indirect.scatter.add.f32 [tilespmem:s21], [sflag:$0x3], $0x80, s11, s24, $0xb8;
	[tilespmem:$0x1E800] =	vst v63  }
0x43: {  	_ =	swait.ge [sflag:s22], $0x4000  }
0x44: {  	[sflag:s22] =	ssyncset.done $0x0  }
0x45: {  	[sflag:s22] =	ssyncadd.s32 $0xFFFFC000  }
0x46: {  	_ =	swait.ge [sflag:s28], $0x4000  }
0x47: {  	[sflag:s28] =	ssyncset.done $0x0  }
0x48: {  	s5 =	simm.s32 $0x100;
	[sflag:s28] =	ssyncadd.s32 $0xFFFFC000  }
0x49: {  	[tilespmem:s21], [sflag:$0x1] =	stream.indirect.gather [hbm4b:s1+s24], $0x80, s5, s24, $0xb8;
	[tilespmem:$0x1E800] =	vst v63  }
0x4a: {  	s11 =	simm.s32 $0x1480  }
0x4b: {  	[spmem:s2] =	stream.indirect.scatter.add.f32 [tilespmem:s26], [sflag:$0x3], $0x80, s11, s24, $0xb8;
	[tilespmem:$0x1E800] =	vst v63  }
0x4c: {  	_ =	swait.ge [sflag:s22], $0x4000  }
0x4d: {  	s4 =	simm.s32 $0x400;
	[sflag:s22] =	ssyncset.done $0x0  }
.LBB2_2:
0x4e: {  	p0 =	sne.s32 s4, $0x4800  }
0x4f: {  	[sflag:s22] =	ssyncadd.s32 $0xFFFFC000;
	s5 =	smov.u32 s4;
	s4 =	sadd.s32 $0x400, s4  }
0x50: {  	_ = 	snop  }
0x51: {  	_ =	swait.ge [sflag:s25], $0x4000  }
0x52: {  	s5 =	sshra.s32 s5, $0x2;
	[sflag:s25] =	ssyncset.done $0x0  }
0x53: {  	s11 =	sadd.s32 $0x80, s5;
	[sflag:s25] =	ssyncadd.s32 $0xFFFFC000  }
0x54: {  	[tilespmem:s26], [sflag:$0x2] =	stream.indirect.gather [hbm4b:s1+s24], $0x80, s11, s24, $0xb8;
	[tilespmem:$0x1E800] =	vst v63  }
0x55: {  	s11 =	sadd.s32 $0x1400, s5  }
0x56: {  	[spmem:s2] =	stream.indirect.scatter.add.f32 [tilespmem:s21], [sflag:$0x3], $0x80, s11, s24, $0xb8;
	[tilespmem:$0x1E800] =	vst v63  }
0x57: {  	_ =	swait.ge [sflag:s22], $0x4000  }
0x58: {  	[sflag:s22] =	ssyncset.done $0x0  }
0x59: {  	[sflag:s22] =	ssyncadd.s32 $0xFFFFC000  }
0x5a: {  	_ =	swait.ge [sflag:s28], $0x4000  }
0x5b: {  	[sflag:s28] =	ssyncset.done $0x0  }
0x5c: {  	s11 =	sadd.s32 $0x100, s5;
	[sflag:s28] =	ssyncadd.s32 $0xFFFFC000  }
0x5d: {  	[tilespmem:s21], [sflag:$0x1] =	stream.indirect.gather [hbm4b:s1+s24], $0x80, s11, s24, $0xb8;
	[tilespmem:$0x1E800] =	vst v63  }
.Ltmp0:
0x5e: {  	_ = 	snop;
	(pc) =	sbr.rel @p0 .LBB2_2-.Ltmp0, $4  }
0x5f: {  	s5 =	sadd.s32 $0x1480, s5  }
0x60: {  	[spmem:s2] =	stream.indirect.scatter.add.f32 [tilespmem:s26], [sflag:$0x3], $0x80, s5, s24, $0xb8;
	[tilespmem:$0x1E800] =	vst v63  }
0x61: {  	_ =	swait.ge [sflag:s22], $0x4000  }
0x62: {  	[sflag:s22] =	ssyncset.done $0x0  }
0x63: {  	[sflag:s22] =	ssyncadd.s32 $0xFFFFC000  }
0x64: {  	_ =	swait.ge [sflag:s25], $0x4000  }
0x65: {  	[sflag:s25] =	ssyncset.done $0x0  }
0x66: {  	[sflag:s25] =	ssyncadd.s32 $0xFFFFC000  }
0x67: {  	[tilespmem:s26], [sflag:$0x2] =	stream.indirect.gather [hbm4b:s1+s24], $0x80, s29, s24, $0xb8;
	[tilespmem:$0x1E800] =	vst v63  }
0x68: {  	_ = 	snop  }
0x69: {  	[spmem:s2] =	stream.indirect.scatter.add.f32 [tilespmem:s21], [sflag:$0x3], $0x80, s30, s24, $0xb8;
	[tilespmem:$0x1E800] =	vst v63  }
0x6a: {  	_ =	swait.ge [sflag:s22], $0x4000  }
0x6b: {  	[sflag:s22] =	ssyncset.done $0x0  }
0x6c: {  	[sflag:s22] =	ssyncadd.s32 $0xFFFFC000  }
0x6d: {  	_ =	swait.ge [sflag:s28], $0x4000  }
0x6e: {  	[sflag:s28] =	ssyncset.done $0x0  }
0x6f: {  	s4 =	simm.s32 $0x0;
	[sflag:s28] =	ssyncadd.s32 $0xFFFFC000  }
0x70: {  	[tilespmem:s21], [sflag:$0x1] =	stream.indirect.gather [hbm4b:s1+s24], $0x80, s4, s24, $0xb8;
	[tilespmem:$0x1E800] =	vst v63  }
0x71: {  	_ = 	snop  }
0x72: {  	[spmem:s2] =	stream.indirect.scatter.add.f32 [tilespmem:s26], [sflag:$0x3], $0x80, s31, s24, $0xb8;
	[tilespmem:$0x1E800] =	vst v63  }
0x73: {  	_ =	swait.ge [sflag:s22], $0x4000  }
0x74: {  	[sflag:s22] =	ssyncset.done $0x0  }
0x75: {  	[sflag:s22] =	ssyncadd.s32 $0xFFFFC000  }
0x76: {  	_ =	swait.ge [sflag:s25], $0x4000  }
0x77: {  	[sflag:s25] =	ssyncset.done $0x0  }
0x78: {  	[sflag:s25] =	ssyncadd.s32 $0xFFFFC000  }
0x79: {  	[tilespmem:s23], [sflag:$0x3] =	stream.linear.gather [hbm4b:s13+s4], $0x1400, $0x38;
	[tilespmem:$0x1E800] =	vst v63  }
0x7a: {  	_ =	swait.ge [sflag:s22], $0x1400  }
0x7b: {  	[sflag:s22] =	ssyncset.done $0x0  }
0x7c: {  	[sflag:s22] =	ssyncadd.s32 $0xFFFFEC00  }
0x7d: {  	[tilespmem:s4], [sflag:$0x3] =	stream.linear.gather [hbm4b:s14+s4], $0x1400, $0x38;
	[tilespmem:$0x1E800] =	vst v63  }
0x7e: {  	_ =	swait.ge [sflag:s22], $0x1400  }
0x7f: {  	[sflag:s22] =	ssyncset.done $0x0  }
0x80: {  	[sflag:s22] =	ssyncadd.s32 $0xFFFFEC00  }
0x81: {  	[tilespmem:s21], [sflag:$0x1] =	stream.indirect.gather [hbm4b:s1+s24], $0x80, s4, s24, $0xb8;
	[tilespmem:$0x1E800] =	vst v63  }
0x82: {  	_ =	swait.ge [sflag:s25], $0x4000  }
0x83: {  	[sflag:s25] =	ssyncset.done $0x0  }
0x84: {  	s5 =	simm.s32 $0x80;
	[sflag:s25] =	ssyncadd.s32 $0xFFFFC000  }
0x85: {  	[tilespmem:s26], [sflag:$0x2] =	stream.indirect.gather [hbm4b:s1+s24], $0x80, s5, s24, $0xb8;
	[tilespmem:$0x1E800] =	vst v63  }
0x86: {  	s11 =	simm.s32 $0x1400  }
0x87: {  	[spmem:s2] =	stream.indirect.scatter.add.f32 [tilespmem:s21], [sflag:$0x3], $0x80, s11, s24, $0xb8;
	[tilespmem:$0x1E800] =	vst v63  }
0x88: {  	_ =	swait.ge [sflag:s22], $0x4000  }
0x89: {  	[sflag:s22] =	ssyncset.done $0x0  }
0x8a: {  	[sflag:s22] =	ssyncadd.s32 $0xFFFFC000  }
0x8b: {  	_ =	swait.ge [sflag:s28], $0x4000  }
0x8c: {  	[sflag:s28] =	ssyncset.done $0x0  }
0x8d: {  	s5 =	simm.s32 $0x100;
	[sflag:s28] =	ssyncadd.s32 $0xFFFFC000  }
0x8e: {  	[tilespmem:s21], [sflag:$0x1] =	stream.indirect.gather [hbm4b:s1+s24], $0x80, s5, s24, $0xb8;
	[tilespmem:$0x1E800] =	vst v63  }
0x8f: {  	s11 =	simm.s32 $0x1480  }
0x90: {  	[spmem:s2] =	stream.indirect.scatter.add.f32 [tilespmem:s26], [sflag:$0x3], $0x80, s11, s24, $0xb8;
	[tilespmem:$0x1E800] =	vst v63  }
0x91: {  	_ =	swait.ge [sflag:s22], $0x4000  }
0x92: {  	s4 =	simm.s32 $0x400;
	[sflag:s22] =	ssyncset.done $0x0  }
.LBB2_4:
0x93: {  	p0 =	sne.s32 s4, $0x4800  }
0x94: {  	[sflag:s22] =	ssyncadd.s32 $0xFFFFC000;
	s5 =	smov.u32 s4;
	s4 =	sadd.s32 $0x400, s4  }
0x95: {  	_ = 	snop  }
0x96: {  	_ =	swait.ge [sflag:s25], $0x4000  }
0x97: {  	s5 =	sshra.s32 s5, $0x2;
	[sflag:s25] =	ssyncset.done $0x0  }
0x98: {  	s11 =	sadd.s32 $0x80, s5;
	[sflag:s25] =	ssyncadd.s32 $0xFFFFC000  }
0x99: {  	[tilespmem:s26], [sflag:$0x2] =	stream.indirect.gather [hbm4b:s1+s24], $0x80, s11, s24, $0xb8;
	[tilespmem:$0x1E800] =	vst v63  }
0x9a: {  	s11 =	sadd.s32 $0x1400, s5  }
0x9b: {  	[spmem:s2] =	stream.indirect.scatter.add.f32 [tilespmem:s21], [sflag:$0x3], $0x80, s11, s24, $0xb8;
	[tilespmem:$0x1E800] =	vst v63  }
0x9c: {  	_ =	swait.ge [sflag:s22], $0x4000  }
0x9d: {  	[sflag:s22] =	ssyncset.done $0x0  }
0x9e: {  	[sflag:s22] =	ssyncadd.s32 $0xFFFFC000  }
0x9f: {  	_ =	swait.ge [sflag:s28], $0x4000  }
0xa0: {  	[sflag:s28] =	ssyncset.done $0x0  }
0xa1: {  	s11 =	sadd.s32 $0x100, s5;
	[sflag:s28] =	ssyncadd.s32 $0xFFFFC000  }
0xa2: {  	[tilespmem:s21], [sflag:$0x1] =	stream.indirect.gather [hbm4b:s1+s24], $0x80, s11, s24, $0xb8;
	[tilespmem:$0x1E800] =	vst v63  }
.Ltmp1:
0xa3: {  	_ = 	snop;
	(pc) =	sbr.rel @p0 .LBB2_4-.Ltmp1, $4  }
0xa4: {  	s5 =	sadd.s32 $0x1480, s5  }
0xa5: {  	[spmem:s2] =	stream.indirect.scatter.add.f32 [tilespmem:s26], [sflag:$0x3], $0x80, s5, s24, $0xb8;
	[tilespmem:$0x1E800] =	vst v63  }
0xa6: {  	_ =	swait.ge [sflag:s22], $0x4000  }
0xa7: {  	[sflag:s22] =	ssyncset.done $0x0  }
0xa8: {  	[sflag:s22] =	ssyncadd.s32 $0xFFFFC000  }
0xa9: {  	_ =	swait.ge [sflag:s25], $0x4000  }
0xaa: {  	[sflag:s25] =	ssyncset.done $0x0  }
0xab: {  	[sflag:s25] =	ssyncadd.s32 $0xFFFFC000  }
0xac: {  	[tilespmem:s26], [sflag:$0x2] =	stream.indirect.gather [hbm4b:s1+s24], $0x80, s29, s24, $0xb8;
	[tilespmem:$0x1E800] =	vst v63  }
0xad: {  	_ = 	snop  }
0xae: {  	[spmem:s2] =	stream.indirect.scatter.add.f32 [tilespmem:s21], [sflag:$0x3], $0x80, s30, s24, $0xb8;
	[tilespmem:$0x1E800] =	vst v63  }
0xaf: {  	_ =	swait.ge [sflag:s22], $0x4000  }
0xb0: {  	[sflag:s22] =	ssyncset.done $0x0  }
0xb1: {  	[sflag:s22] =	ssyncadd.s32 $0xFFFFC000  }
0xb2: {  	_ =	swait.ge [sflag:s28], $0x4000  }
0xb3: {  	[sflag:s28] =	ssyncset.done $0x0  }
0xb4: {  	[sflag:s28] =	ssyncadd.s32 $0xFFFFC000  }
0xb5: {  	[tilespmem:s21], [sflag:$0x1] =	stream.indirect.gather [hbm4b:s1+s24], $0x80, s3, s24, $0xb8;
	[tilespmem:$0x1E800] =	vst v63  }
0xb6: {  	_ = 	snop  }
0xb7: {  	[spmem:s2] =	stream.indirect.scatter.add.f32 [tilespmem:s26], [sflag:$0x3], $0x80, s31, s24, $0xb8;
	[tilespmem:$0x1E800] =	vst v63  }
0xb8: {  	_ =	swait.ge [sflag:s22], $0x4000  }
0xb9: {  	[sflag:s22] =	ssyncset.done $0x0  }
0xba: {  	[sflag:s22] =	ssyncadd.s32 $0xFFFFC000  }
0xbb: {  	_ =	swait.ge [sflag:s25], $0x4000  }
0xbc: {  	[sflag:s25] =	ssyncset.done $0x0  }
0xbd: {  	[sflag:s25] =	ssyncadd.s32 $0xFFFFC000  }
0xbe: {  	[bflag:$0x0] =	sbarrier.arrive $0xFFFF  }
0xbf: {  	[tilespmem:s21], [sflag:$0x3] =	stream.linear.gather [spmem:s6], $0x4000, $0x38;
	[tilespmem:$0x1E800] =	vst v63  }
0xc0: {  	_ =	swait.ge [sflag:s22], $0x4000  }
0xc1: {  	[sflag:s22] =	ssyncset.done $0x0  }
0xc2: {  	[sflag:s22] =	ssyncadd.s32 $0xFFFFC000  }
0xc3: {  	[hbm4b:s15+s3] =	stream.linear.scatter [tilespmem:s21], [sflag:$0x3], $0x4000, $0x38;
	[tilespmem:$0x1E800] =	vst v63  }
0xc4: {  	_ =	swait.ge [sflag:s22], $0x4000  }
0xc5: {  	[sflag:s22] =	ssyncset.done $0x0  }
0xc6: {  	[sflag:s22] =	ssyncadd.s32 $0xFFFFC000  }
0xc7: {  	[tilespmem:s21], [sflag:$0x3] =	stream.linear.gather [spmem:s7], $0x4000, $0x38;
	[tilespmem:$0x1E800] =	vst v63  }
0xc8: {  	_ =	swait.ge [sflag:s22], $0x4000  }
0xc9: {  	[sflag:s22] =	ssyncset.done $0x0  }
0xca: {  	[sflag:s22] =	ssyncadd.s32 $0xFFFFC000  }
0xcb: {  	[hbm4b:s16+s3] =	stream.linear.scatter [tilespmem:s21], [sflag:$0x3], $0x4000, $0x38;
	[tilespmem:$0x1E800] =	vst v63  }
0xcc: {  	_ =	swait.ge [sflag:s22], $0x4000  }
0xcd: {  	[sflag:s22] =	ssyncset.done $0x0  }
0xce: {  	[sflag:s22] =	ssyncadd.s32 $0xFFFFC000  }
0xcf: {  	[tilespmem:s21], [sflag:$0x3] =	stream.linear.gather [spmem:s8], $0x4000, $0x38;
	[tilespmem:$0x1E800] =	vst v63  }
0xd0: {  	_ =	swait.ge [sflag:s22], $0x4000  }
0xd1: {  	[sflag:s22] =	ssyncset.done $0x0  }
0xd2: {  	[sflag:s22] =	ssyncadd.s32 $0xFFFFC000  }
0xd3: {  	[hbm4b:s17+s3] =	stream.linear.scatter [tilespmem:s21], [sflag:$0x3], $0x4000, $0x38;
	[tilespmem:$0x1E800] =	vst v63  }
0xd4: {  	_ =	swait.ge [sflag:s22], $0x4000  }
0xd5: {  	[sflag:s22] =	ssyncset.done $0x0  }
0xd6: {  	[sflag:s22] =	ssyncadd.s32 $0xFFFFC000  }
0xd7: {  	[tilespmem:s21], [sflag:$0x3] =	stream.linear.gather [spmem:s9], $0x4000, $0x38;
	[tilespmem:$0x1E800] =	vst v63  }
0xd8: {  	_ =	swait.ge [sflag:s22], $0x4000  }
0xd9: {  	[sflag:s22] =	ssyncset.done $0x0  }
0xda: {  	[sflag:s22] =	ssyncadd.s32 $0xFFFFC000  }
0xdb: {  	[hbm4b:s18+s3] =	stream.linear.scatter [tilespmem:s21], [sflag:$0x3], $0x4000, $0x38;
	[tilespmem:$0x1E800] =	vst v63  }
0xdc: {  	_ =	swait.ge [sflag:s22], $0x4000  }
0xdd: {  	[sflag:s22] =	ssyncset.done $0x0  }
0xde: {  	[sflag:s22] =	ssyncadd.s32 $0xFFFFC000  }
0xdf: {  	[tilespmem:s21], [sflag:$0x3] =	stream.linear.gather [spmem:s10], $0x4000, $0x38;
	[tilespmem:$0x1E800] =	vst v63  }
0xe0: {  	s0 =	sadd.s32 $0x1, s0;
	_ =	swait.ge [sflag:s22], $0x4000  }
0xe1: {  	p0 =	sne.s32 s0, s20;
	[sflag:s22] =	ssyncset.done $0x0  }
.Ltmp2:
0xe2: {  	[sflag:s22] =	ssyncadd.s32 $0xFFFFC000;
	(pc) =	sbr.rel @p0 .LBB2_1-.Ltmp2, $4  }
0xe3: {  	[hbm4b:s19+s3] =	stream.linear.scatter [tilespmem:s21], [sflag:$0x3], $0x4000, $0x38;
	[tilespmem:$0x1E800] =	vst v63  }
0xe4: {  	_ =	swait.ge [sflag:s22], $0x4000  }
0xe5: {  	[sflag:s22] =	ssyncset.done $0x0  }
0xe6: {  	[sflag:s22] =	ssyncadd.s32 $0xFFFFC000  }
0xe7: {  	_ =	sfence.sel $0x180000  }
0xe8: {  	[bflag:$0x0] =	sbarrier.arrive $0xFFFF  }
0xe9: {  	_ =	strace $0x90000050  }
0xea: {  	s0 =	stileid.u32;
	[bflag:$0x2] =	sbarrier.arrive $0xFFFF  }
0xeb: {  	p0 =	sne.s32 s0, $0x0;
	s0 =	rddreg [dreg:$0x3]  }
0xec: {  	s0 =	sadd.s32 @!p0 $0x100000, s0  }
0xed: {  	[sflag:s0] =	ssyncadd.tile.s32 @!p0 $0x1;
	_ =	shalt  }
.Lfunc_end2:
_tile_overlayer_lowered:
.L_overlay_start_2:
0xee: {  	(tag) =	ssettag $0x2  }
0xef: {  	s0 =	rddreg [dreg:$0x0];
	s2 =	stileid.u32  }
0xf0: {  	s1 =	rddreg [dreg:$0x1];
	p0 =	sne.s32 s2, $0x0  }
0xf1: {  	s3 =	rddreg [dreg:$0x2];
	[bflag:$0x3] =	sbarrier.arrive $0xFFFF;
	s2 =	simm.s32 @!p0 $0x1C03  }
0xf2: {  	[timem:s3], [sflag:s2] =	dma.local @!p0 [hbm:s0], s1  }
0xf3: {  	s0 =	simm.s32 @!p0 $0x3  }
0xf4: {  	_ =	swait.ge @!p0 [sflag:s0], s1  }
0xf5: {  	s1 =	ssub.s32 @!p0 $0x0, s1;
	[sflag:s0] =	ssyncset.done @!p0 $0x0  }
0xf6: {  	[sflag:s0] =	ssyncadd.s32 @!p0 s1  }
0xf7: {  	[bflag:$0x3] =	sbarrier.arrive $0xFFFF  }
0xf8: {  	_ =	shalt  }

</sc_bundles>
